<compile_context>
chip_gen: v7x
topology: tpu7x:2x2x1
jax: 0.10.2.dev20260603
libtpu: 0.0.44.dev20260713+nightly
codegen_flags: <defaults>
</compile_context>

<pallas_src>
import functools

import jax
import jax.numpy as jnp
from jax import lax
from jax.experimental import pallas as pl
from jax.experimental.pallas import tpu as pltpu
from jax.experimental.pallas import tpu_sc as plsc

B = 16384
L = 200
ROW_IN = 2 * L
ROW_OUT = 4 * L
NW = 32


def _depad_body(x_ref, o_ref):
    o_ref[...] = x_ref[...].reshape(o_ref.shape)


NSPLIT = 1
BG = B // NSPLIT


def _build_depad(g):
    bb = 128
    nblk = BG // bb
    return pl.pallas_call(
        _depad_body,
        grid=(nblk,),
        in_specs=[pl.BlockSpec((bb, L, 2), lambda i: (i + g * nblk, 0, 0))],
        out_specs=pl.BlockSpec((bb, ROW_IN), lambda i: (i, 0)),
        out_shape=jax.ShapeDtypeStruct((BG, ROW_IN), jnp.float32),
    )


def _build_lookup():
    rows_per_w = BG // NW
    ch = 32
    nchunk = rows_per_w // ch
    vecs = ch * ROW_IN // 16
    mesh = plsc.VectorSubcoreMesh(core_axis_name="c", subcore_axis_name="s")

    @functools.partial(
        pl.kernel,
        mesh=mesh,
        out_type=jax.ShapeDtypeStruct((BG * ROW_OUT,), jnp.float32),
        scratch_types=[
            pltpu.VMEM((128,), jnp.float32),
            pltpu.VMEM((ch * ROW_IN,), jnp.float32),
            pltpu.VMEM((ch * ROW_OUT,), jnp.float32),
        ],
        compiler_params=pltpu.CompilerParams(needs_layout_passes=False),
    )
    def sig_kernel(x_hbm, f_hbm, out_hbm, f_v, in_v, out_v):
        wid = lax.axis_index("s") * 2 + lax.axis_index("c")
        pltpu.sync_copy(f_hbm, f_v.at[pl.ds(0, 48)])
        lanes = lax.iota(jnp.int32, 16)
        off0 = 24 * (lanes & 1)
        sc_pos = lanes * 2
        ibase = wid * (rows_per_w * ROW_IN)
        obase = wid * (rows_per_w * ROW_OUT)
        for c in range(nchunk):
            pltpu.sync_copy(
                x_hbm.at[pl.ds(ibase + c * (ch * ROW_IN), ch * ROW_IN)], in_v
            )

            @plsc.parallel_loop(0, vecs, unroll=8)
            def body(i):
                x = in_v[pl.ds(i * 16, 16)]
                q = jnp.where(x < 1e-8, 0, (x * 10.0).astype(jnp.int32) + 1)
                q = jnp.minimum(jnp.maximum(q, 0), 11)
                idx = q + off0
                v0 = plsc.load_gather(f_v, [idx])
                v1 = plsc.load_gather(f_v, [idx + 12])
                sb = i * 32
                plsc.store_scatter(out_v, [sb + sc_pos], v0)
                plsc.store_scatter(out_v, [sb + sc_pos + 1], v1)

            pltpu.sync_copy(
                out_v,
                out_hbm.at[pl.ds(obase + c * (ch * ROW_OUT), ch * ROW_OUT)],
            )

    return sig_kernel


_DEPADS = [_build_depad(g) for g in range(NSPLIT)]
_LOOKUP = _build_lookup()


def kernel(list_signatures, frac_applicable_embed, frac_tf_embed):
    f = jnp.concatenate(
        [
            frac_applicable_embed[:, 0],
            frac_applicable_embed[:, 1],
            frac_tf_embed[:, 0],
            frac_tf_embed[:, 1],
        ]
    )
    outs = []
    for g in range(NSPLIT):
        x2 = _DEPADS[g](list_signatures).reshape(BG * ROW_IN)
        outs.append(_LOOKUP(x2, f).reshape(BG, ROW_OUT))
    return jnp.concatenate(outs, axis=0)

# --- scband reference (transcript-rebuilt; emitter-appended) ---
"""Pipeline reference for scband-signature-2628519985175 (READ-ONLY COPY).

The authoritative reference and input builder live on the scoring server;
editing this copy changes nothing except your own understanding.
"""

import jax, jax.numpy as jnp
import numpy as np

B, L = 16384, 200

def setup_inputs(seed: int = 0) -> dict:
    key = jax.random.key(seed)
    k1, k2, k3 = jax.random.split(key, 3)
    list_signatures = jax.random.uniform(k1, (B, L, 2), dtype=jnp.float32)
    frac_applicable_embed = jax.random.normal(k2, (12, 2), dtype=jnp.float32) * 0.02
    frac_tf_embed = jax.random.normal(k3, (12, 2), dtype=jnp.float32) * 0.02
    return {"list_signatures": list_signatures,
            "frac_applicable_embed": frac_applicable_embed,
            "frac_tf_embed": frac_tf_embed}

def _quantize(sig):
    return jnp.where(sig < 1e-08, 0, jnp.floor(sig * 10).astype(jnp.int32) + 1).astype(jnp.int32)

def reference(list_signatures, frac_applicable_embed, frac_tf_embed):
    signatures = _quantize(list_signatures)
    # nn.Embedding(idx[:, :, 0:1]) -> [B, L, 1, embed_len]
    e1 = jnp.take(frac_applicable_embed, signatures[:, :, 0:1], axis=0)
    e2 = jnp.take(frac_tf_embed, signatures[:, :, 1:2], axis=0)
    embed = jnp.concatenate([e1, e2], axis=2)  # [B, L, 2, 2]
    flat_embed = embed.reshape(embed.shape[0], -1)  # [B, L*4]
    return flat_embed

if __name__ == "__main__":
    import jax
    _d = setup_inputs()
    print(jax.jit(kernel)(*tuple(_d.values())))

</pallas_src>

<mosaic_0001>
#map = affine_map<(d0, d1) -> (0)>
module attributes {stable_mosaic.version = 14 : i64} {
  func.func @sig_kernel(%arg0: i32, %arg1: i32, %arg2: memref<6553600xf32, #tpu.memory_space<hbm>>, %arg3: memref<48xf32, #tpu.memory_space<hbm>>, %arg4: memref<13107200xf32, #tpu.memory_space<hbm>>, %arg5: memref<128xf32, #tpu.memory_space<vmem>>, %arg6: memref<12800xf32, #tpu.memory_space<vmem>>, %arg7: memref<25600xf32, #tpu.memory_space<vmem>>) attributes {dimension_semantics = [#tpu.dimension_semantics<core_parallel>, #tpu.dimension_semantics<subcore_parallel>], iteration_bounds = array<i64: 2, 16>, scalar_prefetch = 0 : i64, scratch_operands = 3 : i64, tpu.core_type = #tpu.core_type<sc_vector_subcore>, window_params = [{transform_indices = #map}, {transform_indices = #map}, {transform_indices = #map}]} {
    %mul3A = arith.constant 2 : i32
    %mul3A_0 = arith.muli %arg1, %mul3A : i32
    %add3A = arith.addi %mul3A_0, %arg0 : i32
    "tpu.region"() ({
      %run_scoped3A = tpu.sem_alloc : memref<!tpu.dma_semaphore, #tpu.memory_space<semaphore_mem>>
      %dma_start3A = arith.constant 0 : i32
      %dma_start3A_124 = tpu.memref_slice %arg5[%dma_start3A] : memref<128xf32, #tpu.memory_space<vmem>> -> memref<48xf32, #tpu.memory_space<vmem>>
      %dma_start3A_125 = arith.constant 0 : i32
      %dma_start3A_126 = tpu.memref_slice %arg5[%dma_start3A_125] : memref<128xf32, #tpu.memory_space<vmem>> -> memref<48xf32, #tpu.memory_space<vmem>>
      tpu.enqueue_dma source(%arg3 : memref<48xf32, #tpu.memory_space<hbm>>) target(%dma_start3A_126 : memref<48xf32, #tpu.memory_space<vmem>>) target_semaphore(%run_scoped3A : memref<!tpu.dma_semaphore, #tpu.memory_space<semaphore_mem>>)
      %dma_wait3A = arith.constant 0 : i32
      %dma_wait3A_127 = tpu.memref_slice %arg5[%dma_wait3A] : memref<128xf32, #tpu.memory_space<vmem>> -> memref<48xf32, #tpu.memory_space<vmem>>
      %dma_wait3A_128 = arith.constant 0 : i32
      %dma_wait3A_129 = tpu.memref_slice %arg5[%dma_wait3A_128] : memref<128xf32, #tpu.memory_space<vmem>> -> memref<48xf32, #tpu.memory_space<vmem>>
      tpu.wait_dma2 semaphore(%run_scoped3A : memref<!tpu.dma_semaphore, #tpu.memory_space<semaphore_mem>>) src(%arg3 : memref<48xf32, #tpu.memory_space<hbm>>) dst(%dma_wait3A_129 : memref<48xf32, #tpu.memory_space<vmem>>)
      tpu.yield
    }) : () -> ()
    %iota3A = tpu.iota {dimensions = array<i32: 0>} : vector<16xi32>
    %and3A = arith.constant 1 : i32
    %and3A_1 = vector.broadcast %and3A : i32 to vector<16xi32>
    %and3A_2 = arith.andi %iota3A, %and3A_1 : vector<16xi32>
    %mul3A_3 = arith.constant 24 : i32
    %mul3A_4 = vector.broadcast %mul3A_3 : i32 to vector<16xi32>
    %mul3A_5 = arith.muli %mul3A_4, %and3A_2 : vector<16xi32>
    %mul3A_6 = arith.constant 2 : i32
    %mul3A_7 = vector.broadcast %mul3A_6 : i32 to vector<16xi32>
    %mul3A_8 = arith.muli %iota3A, %mul3A_7 : vector<16xi32>
    %mul3A_9 = arith.constant 204800 : i32
    %mul3A_10 = arith.muli %add3A, %mul3A_9 : i32
    %mul3A_11 = arith.constant 409600 : i32
    %mul3A_12 = arith.muli %add3A, %mul3A_11 : i32
    %add3A_13 = arith.constant 0 : i32
    %add3A_14 = arith.addi %mul3A_10, %add3A_13 : i32
    "tpu.region"() ({
      %run_scoped3A = tpu.sem_alloc : memref<!tpu.dma_semaphore, #tpu.memory_space<semaphore_mem>>
      %dma_start3A = tpu.memref_slice %arg2[%add3A_14] : memref<6553600xf32, #tpu.memory_space<hbm>> -> memref<12800xf32, #tpu.memory_space<hbm>>
      %dma_start3A_124 = tpu.memref_slice %arg2[%add3A_14] : memref<6553600xf32, #tpu.memory_space<hbm>> -> memref<12800xf32, #tpu.memory_space<hbm>>
      tpu.enqueue_dma source(%dma_start3A_124 : memref<12800xf32, #tpu.memory_space<hbm>>) target(%arg6 : memref<12800xf32, #tpu.memory_space<vmem>>) target_semaphore(%run_scoped3A : memref<!tpu.dma_semaphore, #tpu.memory_space<semaphore_mem>>)
      %dma_wait3A = tpu.memref_slice %arg2[%add3A_14] : memref<6553600xf32, #tpu.memory_space<hbm>> -> memref<12800xf32, #tpu.memory_space<hbm>>
      %dma_wait3A_125 = tpu.memref_slice %arg2[%add3A_14] : memref<6553600xf32, #tpu.memory_space<hbm>> -> memref<12800xf32, #tpu.memory_space<hbm>>
      tpu.wait_dma2 semaphore(%run_scoped3A : memref<!tpu.dma_semaphore, #tpu.memory_space<semaphore_mem>>) src(%dma_wait3A_125 : memref<12800xf32, #tpu.memory_space<hbm>>) dst(%arg6 : memref<12800xf32, #tpu.memory_space<vmem>>)
      tpu.yield
    }) : () -> ()
    %parallel_loop3A = arith.constant 0 : i32
    %parallel_loop3A_15 = arith.constant 800 : i32
    %parallel_loop3A_16 = arith.constant 1 : i32
    scf.for %parallel_loop3A_124 = %parallel_loop3A to %parallel_loop3A_15 step %parallel_loop3A_16  : i32 {
      %parallel_loop3A_125 = arith.constant 16 : i32
      %parallel_loop3A_126 = arith.muli %parallel_loop3A_124, %parallel_loop3A_125 : i32
      %parallel_loop3A_127 = arith.index_cast %parallel_loop3A_126 : i32 to index
      %parallel_loop3A_128 = tpu.vector_load %arg6[%parallel_loop3A_127] {strides = array<i32>} : memref<12800xf32, #tpu.memory_space<vmem>>, vector<16xf32>,
      %parallel_loop3A_129 = arith.constant 9.99999993E-9 : f32
      %parallel_loop3A_130 = vector.broadcast %parallel_loop3A_129 : f32 to vector<16xf32>
      %parallel_loop3A_131 = arith.cmpf olt, %parallel_loop3A_128, %parallel_loop3A_130 : vector<16xf32>
      %parallel_loop3A_132 = arith.constant 1.000000e+01 : f32
      %parallel_loop3A_133 = vector.broadcast %parallel_loop3A_132 : f32 to vector<16xf32>
      %parallel_loop3A_134 = arith.mulf %parallel_loop3A_128, %parallel_loop3A_133 : vector<16xf32>
      %parallel_loop3A_135 = arith.fptosi %parallel_loop3A_134 : vector<16xf32> to vector<16xi32>
      %parallel_loop3A_136 = arith.constant 1 : i32
      %parallel_loop3A_137 = vector.broadcast %parallel_loop3A_136 : i32 to vector<16xi32>
      %parallel_loop3A_138 = arith.addi %parallel_loop3A_135, %parallel_loop3A_137 : vector<16xi32>
      %parallel_loop3A_139 = arith.constant 0 : i32
      %parallel_loop3A_140 = vector.broadcast %parallel_loop3A_139 : i32 to vector<16xi32>
      %parallel_loop3A_141 = arith.select %parallel_loop3A_131, %parallel_loop3A_140, %parallel_loop3A_138 : vector<16xi1>, vector<16xi32>
      %parallel_loop3A_142 = arith.constant 0 : i32
      %parallel_loop3A_143 = vector.broadcast %parallel_loop3A_142 : i32 to vector<16xi32>
      %parallel_loop3A_144 = arith.maxsi %parallel_loop3A_141, %parallel_loop3A_143 : vector<16xi32>
      %parallel_loop3A_145 = arith.constant 11 : i32
      %parallel_loop3A_146 = vector.broadcast %parallel_loop3A_145 : i32 to vector<16xi32>
      %parallel_loop3A_147 = arith.minsi %parallel_loop3A_144, %parallel_loop3A_146 : vector<16xi32>
      %parallel_loop3A_148 = arith.addi %parallel_loop3A_147, %mul3A_5 : vector<16xi32>
      %parallel_loop3A_149 = tpu.vector_load_idx %arg5[%parallel_loop3A_148] : memref<128xf32, #tpu.memory_space<vmem>>[vector<16xi32>], vector<16xf32>,
      %parallel_loop3A_150 = arith.constant 12 : i32
      %parallel_loop3A_151 = vector.broadcast %parallel_loop3A_150 : i32 to vector<16xi32>
      %parallel_loop3A_152 = arith.addi %parallel_loop3A_148, %parallel_loop3A_151 : vector<16xi32>
      %parallel_loop3A_153 = tpu.vector_load_idx %arg5[%parallel_loop3A_152] : memref<128xf32, #tpu.memory_space<vmem>>[vector<16xi32>], vector<16xf32>,
      %parallel_loop3A_154 = arith.constant 32 : i32
      %parallel_loop3A_155 = arith.muli %parallel_loop3A_124, %parallel_loop3A_154 : i32
      %parallel_loop3A_156 = vector.broadcast %parallel_loop3A_155 : i32 to vector<16xi32>
      %parallel_loop3A_157 = arith.addi %parallel_loop3A_156, %mul3A_8 : vector<16xi32>
      tpu.vector_store_idx %arg7[%parallel_loop3A_157], %parallel_loop3A_149 : memref<25600xf32, #tpu.memory_space<vmem>>[vector<16xi32>], vector<16xf32>,
      %parallel_loop3A_158 = vector.broadcast %parallel_loop3A_155 : i32 to vector<16xi32>
      %parallel_loop3A_159 = arith.addi %parallel_loop3A_158, %mul3A_8 : vector<16xi32>
      %parallel_loop3A_160 = arith.constant 1 : i32
      %parallel_loop3A_161 = vector.broadcast %parallel_loop3A_160 : i32 to vector<16xi32>
      %parallel_loop3A_162 = arith.addi %parallel_loop3A_159, %parallel_loop3A_161 : vector<16xi32>
      tpu.vector_store_idx %arg7[%parallel_loop3A_162], %parallel_loop3A_153 : memref<25600xf32, #tpu.memory_space<vmem>>[vector<16xi32>], vector<16xf32>,
    } {sc.loop_unroll_factor = 8 : i64, sc.parallel_access}
    %add3A_17 = arith.constant 0 : i32
    %add3A_18 = arith.addi %mul3A_12, %add3A_17 : i32
    "tpu.region"() ({
      %run_scoped3A = tpu.sem_alloc : memref<!tpu.dma_semaphore, #tpu.memory_space<semaphore_mem>>
      %dma_start3A = tpu.memref_slice %arg4[%add3A_18] : memref<13107200xf32, #tpu.memory_space<hbm>> -> memref<25600xf32, #tpu.memory_space<hbm>>
      %dma_start3A_124 = tpu.memref_slice %arg4[%add3A_18] : memref<13107200xf32, #tpu.memory_space<hbm>> -> memref<25600xf32, #tpu.memory_space<hbm>>
      tpu.enqueue_dma source(%arg7 : memref<25600xf32, #tpu.memory_space<vmem>>) target(%dma_start3A_124 : memref<25600xf32, #tpu.memory_space<hbm>>) target_semaphore(%run_scoped3A : memref<!tpu.dma_semaphore, #tpu.memory_space<semaphore_mem>>)
      %dma_wait3A = tpu.memref_slice %arg4[%add3A_18] : memref<13107200xf32, #tpu.memory_space<hbm>> -> memref<25600xf32, #tpu.memory_space<hbm>>
      %dma_wait3A_125 = tpu.memref_slice %arg4[%add3A_18] : memref<13107200xf32, #tpu.memory_space<hbm>> -> memref<25600xf32, #tpu.memory_space<hbm>>
      tpu.wait_dma2 semaphore(%run_scoped3A : memref<!tpu.dma_semaphore, #tpu.memory_space<semaphore_mem>>) src(%arg7 : memref<25600xf32, #tpu.memory_space<vmem>>) dst(%dma_wait3A_125 : memref<25600xf32, #tpu.memory_space<hbm>>)
      tpu.yield
    }) : () -> ()
    %add3A_19 = arith.constant 12800 : i32
    %add3A_20 = arith.addi %mul3A_10, %add3A_19 : i32
    "tpu.region"() ({
      %run_scoped3A = tpu.sem_alloc : memref<!tpu.dma_semaphore, #tpu.memory_space<semaphore_mem>>
      %dma_start3A = tpu.memref_slice %arg2[%add3A_20] : memref<6553600xf32, #tpu.memory_space<hbm>> -> memref<12800xf32, #tpu.memory_space<hbm>>
      %dma_start3A_124 = tpu.memref_slice %arg2[%add3A_20] : memref<6553600xf32, #tpu.memory_space<hbm>> -> memref<12800xf32, #tpu.memory_space<hbm>>
      tpu.enqueue_dma source(%dma_start3A_124 : memref<12800xf32, #tpu.memory_space<hbm>>) target(%arg6 : memref<12800xf32, #tpu.memory_space<vmem>>) target_semaphore(%run_scoped3A : memref<!tpu.dma_semaphore, #tpu.memory_space<semaphore_mem>>)
      %dma_wait3A = tpu.memref_slice %arg2[%add3A_20] : memref<6553600xf32, #tpu.memory_space<hbm>> -> memref<12800xf32, #tpu.memory_space<hbm>>
      %dma_wait3A_125 = tpu.memref_slice %arg2[%add3A_20] : memref<6553600xf32, #tpu.memory_space<hbm>> -> memref<12800xf32, #tpu.memory_space<hbm>>
      tpu.wait_dma2 semaphore(%run_scoped3A : memref<!tpu.dma_semaphore, #tpu.memory_space<semaphore_mem>>) src(%dma_wait3A_125 : memref<12800xf32, #tpu.memory_space<hbm>>) dst(%arg6 : memref<12800xf32, #tpu.memory_space<vmem>>)
      tpu.yield
    }) : () -> ()
    %parallel_loop3A_21 = arith.constant 0 : i32
    %parallel_loop3A_22 = arith.constant 800 : i32
    %parallel_loop3A_23 = arith.constant 1 : i32
    scf.for %parallel_loop3A_124 = %parallel_loop3A_21 to %parallel_loop3A_22 step %parallel_loop3A_23  : i32 {
      %parallel_loop3A_125 = arith.constant 16 : i32
      %parallel_loop3A_126 = arith.muli %parallel_loop3A_124, %parallel_loop3A_125 : i32
      %parallel_loop3A_127 = arith.index_cast %parallel_loop3A_126 : i32 to index
      %parallel_loop3A_128 = tpu.vector_load %arg6[%parallel_loop3A_127] {strides = array<i32>} : memref<12800xf32, #tpu.memory_space<vmem>>, vector<16xf32>,
      %parallel_loop3A_129 = arith.constant 9.99999993E-9 : f32
      %parallel_loop3A_130 = vector.broadcast %parallel_loop3A_129 : f32 to vector<16xf32>
      %parallel_loop3A_131 = arith.cmpf olt, %parallel_loop3A_128, %parallel_loop3A_130 : vector<16xf32>
      %parallel_loop3A_132 = arith.constant 1.000000e+01 : f32
      %parallel_loop3A_133 = vector.broadcast %parallel_loop3A_132 : f32 to vector<16xf32>
      %parallel_loop3A_134 = arith.mulf %parallel_loop3A_128, %parallel_loop3A_133 : vector<16xf32>
      %parallel_loop3A_135 = arith.fptosi %parallel_loop3A_134 : vector<16xf32> to vector<16xi32>
      %parallel_loop3A_136 = arith.constant 1 : i32
      %parallel_loop3A_137 = vector.broadcast %parallel_loop3A_136 : i32 to vector<16xi32>
      %parallel_loop3A_138 = arith.addi %parallel_loop3A_135, %parallel_loop3A_137 : vector<16xi32>
      %parallel_loop3A_139 = arith.constant 0 : i32
      %parallel_loop3A_140 = vector.broadcast %parallel_loop3A_139 : i32 to vector<16xi32>
      %parallel_loop3A_141 = arith.select %parallel_loop3A_131, %parallel_loop3A_140, %parallel_loop3A_138 : vector<16xi1>, vector<16xi32>
      %parallel_loop3A_142 = arith.constant 0 : i32
      %parallel_loop3A_143 = vector.broadcast %parallel_loop3A_142 : i32 to vector<16xi32>
      %parallel_loop3A_144 = arith.maxsi %parallel_loop3A_141, %parallel_loop3A_143 : vector<16xi32>
      %parallel_loop3A_145 = arith.constant 11 : i32
      %parallel_loop3A_146 = vector.broadcast %parallel_loop3A_145 : i32 to vector<16xi32>
      %parallel_loop3A_147 = arith.minsi %parallel_loop3A_144, %parallel_loop3A_146 : vector<16xi32>
      %parallel_loop3A_148 = arith.addi %parallel_loop3A_147, %mul3A_5 : vector<16xi32>
      %parallel_loop3A_149 = tpu.vector_load_idx %arg5[%parallel_loop3A_148] : memref<128xf32, #tpu.memory_space<vmem>>[vector<16xi32>], vector<16xf32>,
      %parallel_loop3A_150 = arith.constant 12 : i32
      %parallel_loop3A_151 = vector.broadcast %parallel_loop3A_150 : i32 to vector<16xi32>
      %parallel_loop3A_152 = arith.addi %parallel_loop3A_148, %parallel_loop3A_151 : vector<16xi32>
      %parallel_loop3A_153 = tpu.vector_load_idx %arg5[%parallel_loop3A_152] : memref<128xf32, #tpu.memory_space<vmem>>[vector<16xi32>], vector<16xf32>,
      %parallel_loop3A_154 = arith.constant 32 : i32
      %parallel_loop3A_155 = arith.muli %parallel_loop3A_124, %parallel_loop3A_154 : i32
      %parallel_loop3A_156 = vector.broadcast %parallel_loop3A_155 : i32 to vector<16xi32>
      %parallel_loop3A_157 = arith.addi %parallel_loop3A_156, %mul3A_8 : vector<16xi32>
      tpu.vector_store_idx %arg7[%parallel_loop3A_157], %parallel_loop3A_149 : memref<25600xf32, #tpu.memory_space<vmem>>[vector<16xi32>], vector<16xf32>,
      %parallel_loop3A_158 = vector.broadcast %parallel_loop3A_155 : i32 to vector<16xi32>
      %parallel_loop3A_159 = arith.addi %parallel_loop3A_158, %mul3A_8 : vector<16xi32>
      %parallel_loop3A_160 = arith.constant 1 : i32
      %parallel_loop3A_161 = vector.broadcast %parallel_loop3A_160 : i32 to vector<16xi32>
      %parallel_loop3A_162 = arith.addi %parallel_loop3A_159, %parallel_loop3A_161 : vector<16xi32>
      tpu.vector_store_idx %arg7[%parallel_loop3A_162], %parallel_loop3A_153 : memref<25600xf32, #tpu.memory_space<vmem>>[vector<16xi32>], vector<16xf32>,
    } {sc.loop_unroll_factor = 8 : i64, sc.parallel_access}
    %add3A_24 = arith.constant 25600 : i32
    %add3A_25 = arith.addi %mul3A_12, %add3A_24 : i32
    "tpu.region"() ({
      %run_scoped3A = tpu.sem_alloc : memref<!tpu.dma_semaphore, #tpu.memory_space<semaphore_mem>>
      %dma_start3A = tpu.memref_slice %arg4[%add3A_25] : memref<13107200xf32, #tpu.memory_space<hbm>> -> memref<25600xf32, #tpu.memory_space<hbm>>
      %dma_start3A_124 = tpu.memref_slice %arg4[%add3A_25] : memref<13107200xf32, #tpu.memory_space<hbm>> -> memref<25600xf32, #tpu.memory_space<hbm>>
      tpu.enqueue_dma source(%arg7 : memref<25600xf32, #tpu.memory_space<vmem>>) target(%dma_start3A_124 : memref<25600xf32, #tpu.memory_space<hbm>>) target_semaphore(%run_scoped3A : memref<!tpu.dma_semaphore, #tpu.memory_space<semaphore_mem>>)
      %dma_wait3A = tpu.memref_slice %arg4[%add3A_25] : memref<13107200xf32, #tpu.memory_space<hbm>> -> memref<25600xf32, #tpu.memory_space<hbm>>
      %dma_wait3A_125 = tpu.memref_slice %arg4[%add3A_25] : memref<13107200xf32, #tpu.memory_space<hbm>> -> memref<25600xf32, #tpu.memory_space<hbm>>
      tpu.wait_dma2 semaphore(%run_scoped3A : memref<!tpu.dma_semaphore, #tpu.memory_space<semaphore_mem>>) src(%arg7 : memref<25600xf32, #tpu.memory_space<vmem>>) dst(%dma_wait3A_125 : memref<25600xf32, #tpu.memory_space<hbm>>)
      tpu.yield
    }) : () -> ()
    %add3A_26 = arith.constant 25600 : i32
    %add3A_27 = arith.addi %mul3A_10, %add3A_26 : i32
    "tpu.region"() ({
      %run_scoped3A = tpu.sem_alloc : memref<!tpu.dma_semaphore, #tpu.memory_space<semaphore_mem>>
      %dma_start3A = tpu.memref_slice %arg2[%add3A_27] : memref<6553600xf32, #tpu.memory_space<hbm>> -> memref<12800xf32, #tpu.memory_space<hbm>>
      %dma_start3A_124 = tpu.memref_slice %arg2[%add3A_27] : memref<6553600xf32, #tpu.memory_space<hbm>> -> memref<12800xf32, #tpu.memory_space<hbm>>
      tpu.enqueue_dma source(%dma_start3A_124 : memref<12800xf32, #tpu.memory_space<hbm>>) target(%arg6 : memref<12800xf32, #tpu.memory_space<vmem>>) target_semaphore(%run_scoped3A : memref<!tpu.dma_semaphore, #tpu.memory_space<semaphore_mem>>)
      %dma_wait3A = tpu.memref_slice %arg2[%add3A_27] : memref<6553600xf32, #tpu.memory_space<hbm>> -> memref<12800xf32, #tpu.memory_space<hbm>>
      %dma_wait3A_125 = tpu.memref_slice %arg2[%add3A_27] : memref<6553600xf32, #tpu.memory_space<hbm>> -> memref<12800xf32, #tpu.memory_space<hbm>>
      tpu.wait_dma2 semaphore(%run_scoped3A : memref<!tpu.dma_semaphore, #tpu.memory_space<semaphore_mem>>) src(%dma_wait3A_125 : memref<12800xf32, #tpu.memory_space<hbm>>) dst(%arg6 : memref<12800xf32, #tpu.memory_space<vmem>>)
      tpu.yield
    }) : () -> ()
    %parallel_loop3A_28 = arith.constant 0 : i32
    %parallel_loop3A_29 = arith.constant 800 : i32
    %parallel_loop3A_30 = arith.constant 1 : i32
    scf.for %parallel_loop3A_124 = %parallel_loop3A_28 to %parallel_loop3A_29 step %parallel_loop3A_30  : i32 {
      %parallel_loop3A_125 = arith.constant 16 : i32
      %parallel_loop3A_126 = arith.muli %parallel_loop3A_124, %parallel_loop3A_125 : i32
      %parallel_loop3A_127 = arith.index_cast %parallel_loop3A_126 : i32 to index
      %parallel_loop3A_128 = tpu.vector_load %arg6[%parallel_loop3A_127] {strides = array<i32>} : memref<12800xf32, #tpu.memory_space<vmem>>, vector<16xf32>,
      %parallel_loop3A_129 = arith.constant 9.99999993E-9 : f32
      %parallel_loop3A_130 = vector.broadcast %parallel_loop3A_129 : f32 to vector<16xf32>
      %parallel_loop3A_131 = arith.cmpf olt, %parallel_loop3A_128, %parallel_loop3A_130 : vector<16xf32>
      %parallel_loop3A_132 = arith.constant 1.000000e+01 : f32
      %parallel_loop3A_133 = vector.broadcast %parallel_loop3A_132 : f32 to vector<16xf32>
      %parallel_loop3A_134 = arith.mulf %parallel_loop3A_128, %parallel_loop3A_133 : vector<16xf32>
      %parallel_loop3A_135 = arith.fptosi %parallel_loop3A_134 : vector<16xf32> to vector<16xi32>
      %parallel_loop3A_136 = arith.constant 1 : i32
      %parallel_loop3A_137 = vector.broadcast %parallel_loop3A_136 : i32 to vector<16xi32>
      %parallel_loop3A_138 = arith.addi %parallel_loop3A_135, %parallel_loop3A_137 : vector<16xi32>
      %parallel_loop3A_139 = arith.constant 0 : i32
      %parallel_loop3A_140 = vector.broadcast %parallel_loop3A_139 : i32 to vector<16xi32>
      %parallel_loop3A_141 = arith.select %parallel_loop3A_131, %parallel_loop3A_140, %parallel_loop3A_138 : vector<16xi1>, vector<16xi32>
      %parallel_loop3A_142 = arith.constant 0 : i32
      %parallel_loop3A_143 = vector.broadcast %parallel_loop3A_142 : i32 to vector<16xi32>
      %parallel_loop3A_144 = arith.maxsi %parallel_loop3A_141, %parallel_loop3A_143 : vector<16xi32>
      %parallel_loop3A_145 = arith.constant 11 : i32
      %parallel_loop3A_146 = vector.broadcast %parallel_loop3A_145 : i32 to vector<16xi32>
      %parallel_loop3A_147 = arith.minsi %parallel_loop3A_144, %parallel_loop3A_146 : vector<16xi32>
      %parallel_loop3A_148 = arith.addi %parallel_loop3A_147, %mul3A_5 : vector<16xi32>
      %parallel_loop3A_149 = tpu.vector_load_idx %arg5[%parallel_loop3A_148] : memref<128xf32, #tpu.memory_space<vmem>>[vector<16xi32>], vector<16xf32>,
      %parallel_loop3A_150 = arith.constant 12 : i32
      %parallel_loop3A_151 = vector.broadcast %parallel_loop3A_150 : i32 to vector<16xi32>
      %parallel_loop3A_152 = arith.addi %parallel_loop3A_148, %parallel_loop3A_151 : vector<16xi32>
      %parallel_loop3A_153 = tpu.vector_load_idx %arg5[%parallel_loop3A_152] : memref<128xf32, #tpu.memory_space<vmem>>[vector<16xi32>], vector<16xf32>,
      %parallel_loop3A_154 = arith.constant 32 : i32
      %parallel_loop3A_155 = arith.muli %parallel_loop3A_124, %parallel_loop3A_154 : i32
      %parallel_loop3A_156 = vector.broadcast %parallel_loop3A_155 : i32 to vector<16xi32>
      %parallel_loop3A_157 = arith.addi %parallel_loop3A_156, %mul3A_8 : vector<16xi32>
      tpu.vector_store_idx %arg7[%parallel_loop3A_157], %parallel_loop3A_149 : memref<25600xf32, #tpu.memory_space<vmem>>[vector<16xi32>], vector<16xf32>,
      %parallel_loop3A_158 = vector.broadcast %parallel_loop3A_155 : i32 to vector<16xi32>
      %parallel_loop3A_159 = arith.addi %parallel_loop3A_158, %mul3A_8 : vector<16xi32>
      %parallel_loop3A_160 = arith.constant 1 : i32
      %parallel_loop3A_161 = vector.broadcast %parallel_loop3A_160 : i32 to vector<16xi32>
      %parallel_loop3A_162 = arith.addi %parallel_loop3A_159, %parallel_loop3A_161 : vector<16xi32>
      tpu.vector_store_idx %arg7[%parallel_loop3A_162], %parallel_loop3A_153 : memref<25600xf32, #tpu.memory_space<vmem>>[vector<16xi32>], vector<16xf32>,
    } {sc.loop_unroll_factor = 8 : i64, sc.parallel_access}
    %add3A_31 = arith.constant 51200 : i32
    %add3A_32 = arith.addi %mul3A_12, %add3A_31 : i32
    "tpu.region"() ({
      %run_scoped3A = tpu.sem_alloc : memref<!tpu.dma_semaphore, #tpu.memory_space<semaphore_mem>>
      %dma_start3A = tpu.memref_slice %arg4[%add3A_32] : memref<13107200xf32, #tpu.memory_space<hbm>> -> memref<25600xf32, #tpu.memory_space<hbm>>
      %dma_start3A_124 = tpu.memref_slice %arg4[%add3A_32] : memref<13107200xf32, #tpu.memory_space<hbm>> -> memref<25600xf32, #tpu.memory_space<hbm>>
      tpu.enqueue_dma source(%arg7 : memref<25600xf32, #tpu.memory_space<vmem>>) target(%dma_start3A_124 : memref<25600xf32, #tpu.memory_space<hbm>>) target_semaphore(%run_scoped3A : memref<!tpu.dma_semaphore, #tpu.memory_space<semaphore_mem>>)
      %dma_wait3A = tpu.memref_slice %arg4[%add3A_32] : memref<13107200xf32, #tpu.memory_space<hbm>> -> memref<25600xf32, #tpu.memory_space<hbm>>
      %dma_wait3A_125 = tpu.memref_slice %arg4[%add3A_32] : memref<13107200xf32, #tpu.memory_space<hbm>> -> memref<25600xf32, #tpu.memory_space<hbm>>
      tpu.wait_dma2 semaphore(%run_scoped3A : memref<!tpu.dma_semaphore, #tpu.memory_space<semaphore_mem>>) src(%arg7 : memref<25600xf32, #tpu.memory_space<vmem>>) dst(%dma_wait3A_125 : memref<25600xf32, #tpu.memory_space<hbm>>)
      tpu.yield
    }) : () -> ()
    %add3A_33 = arith.constant 38400 : i32
    %add3A_34 = arith.addi %mul3A_10, %add3A_33 : i32
    "tpu.region"() ({
      %run_scoped3A = tpu.sem_alloc : memref<!tpu.dma_semaphore, #tpu.memory_space<semaphore_mem>>
      %dma_start3A = tpu.memref_slice %arg2[%add3A_34] : memref<6553600xf32, #tpu.memory_space<hbm>> -> memref<12800xf32, #tpu.memory_space<hbm>>
      %dma_start3A_124 = tpu.memref_slice %arg2[%add3A_34] : memref<6553600xf32, #tpu.memory_space<hbm>> -> memref<12800xf32, #tpu.memory_space<hbm>>
      tpu.enqueue_dma source(%dma_start3A_124 : memref<12800xf32, #tpu.memory_space<hbm>>) target(%arg6 : memref<12800xf32, #tpu.memory_space<vmem>>) target_semaphore(%run_scoped3A : memref<!tpu.dma_semaphore, #tpu.memory_space<semaphore_mem>>)
      %dma_wait3A = tpu.memref_slice %arg2[%add3A_34] : memref<6553600xf32, #tpu.memory_space<hbm>> -> memref<12800xf32, #tpu.memory_space<hbm>>
      %dma_wait3A_125 = tpu.memref_slice %arg2[%add3A_34] : memref<6553600xf32, #tpu.memory_space<hbm>> -> memref<12800xf32, #tpu.memory_space<hbm>>
      tpu.wait_dma2 semaphore(%run_scoped3A : memref<!tpu.dma_semaphore, #tpu.memory_space<semaphore_mem>>) src(%dma_wait3A_125 : memref<12800xf32, #tpu.memory_space<hbm>>) dst(%arg6 : memref<12800xf32, #tpu.memory_space<vmem>>)
      tpu.yield
    }) : () -> ()
    %parallel_loop3A_35 = arith.constant 0 : i32
    %parallel_loop3A_36 = arith.constant 800 : i32
    %parallel_loop3A_37 = arith.constant 1 : i32
    scf.for %parallel_loop3A_124 = %parallel_loop3A_35 to %parallel_loop3A_36 step %parallel_loop3A_37  : i32 {
      %parallel_loop3A_125 = arith.constant 16 : i32
      %parallel_loop3A_126 = arith.muli %parallel_loop3A_124, %parallel_loop3A_125 : i32
      %parallel_loop3A_127 = arith.index_cast %parallel_loop3A_126 : i32 to index
      %parallel_loop3A_128 = tpu.vector_load %arg6[%parallel_loop3A_127] {strides = array<i32>} : memref<12800xf32, #tpu.memory_space<vmem>>, vector<16xf32>,
      %parallel_loop3A_129 = arith.constant 9.99999993E-9 : f32
      %parallel_loop3A_130 = vector.broadcast %parallel_loop3A_129 : f32 to vector<16xf32>
      %parallel_loop3A_131 = arith.cmpf olt, %parallel_loop3A_128, %parallel_loop3A_130 : vector<16xf32>
      %parallel_loop3A_132 = arith.constant 1.000000e+01 : f32
      %parallel_loop3A_133 = vector.broadcast %parallel_loop3A_132 : f32 to vector<16xf32>
      %parallel_loop3A_134 = arith.mulf %parallel_loop3A_128, %parallel_loop3A_133 : vector<16xf32>
      %parallel_loop3A_135 = arith.fptosi %parallel_loop3A_134 : vector<16xf32> to vector<16xi32>
      %parallel_loop3A_136 = arith.constant 1 : i32
      %parallel_loop3A_137 = vector.broadcast %parallel_loop3A_136 : i32 to vector<16xi32>
      %parallel_loop3A_138 = arith.addi %parallel_loop3A_135, %parallel_loop3A_137 : vector<16xi32>
      %parallel_loop3A_139 = arith.constant 0 : i32
      %parallel_loop3A_140 = vector.broadcast %parallel_loop3A_139 : i32 to vector<16xi32>
      %parallel_loop3A_141 = arith.select %parallel_loop3A_131, %parallel_loop3A_140, %parallel_loop3A_138 : vector<16xi1>, vector<16xi32>
      %parallel_loop3A_142 = arith.constant 0 : i32
      %parallel_loop3A_143 = vector.broadcast %parallel_loop3A_142 : i32 to vector<16xi32>
      %parallel_loop3A_144 = arith.maxsi %parallel_loop3A_141, %parallel_loop3A_143 : vector<16xi32>
      %parallel_loop3A_145 = arith.constant 11 : i32
      %parallel_loop3A_146 = vector.broadcast %parallel_loop3A_145 : i32 to vector<16xi32>
      %parallel_loop3A_147 = arith.minsi %parallel_loop3A_144, %parallel_loop3A_146 : vector<16xi32>
      %parallel_loop3A_148 = arith.addi %parallel_loop3A_147, %mul3A_5 : vector<16xi32>
      %parallel_loop3A_149 = tpu.vector_load_idx %arg5[%parallel_loop3A_148] : memref<128xf32, #tpu.memory_space<vmem>>[vector<16xi32>], vector<16xf32>,
      %parallel_loop3A_150 = arith.constant 12 : i32
      %parallel_loop3A_151 = vector.broadcast %parallel_loop3A_150 : i32 to vector<16xi32>
      %parallel_loop3A_152 = arith.addi %parallel_loop3A_148, %parallel_loop3A_151 : vector<16xi32>
      %parallel_loop3A_153 = tpu.vector_load_idx %arg5[%parallel_loop3A_152] : memref<128xf32, #tpu.memory_space<vmem>>[vector<16xi32>], vector<16xf32>,
      %parallel_loop3A_154 = arith.constant 32 : i32
      %parallel_loop3A_155 = arith.muli %parallel_loop3A_124, %parallel_loop3A_154 : i32
      %parallel_loop3A_156 = vector.broadcast %parallel_loop3A_155 : i32 to vector<16xi32>
      %parallel_loop3A_157 = arith.addi %parallel_loop3A_156, %mul3A_8 : vector<16xi32>
      tpu.vector_store_idx %arg7[%parallel_loop3A_157], %parallel_loop3A_149 : memref<25600xf32, #tpu.memory_space<vmem>>[vector<16xi32>], vector<16xf32>,
      %parallel_loop3A_158 = vector.broadcast %parallel_loop3A_155 : i32 to vector<16xi32>
      %parallel_loop3A_159 = arith.addi %parallel_loop3A_158, %mul3A_8 : vector<16xi32>
      %parallel_loop3A_160 = arith.constant 1 : i32
      %parallel_loop3A_161 = vector.broadcast %parallel_loop3A_160 : i32 to vector<16xi32>
      %parallel_loop3A_162 = arith.addi %parallel_loop3A_159, %parallel_loop3A_161 : vector<16xi32>
      tpu.vector_store_idx %arg7[%parallel_loop3A_162], %parallel_loop3A_153 : memref<25600xf32, #tpu.memory_space<vmem>>[vector<16xi32>], vector<16xf32>,
    } {sc.loop_unroll_factor = 8 : i64, sc.parallel_access}
    %add3A_38 = arith.constant 76800 : i32
    %add3A_39 = arith.addi %mul3A_12, %add3A_38 : i32
    "tpu.region"() ({
      %run_scoped3A = tpu.sem_alloc : memref<!tpu.dma_semaphore, #tpu.memory_space<semaphore_mem>>
      %dma_start3A = tpu.memref_slice %arg4[%add3A_39] : memref<13107200xf32, #tpu.memory_space<hbm>> -> memref<25600xf32, #tpu.memory_space<hbm>>
      %dma_start3A_124 = tpu.memref_slice %arg4[%add3A_39] : memref<13107200xf32, #tpu.memory_space<hbm>> -> memref<25600xf32, #tpu.memory_space<hbm>>
      tpu.enqueue_dma source(%arg7 : memref<25600xf32, #tpu.memory_space<vmem>>) target(%dma_start3A_124 : memref<25600xf32, #tpu.memory_space<hbm>>) target_semaphore(%run_scoped3A : memref<!tpu.dma_semaphore, #tpu.memory_space<semaphore_mem>>)
      %dma_wait3A = tpu.memref_slice %arg4[%add3A_39] : memref<13107200xf32, #tpu.memory_space<hbm>> -> memref<25600xf32, #tpu.memory_space<hbm>>
      %dma_wait3A_125 = tpu.memref_slice %arg4[%add3A_39] : memref<13107200xf32, #tpu.memory_space<hbm>> -> memref<25600xf32, #tpu.memory_space<hbm>>
      tpu.wait_dma2 semaphore(%run_scoped3A : memref<!tpu.dma_semaphore, #tpu.memory_space<semaphore_mem>>) src(%arg7 : memref<25600xf32, #tpu.memory_space<vmem>>) dst(%dma_wait3A_125 : memref<25600xf32, #tpu.memory_space<hbm>>)
      tpu.yield
    }) : () -> ()
    %add3A_40 = arith.constant 51200 : i32
    %add3A_41 = arith.addi %mul3A_10, %add3A_40 : i32
    "tpu.region"() ({
      %run_scoped3A = tpu.sem_alloc : memref<!tpu.dma_semaphore, #tpu.memory_space<semaphore_mem>>
      %dma_start3A = tpu.memref_slice %arg2[%add3A_41] : memref<6553600xf32, #tpu.memory_space<hbm>> -> memref<12800xf32, #tpu.memory_space<hbm>>
      %dma_start3A_124 = tpu.memref_slice %arg2[%add3A_41] : memref<6553600xf32, #tpu.memory_space<hbm>> -> memref<12800xf32, #tpu.memory_space<hbm>>
      tpu.enqueue_dma source(%dma_start3A_124 : memref<12800xf32, #tpu.memory_space<hbm>>) target(%arg6 : memref<12800xf32, #tpu.memory_space<vmem>>) target_semaphore(%run_scoped3A : memref<!tpu.dma_semaphore, #tpu.memory_space<semaphore_mem>>)
      %dma_wait3A = tpu.memref_slice %arg2[%add3A_41] : memref<6553600xf32, #tpu.memory_space<hbm>> -> memref<12800xf32, #tpu.memory_space<hbm>>
      %dma_wait3A_125 = tpu.memref_slice %arg2[%add3A_41] : memref<6553600xf32, #tpu.memory_space<hbm>> -> memref<12800xf32, #tpu.memory_space<hbm>>
      tpu.wait_dma2 semaphore(%run_scoped3A : memref<!tpu.dma_semaphore, #tpu.memory_space<semaphore_mem>>) src(%dma_wait3A_125 : memref<12800xf32, #tpu.memory_space<hbm>>) dst(%arg6 : memref<12800xf32, #tpu.memory_space<vmem>>)
      tpu.yield
    }) : () -> ()
    %parallel_loop3A_42 = arith.constant 0 : i32
    %parallel_loop3A_43 = arith.constant 800 : i32
    %parallel_loop3A_44 = arith.constant 1 : i32
    scf.for %parallel_loop3A_124 = %parallel_loop3A_42 to %parallel_loop3A_43 step %parallel_loop3A_44  : i32 {
      %parallel_loop3A_125 = arith.constant 16 : i32
      %parallel_loop3A_126 = arith.muli %parallel_loop3A_124, %parallel_loop3A_125 : i32
      %parallel_loop3A_127 = arith.index_cast %parallel_loop3A_126 : i32 to index
      %parallel_loop3A_128 = tpu.vector_load %arg6[%parallel_loop3A_127] {strides = array<i32>} : memref<12800xf32, #tpu.memory_space<vmem>>, vector<16xf32>,
      %parallel_loop3A_129 = arith.constant 9.99999993E-9 : f32
      %parallel_loop3A_130 = vector.broadcast %parallel_loop3A_129 : f32 to vector<16xf32>
      %parallel_loop3A_131 = arith.cmpf olt, %parallel_loop3A_128, %parallel_loop3A_130 : vector<16xf32>
      %parallel_loop3A_132 = arith.constant 1.000000e+01 : f32
      %parallel_loop3A_133 = vector.broadcast %parallel_loop3A_132 : f32 to vector<16xf32>
      %parallel_loop3A_134 = arith.mulf %parallel_loop3A_128, %parallel_loop3A_133 : vector<16xf32>
      %parallel_loop3A_135 = arith.fptosi %parallel_loop3A_134 : vector<16xf32> to vector<16xi32>
      %parallel_loop3A_136 = arith.constant 1 : i32
      %parallel_loop3A_137 = vector.broadcast %parallel_loop3A_136 : i32 to vector<16xi32>
      %parallel_loop3A_138 = arith.addi %parallel_loop3A_135, %parallel_loop3A_137 : vector<16xi32>
      %parallel_loop3A_139 = arith.constant 0 : i32
      %parallel_loop3A_140 = vector.broadcast %parallel_loop3A_139 : i32 to vector<16xi32>
      %parallel_loop3A_141 = arith.select %parallel_loop3A_131, %parallel_loop3A_140, %parallel_loop3A_138 : vector<16xi1>, vector<16xi32>
      %parallel_loop3A_142 = arith.constant 0 : i32
      %parallel_loop3A_143 = vector.broadcast %parallel_loop3A_142 : i32 to vector<16xi32>
      %parallel_loop3A_144 = arith.maxsi %parallel_loop3A_141, %parallel_loop3A_143 : vector<16xi32>
      %parallel_loop3A_145 = arith.constant 11 : i32
      %parallel_loop3A_146 = vector.broadcast %parallel_loop3A_145 : i32 to vector<16xi32>
      %parallel_loop3A_147 = arith.minsi %parallel_loop3A_144, %parallel_loop3A_146 : vector<16xi32>
      %parallel_loop3A_148 = arith.addi %parallel_loop3A_147, %mul3A_5 : vector<16xi32>
      %parallel_loop3A_149 = tpu.vector_load_idx %arg5[%parallel_loop3A_148] : memref<128xf32, #tpu.memory_space<vmem>>[vector<16xi32>], vector<16xf32>,
      %parallel_loop3A_150 = arith.constant 12 : i32
      %parallel_loop3A_151 = vector.broadcast %parallel_loop3A_150 : i32 to vector<16xi32>
      %parallel_loop3A_152 = arith.addi %parallel_loop3A_148, %parallel_loop3A_151 : vector<16xi32>
      %parallel_loop3A_153 = tpu.vector_load_idx %arg5[%parallel_loop3A_152] : memref<128xf32, #tpu.memory_space<vmem>>[vector<16xi32>], vector<16xf32>,
      %parallel_loop3A_154 = arith.constant 32 : i32
      %parallel_loop3A_155 = arith.muli %parallel_loop3A_124, %parallel_loop3A_154 : i32
      %parallel_loop3A_156 = vector.broadcast %parallel_loop3A_155 : i32 to vector<16xi32>
      %parallel_loop3A_157 = arith.addi %parallel_loop3A_156, %mul3A_8 : vector<16xi32>
      tpu.vector_store_idx %arg7[%parallel_loop3A_157], %parallel_loop3A_149 : memref<25600xf32, #tpu.memory_space<vmem>>[vector<16xi32>], vector<16xf32>,
      %parallel_loop3A_158 = vector.broadcast %parallel_loop3A_155 : i32 to vector<16xi32>
      %parallel_loop3A_159 = arith.addi %parallel_loop3A_158, %mul3A_8 : vector<16xi32>
      %parallel_loop3A_160 = arith.constant 1 : i32
      %parallel_loop3A_161 = vector.broadcast %parallel_loop3A_160 : i32 to vector<16xi32>
      %parallel_loop3A_162 = arith.addi %parallel_loop3A_159, %parallel_loop3A_161 : vector<16xi32>
      tpu.vector_store_idx %arg7[%parallel_loop3A_162], %parallel_loop3A_153 : memref<25600xf32, #tpu.memory_space<vmem>>[vector<16xi32>], vector<16xf32>,
    } {sc.loop_unroll_factor = 8 : i64, sc.parallel_access}
    %add3A_45 = arith.constant 102400 : i32
    %add3A_46 = arith.addi %mul3A_12, %add3A_45 : i32
    "tpu.region"() ({
      %run_scoped3A = tpu.sem_alloc : memref<!tpu.dma_semaphore, #tpu.memory_space<semaphore_mem>>
      %dma_start3A = tpu.memref_slice %arg4[%add3A_46] : memref<13107200xf32, #tpu.memory_space<hbm>> -> memref<25600xf32, #tpu.memory_space<hbm>>
      %dma_start3A_124 = tpu.memref_slice %arg4[%add3A_46] : memref<13107200xf32, #tpu.memory_space<hbm>> -> memref<25600xf32, #tpu.memory_space<hbm>>
      tpu.enqueue_dma source(%arg7 : memref<25600xf32, #tpu.memory_space<vmem>>) target(%dma_start3A_124 : memref<25600xf32, #tpu.memory_space<hbm>>) target_semaphore(%run_scoped3A : memref<!tpu.dma_semaphore, #tpu.memory_space<semaphore_mem>>)
      %dma_wait3A = tpu.memref_slice %arg4[%add3A_46] : memref<13107200xf32, #tpu.memory_space<hbm>> -> memref<25600xf32, #tpu.memory_space<hbm>>
      %dma_wait3A_125 = tpu.memref_slice %arg4[%add3A_46] : memref<13107200xf32, #tpu.memory_space<hbm>> -> memref<25600xf32, #tpu.memory_space<hbm>>
      tpu.wait_dma2 semaphore(%run_scoped3A : memref<!tpu.dma_semaphore, #tpu.memory_space<semaphore_mem>>) src(%arg7 : memref<25600xf32, #tpu.memory_space<vmem>>) dst(%dma_wait3A_125 : memref<25600xf32, #tpu.memory_space<hbm>>)
      tpu.yield
    }) : () -> ()
    %add3A_47 = arith.constant 64000 : i32
    %add3A_48 = arith.addi %mul3A_10, %add3A_47 : i32
    "tpu.region"() ({
      %run_scoped3A = tpu.sem_alloc : memref<!tpu.dma_semaphore, #tpu.memory_space<semaphore_mem>>
      %dma_start3A = tpu.memref_slice %arg2[%add3A_48] : memref<6553600xf32, #tpu.memory_space<hbm>> -> memref<12800xf32, #tpu.memory_space<hbm>>
      %dma_start3A_124 = tpu.memref_slice %arg2[%add3A_48] : memref<6553600xf32, #tpu.memory_space<hbm>> -> memref<12800xf32, #tpu.memory_space<hbm>>
      tpu.enqueue_dma source(%dma_start3A_124 : memref<12800xf32, #tpu.memory_space<hbm>>) target(%arg6 : memref<12800xf32, #tpu.memory_space<vmem>>) target_semaphore(%run_scoped3A : memref<!tpu.dma_semaphore, #tpu.memory_space<semaphore_mem>>)
      %dma_wait3A = tpu.memref_slice %arg2[%add3A_48] : memref<6553600xf32, #tpu.memory_space<hbm>> -> memref<12800xf32, #tpu.memory_space<hbm>>
      %dma_wait3A_125 = tpu.memref_slice %arg2[%add3A_48] : memref<6553600xf32, #tpu.memory_space<hbm>> -> memref<12800xf32, #tpu.memory_space<hbm>>
      tpu.wait_dma2 semaphore(%run_scoped3A : memref<!tpu.dma_semaphore, #tpu.memory_space<semaphore_mem>>) src(%dma_wait3A_125 : memref<12800xf32, #tpu.memory_space<hbm>>) dst(%arg6 : memref<12800xf32, #tpu.memory_space<vmem>>)
      tpu.yield
    }) : () -> ()
    %parallel_loop3A_49 = arith.constant 0 : i32
    %parallel_loop3A_50 = arith.constant 800 : i32
    %parallel_loop3A_51 = arith.constant 1 : i32
    scf.for %parallel_loop3A_124 = %parallel_loop3A_49 to %parallel_loop3A_50 step %parallel_loop3A_51  : i32 {
      %parallel_loop3A_125 = arith.constant 16 : i32
      %parallel_loop3A_126 = arith.muli %parallel_loop3A_124, %parallel_loop3A_125 : i32
      %parallel_loop3A_127 = arith.index_cast %parallel_loop3A_126 : i32 to index
      %parallel_loop3A_128 = tpu.vector_load %arg6[%parallel_loop3A_127] {strides = array<i32>} : memref<12800xf32, #tpu.memory_space<vmem>>, vector<16xf32>,
      %parallel_loop3A_129 = arith.constant 9.99999993E-9 : f32
      %parallel_loop3A_130 = vector.broadcast %parallel_loop3A_129 : f32 to vector<16xf32>
      %parallel_loop3A_131 = arith.cmpf olt, %parallel_loop3A_128, %parallel_loop3A_130 : vector<16xf32>
      %parallel_loop3A_132 = arith.constant 1.000000e+01 : f32
      %parallel_loop3A_133 = vector.broadcast %parallel_loop3A_132 : f32 to vector<16xf32>
      %parallel_loop3A_134 = arith.mulf %parallel_loop3A_128, %parallel_loop3A_133 : vector<16xf32>
      %parallel_loop3A_135 = arith.fptosi %parallel_loop3A_134 : vector<16xf32> to vector<16xi32>
      %parallel_loop3A_136 = arith.constant 1 : i32
      %parallel_loop3A_137 = vector.broadcast %parallel_loop3A_136 : i32 to vector<16xi32>
      %parallel_loop3A_138 = arith.addi %parallel_loop3A_135, %parallel_loop3A_137 : vector<16xi32>
      %parallel_loop3A_139 = arith.constant 0 : i32
      %parallel_loop3A_140 = vector.broadcast %parallel_loop3A_139 : i32 to vector<16xi32>
      %parallel_loop3A_141 = arith.select %parallel_loop3A_131, %parallel_loop3A_140, %parallel_loop3A_138 : vector<16xi1>, vector<16xi32>
      %parallel_loop3A_142 = arith.constant 0 : i32
      %parallel_loop3A_143 = vector.broadcast %parallel_loop3A_142 : i32 to vector<16xi32>
      %parallel_loop3A_144 = arith.maxsi %parallel_loop3A_141, %parallel_loop3A_143 : vector<16xi32>
      %parallel_loop3A_145 = arith.constant 11 : i32
      %parallel_loop3A_146 = vector.broadcast %parallel_loop3A_145 : i32 to vector<16xi32>
      %parallel_loop3A_147 = arith.minsi %parallel_loop3A_144, %parallel_loop3A_146 : vector<16xi32>
      %parallel_loop3A_148 = arith.addi %parallel_loop3A_147, %mul3A_5 : vector<16xi32>
      %parallel_loop3A_149 = tpu.vector_load_idx %arg5[%parallel_loop3A_148] : memref<128xf32, #tpu.memory_space<vmem>>[vector<16xi32>], vector<16xf32>,
      %parallel_loop3A_150 = arith.constant 12 : i32
      %parallel_loop3A_151 = vector.broadcast %parallel_loop3A_150 : i32 to vector<16xi32>
      %parallel_loop3A_152 = arith.addi %parallel_loop3A_148, %parallel_loop3A_151 : vector<16xi32>
      %parallel_loop3A_153 = tpu.vector_load_idx %arg5[%parallel_loop3A_152] : memref<128xf32, #tpu.memory_space<vmem>>[vector<16xi32>], vector<16xf32>,
      %parallel_loop3A_154 = arith.constant 32 : i32
      %parallel_loop3A_155 = arith.muli %parallel_loop3A_124, %parallel_loop3A_154 : i32
      %parallel_loop3A_156 = vector.broadcast %parallel_loop3A_155 : i32 to vector<16xi32>
      %parallel_loop3A_157 = arith.addi %parallel_loop3A_156, %mul3A_8 : vector<16xi32>
      tpu.vector_store_idx %arg7[%parallel_loop3A_157], %parallel_loop3A_149 : memref<25600xf32, #tpu.memory_space<vmem>>[vector<16xi32>], vector<16xf32>,
      %parallel_loop3A_158 = vector.broadcast %parallel_loop3A_155 : i32 to vector<16xi32>
      %parallel_loop3A_159 = arith.addi %parallel_loop3A_158, %mul3A_8 : vector<16xi32>
      %parallel_loop3A_160 = arith.constant 1 : i32
      %parallel_loop3A_161 = vector.broadcast %parallel_loop3A_160 : i32 to vector<16xi32>
      %parallel_loop3A_162 = arith.addi %parallel_loop3A_159, %parallel_loop3A_161 : vector<16xi32>
      tpu.vector_store_idx %arg7[%parallel_loop3A_162], %parallel_loop3A_153 : memref<25600xf32, #tpu.memory_space<vmem>>[vector<16xi32>], vector<16xf32>,
    } {sc.loop_unroll_factor = 8 : i64, sc.parallel_access}
    %add3A_52 = arith.constant 128000 : i32
    %add3A_53 = arith.addi %mul3A_12, %add3A_52 : i32
    "tpu.region"() ({
      %run_scoped3A = tpu.sem_alloc : memref<!tpu.dma_semaphore, #tpu.memory_space<semaphore_mem>>
      %dma_start3A = tpu.memref_slice %arg4[%add3A_53] : memref<13107200xf32, #tpu.memory_space<hbm>> -> memref<25600xf32, #tpu.memory_space<hbm>>
      %dma_start3A_124 = tpu.memref_slice %arg4[%add3A_53] : memref<13107200xf32, #tpu.memory_space<hbm>> -> memref<25600xf32, #tpu.memory_space<hbm>>
      tpu.enqueue_dma source(%arg7 : memref<25600xf32, #tpu.memory_space<vmem>>) target(%dma_start3A_124 : memref<25600xf32, #tpu.memory_space<hbm>>) target_semaphore(%run_scoped3A : memref<!tpu.dma_semaphore, #tpu.memory_space<semaphore_mem>>)
      %dma_wait3A = tpu.memref_slice %arg4[%add3A_53] : memref<13107200xf32, #tpu.memory_space<hbm>> -> memref<25600xf32, #tpu.memory_space<hbm>>
      %dma_wait3A_125 = tpu.memref_slice %arg4[%add3A_53] : memref<13107200xf32, #tpu.memory_space<hbm>> -> memref<25600xf32, #tpu.memory_space<hbm>>
      tpu.wait_dma2 semaphore(%run_scoped3A : memref<!tpu.dma_semaphore, #tpu.memory_space<semaphore_mem>>) src(%arg7 : memref<25600xf32, #tpu.memory_space<vmem>>) dst(%dma_wait3A_125 : memref<25600xf32, #tpu.memory_space<hbm>>)
      tpu.yield
    }) : () -> ()
    %add3A_54 = arith.constant 76800 : i32
    %add3A_55 = arith.addi %mul3A_10, %add3A_54 : i32
    "tpu.region"() ({
      %run_scoped3A = tpu.sem_alloc : memref<!tpu.dma_semaphore, #tpu.memory_space<semaphore_mem>>
      %dma_start3A = tpu.memref_slice %arg2[%add3A_55] : memref<6553600xf32, #tpu.memory_space<hbm>> -> memref<12800xf32, #tpu.memory_space<hbm>>
      %dma_start3A_124 = tpu.memref_slice %arg2[%add3A_55] : memref<6553600xf32, #tpu.memory_space<hbm>> -> memref<12800xf32, #tpu.memory_space<hbm>>
      tpu.enqueue_dma source(%dma_start3A_124 : memref<12800xf32, #tpu.memory_space<hbm>>) target(%arg6 : memref<12800xf32, #tpu.memory_space<vmem>>) target_semaphore(%run_scoped3A : memref<!tpu.dma_semaphore, #tpu.memory_space<semaphore_mem>>)
      %dma_wait3A = tpu.memref_slice %arg2[%add3A_55] : memref<6553600xf32, #tpu.memory_space<hbm>> -> memref<12800xf32, #tpu.memory_space<hbm>>
      %dma_wait3A_125 = tpu.memref_slice %arg2[%add3A_55] : memref<6553600xf32, #tpu.memory_space<hbm>> -> memref<12800xf32, #tpu.memory_space<hbm>>
      tpu.wait_dma2 semaphore(%run_scoped3A : memref<!tpu.dma_semaphore, #tpu.memory_space<semaphore_mem>>) src(%dma_wait3A_125 : memref<12800xf32, #tpu.memory_space<hbm>>) dst(%arg6 : memref<12800xf32, #tpu.memory_space<vmem>>)
      tpu.yield
    }) : () -> ()
    %parallel_loop3A_56 = arith.constant 0 : i32
    %parallel_loop3A_57 = arith.constant 800 : i32
    %parallel_loop3A_58 = arith.constant 1 : i32
    scf.for %parallel_loop3A_124 = %parallel_loop3A_56 to %parallel_loop3A_57 step %parallel_loop3A_58  : i32 {
      %parallel_loop3A_125 = arith.constant 16 : i32
      %parallel_loop3A_126 = arith.muli %parallel_loop3A_124, %parallel_loop3A_125 : i32
      %parallel_loop3A_127 = arith.index_cast %parallel_loop3A_126 : i32 to index
      %parallel_loop3A_128 = tpu.vector_load %arg6[%parallel_loop3A_127] {strides = array<i32>} : memref<12800xf32, #tpu.memory_space<vmem>>, vector<16xf32>,
      %parallel_loop3A_129 = arith.constant 9.99999993E-9 : f32
      %parallel_loop3A_130 = vector.broadcast %parallel_loop3A_129 : f32 to vector<16xf32>
      %parallel_loop3A_131 = arith.cmpf olt, %parallel_loop3A_128, %parallel_loop3A_130 : vector<16xf32>
      %parallel_loop3A_132 = arith.constant 1.000000e+01 : f32
      %parallel_loop3A_133 = vector.broadcast %parallel_loop3A_132 : f32 to vector<16xf32>
      %parallel_loop3A_134 = arith.mulf %parallel_loop3A_128, %parallel_loop3A_133 : vector<16xf32>
      %parallel_loop3A_135 = arith.fptosi %parallel_loop3A_134 : vector<16xf32> to vector<16xi32>
      %parallel_loop3A_136 = arith.constant 1 : i32
      %parallel_loop3A_137 = vector.broadcast %parallel_loop3A_136 : i32 to vector<16xi32>
      %parallel_loop3A_138 = arith.addi %parallel_loop3A_135, %parallel_loop3A_137 : vector<16xi32>
      %parallel_loop3A_139 = arith.constant 0 : i32
      %parallel_loop3A_140 = vector.broadcast %parallel_loop3A_139 : i32 to vector<16xi32>
      %parallel_loop3A_141 = arith.select %parallel_loop3A_131, %parallel_loop3A_140, %parallel_loop3A_138 : vector<16xi1>, vector<16xi32>
      %parallel_loop3A_142 = arith.constant 0 : i32
      %parallel_loop3A_143 = vector.broadcast %parallel_loop3A_142 : i32 to vector<16xi32>
      %parallel_loop3A_144 = arith.maxsi %parallel_loop3A_141, %parallel_loop3A_143 : vector<16xi32>
      %parallel_loop3A_145 = arith.constant 11 : i32
      %parallel_loop3A_146 = vector.broadcast %parallel_loop3A_145 : i32 to vector<16xi32>
      %parallel_loop3A_147 = arith.minsi %parallel_loop3A_144, %parallel_loop3A_146 : vector<16xi32>
      %parallel_loop3A_148 = arith.addi %parallel_loop3A_147, %mul3A_5 : vector<16xi32>
      %parallel_loop3A_149 = tpu.vector_load_idx %arg5[%parallel_loop3A_148] : memref<128xf32, #tpu.memory_space<vmem>>[vector<16xi32>], vector<16xf32>,
      %parallel_loop3A_150 = arith.constant 12 : i32
      %parallel_loop3A_151 = vector.broadcast %parallel_loop3A_150 : i32 to vector<16xi32>
      %parallel_loop3A_152 = arith.addi %parallel_loop3A_148, %parallel_loop3A_151 : vector<16xi32>
      %parallel_loop3A_153 = tpu.vector_load_idx %arg5[%parallel_loop3A_152] : memref<128xf32, #tpu.memory_space<vmem>>[vector<16xi32>], vector<16xf32>,
      %parallel_loop3A_154 = arith.constant 32 : i32
      %parallel_loop3A_155 = arith.muli %parallel_loop3A_124, %parallel_loop3A_154 : i32
      %parallel_loop3A_156 = vector.broadcast %parallel_loop3A_155 : i32 to vector<16xi32>
      %parallel_loop3A_157 = arith.addi %parallel_loop3A_156, %mul3A_8 : vector<16xi32>
      tpu.vector_store_idx %arg7[%parallel_loop3A_157], %parallel_loop3A_149 : memref<25600xf32, #tpu.memory_space<vmem>>[vector<16xi32>], vector<16xf32>,
      %parallel_loop3A_158 = vector.broadcast %parallel_loop3A_155 : i32 to vector<16xi32>
      %parallel_loop3A_159 = arith.addi %parallel_loop3A_158, %mul3A_8 : vector<16xi32>
      %parallel_loop3A_160 = arith.constant 1 : i32
      %parallel_loop3A_161 = vector.broadcast %parallel_loop3A_160 : i32 to vector<16xi32>
      %parallel_loop3A_162 = arith.addi %parallel_loop3A_159, %parallel_loop3A_161 : vector<16xi32>
      tpu.vector_store_idx %arg7[%parallel_loop3A_162], %parallel_loop3A_153 : memref<25600xf32, #tpu.memory_space<vmem>>[vector<16xi32>], vector<16xf32>,
    } {sc.loop_unroll_factor = 8 : i64, sc.parallel_access}
    %add3A_59 = arith.constant 153600 : i32
    %add3A_60 = arith.addi %mul3A_12, %add3A_59 : i32
    "tpu.region"() ({
      %run_scoped3A = tpu.sem_alloc : memref<!tpu.dma_semaphore, #tpu.memory_space<semaphore_mem>>
      %dma_start3A = tpu.memref_slice %arg4[%add3A_60] : memref<13107200xf32, #tpu.memory_space<hbm>> -> memref<25600xf32, #tpu.memory_space<hbm>>
      %dma_start3A_124 = tpu.memref_slice %arg4[%add3A_60] : memref<13107200xf32, #tpu.memory_space<hbm>> -> memref<25600xf32, #tpu.memory_space<hbm>>
      tpu.enqueue_dma source(%arg7 : memref<25600xf32, #tpu.memory_space<vmem>>) target(%dma_start3A_124 : memref<25600xf32, #tpu.memory_space<hbm>>) target_semaphore(%run_scoped3A : memref<!tpu.dma_semaphore, #tpu.memory_space<semaphore_mem>>)
      %dma_wait3A = tpu.memref_slice %arg4[%add3A_60] : memref<13107200xf32, #tpu.memory_space<hbm>> -> memref<25600xf32, #tpu.memory_space<hbm>>
      %dma_wait3A_125 = tpu.memref_slice %arg4[%add3A_60] : memref<13107200xf32, #tpu.memory_space<hbm>> -> memref<25600xf32, #tpu.memory_space<hbm>>
      tpu.wait_dma2 semaphore(%run_scoped3A : memref<!tpu.dma_semaphore, #tpu.memory_space<semaphore_mem>>) src(%arg7 : memref<25600xf32, #tpu.memory_space<vmem>>) dst(%dma_wait3A_125 : memref<25600xf32, #tpu.memory_space<hbm>>)
      tpu.yield
    }) : () -> ()
    %add3A_61 = arith.constant 89600 : i32
    %add3A_62 = arith.addi %mul3A_10, %add3A_61 : i32
    "tpu.region"() ({
      %run_scoped3A = tpu.sem_alloc : memref<!tpu.dma_semaphore, #tpu.memory_space<semaphore_mem>>
      %dma_start3A = tpu.memref_slice %arg2[%add3A_62] : memref<6553600xf32, #tpu.memory_space<hbm>> -> memref<12800xf32, #tpu.memory_space<hbm>>
      %dma_start3A_124 = tpu.memref_slice %arg2[%add3A_62] : memref<6553600xf32, #tpu.memory_space<hbm>> -> memref<12800xf32, #tpu.memory_space<hbm>>
      tpu.enqueue_dma source(%dma_start3A_124 : memref<12800xf32, #tpu.memory_space<hbm>>) target(%arg6 : memref<12800xf32, #tpu.memory_space<vmem>>) target_semaphore(%run_scoped3A : memref<!tpu.dma_semaphore, #tpu.memory_space<semaphore_mem>>)
      %dma_wait3A = tpu.memref_slice %arg2[%add3A_62] : memref<6553600xf32, #tpu.memory_space<hbm>> -> memref<12800xf32, #tpu.memory_space<hbm>>
      %dma_wait3A_125 = tpu.memref_slice %arg2[%add3A_62] : memref<6553600xf32, #tpu.memory_space<hbm>> -> memref<12800xf32, #tpu.memory_space<hbm>>
      tpu.wait_dma2 semaphore(%run_scoped3A : memref<!tpu.dma_semaphore, #tpu.memory_space<semaphore_mem>>) src(%dma_wait3A_125 : memref<12800xf32, #tpu.memory_space<hbm>>) dst(%arg6 : memref<12800xf32, #tpu.memory_space<vmem>>)
      tpu.yield
    }) : () -> ()
    %parallel_loop3A_63 = arith.constant 0 : i32
    %parallel_loop3A_64 = arith.constant 800 : i32
    %parallel_loop3A_65 = arith.constant 1 : i32
    scf.for %parallel_loop3A_124 = %parallel_loop3A_63 to %parallel_loop3A_64 step %parallel_loop3A_65  : i32 {
      %parallel_loop3A_125 = arith.constant 16 : i32
      %parallel_loop3A_126 = arith.muli %parallel_loop3A_124, %parallel_loop3A_125 : i32
      %parallel_loop3A_127 = arith.index_cast %parallel_loop3A_126 : i32 to index
      %parallel_loop3A_128 = tpu.vector_load %arg6[%parallel_loop3A_127] {strides = array<i32>} : memref<12800xf32, #tpu.memory_space<vmem>>, vector<16xf32>,
      %parallel_loop3A_129 = arith.constant 9.99999993E-9 : f32
      %parallel_loop3A_130 = vector.broadcast %parallel_loop3A_129 : f32 to vector<16xf32>
      %parallel_loop3A_131 = arith.cmpf olt, %parallel_loop3A_128, %parallel_loop3A_130 : vector<16xf32>
      %parallel_loop3A_132 = arith.constant 1.000000e+01 : f32
      %parallel_loop3A_133 = vector.broadcast %parallel_loop3A_132 : f32 to vector<16xf32>
      %parallel_loop3A_134 = arith.mulf %parallel_loop3A_128, %parallel_loop3A_133 : vector<16xf32>
      %parallel_loop3A_135 = arith.fptosi %parallel_loop3A_134 : vector<16xf32> to vector<16xi32>
      %parallel_loop3A_136 = arith.constant 1 : i32
      %parallel_loop3A_137 = vector.broadcast %parallel_loop3A_136 : i32 to vector<16xi32>
      %parallel_loop3A_138 = arith.addi %parallel_loop3A_135, %parallel_loop3A_137 : vector<16xi32>
      %parallel_loop3A_139 = arith.constant 0 : i32
      %parallel_loop3A_140 = vector.broadcast %parallel_loop3A_139 : i32 to vector<16xi32>
      %parallel_loop3A_141 = arith.select %parallel_loop3A_131, %parallel_loop3A_140, %parallel_loop3A_138 : vector<16xi1>, vector<16xi32>
      %parallel_loop3A_142 = arith.constant 0 : i32
      %parallel_loop3A_143 = vector.broadcast %parallel_loop3A_142 : i32 to vector<16xi32>
      %parallel_loop3A_144 = arith.maxsi %parallel_loop3A_141, %parallel_loop3A_143 : vector<16xi32>
      %parallel_loop3A_145 = arith.constant 11 : i32
      %parallel_loop3A_146 = vector.broadcast %parallel_loop3A_145 : i32 to vector<16xi32>
      %parallel_loop3A_147 = arith.minsi %parallel_loop3A_144, %parallel_loop3A_146 : vector<16xi32>
      %parallel_loop3A_148 = arith.addi %parallel_loop3A_147, %mul3A_5 : vector<16xi32>
      %parallel_loop3A_149 = tpu.vector_load_idx %arg5[%parallel_loop3A_148] : memref<128xf32, #tpu.memory_space<vmem>>[vector<16xi32>], vector<16xf32>,
      %parallel_loop3A_150 = arith.constant 12 : i32
      %parallel_loop3A_151 = vector.broadcast %parallel_loop3A_150 : i32 to vector<16xi32>
      %parallel_loop3A_152 = arith.addi %parallel_loop3A_148, %parallel_loop3A_151 : vector<16xi32>
      %parallel_loop3A_153 = tpu.vector_load_idx %arg5[%parallel_loop3A_152] : memref<128xf32, #tpu.memory_space<vmem>>[vector<16xi32>], vector<16xf32>,
      %parallel_loop3A_154 = arith.constant 32 : i32
      %parallel_loop3A_155 = arith.muli %parallel_loop3A_124, %parallel_loop3A_154 : i32
      %parallel_loop3A_156 = vector.broadcast %parallel_loop3A_155 : i32 to vector<16xi32>
      %parallel_loop3A_157 = arith.addi %parallel_loop3A_156, %mul3A_8 : vector<16xi32>
      tpu.vector_store_idx %arg7[%parallel_loop3A_157], %parallel_loop3A_149 : memref<25600xf32, #tpu.memory_space<vmem>>[vector<16xi32>], vector<16xf32>,
      %parallel_loop3A_158 = vector.broadcast %parallel_loop3A_155 : i32 to vector<16xi32>
      %parallel_loop3A_159 = arith.addi %parallel_loop3A_158, %mul3A_8 : vector<16xi32>
      %parallel_loop3A_160 = arith.constant 1 : i32
      %parallel_loop3A_161 = vector.broadcast %parallel_loop3A_160 : i32 to vector<16xi32>
      %parallel_loop3A_162 = arith.addi %parallel_loop3A_159, %parallel_loop3A_161 : vector<16xi32>
      tpu.vector_store_idx %arg7[%parallel_loop3A_162], %parallel_loop3A_153 : memref<25600xf32, #tpu.memory_space<vmem>>[vector<16xi32>], vector<16xf32>,
    } {sc.loop_unroll_factor = 8 : i64, sc.parallel_access}
    %add3A_66 = arith.constant 179200 : i32
    %add3A_67 = arith.addi %mul3A_12, %add3A_66 : i32
    "tpu.region"() ({
      %run_scoped3A = tpu.sem_alloc : memref<!tpu.dma_semaphore, #tpu.memory_space<semaphore_mem>>
      %dma_start3A = tpu.memref_slice %arg4[%add3A_67] : memref<13107200xf32, #tpu.memory_space<hbm>> -> memref<25600xf32, #tpu.memory_space<hbm>>
      %dma_start3A_124 = tpu.memref_slice %arg4[%add3A_67] : memref<13107200xf32, #tpu.memory_space<hbm>> -> memref<25600xf32, #tpu.memory_space<hbm>>
      tpu.enqueue_dma source(%arg7 : memref<25600xf32, #tpu.memory_space<vmem>>) target(%dma_start3A_124 : memref<25600xf32, #tpu.memory_space<hbm>>) target_semaphore(%run_scoped3A : memref<!tpu.dma_semaphore, #tpu.memory_space<semaphore_mem>>)
      %dma_wait3A = tpu.memref_slice %arg4[%add3A_67] : memref<13107200xf32, #tpu.memory_space<hbm>> -> memref<25600xf32, #tpu.memory_space<hbm>>
      %dma_wait3A_125 = tpu.memref_slice %arg4[%add3A_67] : memref<13107200xf32, #tpu.memory_space<hbm>> -> memref<25600xf32, #tpu.memory_space<hbm>>
      tpu.wait_dma2 semaphore(%run_scoped3A : memref<!tpu.dma_semaphore, #tpu.memory_space<semaphore_mem>>) src(%arg7 : memref<25600xf32, #tpu.memory_space<vmem>>) dst(%dma_wait3A_125 : memref<25600xf32, #tpu.memory_space<hbm>>)
      tpu.yield
    }) : () -> ()
    %add3A_68 = arith.constant 102400 : i32
    %add3A_69 = arith.addi %mul3A_10, %add3A_68 : i32
    "tpu.region"() ({
      %run_scoped3A = tpu.sem_alloc : memref<!tpu.dma_semaphore, #tpu.memory_space<semaphore_mem>>
      %dma_start3A = tpu.memref_slice %arg2[%add3A_69] : memref<6553600xf32, #tpu.memory_space<hbm>> -> memref<12800xf32, #tpu.memory_space<hbm>>
      %dma_start3A_124 = tpu.memref_slice %arg2[%add3A_69] : memref<6553600xf32, #tpu.memory_space<hbm>> -> memref<12800xf32, #tpu.memory_space<hbm>>
      tpu.enqueue_dma source(%dma_start3A_124 : memref<12800xf32, #tpu.memory_space<hbm>>) target(%arg6 : memref<12800xf32, #tpu.memory_space<vmem>>) target_semaphore(%run_scoped3A : memref<!tpu.dma_semaphore, #tpu.memory_space<semaphore_mem>>)
      %dma_wait3A = tpu.memref_slice %arg2[%add3A_69] : memref<6553600xf32, #tpu.memory_space<hbm>> -> memref<12800xf32, #tpu.memory_space<hbm>>
      %dma_wait3A_125 = tpu.memref_slice %arg2[%add3A_69] : memref<6553600xf32, #tpu.memory_space<hbm>> -> memref<12800xf32, #tpu.memory_space<hbm>>
      tpu.wait_dma2 semaphore(%run_scoped3A : memref<!tpu.dma_semaphore, #tpu.memory_space<semaphore_mem>>) src(%dma_wait3A_125 : memref<12800xf32, #tpu.memory_space<hbm>>) dst(%arg6 : memref<12800xf32, #tpu.memory_space<vmem>>)
      tpu.yield
    }) : () -> ()
    %parallel_loop3A_70 = arith.constant 0 : i32
    %parallel_loop3A_71 = arith.constant 800 : i32
    %parallel_loop3A_72 = arith.constant 1 : i32
    scf.for %parallel_loop3A_124 = %parallel_loop3A_70 to %parallel_loop3A_71 step %parallel_loop3A_72  : i32 {
      %parallel_loop3A_125 = arith.constant 16 : i32
      %parallel_loop3A_126 = arith.muli %parallel_loop3A_124, %parallel_loop3A_125 : i32
      %parallel_loop3A_127 = arith.index_cast %parallel_loop3A_126 : i32 to index
      %parallel_loop3A_128 = tpu.vector_load %arg6[%parallel_loop3A_127] {strides = array<i32>} : memref<12800xf32, #tpu.memory_space<vmem>>, vector<16xf32>,
      %parallel_loop3A_129 = arith.constant 9.99999993E-9 : f32
      %parallel_loop3A_130 = vector.broadcast %parallel_loop3A_129 : f32 to vector<16xf32>
      %parallel_loop3A_131 = arith.cmpf olt, %parallel_loop3A_128, %parallel_loop3A_130 : vector<16xf32>
      %parallel_loop3A_132 = arith.constant 1.000000e+01 : f32
      %parallel_loop3A_133 = vector.broadcast %parallel_loop3A_132 : f32 to vector<16xf32>
      %parallel_loop3A_134 = arith.mulf %parallel_loop3A_128, %parallel_loop3A_133 : vector<16xf32>
      %parallel_loop3A_135 = arith.fptosi %parallel_loop3A_134 : vector<16xf32> to vector<16xi32>
      %parallel_loop3A_136 = arith.constant 1 : i32
      %parallel_loop3A_137 = vector.broadcast %parallel_loop3A_136 : i32 to vector<16xi32>
      %parallel_loop3A_138 = arith.addi %parallel_loop3A_135, %parallel_loop3A_137 : vector<16xi32>
      %parallel_loop3A_139 = arith.constant 0 : i32
      %parallel_loop3A_140 = vector.broadcast %parallel_loop3A_139 : i32 to vector<16xi32>
      %parallel_loop3A_141 = arith.select %parallel_loop3A_131, %parallel_loop3A_140, %parallel_loop3A_138 : vector<16xi1>, vector<16xi32>
      %parallel_loop3A_142 = arith.constant 0 : i32
      %parallel_loop3A_143 = vector.broadcast %parallel_loop3A_142 : i32 to vector<16xi32>
      %parallel_loop3A_144 = arith.maxsi %parallel_loop3A_141, %parallel_loop3A_143 : vector<16xi32>
      %parallel_loop3A_145 = arith.constant 11 : i32
      %parallel_loop3A_146 = vector.broadcast %parallel_loop3A_145 : i32 to vector<16xi32>
      %parallel_loop3A_147 = arith.minsi %parallel_loop3A_144, %parallel_loop3A_146 : vector<16xi32>
      %parallel_loop3A_148 = arith.addi %parallel_loop3A_147, %mul3A_5 : vector<16xi32>
      %parallel_loop3A_149 = tpu.vector_load_idx %arg5[%parallel_loop3A_148] : memref<128xf32, #tpu.memory_space<vmem>>[vector<16xi32>], vector<16xf32>,
      %parallel_loop3A_150 = arith.constant 12 : i32
      %parallel_loop3A_151 = vector.broadcast %parallel_loop3A_150 : i32 to vector<16xi32>
      %parallel_loop3A_152 = arith.addi %parallel_loop3A_148, %parallel_loop3A_151 : vector<16xi32>
      %parallel_loop3A_153 = tpu.vector_load_idx %arg5[%parallel_loop3A_152] : memref<128xf32, #tpu.memory_space<vmem>>[vector<16xi32>], vector<16xf32>,
      %parallel_loop3A_154 = arith.constant 32 : i32
      %parallel_loop3A_155 = arith.muli %parallel_loop3A_124, %parallel_loop3A_154 : i32
      %parallel_loop3A_156 = vector.broadcast %parallel_loop3A_155 : i32 to vector<16xi32>
      %parallel_loop3A_157 = arith.addi %parallel_loop3A_156, %mul3A_8 : vector<16xi32>
      tpu.vector_store_idx %arg7[%parallel_loop3A_157], %parallel_loop3A_149 : memref<25600xf32, #tpu.memory_space<vmem>>[vector<16xi32>], vector<16xf32>,
      %parallel_loop3A_158 = vector.broadcast %parallel_loop3A_155 : i32 to vector<16xi32>
      %parallel_loop3A_159 = arith.addi %parallel_loop3A_158, %mul3A_8 : vector<16xi32>
      %parallel_loop3A_160 = arith.constant 1 : i32
      %parallel_loop3A_161 = vector.broadcast %parallel_loop3A_160 : i32 to vector<16xi32>
      %parallel_loop3A_162 = arith.addi %parallel_loop3A_159, %parallel_loop3A_161 : vector<16xi32>
      tpu.vector_store_idx %arg7[%parallel_loop3A_162], %parallel_loop3A_153 : memref<25600xf32, #tpu.memory_space<vmem>>[vector<16xi32>], vector<16xf32>,
    } {sc.loop_unroll_factor = 8 : i64, sc.parallel_access}
    %add3A_73 = arith.constant 204800 : i32
    %add3A_74 = arith.addi %mul3A_12, %add3A_73 : i32
    "tpu.region"() ({
      %run_scoped3A = tpu.sem_alloc : memref<!tpu.dma_semaphore, #tpu.memory_space<semaphore_mem>>
      %dma_start3A = tpu.memref_slice %arg4[%add3A_74] : memref<13107200xf32, #tpu.memory_space<hbm>> -> memref<25600xf32, #tpu.memory_space<hbm>>
      %dma_start3A_124 = tpu.memref_slice %arg4[%add3A_74] : memref<13107200xf32, #tpu.memory_space<hbm>> -> memref<25600xf32, #tpu.memory_space<hbm>>
      tpu.enqueue_dma source(%arg7 : memref<25600xf32, #tpu.memory_space<vmem>>) target(%dma_start3A_124 : memref<25600xf32, #tpu.memory_space<hbm>>) target_semaphore(%run_scoped3A : memref<!tpu.dma_semaphore, #tpu.memory_space<semaphore_mem>>)
      %dma_wait3A = tpu.memref_slice %arg4[%add3A_74] : memref<13107200xf32, #tpu.memory_space<hbm>> -> memref<25600xf32, #tpu.memory_space<hbm>>
      %dma_wait3A_125 = tpu.memref_slice %arg4[%add3A_74] : memref<13107200xf32, #tpu.memory_space<hbm>> -> memref<25600xf32, #tpu.memory_space<hbm>>
      tpu.wait_dma2 semaphore(%run_scoped3A : memref<!tpu.dma_semaphore, #tpu.memory_space<semaphore_mem>>) src(%arg7 : memref<25600xf32, #tpu.memory_space<vmem>>) dst(%dma_wait3A_125 : memref<25600xf32, #tpu.memory_space<hbm>>)
      tpu.yield
    }) : () -> ()
    %add3A_75 = arith.constant 115200 : i32
    %add3A_76 = arith.addi %mul3A_10, %add3A_75 : i32
    "tpu.region"() ({
      %run_scoped3A = tpu.sem_alloc : memref<!tpu.dma_semaphore, #tpu.memory_space<semaphore_mem>>
      %dma_start3A = tpu.memref_slice %arg2[%add3A_76] : memref<6553600xf32, #tpu.memory_space<hbm>> -> memref<12800xf32, #tpu.memory_space<hbm>>
      %dma_start3A_124 = tpu.memref_slice %arg2[%add3A_76] : memref<6553600xf32, #tpu.memory_space<hbm>> -> memref<12800xf32, #tpu.memory_space<hbm>>
      tpu.enqueue_dma source(%dma_start3A_124 : memref<12800xf32, #tpu.memory_space<hbm>>) target(%arg6 : memref<12800xf32, #tpu.memory_space<vmem>>) target_semaphore(%run_scoped3A : memref<!tpu.dma_semaphore, #tpu.memory_space<semaphore_mem>>)
      %dma_wait3A = tpu.memref_slice %arg2[%add3A_76] : memref<6553600xf32, #tpu.memory_space<hbm>> -> memref<12800xf32, #tpu.memory_space<hbm>>
      %dma_wait3A_125 = tpu.memref_slice %arg2[%add3A_76] : memref<6553600xf32, #tpu.memory_space<hbm>> -> memref<12800xf32, #tpu.memory_space<hbm>>
      tpu.wait_dma2 semaphore(%run_scoped3A : memref<!tpu.dma_semaphore, #tpu.memory_space<semaphore_mem>>) src(%dma_wait3A_125 : memref<12800xf32, #tpu.memory_space<hbm>>) dst(%arg6 : memref<12800xf32, #tpu.memory_space<vmem>>)
      tpu.yield
    }) : () -> ()
    %parallel_loop3A_77 = arith.constant 0 : i32
    %parallel_loop3A_78 = arith.constant 800 : i32
    %parallel_loop3A_79 = arith.constant 1 : i32
    scf.for %parallel_loop3A_124 = %parallel_loop3A_77 to %parallel_loop3A_78 step %parallel_loop3A_79  : i32 {
      %parallel_loop3A_125 = arith.constant 16 : i32
      %parallel_loop3A_126 = arith.muli %parallel_loop3A_124, %parallel_loop3A_125 : i32
      %parallel_loop3A_127 = arith.index_cast %parallel_loop3A_126 : i32 to index
      %parallel_loop3A_128 = tpu.vector_load %arg6[%parallel_loop3A_127] {strides = array<i32>} : memref<12800xf32, #tpu.memory_space<vmem>>, vector<16xf32>,
      %parallel_loop3A_129 = arith.constant 9.99999993E-9 : f32
      %parallel_loop3A_130 = vector.broadcast %parallel_loop3A_129 : f32 to vector<16xf32>
      %parallel_loop3A_131 = arith.cmpf olt, %parallel_loop3A_128, %parallel_loop3A_130 : vector<16xf32>
      %parallel_loop3A_132 = arith.constant 1.000000e+01 : f32
      %parallel_loop3A_133 = vector.broadcast %parallel_loop3A_132 : f32 to vector<16xf32>
      %parallel_loop3A_134 = arith.mulf %parallel_loop3A_128, %parallel_loop3A_133 : vector<16xf32>
      %parallel_loop3A_135 = arith.fptosi %parallel_loop3A_134 : vector<16xf32> to vector<16xi32>
      %parallel_loop3A_136 = arith.constant 1 : i32
      %parallel_loop3A_137 = vector.broadcast %parallel_loop3A_136 : i32 to vector<16xi32>
      %parallel_loop3A_138 = arith.addi %parallel_loop3A_135, %parallel_loop3A_137 : vector<16xi32>
      %parallel_loop3A_139 = arith.constant 0 : i32
      %parallel_loop3A_140 = vector.broadcast %parallel_loop3A_139 : i32 to vector<16xi32>
      %parallel_loop3A_141 = arith.select %parallel_loop3A_131, %parallel_loop3A_140, %parallel_loop3A_138 : vector<16xi1>, vector<16xi32>
      %parallel_loop3A_142 = arith.constant 0 : i32
      %parallel_loop3A_143 = vector.broadcast %parallel_loop3A_142 : i32 to vector<16xi32>
      %parallel_loop3A_144 = arith.maxsi %parallel_loop3A_141, %parallel_loop3A_143 : vector<16xi32>
      %parallel_loop3A_145 = arith.constant 11 : i32
      %parallel_loop3A_146 = vector.broadcast %parallel_loop3A_145 : i32 to vector<16xi32>
      %parallel_loop3A_147 = arith.minsi %parallel_loop3A_144, %parallel_loop3A_146 : vector<16xi32>
      %parallel_loop3A_148 = arith.addi %parallel_loop3A_147, %mul3A_5 : vector<16xi32>
      %parallel_loop3A_149 = tpu.vector_load_idx %arg5[%parallel_loop3A_148] : memref<128xf32, #tpu.memory_space<vmem>>[vector<16xi32>], vector<16xf32>,
      %parallel_loop3A_150 = arith.constant 12 : i32
      %parallel_loop3A_151 = vector.broadcast %parallel_loop3A_150 : i32 to vector<16xi32>
      %parallel_loop3A_152 = arith.addi %parallel_loop3A_148, %parallel_loop3A_151 : vector<16xi32>
      %parallel_loop3A_153 = tpu.vector_load_idx %arg5[%parallel_loop3A_152] : memref<128xf32, #tpu.memory_space<vmem>>[vector<16xi32>], vector<16xf32>,
      %parallel_loop3A_154 = arith.constant 32 : i32
      %parallel_loop3A_155 = arith.muli %parallel_loop3A_124, %parallel_loop3A_154 : i32
      %parallel_loop3A_156 = vector.broadcast %parallel_loop3A_155 : i32 to vector<16xi32>
      %parallel_loop3A_157 = arith.addi %parallel_loop3A_156, %mul3A_8 : vector<16xi32>
      tpu.vector_store_idx %arg7[%parallel_loop3A_157], %parallel_loop3A_149 : memref<25600xf32, #tpu.memory_space<vmem>>[vector<16xi32>], vector<16xf32>,
      %parallel_loop3A_158 = vector.broadcast %parallel_loop3A_155 : i32 to vector<16xi32>
      %parallel_loop3A_159 = arith.addi %parallel_loop3A_158, %mul3A_8 : vector<16xi32>
      %parallel_loop3A_160 = arith.constant 1 : i32
      %parallel_loop3A_161 = vector.broadcast %parallel_loop3A_160 : i32 to vector<16xi32>
      %parallel_loop3A_162 = arith.addi %parallel_loop3A_159, %parallel_loop3A_161 : vector<16xi32>
      tpu.vector_store_idx %arg7[%parallel_loop3A_162], %parallel_loop3A_153 : memref<25600xf32, #tpu.memory_space<vmem>>[vector<16xi32>], vector<16xf32>,
    } {sc.loop_unroll_factor = 8 : i64, sc.parallel_access}
    %add3A_80 = arith.constant 230400 : i32
    %add3A_81 = arith.addi %mul3A_12, %add3A_80 : i32
    "tpu.region"() ({
      %run_scoped3A = tpu.sem_alloc : memref<!tpu.dma_semaphore, #tpu.memory_space<semaphore_mem>>
      %dma_start3A = tpu.memref_slice %arg4[%add3A_81] : memref<13107200xf32, #tpu.memory_space<hbm>> -> memref<25600xf32, #tpu.memory_space<hbm>>
      %dma_start3A_124 = tpu.memref_slice %arg4[%add3A_81] : memref<13107200xf32, #tpu.memory_space<hbm>> -> memref<25600xf32, #tpu.memory_space<hbm>>
      tpu.enqueue_dma source(%arg7 : memref<25600xf32, #tpu.memory_space<vmem>>) target(%dma_start3A_124 : memref<25600xf32, #tpu.memory_space<hbm>>) target_semaphore(%run_scoped3A : memref<!tpu.dma_semaphore, #tpu.memory_space<semaphore_mem>>)
      %dma_wait3A = tpu.memref_slice %arg4[%add3A_81] : memref<13107200xf32, #tpu.memory_space<hbm>> -> memref<25600xf32, #tpu.memory_space<hbm>>
      %dma_wait3A_125 = tpu.memref_slice %arg4[%add3A_81] : memref<13107200xf32, #tpu.memory_space<hbm>> -> memref<25600xf32, #tpu.memory_space<hbm>>
      tpu.wait_dma2 semaphore(%run_scoped3A : memref<!tpu.dma_semaphore, #tpu.memory_space<semaphore_mem>>) src(%arg7 : memref<25600xf32, #tpu.memory_space<vmem>>) dst(%dma_wait3A_125 : memref<25600xf32, #tpu.memory_space<hbm>>)
      tpu.yield
    }) : () -> ()
    %add3A_82 = arith.constant 128000 : i32
    %add3A_83 = arith.addi %mul3A_10, %add3A_82 : i32
    "tpu.region"() ({
      %run_scoped3A = tpu.sem_alloc : memref<!tpu.dma_semaphore, #tpu.memory_space<semaphore_mem>>
      %dma_start3A = tpu.memref_slice %arg2[%add3A_83] : memref<6553600xf32, #tpu.memory_space<hbm>> -> memref<12800xf32, #tpu.memory_space<hbm>>
      %dma_start3A_124 = tpu.memref_slice %arg2[%add3A_83] : memref<6553600xf32, #tpu.memory_space<hbm>> -> memref<12800xf32, #tpu.memory_space<hbm>>
      tpu.enqueue_dma source(%dma_start3A_124 : memref<12800xf32, #tpu.memory_space<hbm>>) target(%arg6 : memref<12800xf32, #tpu.memory_space<vmem>>) target_semaphore(%run_scoped3A : memref<!tpu.dma_semaphore, #tpu.memory_space<semaphore_mem>>)
      %dma_wait3A = tpu.memref_slice %arg2[%add3A_83] : memref<6553600xf32, #tpu.memory_space<hbm>> -> memref<12800xf32, #tpu.memory_space<hbm>>
      %dma_wait3A_125 = tpu.memref_slice %arg2[%add3A_83] : memref<6553600xf32, #tpu.memory_space<hbm>> -> memref<12800xf32, #tpu.memory_space<hbm>>
      tpu.wait_dma2 semaphore(%run_scoped3A : memref<!tpu.dma_semaphore, #tpu.memory_space<semaphore_mem>>) src(%dma_wait3A_125 : memref<12800xf32, #tpu.memory_space<hbm>>) dst(%arg6 : memref<12800xf32, #tpu.memory_space<vmem>>)
      tpu.yield
    }) : () -> ()
    %parallel_loop3A_84 = arith.constant 0 : i32
    %parallel_loop3A_85 = arith.constant 800 : i32
    %parallel_loop3A_86 = arith.constant 1 : i32
    scf.for %parallel_loop3A_124 = %parallel_loop3A_84 to %parallel_loop3A_85 step %parallel_loop3A_86  : i32 {
      %parallel_loop3A_125 = arith.constant 16 : i32
      %parallel_loop3A_126 = arith.muli %parallel_loop3A_124, %parallel_loop3A_125 : i32
      %parallel_loop3A_127 = arith.index_cast %parallel_loop3A_126 : i32 to index
      %parallel_loop3A_128 = tpu.vector_load %arg6[%parallel_loop3A_127] {strides = array<i32>} : memref<12800xf32, #tpu.memory_space<vmem>>, vector<16xf32>,
      %parallel_loop3A_129 = arith.constant 9.99999993E-9 : f32
      %parallel_loop3A_130 = vector.broadcast %parallel_loop3A_129 : f32 to vector<16xf32>
      %parallel_loop3A_131 = arith.cmpf olt, %parallel_loop3A_128, %parallel_loop3A_130 : vector<16xf32>
      %parallel_loop3A_132 = arith.constant 1.000000e+01 : f32
      %parallel_loop3A_133 = vector.broadcast %parallel_loop3A_132 : f32 to vector<16xf32>
      %parallel_loop3A_134 = arith.mulf %parallel_loop3A_128, %parallel_loop3A_133 : vector<16xf32>
      %parallel_loop3A_135 = arith.fptosi %parallel_loop3A_134 : vector<16xf32> to vector<16xi32>
      %parallel_loop3A_136 = arith.constant 1 : i32
      %parallel_loop3A_137 = vector.broadcast %parallel_loop3A_136 : i32 to vector<16xi32>
      %parallel_loop3A_138 = arith.addi %parallel_loop3A_135, %parallel_loop3A_137 : vector<16xi32>
      %parallel_loop3A_139 = arith.constant 0 : i32
      %parallel_loop3A_140 = vector.broadcast %parallel_loop3A_139 : i32 to vector<16xi32>
      %parallel_loop3A_141 = arith.select %parallel_loop3A_131, %parallel_loop3A_140, %parallel_loop3A_138 : vector<16xi1>, vector<16xi32>
      %parallel_loop3A_142 = arith.constant 0 : i32
      %parallel_loop3A_143 = vector.broadcast %parallel_loop3A_142 : i32 to vector<16xi32>
      %parallel_loop3A_144 = arith.maxsi %parallel_loop3A_141, %parallel_loop3A_143 : vector<16xi32>
      %parallel_loop3A_145 = arith.constant 11 : i32
      %parallel_loop3A_146 = vector.broadcast %parallel_loop3A_145 : i32 to vector<16xi32>
      %parallel_loop3A_147 = arith.minsi %parallel_loop3A_144, %parallel_loop3A_146 : vector<16xi32>
      %parallel_loop3A_148 = arith.addi %parallel_loop3A_147, %mul3A_5 : vector<16xi32>
      %parallel_loop3A_149 = tpu.vector_load_idx %arg5[%parallel_loop3A_148] : memref<128xf32, #tpu.memory_space<vmem>>[vector<16xi32>], vector<16xf32>,
      %parallel_loop3A_150 = arith.constant 12 : i32
      %parallel_loop3A_151 = vector.broadcast %parallel_loop3A_150 : i32 to vector<16xi32>
      %parallel_loop3A_152 = arith.addi %parallel_loop3A_148, %parallel_loop3A_151 : vector<16xi32>
      %parallel_loop3A_153 = tpu.vector_load_idx %arg5[%parallel_loop3A_152] : memref<128xf32, #tpu.memory_space<vmem>>[vector<16xi32>], vector<16xf32>,
      %parallel_loop3A_154 = arith.constant 32 : i32
      %parallel_loop3A_155 = arith.muli %parallel_loop3A_124, %parallel_loop3A_154 : i32
      %parallel_loop3A_156 = vector.broadcast %parallel_loop3A_155 : i32 to vector<16xi32>
      %parallel_loop3A_157 = arith.addi %parallel_loop3A_156, %mul3A_8 : vector<16xi32>
      tpu.vector_store_idx %arg7[%parallel_loop3A_157], %parallel_loop3A_149 : memref<25600xf32, #tpu.memory_space<vmem>>[vector<16xi32>], vector<16xf32>,
      %parallel_loop3A_158 = vector.broadcast %parallel_loop3A_155 : i32 to vector<16xi32>
      %parallel_loop3A_159 = arith.addi %parallel_loop3A_158, %mul3A_8 : vector<16xi32>
      %parallel_loop3A_160 = arith.constant 1 : i32
      %parallel_loop3A_161 = vector.broadcast %parallel_loop3A_160 : i32 to vector<16xi32>
      %parallel_loop3A_162 = arith.addi %parallel_loop3A_159, %parallel_loop3A_161 : vector<16xi32>
      tpu.vector_store_idx %arg7[%parallel_loop3A_162], %parallel_loop3A_153 : memref<25600xf32, #tpu.memory_space<vmem>>[vector<16xi32>], vector<16xf32>,
    } {sc.loop_unroll_factor = 8 : i64, sc.parallel_access}
    %add3A_87 = arith.constant 256000 : i32
    %add3A_88 = arith.addi %mul3A_12, %add3A_87 : i32
    "tpu.region"() ({
      %run_scoped3A = tpu.sem_alloc : memref<!tpu.dma_semaphore, #tpu.memory_space<semaphore_mem>>
      %dma_start3A = tpu.memref_slice %arg4[%add3A_88] : memref<13107200xf32, #tpu.memory_space<hbm>> -> memref<25600xf32, #tpu.memory_space<hbm>>
      %dma_start3A_124 = tpu.memref_slice %arg4[%add3A_88] : memref<13107200xf32, #tpu.memory_space<hbm>> -> memref<25600xf32, #tpu.memory_space<hbm>>
      tpu.enqueue_dma source(%arg7 : memref<25600xf32, #tpu.memory_space<vmem>>) target(%dma_start3A_124 : memref<25600xf32, #tpu.memory_space<hbm>>) target_semaphore(%run_scoped3A : memref<!tpu.dma_semaphore, #tpu.memory_space<semaphore_mem>>)
      %dma_wait3A = tpu.memref_slice %arg4[%add3A_88] : memref<13107200xf32, #tpu.memory_space<hbm>> -> memref<25600xf32, #tpu.memory_space<hbm>>
      %dma_wait3A_125 = tpu.memref_slice %arg4[%add3A_88] : memref<13107200xf32, #tpu.memory_space<hbm>> -> memref<25600xf32, #tpu.memory_space<hbm>>
      tpu.wait_dma2 semaphore(%run_scoped3A : memref<!tpu.dma_semaphore, #tpu.memory_space<semaphore_mem>>) src(%arg7 : memref<25600xf32, #tpu.memory_space<vmem>>) dst(%dma_wait3A_125 : memref<25600xf32, #tpu.memory_space<hbm>>)
      tpu.yield
    }) : () -> ()
    %add3A_89 = arith.constant 140800 : i32
    %add3A_90 = arith.addi %mul3A_10, %add3A_89 : i32
    "tpu.region"() ({
      %run_scoped3A = tpu.sem_alloc : memref<!tpu.dma_semaphore, #tpu.memory_space<semaphore_mem>>
      %dma_start3A = tpu.memref_slice %arg2[%add3A_90] : memref<6553600xf32, #tpu.memory_space<hbm>> -> memref<12800xf32, #tpu.memory_space<hbm>>
      %dma_start3A_124 = tpu.memref_slice %arg2[%add3A_90] : memref<6553600xf32, #tpu.memory_space<hbm>> -> memref<12800xf32, #tpu.memory_space<hbm>>
      tpu.enqueue_dma source(%dma_start3A_124 : memref<12800xf32, #tpu.memory_space<hbm>>) target(%arg6 : memref<12800xf32, #tpu.memory_space<vmem>>) target_semaphore(%run_scoped3A : memref<!tpu.dma_semaphore, #tpu.memory_space<semaphore_mem>>)
      %dma_wait3A = tpu.memref_slice %arg2[%add3A_90] : memref<6553600xf32, #tpu.memory_space<hbm>> -> memref<12800xf32, #tpu.memory_space<hbm>>
      %dma_wait3A_125 = tpu.memref_slice %arg2[%add3A_90] : memref<6553600xf32, #tpu.memory_space<hbm>> -> memref<12800xf32, #tpu.memory_space<hbm>>
      tpu.wait_dma2 semaphore(%run_scoped3A : memref<!tpu.dma_semaphore, #tpu.memory_space<semaphore_mem>>) src(%dma_wait3A_125 : memref<12800xf32, #tpu.memory_space<hbm>>) dst(%arg6 : memref<12800xf32, #tpu.memory_space<vmem>>)
      tpu.yield
    }) : () -> ()
    %parallel_loop3A_91 = arith.constant 0 : i32
    %parallel_loop3A_92 = arith.constant 800 : i32
    %parallel_loop3A_93 = arith.constant 1 : i32
    scf.for %parallel_loop3A_124 = %parallel_loop3A_91 to %parallel_loop3A_92 step %parallel_loop3A_93  : i32 {
      %parallel_loop3A_125 = arith.constant 16 : i32
      %parallel_loop3A_126 = arith.muli %parallel_loop3A_124, %parallel_loop3A_125 : i32
      %parallel_loop3A_127 = arith.index_cast %parallel_loop3A_126 : i32 to index
      %parallel_loop3A_128 = tpu.vector_load %arg6[%parallel_loop3A_127] {strides = array<i32>} : memref<12800xf32, #tpu.memory_space<vmem>>, vector<16xf32>,
      %parallel_loop3A_129 = arith.constant 9.99999993E-9 : f32
      %parallel_loop3A_130 = vector.broadcast %parallel_loop3A_129 : f32 to vector<16xf32>
      %parallel_loop3A_131 = arith.cmpf olt, %parallel_loop3A_128, %parallel_loop3A_130 : vector<16xf32>
      %parallel_loop3A_132 = arith.constant 1.000000e+01 : f32
      %parallel_loop3A_133 = vector.broadcast %parallel_loop3A_132 : f32 to vector<16xf32>
      %parallel_loop3A_134 = arith.mulf %parallel_loop3A_128, %parallel_loop3A_133 : vector<16xf32>
      %parallel_loop3A_135 = arith.fptosi %parallel_loop3A_134 : vector<16xf32> to vector<16xi32>
      %parallel_loop3A_136 = arith.constant 1 : i32
      %parallel_loop3A_137 = vector.broadcast %parallel_loop3A_136 : i32 to vector<16xi32>
      %parallel_loop3A_138 = arith.addi %parallel_loop3A_135, %parallel_loop3A_137 : vector<16xi32>
      %parallel_loop3A_139 = arith.constant 0 : i32
      %parallel_loop3A_140 = vector.broadcast %parallel_loop3A_139 : i32 to vector<16xi32>
      %parallel_loop3A_141 = arith.select %parallel_loop3A_131, %parallel_loop3A_140, %parallel_loop3A_138 : vector<16xi1>, vector<16xi32>
      %parallel_loop3A_142 = arith.constant 0 : i32
      %parallel_loop3A_143 = vector.broadcast %parallel_loop3A_142 : i32 to vector<16xi32>
      %parallel_loop3A_144 = arith.maxsi %parallel_loop3A_141, %parallel_loop3A_143 : vector<16xi32>
      %parallel_loop3A_145 = arith.constant 11 : i32
      %parallel_loop3A_146 = vector.broadcast %parallel_loop3A_145 : i32 to vector<16xi32>
      %parallel_loop3A_147 = arith.minsi %parallel_loop3A_144, %parallel_loop3A_146 : vector<16xi32>
      %parallel_loop3A_148 = arith.addi %parallel_loop3A_147, %mul3A_5 : vector<16xi32>
      %parallel_loop3A_149 = tpu.vector_load_idx %arg5[%parallel_loop3A_148] : memref<128xf32, #tpu.memory_space<vmem>>[vector<16xi32>], vector<16xf32>,
      %parallel_loop3A_150 = arith.constant 12 : i32
      %parallel_loop3A_151 = vector.broadcast %parallel_loop3A_150 : i32 to vector<16xi32>
      %parallel_loop3A_152 = arith.addi %parallel_loop3A_148, %parallel_loop3A_151 : vector<16xi32>
      %parallel_loop3A_153 = tpu.vector_load_idx %arg5[%parallel_loop3A_152] : memref<128xf32, #tpu.memory_space<vmem>>[vector<16xi32>], vector<16xf32>,
      %parallel_loop3A_154 = arith.constant 32 : i32
      %parallel_loop3A_155 = arith.muli %parallel_loop3A_124, %parallel_loop3A_154 : i32
      %parallel_loop3A_156 = vector.broadcast %parallel_loop3A_155 : i32 to vector<16xi32>
      %parallel_loop3A_157 = arith.addi %parallel_loop3A_156, %mul3A_8 : vector<16xi32>
      tpu.vector_store_idx %arg7[%parallel_loop3A_157], %parallel_loop3A_149 : memref<25600xf32, #tpu.memory_space<vmem>>[vector<16xi32>], vector<16xf32>,
      %parallel_loop3A_158 = vector.broadcast %parallel_loop3A_155 : i32 to vector<16xi32>
      %parallel_loop3A_159 = arith.addi %parallel_loop3A_158, %mul3A_8 : vector<16xi32>
      %parallel_loop3A_160 = arith.constant 1 : i32
      %parallel_loop3A_161 = vector.broadcast %parallel_loop3A_160 : i32 to vector<16xi32>
      %parallel_loop3A_162 = arith.addi %parallel_loop3A_159, %parallel_loop3A_161 : vector<16xi32>
      tpu.vector_store_idx %arg7[%parallel_loop3A_162], %parallel_loop3A_153 : memref<25600xf32, #tpu.memory_space<vmem>>[vector<16xi32>], vector<16xf32>,
    } {sc.loop_unroll_factor = 8 : i64, sc.parallel_access}
    %add3A_94 = arith.constant 281600 : i32
    %add3A_95 = arith.addi %mul3A_12, %add3A_94 : i32
    "tpu.region"() ({
      %run_scoped3A = tpu.sem_alloc : memref<!tpu.dma_semaphore, #tpu.memory_space<semaphore_mem>>
      %dma_start3A = tpu.memref_slice %arg4[%add3A_95] : memref<13107200xf32, #tpu.memory_space<hbm>> -> memref<25600xf32, #tpu.memory_space<hbm>>
      %dma_start3A_124 = tpu.memref_slice %arg4[%add3A_95] : memref<13107200xf32, #tpu.memory_space<hbm>> -> memref<25600xf32, #tpu.memory_space<hbm>>
      tpu.enqueue_dma source(%arg7 : memref<25600xf32, #tpu.memory_space<vmem>>) target(%dma_start3A_124 : memref<25600xf32, #tpu.memory_space<hbm>>) target_semaphore(%run_scoped3A : memref<!tpu.dma_semaphore, #tpu.memory_space<semaphore_mem>>)
      %dma_wait3A = tpu.memref_slice %arg4[%add3A_95] : memref<13107200xf32, #tpu.memory_space<hbm>> -> memref<25600xf32, #tpu.memory_space<hbm>>
      %dma_wait3A_125 = tpu.memref_slice %arg4[%add3A_95] : memref<13107200xf32, #tpu.memory_space<hbm>> -> memref<25600xf32, #tpu.memory_space<hbm>>
      tpu.wait_dma2 semaphore(%run_scoped3A : memref<!tpu.dma_semaphore, #tpu.memory_space<semaphore_mem>>) src(%arg7 : memref<25600xf32, #tpu.memory_space<vmem>>) dst(%dma_wait3A_125 : memref<25600xf32, #tpu.memory_space<hbm>>)
      tpu.yield
    }) : () -> ()
    %add3A_96 = arith.constant 153600 : i32
    %add3A_97 = arith.addi %mul3A_10, %add3A_96 : i32
    "tpu.region"() ({
      %run_scoped3A = tpu.sem_alloc : memref<!tpu.dma_semaphore, #tpu.memory_space<semaphore_mem>>
      %dma_start3A = tpu.memref_slice %arg2[%add3A_97] : memref<6553600xf32, #tpu.memory_space<hbm>> -> memref<12800xf32, #tpu.memory_space<hbm>>
      %dma_start3A_124 = tpu.memref_slice %arg2[%add3A_97] : memref<6553600xf32, #tpu.memory_space<hbm>> -> memref<12800xf32, #tpu.memory_space<hbm>>
      tpu.enqueue_dma source(%dma_start3A_124 : memref<12800xf32, #tpu.memory_space<hbm>>) target(%arg6 : memref<12800xf32, #tpu.memory_space<vmem>>) target_semaphore(%run_scoped3A : memref<!tpu.dma_semaphore, #tpu.memory_space<semaphore_mem>>)
      %dma_wait3A = tpu.memref_slice %arg2[%add3A_97] : memref<6553600xf32, #tpu.memory_space<hbm>> -> memref<12800xf32, #tpu.memory_space<hbm>>
      %dma_wait3A_125 = tpu.memref_slice %arg2[%add3A_97] : memref<6553600xf32, #tpu.memory_space<hbm>> -> memref<12800xf32, #tpu.memory_space<hbm>>
      tpu.wait_dma2 semaphore(%run_scoped3A : memref<!tpu.dma_semaphore, #tpu.memory_space<semaphore_mem>>) src(%dma_wait3A_125 : memref<12800xf32, #tpu.memory_space<hbm>>) dst(%arg6 : memref<12800xf32, #tpu.memory_space<vmem>>)
      tpu.yield
    }) : () -> ()
    %parallel_loop3A_98 = arith.constant 0 : i32
    %parallel_loop3A_99 = arith.constant 800 : i32
    %parallel_loop3A_100 = arith.constant 1 : i32
    scf.for %parallel_loop3A_124 = %parallel_loop3A_98 to %parallel_loop3A_99 step %parallel_loop3A_100  : i32 {
      %parallel_loop3A_125 = arith.constant 16 : i32
      %parallel_loop3A_126 = arith.muli %parallel_loop3A_124, %parallel_loop3A_125 : i32
      %parallel_loop3A_127 = arith.index_cast %parallel_loop3A_126 : i32 to index
      %parallel_loop3A_128 = tpu.vector_load %arg6[%parallel_loop3A_127] {strides = array<i32>} : memref<12800xf32, #tpu.memory_space<vmem>>, vector<16xf32>,
      %parallel_loop3A_129 = arith.constant 9.99999993E-9 : f32
      %parallel_loop3A_130 = vector.broadcast %parallel_loop3A_129 : f32 to vector<16xf32>
      %parallel_loop3A_131 = arith.cmpf olt, %parallel_loop3A_128, %parallel_loop3A_130 : vector<16xf32>
      %parallel_loop3A_132 = arith.constant 1.000000e+01 : f32
      %parallel_loop3A_133 = vector.broadcast %parallel_loop3A_132 : f32 to vector<16xf32>
      %parallel_loop3A_134 = arith.mulf %parallel_loop3A_128, %parallel_loop3A_133 : vector<16xf32>
      %parallel_loop3A_135 = arith.fptosi %parallel_loop3A_134 : vector<16xf32> to vector<16xi32>
      %parallel_loop3A_136 = arith.constant 1 : i32
      %parallel_loop3A_137 = vector.broadcast %parallel_loop3A_136 : i32 to vector<16xi32>
      %parallel_loop3A_138 = arith.addi %parallel_loop3A_135, %parallel_loop3A_137 : vector<16xi32>
      %parallel_loop3A_139 = arith.constant 0 : i32
      %parallel_loop3A_140 = vector.broadcast %parallel_loop3A_139 : i32 to vector<16xi32>
      %parallel_loop3A_141 = arith.select %parallel_loop3A_131, %parallel_loop3A_140, %parallel_loop3A_138 : vector<16xi1>, vector<16xi32>
      %parallel_loop3A_142 = arith.constant 0 : i32
      %parallel_loop3A_143 = vector.broadcast %parallel_loop3A_142 : i32 to vector<16xi32>
      %parallel_loop3A_144 = arith.maxsi %parallel_loop3A_141, %parallel_loop3A_143 : vector<16xi32>
      %parallel_loop3A_145 = arith.constant 11 : i32
      %parallel_loop3A_146 = vector.broadcast %parallel_loop3A_145 : i32 to vector<16xi32>
      %parallel_loop3A_147 = arith.minsi %parallel_loop3A_144, %parallel_loop3A_146 : vector<16xi32>
      %parallel_loop3A_148 = arith.addi %parallel_loop3A_147, %mul3A_5 : vector<16xi32>
      %parallel_loop3A_149 = tpu.vector_load_idx %arg5[%parallel_loop3A_148] : memref<128xf32, #tpu.memory_space<vmem>>[vector<16xi32>], vector<16xf32>,
      %parallel_loop3A_150 = arith.constant 12 : i32
      %parallel_loop3A_151 = vector.broadcast %parallel_loop3A_150 : i32 to vector<16xi32>
      %parallel_loop3A_152 = arith.addi %parallel_loop3A_148, %parallel_loop3A_151 : vector<16xi32>
      %parallel_loop3A_153 = tpu.vector_load_idx %arg5[%parallel_loop3A_152] : memref<128xf32, #tpu.memory_space<vmem>>[vector<16xi32>], vector<16xf32>,
      %parallel_loop3A_154 = arith.constant 32 : i32
      %parallel_loop3A_155 = arith.muli %parallel_loop3A_124, %parallel_loop3A_154 : i32
      %parallel_loop3A_156 = vector.broadcast %parallel_loop3A_155 : i32 to vector<16xi32>
      %parallel_loop3A_157 = arith.addi %parallel_loop3A_156, %mul3A_8 : vector<16xi32>
      tpu.vector_store_idx %arg7[%parallel_loop3A_157], %parallel_loop3A_149 : memref<25600xf32, #tpu.memory_space<vmem>>[vector<16xi32>], vector<16xf32>,
      %parallel_loop3A_158 = vector.broadcast %parallel_loop3A_155 : i32 to vector<16xi32>
      %parallel_loop3A_159 = arith.addi %parallel_loop3A_158, %mul3A_8 : vector<16xi32>
      %parallel_loop3A_160 = arith.constant 1 : i32
      %parallel_loop3A_161 = vector.broadcast %parallel_loop3A_160 : i32 to vector<16xi32>
      %parallel_loop3A_162 = arith.addi %parallel_loop3A_159, %parallel_loop3A_161 : vector<16xi32>
      tpu.vector_store_idx %arg7[%parallel_loop3A_162], %parallel_loop3A_153 : memref<25600xf32, #tpu.memory_space<vmem>>[vector<16xi32>], vector<16xf32>,
    } {sc.loop_unroll_factor = 8 : i64, sc.parallel_access}
    %add3A_101 = arith.constant 307200 : i32
    %add3A_102 = arith.addi %mul3A_12, %add3A_101 : i32
    "tpu.region"() ({
      %run_scoped3A = tpu.sem_alloc : memref<!tpu.dma_semaphore, #tpu.memory_space<semaphore_mem>>
      %dma_start3A = tpu.memref_slice %arg4[%add3A_102] : memref<13107200xf32, #tpu.memory_space<hbm>> -> memref<25600xf32, #tpu.memory_space<hbm>>
      %dma_start3A_124 = tpu.memref_slice %arg4[%add3A_102] : memref<13107200xf32, #tpu.memory_space<hbm>> -> memref<25600xf32, #tpu.memory_space<hbm>>
      tpu.enqueue_dma source(%arg7 : memref<25600xf32, #tpu.memory_space<vmem>>) target(%dma_start3A_124 : memref<25600xf32, #tpu.memory_space<hbm>>) target_semaphore(%run_scoped3A : memref<!tpu.dma_semaphore, #tpu.memory_space<semaphore_mem>>)
      %dma_wait3A = tpu.memref_slice %arg4[%add3A_102] : memref<13107200xf32, #tpu.memory_space<hbm>> -> memref<25600xf32, #tpu.memory_space<hbm>>
      %dma_wait3A_125 = tpu.memref_slice %arg4[%add3A_102] : memref<13107200xf32, #tpu.memory_space<hbm>> -> memref<25600xf32, #tpu.memory_space<hbm>>
      tpu.wait_dma2 semaphore(%run_scoped3A : memref<!tpu.dma_semaphore, #tpu.memory_space<semaphore_mem>>) src(%arg7 : memref<25600xf32, #tpu.memory_space<vmem>>) dst(%dma_wait3A_125 : memref<25600xf32, #tpu.memory_space<hbm>>)
      tpu.yield
    }) : () -> ()
    %add3A_103 = arith.constant 166400 : i32
    %add3A_104 = arith.addi %mul3A_10, %add3A_103 : i32
    "tpu.region"() ({
      %run_scoped3A = tpu.sem_alloc : memref<!tpu.dma_semaphore, #tpu.memory_space<semaphore_mem>>
      %dma_start3A = tpu.memref_slice %arg2[%add3A_104] : memref<6553600xf32, #tpu.memory_space<hbm>> -> memref<12800xf32, #tpu.memory_space<hbm>>
      %dma_start3A_124 = tpu.memref_slice %arg2[%add3A_104] : memref<6553600xf32, #tpu.memory_space<hbm>> -> memref<12800xf32, #tpu.memory_space<hbm>>
      tpu.enqueue_dma source(%dma_start3A_124 : memref<12800xf32, #tpu.memory_space<hbm>>) target(%arg6 : memref<12800xf32, #tpu.memory_space<vmem>>) target_semaphore(%run_scoped3A : memref<!tpu.dma_semaphore, #tpu.memory_space<semaphore_mem>>)
      %dma_wait3A = tpu.memref_slice %arg2[%add3A_104] : memref<6553600xf32, #tpu.memory_space<hbm>> -> memref<12800xf32, #tpu.memory_space<hbm>>
      %dma_wait3A_125 = tpu.memref_slice %arg2[%add3A_104] : memref<6553600xf32, #tpu.memory_space<hbm>> -> memref<12800xf32, #tpu.memory_space<hbm>>
      tpu.wait_dma2 semaphore(%run_scoped3A : memref<!tpu.dma_semaphore, #tpu.memory_space<semaphore_mem>>) src(%dma_wait3A_125 : memref<12800xf32, #tpu.memory_space<hbm>>) dst(%arg6 : memref<12800xf32, #tpu.memory_space<vmem>>)
      tpu.yield
    }) : () -> ()
    %parallel_loop3A_105 = arith.constant 0 : i32
    %parallel_loop3A_106 = arith.constant 800 : i32
    %parallel_loop3A_107 = arith.constant 1 : i32
    scf.for %parallel_loop3A_124 = %parallel_loop3A_105 to %parallel_loop3A_106 step %parallel_loop3A_107  : i32 {
      %parallel_loop3A_125 = arith.constant 16 : i32
      %parallel_loop3A_126 = arith.muli %parallel_loop3A_124, %parallel_loop3A_125 : i32
      %parallel_loop3A_127 = arith.index_cast %parallel_loop3A_126 : i32 to index
      %parallel_loop3A_128 = tpu.vector_load %arg6[%parallel_loop3A_127] {strides = array<i32>} : memref<12800xf32, #tpu.memory_space<vmem>>, vector<16xf32>,
      %parallel_loop3A_129 = arith.constant 9.99999993E-9 : f32
      %parallel_loop3A_130 = vector.broadcast %parallel_loop3A_129 : f32 to vector<16xf32>
      %parallel_loop3A_131 = arith.cmpf olt, %parallel_loop3A_128, %parallel_loop3A_130 : vector<16xf32>
      %parallel_loop3A_132 = arith.constant 1.000000e+01 : f32
      %parallel_loop3A_133 = vector.broadcast %parallel_loop3A_132 : f32 to vector<16xf32>
      %parallel_loop3A_134 = arith.mulf %parallel_loop3A_128, %parallel_loop3A_133 : vector<16xf32>
      %parallel_loop3A_135 = arith.fptosi %parallel_loop3A_134 : vector<16xf32> to vector<16xi32>
      %parallel_loop3A_136 = arith.constant 1 : i32
      %parallel_loop3A_137 = vector.broadcast %parallel_loop3A_136 : i32 to vector<16xi32>
      %parallel_loop3A_138 = arith.addi %parallel_loop3A_135, %parallel_loop3A_137 : vector<16xi32>
      %parallel_loop3A_139 = arith.constant 0 : i32
      %parallel_loop3A_140 = vector.broadcast %parallel_loop3A_139 : i32 to vector<16xi32>
      %parallel_loop3A_141 = arith.select %parallel_loop3A_131, %parallel_loop3A_140, %parallel_loop3A_138 : vector<16xi1>, vector<16xi32>
      %parallel_loop3A_142 = arith.constant 0 : i32
      %parallel_loop3A_143 = vector.broadcast %parallel_loop3A_142 : i32 to vector<16xi32>
      %parallel_loop3A_144 = arith.maxsi %parallel_loop3A_141, %parallel_loop3A_143 : vector<16xi32>
      %parallel_loop3A_145 = arith.constant 11 : i32
      %parallel_loop3A_146 = vector.broadcast %parallel_loop3A_145 : i32 to vector<16xi32>
      %parallel_loop3A_147 = arith.minsi %parallel_loop3A_144, %parallel_loop3A_146 : vector<16xi32>
      %parallel_loop3A_148 = arith.addi %parallel_loop3A_147, %mul3A_5 : vector<16xi32>
      %parallel_loop3A_149 = tpu.vector_load_idx %arg5[%parallel_loop3A_148] : memref<128xf32, #tpu.memory_space<vmem>>[vector<16xi32>], vector<16xf32>,
      %parallel_loop3A_150 = arith.constant 12 : i32
      %parallel_loop3A_151 = vector.broadcast %parallel_loop3A_150 : i32 to vector<16xi32>
      %parallel_loop3A_152 = arith.addi %parallel_loop3A_148, %parallel_loop3A_151 : vector<16xi32>
      %parallel_loop3A_153 = tpu.vector_load_idx %arg5[%parallel_loop3A_152] : memref<128xf32, #tpu.memory_space<vmem>>[vector<16xi32>], vector<16xf32>,
      %parallel_loop3A_154 = arith.constant 32 : i32
      %parallel_loop3A_155 = arith.muli %parallel_loop3A_124, %parallel_loop3A_154 : i32
      %parallel_loop3A_156 = vector.broadcast %parallel_loop3A_155 : i32 to vector<16xi32>
      %parallel_loop3A_157 = arith.addi %parallel_loop3A_156, %mul3A_8 : vector<16xi32>
      tpu.vector_store_idx %arg7[%parallel_loop3A_157], %parallel_loop3A_149 : memref<25600xf32, #tpu.memory_space<vmem>>[vector<16xi32>], vector<16xf32>,
      %parallel_loop3A_158 = vector.broadcast %parallel_loop3A_155 : i32 to vector<16xi32>
      %parallel_loop3A_159 = arith.addi %parallel_loop3A_158, %mul3A_8 : vector<16xi32>
      %parallel_loop3A_160 = arith.constant 1 : i32
      %parallel_loop3A_161 = vector.broadcast %parallel_loop3A_160 : i32 to vector<16xi32>
      %parallel_loop3A_162 = arith.addi %parallel_loop3A_159, %parallel_loop3A_161 : vector<16xi32>
      tpu.vector_store_idx %arg7[%parallel_loop3A_162], %parallel_loop3A_153 : memref<25600xf32, #tpu.memory_space<vmem>>[vector<16xi32>], vector<16xf32>,
    } {sc.loop_unroll_factor = 8 : i64, sc.parallel_access}
    %add3A_108 = arith.constant 332800 : i32
    %add3A_109 = arith.addi %mul3A_12, %add3A_108 : i32
    "tpu.region"() ({
      %run_scoped3A = tpu.sem_alloc : memref<!tpu.dma_semaphore, #tpu.memory_space<semaphore_mem>>
      %dma_start3A = tpu.memref_slice %arg4[%add3A_109] : memref<13107200xf32, #tpu.memory_space<hbm>> -> memref<25600xf32, #tpu.memory_space<hbm>>
      %dma_start3A_124 = tpu.memref_slice %arg4[%add3A_109] : memref<13107200xf32, #tpu.memory_space<hbm>> -> memref<25600xf32, #tpu.memory_space<hbm>>
      tpu.enqueue_dma source(%arg7 : memref<25600xf32, #tpu.memory_space<vmem>>) target(%dma_start3A_124 : memref<25600xf32, #tpu.memory_space<hbm>>) target_semaphore(%run_scoped3A : memref<!tpu.dma_semaphore, #tpu.memory_space<semaphore_mem>>)
      %dma_wait3A = tpu.memref_slice %arg4[%add3A_109] : memref<13107200xf32, #tpu.memory_space<hbm>> -> memref<25600xf32, #tpu.memory_space<hbm>>
      %dma_wait3A_125 = tpu.memref_slice %arg4[%add3A_109] : memref<13107200xf32, #tpu.memory_space<hbm>> -> memref<25600xf32, #tpu.memory_space<hbm>>
      tpu.wait_dma2 semaphore(%run_scoped3A : memref<!tpu.dma_semaphore, #tpu.memory_space<semaphore_mem>>) src(%arg7 : memref<25600xf32, #tpu.memory_space<vmem>>) dst(%dma_wait3A_125 : memref<25600xf32, #tpu.memory_space<hbm>>)
      tpu.yield
    }) : () -> ()
    %add3A_110 = arith.constant 179200 : i32
    %add3A_111 = arith.addi %mul3A_10, %add3A_110 : i32
    "tpu.region"() ({
      %run_scoped3A = tpu.sem_alloc : memref<!tpu.dma_semaphore, #tpu.memory_space<semaphore_mem>>
      %dma_start3A = tpu.memref_slice %arg2[%add3A_111] : memref<6553600xf32, #tpu.memory_space<hbm>> -> memref<12800xf32, #tpu.memory_space<hbm>>
      %dma_start3A_124 = tpu.memref_slice %arg2[%add3A_111] : memref<6553600xf32, #tpu.memory_space<hbm>> -> memref<12800xf32, #tpu.memory_space<hbm>>
      tpu.enqueue_dma source(%dma_start3A_124 : memref<12800xf32, #tpu.memory_space<hbm>>) target(%arg6 : memref<12800xf32, #tpu.memory_space<vmem>>) target_semaphore(%run_scoped3A : memref<!tpu.dma_semaphore, #tpu.memory_space<semaphore_mem>>)
      %dma_wait3A = tpu.memref_slice %arg2[%add3A_111] : memref<6553600xf32, #tpu.memory_space<hbm>> -> memref<12800xf32, #tpu.memory_space<hbm>>
      %dma_wait3A_125 = tpu.memref_slice %arg2[%add3A_111] : memref<6553600xf32, #tpu.memory_space<hbm>> -> memref<12800xf32, #tpu.memory_space<hbm>>
      tpu.wait_dma2 semaphore(%run_scoped3A : memref<!tpu.dma_semaphore, #tpu.memory_space<semaphore_mem>>) src(%dma_wait3A_125 : memref<12800xf32, #tpu.memory_space<hbm>>) dst(%arg6 : memref<12800xf32, #tpu.memory_space<vmem>>)
      tpu.yield
    }) : () -> ()
    %parallel_loop3A_112 = arith.constant 0 : i32
    %parallel_loop3A_113 = arith.constant 800 : i32
    %parallel_loop3A_114 = arith.constant 1 : i32
    scf.for %parallel_loop3A_124 = %parallel_loop3A_112 to %parallel_loop3A_113 step %parallel_loop3A_114  : i32 {
      %parallel_loop3A_125 = arith.constant 16 : i32
      %parallel_loop3A_126 = arith.muli %parallel_loop3A_124, %parallel_loop3A_125 : i32
      %parallel_loop3A_127 = arith.index_cast %parallel_loop3A_126 : i32 to index
      %parallel_loop3A_128 = tpu.vector_load %arg6[%parallel_loop3A_127] {strides = array<i32>} : memref<12800xf32, #tpu.memory_space<vmem>>, vector<16xf32>,
      %parallel_loop3A_129 = arith.constant 9.99999993E-9 : f32
      %parallel_loop3A_130 = vector.broadcast %parallel_loop3A_129 : f32 to vector<16xf32>
      %parallel_loop3A_131 = arith.cmpf olt, %parallel_loop3A_128, %parallel_loop3A_130 : vector<16xf32>
      %parallel_loop3A_132 = arith.constant 1.000000e+01 : f32
      %parallel_loop3A_133 = vector.broadcast %parallel_loop3A_132 : f32 to vector<16xf32>
      %parallel_loop3A_134 = arith.mulf %parallel_loop3A_128, %parallel_loop3A_133 : vector<16xf32>
      %parallel_loop3A_135 = arith.fptosi %parallel_loop3A_134 : vector<16xf32> to vector<16xi32>
      %parallel_loop3A_136 = arith.constant 1 : i32
      %parallel_loop3A_137 = vector.broadcast %parallel_loop3A_136 : i32 to vector<16xi32>
      %parallel_loop3A_138 = arith.addi %parallel_loop3A_135, %parallel_loop3A_137 : vector<16xi32>
      %parallel_loop3A_139 = arith.constant 0 : i32
      %parallel_loop3A_140 = vector.broadcast %parallel_loop3A_139 : i32 to vector<16xi32>
      %parallel_loop3A_141 = arith.select %parallel_loop3A_131, %parallel_loop3A_140, %parallel_loop3A_138 : vector<16xi1>, vector<16xi32>
      %parallel_loop3A_142 = arith.constant 0 : i32
      %parallel_loop3A_143 = vector.broadcast %parallel_loop3A_142 : i32 to vector<16xi32>
      %parallel_loop3A_144 = arith.maxsi %parallel_loop3A_141, %parallel_loop3A_143 : vector<16xi32>
      %parallel_loop3A_145 = arith.constant 11 : i32
      %parallel_loop3A_146 = vector.broadcast %parallel_loop3A_145 : i32 to vector<16xi32>
      %parallel_loop3A_147 = arith.minsi %parallel_loop3A_144, %parallel_loop3A_146 : vector<16xi32>
      %parallel_loop3A_148 = arith.addi %parallel_loop3A_147, %mul3A_5 : vector<16xi32>
      %parallel_loop3A_149 = tpu.vector_load_idx %arg5[%parallel_loop3A_148] : memref<128xf32, #tpu.memory_space<vmem>>[vector<16xi32>], vector<16xf32>,
      %parallel_loop3A_150 = arith.constant 12 : i32
      %parallel_loop3A_151 = vector.broadcast %parallel_loop3A_150 : i32 to vector<16xi32>
      %parallel_loop3A_152 = arith.addi %parallel_loop3A_148, %parallel_loop3A_151 : vector<16xi32>
      %parallel_loop3A_153 = tpu.vector_load_idx %arg5[%parallel_loop3A_152] : memref<128xf32, #tpu.memory_space<vmem>>[vector<16xi32>], vector<16xf32>,
      %parallel_loop3A_154 = arith.constant 32 : i32
      %parallel_loop3A_155 = arith.muli %parallel_loop3A_124, %parallel_loop3A_154 : i32
      %parallel_loop3A_156 = vector.broadcast %parallel_loop3A_155 : i32 to vector<16xi32>
      %parallel_loop3A_157 = arith.addi %parallel_loop3A_156, %mul3A_8 : vector<16xi32>
      tpu.vector_store_idx %arg7[%parallel_loop3A_157], %parallel_loop3A_149 : memref<25600xf32, #tpu.memory_space<vmem>>[vector<16xi32>], vector<16xf32>,
      %parallel_loop3A_158 = vector.broadcast %parallel_loop3A_155 : i32 to vector<16xi32>
      %parallel_loop3A_159 = arith.addi %parallel_loop3A_158, %mul3A_8 : vector<16xi32>
      %parallel_loop3A_160 = arith.constant 1 : i32
      %parallel_loop3A_161 = vector.broadcast %parallel_loop3A_160 : i32 to vector<16xi32>
      %parallel_loop3A_162 = arith.addi %parallel_loop3A_159, %parallel_loop3A_161 : vector<16xi32>
      tpu.vector_store_idx %arg7[%parallel_loop3A_162], %parallel_loop3A_153 : memref<25600xf32, #tpu.memory_space<vmem>>[vector<16xi32>], vector<16xf32>,
    } {sc.loop_unroll_factor = 8 : i64, sc.parallel_access}
    %add3A_115 = arith.constant 358400 : i32
    %add3A_116 = arith.addi %mul3A_12, %add3A_115 : i32
    "tpu.region"() ({
      %run_scoped3A = tpu.sem_alloc : memref<!tpu.dma_semaphore, #tpu.memory_space<semaphore_mem>>
      %dma_start3A = tpu.memref_slice %arg4[%add3A_116] : memref<13107200xf32, #tpu.memory_space<hbm>> -> memref<25600xf32, #tpu.memory_space<hbm>>
      %dma_start3A_124 = tpu.memref_slice %arg4[%add3A_116] : memref<13107200xf32, #tpu.memory_space<hbm>> -> memref<25600xf32, #tpu.memory_space<hbm>>
      tpu.enqueue_dma source(%arg7 : memref<25600xf32, #tpu.memory_space<vmem>>) target(%dma_start3A_124 : memref<25600xf32, #tpu.memory_space<hbm>>) target_semaphore(%run_scoped3A : memref<!tpu.dma_semaphore, #tpu.memory_space<semaphore_mem>>)
      %dma_wait3A = tpu.memref_slice %arg4[%add3A_116] : memref<13107200xf32, #tpu.memory_space<hbm>> -> memref<25600xf32, #tpu.memory_space<hbm>>
      %dma_wait3A_125 = tpu.memref_slice %arg4[%add3A_116] : memref<13107200xf32, #tpu.memory_space<hbm>> -> memref<25600xf32, #tpu.memory_space<hbm>>
      tpu.wait_dma2 semaphore(%run_scoped3A : memref<!tpu.dma_semaphore, #tpu.memory_space<semaphore_mem>>) src(%arg7 : memref<25600xf32, #tpu.memory_space<vmem>>) dst(%dma_wait3A_125 : memref<25600xf32, #tpu.memory_space<hbm>>)
      tpu.yield
    }) : () -> ()
    %add3A_117 = arith.constant 192000 : i32
    %add3A_118 = arith.addi %mul3A_10, %add3A_117 : i32
    "tpu.region"() ({
      %run_scoped3A = tpu.sem_alloc : memref<!tpu.dma_semaphore, #tpu.memory_space<semaphore_mem>>
      %dma_start3A = tpu.memref_slice %arg2[%add3A_118] : memref<6553600xf32, #tpu.memory_space<hbm>> -> memref<12800xf32, #tpu.memory_space<hbm>>
      %dma_start3A_124 = tpu.memref_slice %arg2[%add3A_118] : memref<6553600xf32, #tpu.memory_space<hbm>> -> memref<12800xf32, #tpu.memory_space<hbm>>
      tpu.enqueue_dma source(%dma_start3A_124 : memref<12800xf32, #tpu.memory_space<hbm>>) target(%arg6 : memref<12800xf32, #tpu.memory_space<vmem>>) target_semaphore(%run_scoped3A : memref<!tpu.dma_semaphore, #tpu.memory_space<semaphore_mem>>)
      %dma_wait3A = tpu.memref_slice %arg2[%add3A_118] : memref<6553600xf32, #tpu.memory_space<hbm>> -> memref<12800xf32, #tpu.memory_space<hbm>>
      %dma_wait3A_125 = tpu.memref_slice %arg2[%add3A_118] : memref<6553600xf32, #tpu.memory_space<hbm>> -> memref<12800xf32, #tpu.memory_space<hbm>>
      tpu.wait_dma2 semaphore(%run_scoped3A : memref<!tpu.dma_semaphore, #tpu.memory_space<semaphore_mem>>) src(%dma_wait3A_125 : memref<12800xf32, #tpu.memory_space<hbm>>) dst(%arg6 : memref<12800xf32, #tpu.memory_space<vmem>>)
      tpu.yield
    }) : () -> ()
    %parallel_loop3A_119 = arith.constant 0 : i32
    %parallel_loop3A_120 = arith.constant 800 : i32
    %parallel_loop3A_121 = arith.constant 1 : i32
    scf.for %parallel_loop3A_124 = %parallel_loop3A_119 to %parallel_loop3A_120 step %parallel_loop3A_121  : i32 {
      %parallel_loop3A_125 = arith.constant 16 : i32
      %parallel_loop3A_126 = arith.muli %parallel_loop3A_124, %parallel_loop3A_125 : i32
      %parallel_loop3A_127 = arith.index_cast %parallel_loop3A_126 : i32 to index
      %parallel_loop3A_128 = tpu.vector_load %arg6[%parallel_loop3A_127] {strides = array<i32>} : memref<12800xf32, #tpu.memory_space<vmem>>, vector<16xf32>,
      %parallel_loop3A_129 = arith.constant 9.99999993E-9 : f32
      %parallel_loop3A_130 = vector.broadcast %parallel_loop3A_129 : f32 to vector<16xf32>
      %parallel_loop3A_131 = arith.cmpf olt, %parallel_loop3A_128, %parallel_loop3A_130 : vector<16xf32>
      %parallel_loop3A_132 = arith.constant 1.000000e+01 : f32
      %parallel_loop3A_133 = vector.broadcast %parallel_loop3A_132 : f32 to vector<16xf32>
      %parallel_loop3A_134 = arith.mulf %parallel_loop3A_128, %parallel_loop3A_133 : vector<16xf32>
      %parallel_loop3A_135 = arith.fptosi %parallel_loop3A_134 : vector<16xf32> to vector<16xi32>
      %parallel_loop3A_136 = arith.constant 1 : i32
      %parallel_loop3A_137 = vector.broadcast %parallel_loop3A_136 : i32 to vector<16xi32>
      %parallel_loop3A_138 = arith.addi %parallel_loop3A_135, %parallel_loop3A_137 : vector<16xi32>
      %parallel_loop3A_139 = arith.constant 0 : i32
      %parallel_loop3A_140 = vector.broadcast %parallel_loop3A_139 : i32 to vector<16xi32>
      %parallel_loop3A_141 = arith.select %parallel_loop3A_131, %parallel_loop3A_140, %parallel_loop3A_138 : vector<16xi1>, vector<16xi32>
      %parallel_loop3A_142 = arith.constant 0 : i32
      %parallel_loop3A_143 = vector.broadcast %parallel_loop3A_142 : i32 to vector<16xi32>
      %parallel_loop3A_144 = arith.maxsi %parallel_loop3A_141, %parallel_loop3A_143 : vector<16xi32>
      %parallel_loop3A_145 = arith.constant 11 : i32
      %parallel_loop3A_146 = vector.broadcast %parallel_loop3A_145 : i32 to vector<16xi32>
      %parallel_loop3A_147 = arith.minsi %parallel_loop3A_144, %parallel_loop3A_146 : vector<16xi32>
      %parallel_loop3A_148 = arith.addi %parallel_loop3A_147, %mul3A_5 : vector<16xi32>
      %parallel_loop3A_149 = tpu.vector_load_idx %arg5[%parallel_loop3A_148] : memref<128xf32, #tpu.memory_space<vmem>>[vector<16xi32>], vector<16xf32>,
      %parallel_loop3A_150 = arith.constant 12 : i32
      %parallel_loop3A_151 = vector.broadcast %parallel_loop3A_150 : i32 to vector<16xi32>
      %parallel_loop3A_152 = arith.addi %parallel_loop3A_148, %parallel_loop3A_151 : vector<16xi32>
      %parallel_loop3A_153 = tpu.vector_load_idx %arg5[%parallel_loop3A_152] : memref<128xf32, #tpu.memory_space<vmem>>[vector<16xi32>], vector<16xf32>,
      %parallel_loop3A_154 = arith.constant 32 : i32
      %parallel_loop3A_155 = arith.muli %parallel_loop3A_124, %parallel_loop3A_154 : i32
      %parallel_loop3A_156 = vector.broadcast %parallel_loop3A_155 : i32 to vector<16xi32>
      %parallel_loop3A_157 = arith.addi %parallel_loop3A_156, %mul3A_8 : vector<16xi32>
      tpu.vector_store_idx %arg7[%parallel_loop3A_157], %parallel_loop3A_149 : memref<25600xf32, #tpu.memory_space<vmem>>[vector<16xi32>], vector<16xf32>,
      %parallel_loop3A_158 = vector.broadcast %parallel_loop3A_155 : i32 to vector<16xi32>
      %parallel_loop3A_159 = arith.addi %parallel_loop3A_158, %mul3A_8 : vector<16xi32>
      %parallel_loop3A_160 = arith.constant 1 : i32
      %parallel_loop3A_161 = vector.broadcast %parallel_loop3A_160 : i32 to vector<16xi32>
      %parallel_loop3A_162 = arith.addi %parallel_loop3A_159, %parallel_loop3A_161 : vector<16xi32>
      tpu.vector_store_idx %arg7[%parallel_loop3A_162], %parallel_loop3A_153 : memref<25600xf32, #tpu.memory_space<vmem>>[vector<16xi32>], vector<16xf32>,
    } {sc.loop_unroll_factor = 8 : i64, sc.parallel_access}
    %add3A_122 = arith.constant 384000 : i32
    %add3A_123 = arith.addi %mul3A_12, %add3A_122 : i32
    "tpu.region"() ({
      %run_scoped3A = tpu.sem_alloc : memref<!tpu.dma_semaphore, #tpu.memory_space<semaphore_mem>>
      %dma_start3A = tpu.memref_slice %arg4[%add3A_123] : memref<13107200xf32, #tpu.memory_space<hbm>> -> memref<25600xf32, #tpu.memory_space<hbm>>
      %dma_start3A_124 = tpu.memref_slice %arg4[%add3A_123] : memref<13107200xf32, #tpu.memory_space<hbm>> -> memref<25600xf32, #tpu.memory_space<hbm>>
      tpu.enqueue_dma source(%arg7 : memref<25600xf32, #tpu.memory_space<vmem>>) target(%dma_start3A_124 : memref<25600xf32, #tpu.memory_space<hbm>>) target_semaphore(%run_scoped3A : memref<!tpu.dma_semaphore, #tpu.memory_space<semaphore_mem>>)
      %dma_wait3A = tpu.memref_slice %arg4[%add3A_123] : memref<13107200xf32, #tpu.memory_space<hbm>> -> memref<25600xf32, #tpu.memory_space<hbm>>
      %dma_wait3A_125 = tpu.memref_slice %arg4[%add3A_123] : memref<13107200xf32, #tpu.memory_space<hbm>> -> memref<25600xf32, #tpu.memory_space<hbm>>
      tpu.wait_dma2 semaphore(%run_scoped3A : memref<!tpu.dma_semaphore, #tpu.memory_space<semaphore_mem>>) src(%arg7 : memref<25600xf32, #tpu.memory_space<vmem>>) dst(%dma_wait3A_125 : memref<25600xf32, #tpu.memory_space<hbm>>)
      tpu.yield
    }) : () -> ()
    return
  }
}

module attributes {stable_mosaic.version = 14 : i64} {
  func.func @_depad_body(%arg0: i32, %arg1: memref<128x200x2xf32, #tpu.memory_space<vmem>>, %arg2: memref<128x400xf32, #tpu.memory_space<vmem>>) attributes {dimension_semantics = [#tpu.dimension_semantics<arbitrary>], iteration_bounds = array<i64: 128>, scalar_prefetch = 0 : i64, scratch_operands = 0 : i64, tpu.core_type = #tpu.core_type<tc>, window_params = [{transform_indices = @transform_0, window_bounds = array<i64: 128, 200, 2>}, {transform_indices = @transform_1, window_bounds = array<i64: 128, 400>}]} {
    %get3A = arith.constant 0 : index
    %get3A_0 = arith.constant 0 : index
    %get3A_1 = arith.constant 0 : index
    %get3A_2 = vector.load %arg1[%get3A, %get3A_0, %get3A_1] : memref<128x200x2xf32, #tpu.memory_space<vmem>>, vector<128x200x2xf32>
    %reshape3A = vector.shape_cast %get3A_2 : vector<128x200x2xf32> to vector<128x400xf32>
    %swap3A = arith.constant 0 : index
    %swap3A_3 = arith.constant 0 : index
    %swap3A_4 = vector.load %arg2[%swap3A, %swap3A_3] : memref<128x400xf32, #tpu.memory_space<vmem>>, vector<128x400xf32>
    tpu.vector_store %arg2[%swap3A, %swap3A_3], %reshape3A {strides = array<i32>} : memref<128x400xf32, #tpu.memory_space<vmem>>, vector<128x400xf32>,
    return
  }
  func.func @transform_0(%arg0: i32) -> (i32, i32, i32) {
    %add3A = arith.constant 0 : i32
    %add3A_0 = arith.addi %arg0, %add3A : i32
    %c0_i32 = arith.constant 0 : i32
    %c0_i32_1 = arith.constant 0 : i32
    %c0_i32_2 = arith.constant 0 : i32
    return %add3A_0, %c0_i32, %c0_i32_1 : i32, i32, i32
  }
  func.func @transform_1(%arg0: i32) -> (i32, i32) {
    %c0_i32 = arith.constant 0 : i32
    %c0_i32_0 = arith.constant 0 : i32
    return %arg0, %c0_i32 : i32, i32
  }
}

</mosaic_0001>

<sc_bundles>
// kernel: kernel.4.cloned.1.call-start
scs
__scs_entry_jumppad:
0x0: {  	(pc) =	sbr.rel $0x88, $3  }
0x1: {  	(tag) =	ssettag $0x0;
	lr =	simm.s32 $0x1  }
0x2: {  	[smem:$0x3F9E] =	sst lr;
	_ =	strace $0xD0000000  }
0x3: {  	_ = 	snop  }
0x4: {  	_ = 	snop  }
0x5: {  	_ = 	snop  }
0x6: {  	_ = 	snop  }
0x7: {  	_ = 	snop  }
__scs_overlays_trampoline_lowered:
0x8: {  	[smem:$0x3FAD] =	sst s0  }
0x9: {  	[smem:$0x3FAE] =	sst s1  }
0xa: {  	[smem:$0x3FAF] =	sst s2  }
0xb: {  	[smem:$0x3FB0] =	sst s3  }
0xc: {  	[smem:$0x3FB1] =	sst s4  }
0xd: {  	[smem:$0x3FB2] =	sst s5  }
0xe: {  	[smem:$0x3FB3] =	sst s6  }
0xf: {  	[smem:$0x3FB4] =	sst s7  }
0x10: {  	[smem:$0x3FB5] =	sst s8  }
0x11: {  	[smem:$0x3FB6] =	sst s9;
	s0 =	simm.s32 @!p0 $0x0  }
0x12: {  	s1 =	sld [smem:$0x3F9C];
	s0 =	simm.s32 @p0 $0x1  }
0x13: {  	[smem:$0x3FB7] =	sst s0;
	s0 =	simm.s32 @!p1 $0x0  }
0x14: {  	s2 =	sld [smem:$0x3F9B];
	s0 =	simm.s32 @p1 $0x1  }
0x15: {  	[smem:$0x3FB8] =	sst s0;
	s0 =	simm.s32 @!p2 $0x0  }
0x16: {  	s3 =	sld [smem:$0x3FDB];
	s0 =	simm.s32 @p2 $0x1  }
0x17: {  	s4 =	simm.s32 $0x1BF5;
	[smem:$0x3FBA] =	sst s0  }
0x18: {  	s0 =	sld [smem:$0x3F9D];
	_ =	swait.ge [sflag:s4], $0x0  }
0x19: {  	s7 =	sld [smem:$0x3F9E]  }
0x1a: {  	s8 =	sadd.s32 $0xFFFFE003, lr  }
0x1b: {  	s9 =	sadd.s32 $0xFFFFFEF7, lr;
	s5 =	simm.s32 $0xFFFFFFFF;
	p2 =	slt.u32 s8, $0xFFFFF086  }
0x1c: {  	p1 =	slt.u32 s9, $0xF7A;
	s5 =	simm.s32 @!p2 $0x0  }
0x1d: {  	s5 =	simm.s32 @p1 $0x1;
	p0 =	seq.s32 s7, s2  }
0x1e: {  	s7 =	smul.u32 @!p0 $0xF7A, s2;
	p2 =	seq.s32 @!p0 s5, $0x0  }
0x1f: {  	s9 =	smul.u32 $0xF7A, s1;
	s8 =	simm.s32 @!p0 $0x1BF5;
	p2 =	por !p2, p0  }
0x20: {  	[sflag:s8] =	ssyncset.s32 @!p0 $0xFFFFF086;
	s6 =	sadd.s32 @!p0 s3, s7;
	s7 =	simm.s32 @!p0 $0x108  }
0x21: {  	s3 =	sadd.s32 s3, s9;
	s6 =	sadd.s32 @!p0 $0x88, s6;
	s7 =	simm.s32 @p2 $0x1082  }
0x22: {  	[simem:s7], [sflag:s8] =	dma.local @!p0 [hbm:s6], $0xF7A  }
0x23: {  	s9 =	sor.u32 $0xD0000000, s2;
	s6 =	simm.s32 $0x108;
	_ =	swait.ge @!p0 [sflag:s8], $0x0  }
0x24: {  	s3 =	sadd.s32 $0x88, s3;
	s6 =	simm.s32 @!p1 $0x1082;
	[sflag:s4] =	ssyncset.s32 $0xFFFFF086  }
0x25: {  	[simem:s6], [sflag:s4] =	dma.local [hbm:s3], $0xF7A  }
0x26: {  	[smem:$0x3F9E] =	sst s1;
	(tag) =	ssettag s2;
	_ =	strace s9  }
0x27: {  	s1 =	sld [smem:$0x3FAE]  }
0x28: {  	s2 =	sld [smem:$0x3FAF]  }
0x29: {  	s4 =	sld [smem:$0x3FB1]  }
0x2a: {  	p0 =	seq.s32 s5, $0x0;
	s5 =	sld [smem:$0x3FB2]  }
0x2b: {  	s6 =	sld [smem:$0x3FB3]  }
0x2c: {  	s7 =	sld [smem:$0x3FB4]  }
0x2d: {  	s3 =	simm.s32 $0x108;
	s8 =	sld [smem:$0x3FB5]  }
0x2e: {  	s3 =	simm.s32 @!p0 $0x1082;
	s9 =	sld [smem:$0x3FB6]  }
0x2f: {  	lr =	sadd.s32 s0, s3;
	s0 =	sld [smem:$0x3FAD]  }
0x30: {  	s3 =	sld [smem:$0x3FB0]  }
0x31: {  	[smem:$0x3FB9] =	sst s10  }
0x32: {  	s10 =	sld [smem:$0x3FB7];
	_ =	sdelay $0x3  }
0x33: {  	p0 =	seq.s32 s10, $0x1;
	s10 =	sld [smem:$0x3FB9];
	_ =	sdelay $0x3  }
0x34: {  	[smem:$0x3FB9] =	sst s10  }
0x35: {  	s10 =	sld [smem:$0x3FB8];
	_ =	sdelay $0x3  }
0x36: {  	p1 =	seq.s32 s10, $0x1;
	s10 =	sld [smem:$0x3FB9];
	_ =	sdelay $0x3  }
0x37: {  	[smem:$0x3FB9] =	sst s10  }
0x38: {  	s10 =	sld [smem:$0x3FBA]  }
0x39: {  	_ = 	snop;
	(pc) =	sbr.ind lr, $3  }
0x3a: {  	_ = 	snop  }
0x3b: {  	_ = 	snop  }
0x3c: {  	p2 =	seq.s32 s10, $0x1;
	s10 =	sld [smem:$0x3FB9]  }
0x3d: {  	_ =	shalt  }
0x3e: {  	_ =	shalt  }
0x3f: {  	_ =	shalt  }
0x40: {  	_ =	shalt  }
0x41: {  	_ =	shalt  }
0x42: {  	_ =	shalt  }
0x43: {  	_ =	shalt  }
0x44: {  	_ =	shalt  }
0x45: {  	_ =	shalt  }
0x46: {  	_ =	shalt  }
0x47: {  	_ =	shalt  }
0x48: {  	_ =	shalt  }
0x49: {  	_ =	shalt  }
0x4a: {  	_ =	shalt  }
0x4b: {  	_ =	shalt  }
0x4c: {  	_ =	shalt  }
0x4d: {  	_ =	shalt  }
0x4e: {  	_ =	shalt  }
0x4f: {  	_ =	shalt  }
0x50: {  	_ =	shalt  }
0x51: {  	_ =	shalt  }
0x52: {  	_ =	shalt  }
0x53: {  	_ =	shalt  }
0x54: {  	_ =	shalt  }
0x55: {  	_ =	shalt  }
0x56: {  	_ =	shalt  }
0x57: {  	_ =	shalt  }
0x58: {  	_ =	shalt  }
0x59: {  	_ =	shalt  }
0x5a: {  	_ =	shalt  }
0x5b: {  	_ =	shalt  }
0x5c: {  	_ =	shalt  }
0x5d: {  	_ =	shalt  }
0x5e: {  	_ =	shalt  }
0x5f: {  	_ =	shalt  }
0x60: {  	_ =	shalt  }
0x61: {  	_ =	shalt  }
0x62: {  	_ =	shalt  }
0x63: {  	_ =	shalt  }
0x64: {  	_ =	shalt  }
0x65: {  	_ =	shalt  }
0x66: {  	_ =	shalt  }
0x67: {  	_ =	shalt  }
0x68: {  	_ =	shalt  }
0x69: {  	_ =	shalt  }
0x6a: {  	_ =	shalt  }
0x6b: {  	_ =	shalt  }
0x6c: {  	_ =	shalt  }
0x6d: {  	_ =	shalt  }
0x6e: {  	_ =	shalt  }
0x6f: {  	_ =	shalt  }
0x70: {  	_ =	shalt  }
0x71: {  	_ =	shalt  }
0x72: {  	_ =	shalt  }
0x73: {  	_ =	shalt  }
0x74: {  	_ =	shalt  }
0x75: {  	_ =	shalt  }
0x76: {  	_ =	shalt  }
0x77: {  	_ =	shalt  }
0x78: {  	_ =	shalt  }
0x79: {  	_ =	shalt  }
0x7a: {  	_ =	shalt  }
0x7b: {  	_ =	shalt  }
0x7c: {  	_ =	shalt  }
0x7d: {  	_ =	shalt  }
0x7e: {  	_ =	shalt  }
0x7f: {  	_ =	shalt  }
0x80: {  	_ =	shalt  }
0x81: {  	_ =	shalt  }
0x82: {  	_ =	shalt  }
0x83: {  	_ =	shalt  }
0x84: {  	_ =	shalt  }
0x85: {  	_ =	shalt  }
0x86: {  	_ =	shalt  }
0x87: {  	_ =	shalt  }
.Lfunc_end0:
.L_simem_size_0:
called_computation.1_lowered:
.L_overlay_start_0:
0x88: {  	s2 =	sld [smem:$0x3FD9]  }
0x89: {  	s3 =	sld [smem:$0x3FFE];
	_ =	sdelay $0x1  }
0x8a: {  	s1 =	srdreg.scid  }
0x8b: {  	s0 =	sand.u32 $0x1, s1  }
0x8c: {  	s17 =	sshll.u32 s0, $0xA;
	s2 =	sadd.s32 s3, s2  }
0x8d: {  	s2 =	sadd.s32 s2, s17  }
0x8e: {  	[smem:$0x3FC5] =	sst s2  }
0x8f: {  	_ = 	snop  }
0x90: {  	s2 =	sld [smem:$0x3FD0];
	(tm) =	ssettm $0x1  }
0x91: {  	s18 =	sld [smem:$0x3FFB];
	_ =	sdelay $0x3  }
0x92: {  	_ =	strace s18  }
0x93: {  	s3 =	sld [smem:$0x3FFC];
	_ =	sdelay $0x3  }
0x94: {  	_ =	strace s3  }
0x95: {  	s3 =	sld [smem:$0x3FFD];
	_ =	sdelay $0x3  }
0x96: {  	_ =	strace s3  }
0x97: {  	_ =	strace $0x8FFFFFFF  }
0x98: {  	s19 =	sld [smem:$0x3FDB];
	_ =	sdelay $0x1  }
0x99: {  	s4 =	simm.s32 $_scs_section_size  }
0x9a: {  	s5 =	simm.s32 $_size__tile_overlayer_lowered;
	s6 =	simm.s32 $_tile_overlayer_lowered  }
0x9b: {  	s22 =	simm.s32 $0x1BFF;
	s21 =	sshll.u32 s6, $0x1;
	s3 =	sadd.s32 s4, s19  }
0x9c: {  	s7 =	simm.s32 $0x0;
	s20 =	sshll.u32 s5, $0x1;
	s5 =	sadd.s32 s21, s3  }
0x9d: {  	[timem:s7], [sflag:s22] =	dma.local [hbm:s5], s20  }
0x9e: {  	_ =	swait.ge [sflag:s22], s20  }
0x9f: {  	s4 =	ssub.s32 $0x0, s20;
	[sflag:s22] =	ssyncset.done $0x0  }
0xa0: {  	[sflag:s22] =	ssyncadd.s32 s4;
	_ =	sdelay $0x1  }
0xa1: {  	s23 =	simm.s32 $0x1B8B  }
0xa2: {  	_ =	swait.ge [sflag:s23], $0x1  }
0xa3: {  	[sflag:s23] =	ssyncset.done $0x0  }
0xa4: {  	s25 =	simm.s32 $0x1B8E;
	s24 =	sld [smem:$0x3FFE];
	[sflag:s23] =	ssyncadd.s32 $0xFFFFFFFF  }
0xa5: {  	s26 =	simm.s32 $execute0_lowered;
	[smem:$0x3FD2] =	sst s25  }
0xa6: {  	s5 =	sshll.u32 s26, $0x1;
	_ =	strace $0x80000046;
	[dreg:$0x1] =	wrdreg $0xFFFFFFFF  }
0xa7: {  	s28 =	simm.s32 $_size_execute0_lowered;
	s3 =	sadd.s32 s3, s5;
	[dreg:$0x0] =	wrdreg $0x0  }
0xa8: {  	s5 =	sshll.u32 s28, $0x1;
	[dreg:$0x2] =	wrdreg s3  }
0xa9: {  	[dreg:$0x3] =	wrdreg s5  }
0xaa: {  	[dreg:$0x4] =	wrdreg $0xC0  }
0xab: {  	_ =	task [dreg:s7], $0x5FFFF  }
0xac: {  	[dreg:$0x1] =	wrdreg $0xFFFFFFFF  }
0xad: {  	[dreg:$0x0] =	wrdreg $0x60  }
0xae: {  	[dreg:$0x2] =	wrdreg s24  }
0xaf: {  	[dreg:$0x3] =	wrdreg s2  }
0xb0: {  	[dreg:$0x4] =	wrdreg $0x9  }
0xb1: {  	_ =	task.clear_ibuf [dreg:s7], $0x5FFFF;
	_ =	strace $0x90000046  }
0xb2: {  	s29 =	simm.s32 $0x9;
	_ =	strace $0x80000048  }
0xb3: {  	_ =	swait.ge [sflag:s29], $0x1  }
0xb4: {  	[sflag:s29] =	ssyncadd.s32 $0xFFFFFFFF  }
0xb5: {  	_ =	strace $0x90000048  }
0xb6: {  	_ =	sfence  }
0xb7: {  	s30 =	sld [smem:$0x0];
	_ =	sdelay $0x2  }
0xb8: {  	s31 =	sshll.u32 s1, $0xD;
	s1 =	sshrl.u32 s1, $0x2  }
0xb9: {  	s3 =	sand.u32 $0x4000, s31;
	s1 =	sadd.s32 s1, s30  }
0xba: {  	s0 =	sor.u32 s3, s0;
	s1 =	sshll.u32 s1, $0x11  }
0xbb: {  	s0 =	sor.u32 s1, s0  }
0xbc: {  	s0 =	sadd.s32 $0x8F2B, s0  }
0xbd: {  	[sflag:s0] =	ssyncadd.remote.s32 $0x1  }
0xbe: {  	_ =	sfence.sel $0xFFFF  }
0xbf: {  	[dreg:$0x0] =	wrdreg $0xFFFFFFFF;
	(pc) =	sbr.abs _section_cstart, $3  }
0xc0: {  	[dreg:$0x1] =	wrdreg $0xFFFFFFFF  }
0xc1: {  	_ =	task.clear_ibuf [dreg:s7], $0x2FFFF;
	_ =	strace $0x9FFFFFFF  }
0xc2: {  	(tm) =	ssettm $0x7FFFFFFF  }
0xc3: {  	_ =	shalt  }
tec
execute0_lowered:
.L_overlay_start_1:
0x0: {  	(tag) =	ssettag $0x1  }
0x1: {  	s0 =	srdreg.scid;
	s2 =	stileid.u32  }
0x2: {  	s0 =	sand.u32 $0x1, s0;
	s2 =	sshll.u32 s2, $0x1  }
0x3: {  	s1 =	rddreg [dreg:$0x0];
	s4 =	sor.u32 s0, s2  }
0x4: {  	s3 =	rddreg [dreg:$0x1];
	s5 =	smul.u32 $0x32000, s4  }
0x5: {  	s8 =	simm.s32 $0x1;
	s9 =	simm.s32 $0x80;
	s2 =	simm.s32 $0x0  }
0x6: {  	[smem:$0x7FF] =	sst s2;
	s4 =	smul.u32 $0x64000, s4;
	s5 =	sshrl.u32 s5, $0x3  }
0x7: {  	_ =	strace $0x80000047;
	s5 =	sadd.s32 s5, s1;
	s1 =	sadd.s32 $0xC8E00, s1  }
0x8: {  	s4 =	sshrl.u32 s4, $0x3;
	[dreg:$0x3] =	wrdreg s1;
	s13 =	sadd.s32 $0xE00, s5  }
0x9: {  	s4 =	sadd.s32 s3, s4;
	s14 =	sadd.s32 $0x1440, s5;
	[dreg:$0x4] =	wrdreg s13  }
0xa: {  	s10 =	simm.s32 $0x3280;
	s15 =	sadd.s32 $0xC80, s4;
	[dreg:$0x5] =	wrdreg s14  }
0xb: {  	s11 =	simm.s32 $0x0;
	s16 =	sadd.s32 $0x1A80, s5;
	[dreg:$0x6] =	wrdreg s15  }
0xc: {  	s0 =	ssub.s32 $0x2, s0;
	s17 =	sadd.s32 $0x1900, s4;
	[dreg:$0x7] =	wrdreg s16  }
0xd: {  	s6 =	sshrl.u32 s0, $0x1;
	s18 =	sadd.s32 $0x20C0, s5;
	[dreg:$0x8] =	wrdreg s17  }
0xe: {  	s0 =	ssub.s32 s0, s6;
	s19 =	sadd.s32 $0x2580, s4;
	[dreg:$0x9] =	wrdreg s18  }
0xf: {  	s20 =	sadd.s32 $0x2700, s5;
	s21 =	sadd.s32 $0x3200, s4;
	[dreg:$0xa] =	wrdreg s19  }
0x10: {  	s22 =	sadd.s32 $0x2D40, s5;
	s23 =	sadd.s32 $0x3380, s5;
	[dreg:$0xb] =	wrdreg s20  }
0x11: {  	s24 =	sadd.s32 $0x39C0, s5;
	s25 =	sadd.s32 $0x4000, s5;
	[dreg:$0xc] =	wrdreg s21  }
0x12: {  	s26 =	sadd.s32 $0x4640, s5;
	s28 =	sadd.s32 $0x4B00, s4;
	[dreg:$0xd] =	wrdreg s22  }
0x13: {  	s29 =	sadd.s32 $0x5780, s4;
	s30 =	sadd.s32 $0x6400, s4;
	[dreg:$0xe] =	wrdreg s23  }
0x14: {  	s31 =	sadd.s32 $0x7080, s4;
	s1 =	sadd.s32 $0x7D00, s4;
	[dreg:$0xf] =	wrdreg s24  }
0x15: {  	v1 =	vlaneseq.u32;
	s3 =	sadd.s32 $0x9600, s4;
	s6 =	sadd.s32 $0xAF00, s4;
	[dreg:$0x10] =	wrdreg s25  }
0x16: {  	v0 =	vmul.u32 $0x2, v1;
	s7 =	sadd.s32 $0xBB80, s4;
	[dreg:$0x11] =	wrdreg s26;
	s19 =	sadd.s32 $0x4C80, s5  }
0x17: {  	v1 =	vand.u32 $0x1, v1;
	s20 =	sadd.s32 $0x52C0, s5;
	s21 =	sadd.s32 $0x5900, s5;
	s22 =	sadd.s32 $0x5F40, s5  }
0x18: {  	v1 =	vmul.u32 $0x18, v1;
	v2 =	vor.u32 $0x1, v0;
	s23 =	sadd.s32 $0x6580, s5;
	s24 =	sadd.s32 $0x6BC0, s5;
	s25 =	smax.u32 s0, $0x1  }
0x19: {  	v3 =	vor.u32 $0x21, v0;
	v4 =	vor.u32 $0x41, v0;
	v5 =	vor.u32 $0x61, v0;
	s26 =	sadd.s32 $0x3E80, s4;
	s0 =	sadd.s32 $0x8980, s4;
	s5 =	sadd.s32 $0xA280, s4  }
.LBB2_1:
0x1a: {  	s12 =	rddreg [dreg:$0x3]  }
0x1b: {  	[tilespmem:s2], [sflag:$0x1] =	stream.linear.gather [hbm4b:s12+s2], $0x30, $0x38;
	[tilespmem:$0x9680] =	vst v63  }
0x1c: {  	_ =	swait.ge [sflag:s8], $0x30  }
0x1d: {  	[sflag:s8] =	ssyncset.done $0x0  }
0x1e: {  	s18 =	rddreg [dreg:$0x4];
	[sflag:s8] =	ssyncadd.s32 $0xFFFFFFD0  }
0x1f: {  	[tilespmem:s9], [sflag:$0x1] =	stream.linear.gather [hbm4b:s18+s2], $0x3200, $0x38;
	[tilespmem:$0x9680] =	vst v63  }
0x20: {  	_ =	swait.ge [sflag:s8], $0x3200  }
0x21: {  	[sflag:s8] =	ssyncset.done $0x0  }
0x22: {  	s14 =	simm.s32 $0xC0;
	[sflag:s8] =	ssyncadd.s32 $0xFFFFCE00  }
0x23: {  	v8 =	vld [tilespmem:s14+$0xFFFFFFE0]  }
0x24: {  	v6 =	vld [tilespmem:s14+$0x30]  }
0x25: {  	v11 =	vld [tilespmem:s14+$0x20]  }
0x26: {  	v14 =	vld [tilespmem:s14+$0xFFFFFFD0]  }
0x27: {  	v15 =	vld [tilespmem:s14+$0xFFFFFFC0]  }
0x28: {  	v9 =	vld [tilespmem:s14+$0x10];
	_ =	sdelay $0x2  }
0x29: {  	s13 =	simm.s32 $0x0;
	v16 =	vld [tilespmem:s14+$0xFFFFFFF0];
	v12 =	vmul.f32 $1.000000000e+01, v6;
	v17 =	vmul.f32 $1.000000000e+01, v8  }
0x2a: {  	v10 =	vor.u32 s13, v0;
	v18 =	vmul.f32 $1.000000000e+01, v11;
	v19 =	vmul.f32 $1.000000000e+01, v14  }
0x2b: {  	vm3 =	vlt.f32 v15, $9.999999930e-09;
	v21 =	vmul.f32 $1.000000000e+01, v9;
	v15 =	vmul.f32 $1.000000000e+01, v15  }
0x2c: {  	s12 =	simm.s32 $0x20;
	vm0 =	vlt.f32 v11, $9.999999930e-09;
	v13 =	vtrunc.f32 v12;
	v11 =	vtrunc.f32 v17  }
0x2d: {  	v7 =	vor.u32 s12, v0;
	v17 =	vtrunc.f32 v18;
	v18 =	vtrunc.f32 v19  }
0x2e: {  	vm2 =	vlt.f32 v14, $9.999999930e-09;
	v19 =	vmul.f32 $1.000000000e+01, v16;
	v15 =	vtrunc.f32 v15  }
0x2f: {  	vm4 =	vlt.f32 v8, $9.999999930e-09;
	v8 =	vld [tilespmem:s14+$0x0];
	v21 =	vtrunc.f32 v21;
	v20 =	vcvt.f32.s32 v11  }
0x30: {  	s15 =	simm.s32 $0x40;
	vm1 =	vlt.f32 v16, $9.999999930e-09;
	v18 =	vcvt.f32.s32 v18;
	v14 =	vtrunc.f32 v19  }
0x31: {  	v12 =	vor.u32 s15, v0;
	v15 =	vcvt.f32.s32 v15;
	v14 =	vcvt.f32.s32 v14  }
0x32: {  	v17 =	vcvt.f32.s32 v17;
	v19 =	vadd.s32 $0x1, v20;
	v18 =	vadd.s32 $0x1, v18  }
0x33: {  	v15 =	vadd.s32 $0x1, v15;
	vm5 =	vgt.s32 v19, $0x0;
	v14 =	vadd.s32 $0x1, v14  }
0x34: {  	v20 =	vmul.f32 $1.000000000e+01, v8;
	v16 =	vnsel vm5, $0x0, v19;
	vm13 =	vgt.s32 v14, $0x0  }
0x35: {  	vm14 =	vgt.s32 v15, $0x0;
	v16 =	vmin.u32 v16, $0xB;
	v14 =	vnsel vm13, $0x0, v14  }
0x36: {  	v15 =	vnsel vm14, $0x0, v15;
	v16 =	vadd.s32 v1, v16;
	v14 =	vmin.u32 v14, $0xB  }
0x37: {  	v19 =	vsel vm4, v1, v16;
	v16 =	vadd.s32 v1, v14;
	v14 =	vmin.u32 v15, $0xB  }
0x38: {  	vm15 =	vgt.s32 v18, $0x0;
	v15 =	vadd.s32 $0xC, v19;
	v14 =	vadd.s32 v1, v14  }
0x39: {  	v18 =	vnsel vm15, $0x0, v18;
	v20 =	vtrunc.f32 v20;
	v14 =	vsel vm3, v1, v14  }
0x3a: {  	v20 =	vcvt.f32.s32 v20;
	v18 =	vmin.u32 v18, $0xB;
	v23 =	vadd.s32 $0xC, v14  }
0x3b: {  	v21 =	vcvt.f32.s32 v21;
	v22 =	vadd.s32 $0x1, v17;
	v17 =	vadd.s32 v1, v18  }
0x3c: {  	v11 =	vor.u32 s15, v4;
	v24 =	vadd.s32 $0x1, v20;
	v20 =	vsel vm2, v1, v17;
	v19 =	vld.idx.msk [tilespmem:v19+s2+$0x0], $0xffff  }
0x3d: {  	v25 =	vadd.s32 $0x1, v21;
	vm2 =	vgt.s32 v24, $0x0;
	v21 =	vadd.s32 $0xC, v20;
	v18 =	vld.idx.msk [tilespmem:v15+s2+$0x0], $0xffff  }
0x3e: {  	s16 =	simm.s32 $0x0;
	vm3 =	vgt.s32 v22, $0x0;
	v17 =	vld.idx.msk [tilespmem:v14+s2+$0x0], $0xffff;
	v14 =	vnsel vm2, $0x0, v24;
	vm2 =	vgt.s32 v25, $0x0  }
0x3f: {  	s17 =	simm.s32 $0x140;
	s14 =	simm.s32 $0xE0;
	s15 =	simm.s32 $0xE0;
	v22 =	vnsel vm3, $0x0, v22;
	v15 =	vld.idx.msk [tilespmem:v23+s2+$0x0], $0xffff;
	v14 =	vmin.u32 v14, $0xB;
	v23 =	vnsel vm2, $0x0, v25  }
.LBB2_2:
0x40: {  	v24 =	vld [tilespmem:s17+$0xFFFFFFC0];
	s16 =	sadd.s32 $0x8, s16;
	v16 =	vsel vm1, v1, v16;
	v22 =	vmin.u32 v22, $0xB;
	v13 =	vcvt.f32.s32 v13;
	s15 =	sadd.s32 $0x100, s15  }
0x41: {  	vm1 =	vlt.f32 v9, $9.999999930e-09;
	v25 =	vld [tilespmem:s17+$0xFFFFFFE0];
	p0 =	slt.u32 s16, $0x318;
	[tilespmem:v12+s10+$0x0] =	vst.idx.msk $0xffff, v19;
	v12 =	vadd.s32 $0xC, v16;
	v9 =	vadd.s32 v1, v22  }
0x42: {  	v19 =	vld.idx.msk [tilespmem:v20+s2+$0x0], $0xffff;
	[tilespmem:v11+s10+$0x0] =	vst.idx.msk $0xffff, v18;
	v11 =	vmin.u32 v23, $0xB;
	v18 =	vsel vm0, v1, v9;
	v13 =	vadd.s32 $0x1, v13  }
0x43: {  	v9 =	vld [tilespmem:s17+$0x10];
	v11 =	vadd.s32 v1, v11;
	v20 =	vadd.s32 $0xC, v18;
	vm0 =	vgt.s32 v13, $0x0  }
0x44: {  	[tilespmem:v10+s10+$0x0] =	vst.idx.msk $0xffff, v17;
	v10 =	vor.u32 s13, v2;
	v17 =	vld.idx.msk [tilespmem:v21+s2+$0x0], $0xffff;
	v11 =	vsel vm1, v1, v11;
	v13 =	vnsel vm0, $0x0, v13  }
0x45: {  	v21 =	vor.u32 s12, v3;
	s12 =	sadd.s32 $0xFFFFFF80, s14;
	v16 =	vld.idx.msk [tilespmem:v16+s2+$0x0], $0xffff;
	v22 =	vadd.s32 $0xC, v11;
	v13 =	vmin.u32 v13, $0xB  }
0x46: {  	vm0 =	vlt.f32 v6, $9.999999930e-09;
	v23 =	vor.u32 s12, v0;
	v12 =	vld.idx.msk [tilespmem:v12+s2+$0x0], $0xffff;
	v13 =	vadd.s32 v1, v13  }
0x47: {  	s13 =	sadd.s32 $0xFFFFFFC0, s14;
	v26 =	vor.u32 s12, v5;
	s12 =	sadd.s32 $0xFFFFFFE0, s14;
	v6 =	vld [tilespmem:s17+$0x30];
	v27 =	vsel vm0, v1, v13  }
0x48: {  	s18 =	sadd.s32 $0xFFFFFFA0, s14;
	v28 =	vor.u32 s12, v4;
	v13 =	vld [tilespmem:s17+$0x20];
	[tilespmem:v7+s10+$0x0] =	vst.idx.msk $0xffff, v19;
	v19 =	vor.u32 s13, v3;
	v29 =	vadd.s32 $0xC, v27  }
0x49: {  	v31 =	vor.u32 s18, v2;
	v32 =	vor.u32 s12, v0;
	v30 =	vld [tilespmem:s17+$0xFFFFFFD0];
	[tilespmem:v10+s10+$0x0] =	vst.idx.msk $0xffff, v15;
	v15 =	vor.u32 s18, v0  }
0x4a: {  	v34 =	vor.u32 s14, v5;
	s12 =	sadd.s32 $0xFFFFFF40, s15;
	v33 =	vld [tilespmem:s17+$0xFFFFFFF0];
	[tilespmem:v21+s10+$0x0] =	vst.idx.msk $0xffff, v17;
	v17 =	vor.u32 s13, v0;
	v21 =	vor.u32 s14, v0;
	s14 =	smov.u32 s15  }
0x4b: {  	v14 =	vadd.s32 v1, v14;
	vm0 =	vlt.f32 v8, $9.999999930e-09;
	v7 =	vor.u32 s12, v0;
	s13 =	sadd.s32 $0xFFFFFF20, s15;
	[tilespmem:v23+s10+$0x0] =	vst.idx.msk $0xffff, v16;
	v8 =	vld [tilespmem:s17+$0x0]  }
0x4c: {  	v14 =	vsel vm0, v1, v14;
	v10 =	vor.u32 s13, v0;
	v16 =	vmul.f32 $1.000000000e+01, v6;
	[tilespmem:v26+s10+$0x0] =	vst.idx.msk $0xffff, v12;
	v22 =	vld.idx.msk [tilespmem:v22+s2+$0x0], $0xffff  }
0x4d: {  	v12 =	vmul.f32 $1.000000000e+01, v25;
	v26 =	vadd.s32 $0xC, v14;
	v23 =	vmul.f32 $1.000000000e+01, v13;
	v35 =	vld.idx.msk [tilespmem:v11+s2+$0x0], $0xffff  }
0x4e: {  	vm0 =	vlt.f32 v13, $9.999999930e-09;
	v11 =	vmul.f32 $1.000000000e+01, v30;
	v13 =	vtrunc.f32 v16;
	v16 =	vld.idx.msk [tilespmem:v27+s2+$0x0], $0xffff  }
0x4f: {  	vm3 =	vlt.f32 v24, $9.999999930e-09;
	s18 =	sadd.s32 $0xFFFFFF60, s15;
	v27 =	vtrunc.f32 v12;
	v23 =	vtrunc.f32 v23;
	v18 =	vld.idx.msk [tilespmem:v18+s2+$0x0], $0xffff  }
0x50: {  	v12 =	vor.u32 s18, v0;
	v37 =	vmul.f32 $1.000000000e+01, v33;
	v36 =	vtrunc.f32 v11;
	v29 =	vld.idx.msk [tilespmem:v29+s2+$0x0], $0xffff  }
0x51: {  	v38 =	vmul.f32 $1.000000000e+01, v9;
	v27 =	vcvt.f32.s32 v27;
	v11 =	vor.u32 s18, v4;
	v14 =	vld.idx.msk [tilespmem:v14+s2+$0x0], $0xffff  }
0x52: {  	v24 =	vmul.f32 $1.000000000e+01, v24;
	vm2 =	vlt.f32 v30, $9.999999930e-09;
	v30 =	vtrunc.f32 v37;
	v26 =	vld.idx.msk [tilespmem:v26+s2+$0x0], $0xffff  }
0x53: {  	vm4 =	vlt.f32 v25, $9.999999930e-09;
	v25 =	vadd.s32 $0x1, v27;
	v27 =	vcvt.f32.s32 v30;
	[tilespmem:v17+s10+$0x0] =	vst.idx.msk $0xffff, v35;
	v17 =	vld.idx.msk [tilespmem:v20+s2+$0x0], $0xffff  }
0x54: {  	vm1 =	vlt.f32 v33, $9.999999930e-09;
	v20 =	vtrunc.f32 v24;
	v24 =	vcvt.f32.s32 v36;
	[tilespmem:v21+s10+$0x0] =	vst.idx.msk $0xffff, v16  }
0x55: {  	vm5 =	vgt.s32 v25, $0x0;
	v16 =	vcvt.f32.s32 v20;
	v20 =	vadd.s32 $0x1, v27;
	[tilespmem:v32+s10+$0x0] =	vst.idx.msk $0xffff, v18  }
0x56: {  	v21 =	vnsel vm5, $0x0, v25;
	v18 =	vadd.s32 $0x1, v24;
	vm5 =	vgt.s32 v20, $0x0;
	[tilespmem:v34+s10+$0x0] =	vst.idx.msk $0xffff, v29  }
0x57: {  	v21 =	vmin.u32 v21, $0xB;
	v16 =	vadd.s32 $0x1, v16;
	v20 =	vnsel vm5, $0x0, v20;
	[tilespmem:v15+s10+$0x0] =	vst.idx.msk $0xffff, v14  }
0x58: {  	vm5 =	vgt.s32 v16, $0x0;
	v14 =	vadd.s32 v1, v21;
	v15 =	vmin.u32 v20, $0xB;
	[tilespmem:v31+s10+$0x0] =	vst.idx.msk $0xffff, v26  }
0x59: {  	v20 =	vnsel vm5, $0x0, v16;
	v14 =	vsel vm4, v1, v14;
	v16 =	vadd.s32 v1, v15;
	[tilespmem:v19+s10+$0x0] =	vst.idx.msk $0xffff, v22  }
0x5a: {  	v15 =	vmin.u32 v20, $0xB;
	v20 =	vadd.s32 $0xC, v14;
	v19 =	vmul.f32 $1.000000000e+01, v8;
	[tilespmem:v28+s10+$0x0] =	vst.idx.msk $0xffff, v17  }
0x5b: {  	vm4 =	vgt.s32 v18, $0x0;
	v15 =	vadd.s32 v1, v15;
	v17 =	vcvt.f32.s32 v23  }
0x5c: {  	v18 =	vnsel vm4, $0x0, v18;
	v15 =	vsel vm3, v1, v15;
	v19 =	vtrunc.f32 v19  }
0x5d: {  	v23 =	vtrunc.f32 v38;
	v21 =	vadd.s32 $0xC, v15;
	v22 =	vcvt.f32.s32 v19  }
.Ltmp0:
0x5e: {  	v18 =	vmin.u32 v18, $0xB;
	v19 =	vld.idx.msk [tilespmem:v14+s2+$0x0], $0xffff;
	v14 =	vcvt.f32.s32 v23;
	v23 =	vadd.s32 $0x1, v17;
	(pc) =	sbr.rel @p0 .LBB2_2-.Ltmp0, $4  }
0x5f: {  	v17 =	vadd.s32 v1, v18;
	v22 =	vadd.s32 $0x1, v22;
	v18 =	vld.idx.msk [tilespmem:v20+s2+$0x0], $0xffff;
	vm3 =	vgt.s32 v23, $0x0  }
0x60: {  	v20 =	vsel vm2, v1, v17;
	vm2 =	vgt.s32 v22, $0x0;
	v24 =	vadd.s32 $0x1, v14  }
0x61: {  	v14 =	vnsel vm2, $0x0, v22;
	v22 =	vnsel vm3, $0x0, v23;
	v17 =	vld.idx.msk [tilespmem:v15+s2+$0x0], $0xffff;
	vm2 =	vgt.s32 v24, $0x0  }
0x62: {  	s17 =	sadd.s32 $0x80, s17;
	v14 =	vmin.u32 v14, $0xB;
	v15 =	vld.idx.msk [tilespmem:v21+s2+$0x0], $0xffff;
	v21 =	vadd.s32 $0xC, v20;
	v23 =	vnsel vm2, $0x0, v24  }
0x63: {  	v13 =	vcvt.f32.s32 v13;
	_ =	sdelay $0x1  }
0x64: {  	v16 =	vsel vm1, v1, v16;
	v23 =	vmin.u32 v23, $0xB;
	v13 =	vadd.s32 $0x1, v13  }
0x65: {  	vm1 =	vlt.f32 v9, $9.999999930e-09;
	v9 =	vadd.s32 v1, v23;
	vm2 =	vgt.s32 v13, $0x0  }
0x66: {  	v20 =	vld.idx.msk [tilespmem:v20+s2+$0x0], $0xffff;
	v9 =	vsel vm1, v1, v9;
	v13 =	vnsel vm2, $0x0, v13  }
0x67: {  	v22 =	vmin.u32 v22, $0xB;
	v13 =	vmin.u32 v13, $0xB  }
0x68: {  	v23 =	vadd.s32 $0xC, v16;
	vm1 =	vlt.f32 v6, $9.999999930e-09;
	v6 =	vadd.s32 v1, v13  }
0x69: {  	v21 =	vld.idx.msk [tilespmem:v21+s2+$0x0], $0xffff;
	s16 =	sadd.s32 $0xFFFFFF80, s14;
	v13 =	vadd.s32 v1, v22;
	v22 =	vor.u32 s13, v2;
	v6 =	vsel vm1, v1, v6  }
0x6a: {  	[tilespmem:v12+s10+$0x0] =	vst.idx.msk $0xffff, v19;
	s17 =	sadd.s32 $0xFFFFFFC0, s14;
	v19 =	vor.u32 s16, v0;
	v16 =	vld.idx.msk [tilespmem:v16+s2+$0x0], $0xffff;
	v12 =	vsel vm0, v1, v13  }
0x6b: {  	v24 =	vadd.s32 $0xC, v9;
	[tilespmem:v7+s10+$0x0] =	vst.idx.msk $0xffff, v20;
	v7 =	vor.u32 s17, v0;
	v13 =	vor.u32 s12, v3;
	v9 =	vld.idx.msk [tilespmem:v9+s2+$0x0], $0xffff  }
0x6c: {  	[tilespmem:v11+s10+$0x0] =	vst.idx.msk $0xffff, v18;
	vm0 =	vlt.f32 v8, $9.999999930e-09;
	v8 =	vadd.s32 v1, v14;
	v18 =	vadd.s32 $0xC, v6  }
0x6d: {  	[tilespmem:v10+s10+$0x0] =	vst.idx.msk $0xffff, v17;
	v10 =	vor.u32 s16, v5;
	v11 =	vld.idx.msk [tilespmem:v23+s2+$0x0], $0xffff;
	v8 =	vsel vm0, v1, v8  }
0x6e: {  	s18 =	sadd.s32 $0xFFFFFFE0, s14;
	v17 =	vadd.s32 $0xC, v8;
	[tilespmem:v22+s10+$0x0] =	vst.idx.msk $0xffff, v15;
	v15 =	vor.u32 s14, v0;
	v6 =	vld.idx.msk [tilespmem:v6+s2+$0x0], $0xffff  }
0x6f: {  	v20 =	vadd.s32 $0xC, v12;
	[tilespmem:v19+s10+$0x0] =	vst.idx.msk $0xffff, v16;
	v22 =	vor.u32 s18, v0;
	v12 =	vld.idx.msk [tilespmem:v12+s2+$0x0], $0xffff  }
0x70: {  	v14 =	vld.idx.msk [tilespmem:v24+s2+$0x0], $0xffff;
	[tilespmem:v7+s10+$0x0] =	vst.idx.msk $0xffff, v9;
	v7 =	vor.u32 s17, v3  }
0x71: {  	s15 =	sadd.s32 $0xFFFFFFA0, s14;
	[tilespmem:v13+s10+$0x0] =	vst.idx.msk $0xffff, v21;
	v13 =	vor.u32 s14, v5;
	v16 =	vld.idx.msk [tilespmem:v18+s2+$0x0], $0xffff  }
0x72: {  	[tilespmem:v10+s10+$0x0] =	vst.idx.msk $0xffff, v11;
	v18 =	vor.u32 s15, v0;
	v8 =	vld.idx.msk [tilespmem:v8+s2+$0x0], $0xffff  }
0x73: {  	v10 =	vor.u32 s15, v2;
	v11 =	vld.idx.msk [tilespmem:v17+s2+$0x0], $0xffff;
	[tilespmem:v15+s10+$0x0] =	vst.idx.msk $0xffff, v6  }
0x74: {  	v9 =	vld.idx.msk [tilespmem:v20+s2+$0x0], $0xffff;
	v6 =	vor.u32 s18, v4;
	[tilespmem:v22+s10+$0x0] =	vst.idx.msk $0xffff, v12  }
0x75: {  	[tilespmem:v7+s10+$0x0] =	vst.idx.msk $0xffff, v14  }
0x76: {  	[tilespmem:v13+s10+$0x0] =	vst.idx.msk $0xffff, v16  }
0x77: {  	[tilespmem:v18+s10+$0x0] =	vst.idx.msk $0xffff, v8  }
0x78: {  	[tilespmem:v10+s10+$0x0] =	vst.idx.msk $0xffff, v11  }
0x79: {  	[tilespmem:v6+s10+$0x0] =	vst.idx.msk $0xffff, v9  }
0x7a: {  	[hbm4b:s4+s2] =	stream.linear.scatter [tilespmem:s10], [sflag:$0x1], $0x6400, $0x38;
	[tilespmem:$0x9680] =	vst v63  }
0x7b: {  	_ =	swait.ge [sflag:s8], $0x6400  }
0x7c: {  	[sflag:s8] =	ssyncset.done $0x0  }
0x7d: {  	s16 =	rddreg [dreg:$0x5];
	[sflag:s8] =	ssyncadd.s32 $0xFFFF9C00  }
0x7e: {  	[tilespmem:s9], [sflag:$0x1] =	stream.linear.gather [hbm4b:s16+s2], $0x3200, $0x38;
	[tilespmem:$0x9680] =	vst v63  }
0x7f: {  	_ =	swait.ge [sflag:s8], $0x3200  }
0x80: {  	[sflag:s8] =	ssyncset.done $0x0  }
0x81: {  	s17 =	simm.s32 $0xC0;
	[sflag:s8] =	ssyncadd.s32 $0xFFFFCE00  }
0x82: {  	v8 =	vld [tilespmem:s17+$0xFFFFFFE0]  }
0x83: {  	v6 =	vld [tilespmem:s17+$0x30]  }
0x84: {  	v11 =	vld [tilespmem:s17+$0x20]  }
0x85: {  	v14 =	vld [tilespmem:s17+$0xFFFFFFD0]  }
0x86: {  	v15 =	vld [tilespmem:s17+$0xFFFFFFC0]  }
0x87: {  	v9 =	vld [tilespmem:s17+$0x10];
	_ =	sdelay $0x2  }
0x88: {  	s12 =	simm.s32 $0x20;
	v16 =	vld [tilespmem:s17+$0xFFFFFFF0];
	v12 =	vmul.f32 $1.000000000e+01, v6;
	v17 =	vmul.f32 $1.000000000e+01, v8  }
0x89: {  	v7 =	vor.u32 s12, v0;
	v18 =	vmul.f32 $1.000000000e+01, v11;
	v19 =	vmul.f32 $1.000000000e+01, v14  }
0x8a: {  	vm3 =	vlt.f32 v15, $9.999999930e-09;
	v21 =	vmul.f32 $1.000000000e+01, v9;
	v15 =	vmul.f32 $1.000000000e+01, v15  }
0x8b: {  	s13 =	simm.s32 $0x0;
	vm0 =	vlt.f32 v11, $9.999999930e-09;
	v13 =	vtrunc.f32 v12;
	v11 =	vtrunc.f32 v17  }
0x8c: {  	v10 =	vor.u32 s13, v0;
	v17 =	vtrunc.f32 v18;
	v18 =	vtrunc.f32 v19  }
0x8d: {  	vm2 =	vlt.f32 v14, $9.999999930e-09;
	v19 =	vmul.f32 $1.000000000e+01, v16;
	v15 =	vtrunc.f32 v15  }
0x8e: {  	vm4 =	vlt.f32 v8, $9.999999930e-09;
	v8 =	vld [tilespmem:s17+$0x0];
	v21 =	vtrunc.f32 v21;
	v20 =	vcvt.f32.s32 v11  }
0x8f: {  	s18 =	simm.s32 $0x40;
	vm1 =	vlt.f32 v16, $9.999999930e-09;
	v18 =	vcvt.f32.s32 v18;
	v14 =	vtrunc.f32 v19  }
0x90: {  	v12 =	vor.u32 s18, v0;
	v15 =	vcvt.f32.s32 v15;
	v14 =	vcvt.f32.s32 v14  }
0x91: {  	v17 =	vcvt.f32.s32 v17;
	v19 =	vadd.s32 $0x1, v20;
	v18 =	vadd.s32 $0x1, v18  }
0x92: {  	v15 =	vadd.s32 $0x1, v15;
	vm5 =	vgt.s32 v19, $0x0;
	v14 =	vadd.s32 $0x1, v14  }
0x93: {  	v20 =	vmul.f32 $1.000000000e+01, v8;
	v16 =	vnsel vm5, $0x0, v19;
	vm13 =	vgt.s32 v14, $0x0  }
0x94: {  	vm14 =	vgt.s32 v15, $0x0;
	v16 =	vmin.u32 v16, $0xB;
	v14 =	vnsel vm13, $0x0, v14  }
0x95: {  	v15 =	vnsel vm14, $0x0, v15;
	v16 =	vadd.s32 v1, v16;
	v14 =	vmin.u32 v14, $0xB  }
0x96: {  	v19 =	vsel vm4, v1, v16;
	v16 =	vadd.s32 v1, v14;
	v14 =	vmin.u32 v15, $0xB  }
0x97: {  	vm15 =	vgt.s32 v18, $0x0;
	v15 =	vadd.s32 $0xC, v19;
	v14 =	vadd.s32 v1, v14  }
0x98: {  	v18 =	vnsel vm15, $0x0, v18;
	v20 =	vtrunc.f32 v20;
	v14 =	vsel vm3, v1, v14  }
0x99: {  	v20 =	vcvt.f32.s32 v20;
	v18 =	vmin.u32 v18, $0xB;
	v23 =	vadd.s32 $0xC, v14  }
0x9a: {  	v21 =	vcvt.f32.s32 v21;
	v22 =	vadd.s32 $0x1, v17;
	v17 =	vadd.s32 v1, v18  }
0x9b: {  	v11 =	vor.u32 s18, v4;
	v63 =	vadd.s32 $0x1, v20;
	v20 =	vsel vm2, v1, v17;
	v19 =	vld.idx.msk [tilespmem:v19+s2+$0x0], $0xffff  }
0x9c: {  	v25 =	vadd.s32 $0x1, v21;
	vm2 =	vgt.s32 v63, $0x0;
	v21 =	vadd.s32 $0xC, v20;
	v18 =	vld.idx.msk [tilespmem:v15+s2+$0x0], $0xffff  }
0x9d: {  	s14 =	simm.s32 $0xE0;
	vm3 =	vgt.s32 v22, $0x0;
	v17 =	vld.idx.msk [tilespmem:v14+s2+$0x0], $0xffff;
	v14 =	vnsel vm2, $0x0, v63;
	vm2 =	vgt.s32 v25, $0x0  }
0x9e: {  	s15 =	simm.s32 $0xE0;
	s16 =	simm.s32 $0x0;
	s17 =	simm.s32 $0x140;
	v22 =	vnsel vm3, $0x0, v22;
	v15 =	vld.idx.msk [tilespmem:v23+s2+$0x0], $0xffff;
	v14 =	vmin.u32 v14, $0xB;
	v23 =	vnsel vm2, $0x0, v25  }
.LBB2_4:
0x9f: {  	v24 =	vld [tilespmem:s17+$0xFFFFFFC0];
	s16 =	sadd.s32 $0x8, s16;
	v16 =	vsel vm1, v1, v16;
	v22 =	vmin.u32 v22, $0xB;
	v13 =	vcvt.f32.s32 v13;
	s15 =	sadd.s32 $0x100, s15  }
0xa0: {  	vm1 =	vlt.f32 v9, $9.999999930e-09;
	v25 =	vld [tilespmem:s17+$0xFFFFFFE0];
	p0 =	slt.u32 s16, $0x318;
	[tilespmem:v12+s10+$0x0] =	vst.idx.msk $0xffff, v19;
	v12 =	vadd.s32 $0xC, v16;
	v9 =	vadd.s32 v1, v22  }
0xa1: {  	v19 =	vld.idx.msk [tilespmem:v20+s2+$0x0], $0xffff;
	[tilespmem:v11+s10+$0x0] =	vst.idx.msk $0xffff, v18;
	v11 =	vmin.u32 v23, $0xB;
	v18 =	vsel vm0, v1, v9;
	v13 =	vadd.s32 $0x1, v13  }
0xa2: {  	v9 =	vld [tilespmem:s17+$0x10];
	v11 =	vadd.s32 v1, v11;
	v20 =	vadd.s32 $0xC, v18;
	vm0 =	vgt.s32 v13, $0x0  }
0xa3: {  	[tilespmem:v10+s10+$0x0] =	vst.idx.msk $0xffff, v17;
	v10 =	vor.u32 s13, v2;
	v17 =	vld.idx.msk [tilespmem:v21+s2+$0x0], $0xffff;
	v11 =	vsel vm1, v1, v11;
	v13 =	vnsel vm0, $0x0, v13  }
0xa4: {  	v21 =	vor.u32 s12, v3;
	s12 =	sadd.s32 $0xFFFFFF80, s14;
	v16 =	vld.idx.msk [tilespmem:v16+s2+$0x0], $0xffff;
	v22 =	vadd.s32 $0xC, v11;
	v13 =	vmin.u32 v13, $0xB  }
0xa5: {  	vm0 =	vlt.f32 v6, $9.999999930e-09;
	v23 =	vor.u32 s12, v0;
	v12 =	vld.idx.msk [tilespmem:v12+s2+$0x0], $0xffff;
	v13 =	vadd.s32 v1, v13  }
0xa6: {  	s13 =	sadd.s32 $0xFFFFFFC0, s14;
	v26 =	vor.u32 s12, v5;
	s12 =	sadd.s32 $0xFFFFFFE0, s14;
	v6 =	vld [tilespmem:s17+$0x30];
	v27 =	vsel vm0, v1, v13  }
0xa7: {  	s18 =	sadd.s32 $0xFFFFFFA0, s14;
	v28 =	vor.u32 s12, v4;
	v13 =	vld [tilespmem:s17+$0x20];
	[tilespmem:v7+s10+$0x0] =	vst.idx.msk $0xffff, v19;
	v19 =	vor.u32 s13, v3;
	v29 =	vadd.s32 $0xC, v27  }
0xa8: {  	v31 =	vor.u32 s18, v2;
	v32 =	vor.u32 s12, v0;
	v30 =	vld [tilespmem:s17+$0xFFFFFFD0];
	[tilespmem:v10+s10+$0x0] =	vst.idx.msk $0xffff, v15;
	v15 =	vor.u32 s18, v0  }
0xa9: {  	v34 =	vor.u32 s14, v5;
	s12 =	sadd.s32 $0xFFFFFF40, s15;
	v33 =	vld [tilespmem:s17+$0xFFFFFFF0];
	[tilespmem:v21+s10+$0x0] =	vst.idx.msk $0xffff, v17;
	v17 =	vor.u32 s13, v0;
	v21 =	vor.u32 s14, v0;
	s14 =	smov.u32 s15  }
0xaa: {  	v14 =	vadd.s32 v1, v14;
	vm0 =	vlt.f32 v8, $9.999999930e-09;
	v7 =	vor.u32 s12, v0;
	s13 =	sadd.s32 $0xFFFFFF20, s15;
	[tilespmem:v23+s10+$0x0] =	vst.idx.msk $0xffff, v16;
	v8 =	vld [tilespmem:s17+$0x0]  }
0xab: {  	v14 =	vsel vm0, v1, v14;
	v10 =	vor.u32 s13, v0;
	v16 =	vmul.f32 $1.000000000e+01, v6;
	[tilespmem:v26+s10+$0x0] =	vst.idx.msk $0xffff, v12;
	v22 =	vld.idx.msk [tilespmem:v22+s2+$0x0], $0xffff  }
0xac: {  	v12 =	vmul.f32 $1.000000000e+01, v25;
	v26 =	vadd.s32 $0xC, v14;
	v23 =	vmul.f32 $1.000000000e+01, v13;
	v35 =	vld.idx.msk [tilespmem:v11+s2+$0x0], $0xffff  }
0xad: {  	vm0 =	vlt.f32 v13, $9.999999930e-09;
	v11 =	vmul.f32 $1.000000000e+01, v30;
	v13 =	vtrunc.f32 v16;
	v16 =	vld.idx.msk [tilespmem:v27+s2+$0x0], $0xffff  }
0xae: {  	vm3 =	vlt.f32 v24, $9.999999930e-09;
	s18 =	sadd.s32 $0xFFFFFF60, s15;
	v27 =	vtrunc.f32 v12;
	v23 =	vtrunc.f32 v23;
	v18 =	vld.idx.msk [tilespmem:v18+s2+$0x0], $0xffff  }
0xaf: {  	v12 =	vor.u32 s18, v0;
	v37 =	vmul.f32 $1.000000000e+01, v33;
	v36 =	vtrunc.f32 v11;
	v29 =	vld.idx.msk [tilespmem:v29+s2+$0x0], $0xffff  }
0xb0: {  	v38 =	vmul.f32 $1.000000000e+01, v9;
	v27 =	vcvt.f32.s32 v27;
	v11 =	vor.u32 s18, v4;
	v14 =	vld.idx.msk [tilespmem:v14+s2+$0x0], $0xffff  }
0xb1: {  	v24 =	vmul.f32 $1.000000000e+01, v24;
	vm2 =	vlt.f32 v30, $9.999999930e-09;
	v30 =	vtrunc.f32 v37;
	v26 =	vld.idx.msk [tilespmem:v26+s2+$0x0], $0xffff  }
0xb2: {  	vm4 =	vlt.f32 v25, $9.999999930e-09;
	v25 =	vadd.s32 $0x1, v27;
	v27 =	vcvt.f32.s32 v30;
	[tilespmem:v17+s10+$0x0] =	vst.idx.msk $0xffff, v35;
	v17 =	vld.idx.msk [tilespmem:v20+s2+$0x0], $0xffff  }
0xb3: {  	vm1 =	vlt.f32 v33, $9.999999930e-09;
	v20 =	vtrunc.f32 v24;
	v24 =	vcvt.f32.s32 v36;
	[tilespmem:v21+s10+$0x0] =	vst.idx.msk $0xffff, v16  }
0xb4: {  	vm5 =	vgt.s32 v25, $0x0;
	v16 =	vcvt.f32.s32 v20;
	v20 =	vadd.s32 $0x1, v27;
	[tilespmem:v32+s10+$0x0] =	vst.idx.msk $0xffff, v18  }
0xb5: {  	v21 =	vnsel vm5, $0x0, v25;
	v18 =	vadd.s32 $0x1, v24;
	vm5 =	vgt.s32 v20, $0x0;
	[tilespmem:v34+s10+$0x0] =	vst.idx.msk $0xffff, v29  }
0xb6: {  	v21 =	vmin.u32 v21, $0xB;
	v16 =	vadd.s32 $0x1, v16;
	v20 =	vnsel vm5, $0x0, v20;
	[tilespmem:v15+s10+$0x0] =	vst.idx.msk $0xffff, v14  }
0xb7: {  	vm5 =	vgt.s32 v16, $0x0;
	v14 =	vadd.s32 v1, v21;
	v15 =	vmin.u32 v20, $0xB;
	[tilespmem:v31+s10+$0x0] =	vst.idx.msk $0xffff, v26  }
0xb8: {  	v20 =	vnsel vm5, $0x0, v16;
	v14 =	vsel vm4, v1, v14;
	v16 =	vadd.s32 v1, v15;
	[tilespmem:v19+s10+$0x0] =	vst.idx.msk $0xffff, v22  }
0xb9: {  	v15 =	vmin.u32 v20, $0xB;
	v20 =	vadd.s32 $0xC, v14;
	v19 =	vmul.f32 $1.000000000e+01, v8;
	[tilespmem:v28+s10+$0x0] =	vst.idx.msk $0xffff, v17  }
0xba: {  	vm4 =	vgt.s32 v18, $0x0;
	v15 =	vadd.s32 v1, v15;
	v17 =	vcvt.f32.s32 v23  }
0xbb: {  	v18 =	vnsel vm4, $0x0, v18;
	v15 =	vsel vm3, v1, v15;
	v19 =	vtrunc.f32 v19  }
0xbc: {  	v23 =	vtrunc.f32 v38;
	v21 =	vadd.s32 $0xC, v15;
	v22 =	vcvt.f32.s32 v19  }
.Ltmp1:
0xbd: {  	v18 =	vmin.u32 v18, $0xB;
	v19 =	vld.idx.msk [tilespmem:v14+s2+$0x0], $0xffff;
	v14 =	vcvt.f32.s32 v23;
	v23 =	vadd.s32 $0x1, v17;
	(pc) =	sbr.rel @p0 .LBB2_4-.Ltmp1, $4  }
0xbe: {  	v17 =	vadd.s32 v1, v18;
	v22 =	vadd.s32 $0x1, v22;
	v18 =	vld.idx.msk [tilespmem:v20+s2+$0x0], $0xffff;
	vm3 =	vgt.s32 v23, $0x0  }
0xbf: {  	v20 =	vsel vm2, v1, v17;
	vm2 =	vgt.s32 v22, $0x0;
	v24 =	vadd.s32 $0x1, v14  }
0xc0: {  	v14 =	vnsel vm2, $0x0, v22;
	v22 =	vnsel vm3, $0x0, v23;
	v17 =	vld.idx.msk [tilespmem:v15+s2+$0x0], $0xffff;
	vm2 =	vgt.s32 v24, $0x0  }
0xc1: {  	s17 =	sadd.s32 $0x80, s17;
	v14 =	vmin.u32 v14, $0xB;
	v15 =	vld.idx.msk [tilespmem:v21+s2+$0x0], $0xffff;
	v21 =	vadd.s32 $0xC, v20;
	v23 =	vnsel vm2, $0x0, v24  }
0xc2: {  	v13 =	vcvt.f32.s32 v13;
	_ =	sdelay $0x1  }
0xc3: {  	v16 =	vsel vm1, v1, v16;
	v23 =	vmin.u32 v23, $0xB;
	v13 =	vadd.s32 $0x1, v13  }
0xc4: {  	vm1 =	vlt.f32 v9, $9.999999930e-09;
	v9 =	vadd.s32 v1, v23;
	vm2 =	vgt.s32 v13, $0x0  }
0xc5: {  	v20 =	vld.idx.msk [tilespmem:v20+s2+$0x0], $0xffff;
	v9 =	vsel vm1, v1, v9;
	v13 =	vnsel vm2, $0x0, v13  }
0xc6: {  	v22 =	vmin.u32 v22, $0xB;
	v13 =	vmin.u32 v13, $0xB  }
0xc7: {  	v23 =	vadd.s32 $0xC, v16;
	vm1 =	vlt.f32 v6, $9.999999930e-09;
	v6 =	vadd.s32 v1, v13  }
0xc8: {  	v21 =	vld.idx.msk [tilespmem:v21+s2+$0x0], $0xffff;
	s16 =	sadd.s32 $0xFFFFFF80, s14;
	v13 =	vadd.s32 v1, v22;
	v22 =	vor.u32 s13, v2;
	v6 =	vsel vm1, v1, v6  }
0xc9: {  	[tilespmem:v12+s10+$0x0] =	vst.idx.msk $0xffff, v19;
	s17 =	sadd.s32 $0xFFFFFFC0, s14;
	v19 =	vor.u32 s16, v0;
	v16 =	vld.idx.msk [tilespmem:v16+s2+$0x0], $0xffff;
	v12 =	vsel vm0, v1, v13  }
0xca: {  	v24 =	vadd.s32 $0xC, v9;
	[tilespmem:v7+s10+$0x0] =	vst.idx.msk $0xffff, v20;
	v7 =	vor.u32 s17, v0;
	v13 =	vor.u32 s12, v3;
	v9 =	vld.idx.msk [tilespmem:v9+s2+$0x0], $0xffff  }
0xcb: {  	[tilespmem:v11+s10+$0x0] =	vst.idx.msk $0xffff, v18;
	vm0 =	vlt.f32 v8, $9.999999930e-09;
	v8 =	vadd.s32 v1, v14;
	v18 =	vadd.s32 $0xC, v6  }
0xcc: {  	[tilespmem:v10+s10+$0x0] =	vst.idx.msk $0xffff, v17;
	v10 =	vor.u32 s16, v5;
	v11 =	vld.idx.msk [tilespmem:v23+s2+$0x0], $0xffff;
	v8 =	vsel vm0, v1, v8  }
0xcd: {  	s18 =	sadd.s32 $0xFFFFFFE0, s14;
	v17 =	vadd.s32 $0xC, v8;
	[tilespmem:v22+s10+$0x0] =	vst.idx.msk $0xffff, v15;
	v15 =	vor.u32 s14, v0;
	v6 =	vld.idx.msk [tilespmem:v6+s2+$0x0], $0xffff  }
0xce: {  	v20 =	vadd.s32 $0xC, v12;
	[tilespmem:v19+s10+$0x0] =	vst.idx.msk $0xffff, v16;
	v22 =	vor.u32 s18, v0;
	v12 =	vld.idx.msk [tilespmem:v12+s2+$0x0], $0xffff  }
0xcf: {  	v14 =	vld.idx.msk [tilespmem:v24+s2+$0x0], $0xffff;
	[tilespmem:v7+s10+$0x0] =	vst.idx.msk $0xffff, v9;
	v7 =	vor.u32 s17, v3  }
0xd0: {  	s15 =	sadd.s32 $0xFFFFFFA0, s14;
	[tilespmem:v13+s10+$0x0] =	vst.idx.msk $0xffff, v21;
	v13 =	vor.u32 s14, v5;
	v16 =	vld.idx.msk [tilespmem:v18+s2+$0x0], $0xffff  }
0xd1: {  	[tilespmem:v10+s10+$0x0] =	vst.idx.msk $0xffff, v11;
	v18 =	vor.u32 s15, v0;
	v8 =	vld.idx.msk [tilespmem:v8+s2+$0x0], $0xffff  }
0xd2: {  	v10 =	vor.u32 s15, v2;
	v11 =	vld.idx.msk [tilespmem:v17+s2+$0x0], $0xffff;
	[tilespmem:v15+s10+$0x0] =	vst.idx.msk $0xffff, v6  }
0xd3: {  	v9 =	vld.idx.msk [tilespmem:v20+s2+$0x0], $0xffff;
	v6 =	vor.u32 s18, v4;
	[tilespmem:v22+s10+$0x0] =	vst.idx.msk $0xffff, v12  }
0xd4: {  	[tilespmem:v7+s10+$0x0] =	vst.idx.msk $0xffff, v14  }
0xd5: {  	[tilespmem:v13+s10+$0x0] =	vst.idx.msk $0xffff, v16  }
0xd6: {  	[tilespmem:v18+s10+$0x0] =	vst.idx.msk $0xffff, v8  }
0xd7: {  	[tilespmem:v10+s10+$0x0] =	vst.idx.msk $0xffff, v11  }
0xd8: {  	[tilespmem:v6+s10+$0x0] =	vst.idx.msk $0xffff, v9  }
0xd9: {  	s15 =	rddreg [dreg:$0x6]  }
0xda: {  	[hbm4b:s15+s2] =	stream.linear.scatter [tilespmem:s10], [sflag:$0x1], $0x6400, $0x38;
	[tilespmem:$0x9680] =	vst v63  }
0xdb: {  	_ =	swait.ge [sflag:s8], $0x6400  }
0xdc: {  	[sflag:s8] =	ssyncset.done $0x0  }
0xdd: {  	s16 =	rddreg [dreg:$0x7];
	[sflag:s8] =	ssyncadd.s32 $0xFFFF9C00  }
0xde: {  	[tilespmem:s9], [sflag:$0x1] =	stream.linear.gather [hbm4b:s16+s2], $0x3200, $0x38;
	[tilespmem:$0x9680] =	vst v63  }
0xdf: {  	_ =	swait.ge [sflag:s8], $0x3200  }
0xe0: {  	[sflag:s8] =	ssyncset.done $0x0  }
0xe1: {  	s17 =	simm.s32 $0xC0;
	[sflag:s8] =	ssyncadd.s32 $0xFFFFCE00  }
0xe2: {  	v8 =	vld [tilespmem:s17+$0xFFFFFFE0]  }
0xe3: {  	v6 =	vld [tilespmem:s17+$0x30]  }
0xe4: {  	v11 =	vld [tilespmem:s17+$0x20]  }
0xe5: {  	v14 =	vld [tilespmem:s17+$0xFFFFFFD0]  }
0xe6: {  	v15 =	vld [tilespmem:s17+$0xFFFFFFC0]  }
0xe7: {  	v9 =	vld [tilespmem:s17+$0x10];
	_ =	sdelay $0x2  }
0xe8: {  	s12 =	simm.s32 $0x20;
	v16 =	vld [tilespmem:s17+$0xFFFFFFF0];
	v12 =	vmul.f32 $1.000000000e+01, v6;
	v17 =	vmul.f32 $1.000000000e+01, v8  }
0xe9: {  	v7 =	vor.u32 s12, v0;
	v18 =	vmul.f32 $1.000000000e+01, v11;
	v19 =	vmul.f32 $1.000000000e+01, v14  }
0xea: {  	vm3 =	vlt.f32 v15, $9.999999930e-09;
	v21 =	vmul.f32 $1.000000000e+01, v9;
	v15 =	vmul.f32 $1.000000000e+01, v15  }
0xeb: {  	s13 =	simm.s32 $0x0;
	vm0 =	vlt.f32 v11, $9.999999930e-09;
	v13 =	vtrunc.f32 v12;
	v11 =	vtrunc.f32 v17  }
0xec: {  	v10 =	vor.u32 s13, v0;
	v17 =	vtrunc.f32 v18;
	v18 =	vtrunc.f32 v19  }
0xed: {  	vm2 =	vlt.f32 v14, $9.999999930e-09;
	v19 =	vmul.f32 $1.000000000e+01, v16;
	v15 =	vtrunc.f32 v15  }
0xee: {  	vm4 =	vlt.f32 v8, $9.999999930e-09;
	v8 =	vld [tilespmem:s17+$0x0];
	v21 =	vtrunc.f32 v21;
	v20 =	vcvt.f32.s32 v11  }
0xef: {  	s18 =	simm.s32 $0x40;
	vm1 =	vlt.f32 v16, $9.999999930e-09;
	v18 =	vcvt.f32.s32 v18;
	v14 =	vtrunc.f32 v19  }
0xf0: {  	v12 =	vor.u32 s18, v0;
	v15 =	vcvt.f32.s32 v15;
	v14 =	vcvt.f32.s32 v14  }
0xf1: {  	v17 =	vcvt.f32.s32 v17;
	v19 =	vadd.s32 $0x1, v20;
	v18 =	vadd.s32 $0x1, v18  }
0xf2: {  	v15 =	vadd.s32 $0x1, v15;
	vm5 =	vgt.s32 v19, $0x0;
	v14 =	vadd.s32 $0x1, v14  }
0xf3: {  	v20 =	vmul.f32 $1.000000000e+01, v8;
	v16 =	vnsel vm5, $0x0, v19;
	vm13 =	vgt.s32 v14, $0x0  }
0xf4: {  	vm14 =	vgt.s32 v15, $0x0;
	v16 =	vmin.u32 v16, $0xB;
	v14 =	vnsel vm13, $0x0, v14  }
0xf5: {  	v15 =	vnsel vm14, $0x0, v15;
	v16 =	vadd.s32 v1, v16;
	v14 =	vmin.u32 v14, $0xB  }
0xf6: {  	v19 =	vsel vm4, v1, v16;
	v16 =	vadd.s32 v1, v14;
	v14 =	vmin.u32 v15, $0xB  }
0xf7: {  	vm15 =	vgt.s32 v18, $0x0;
	v15 =	vadd.s32 $0xC, v19;
	v14 =	vadd.s32 v1, v14  }
0xf8: {  	v18 =	vnsel vm15, $0x0, v18;
	v20 =	vtrunc.f32 v20;
	v14 =	vsel vm3, v1, v14  }
0xf9: {  	v20 =	vcvt.f32.s32 v20;
	v18 =	vmin.u32 v18, $0xB;
	v23 =	vadd.s32 $0xC, v14  }
0xfa: {  	v21 =	vcvt.f32.s32 v21;
	v22 =	vadd.s32 $0x1, v17;
	v17 =	vadd.s32 v1, v18  }
0xfb: {  	v11 =	vor.u32 s18, v4;
	v63 =	vadd.s32 $0x1, v20;
	v20 =	vsel vm2, v1, v17;
	v19 =	vld.idx.msk [tilespmem:v19+s2+$0x0], $0xffff  }
0xfc: {  	v25 =	vadd.s32 $0x1, v21;
	vm2 =	vgt.s32 v63, $0x0;
	v21 =	vadd.s32 $0xC, v20;
	v18 =	vld.idx.msk [tilespmem:v15+s2+$0x0], $0xffff  }
0xfd: {  	s14 =	simm.s32 $0xE0;
	vm3 =	vgt.s32 v22, $0x0;
	v17 =	vld.idx.msk [tilespmem:v14+s2+$0x0], $0xffff;
	v14 =	vnsel vm2, $0x0, v63;
	vm2 =	vgt.s32 v25, $0x0  }
0xfe: {  	s15 =	simm.s32 $0xE0;
	s16 =	simm.s32 $0x0;
	s17 =	simm.s32 $0x140;
	v22 =	vnsel vm3, $0x0, v22;
	v15 =	vld.idx.msk [tilespmem:v23+s2+$0x0], $0xffff;
	v14 =	vmin.u32 v14, $0xB;
	v23 =	vnsel vm2, $0x0, v25  }
.LBB2_6:
0xff: {  	v24 =	vld [tilespmem:s17+$0xFFFFFFC0];
	s16 =	sadd.s32 $0x8, s16;
	v16 =	vsel vm1, v1, v16;
	v22 =	vmin.u32 v22, $0xB;
	v13 =	vcvt.f32.s32 v13;
	s15 =	sadd.s32 $0x100, s15  }
0x100: {  	vm1 =	vlt.f32 v9, $9.999999930e-09;
	v25 =	vld [tilespmem:s17+$0xFFFFFFE0];
	p0 =	slt.u32 s16, $0x318;
	[tilespmem:v12+s10+$0x0] =	vst.idx.msk $0xffff, v19;
	v12 =	vadd.s32 $0xC, v16;
	v9 =	vadd.s32 v1, v22  }
0x101: {  	v19 =	vld.idx.msk [tilespmem:v20+s2+$0x0], $0xffff;
	[tilespmem:v11+s10+$0x0] =	vst.idx.msk $0xffff, v18;
	v11 =	vmin.u32 v23, $0xB;
	v18 =	vsel vm0, v1, v9;
	v13 =	vadd.s32 $0x1, v13  }
0x102: {  	v9 =	vld [tilespmem:s17+$0x10];
	v11 =	vadd.s32 v1, v11;
	v20 =	vadd.s32 $0xC, v18;
	vm0 =	vgt.s32 v13, $0x0  }
0x103: {  	[tilespmem:v10+s10+$0x0] =	vst.idx.msk $0xffff, v17;
	v10 =	vor.u32 s13, v2;
	v17 =	vld.idx.msk [tilespmem:v21+s2+$0x0], $0xffff;
	v11 =	vsel vm1, v1, v11;
	v13 =	vnsel vm0, $0x0, v13  }
0x104: {  	v21 =	vor.u32 s12, v3;
	s12 =	sadd.s32 $0xFFFFFF80, s14;
	v16 =	vld.idx.msk [tilespmem:v16+s2+$0x0], $0xffff;
	v22 =	vadd.s32 $0xC, v11;
	v13 =	vmin.u32 v13, $0xB  }
0x105: {  	vm0 =	vlt.f32 v6, $9.999999930e-09;
	v23 =	vor.u32 s12, v0;
	v12 =	vld.idx.msk [tilespmem:v12+s2+$0x0], $0xffff;
	v13 =	vadd.s32 v1, v13  }
0x106: {  	s13 =	sadd.s32 $0xFFFFFFC0, s14;
	v26 =	vor.u32 s12, v5;
	s12 =	sadd.s32 $0xFFFFFFE0, s14;
	v6 =	vld [tilespmem:s17+$0x30];
	v27 =	vsel vm0, v1, v13  }
0x107: {  	s18 =	sadd.s32 $0xFFFFFFA0, s14;
	v28 =	vor.u32 s12, v4;
	v13 =	vld [tilespmem:s17+$0x20];
	[tilespmem:v7+s10+$0x0] =	vst.idx.msk $0xffff, v19;
	v19 =	vor.u32 s13, v3;
	v29 =	vadd.s32 $0xC, v27  }
0x108: {  	v31 =	vor.u32 s18, v2;
	v32 =	vor.u32 s12, v0;
	v30 =	vld [tilespmem:s17+$0xFFFFFFD0];
	[tilespmem:v10+s10+$0x0] =	vst.idx.msk $0xffff, v15;
	v15 =	vor.u32 s18, v0  }
0x109: {  	v34 =	vor.u32 s14, v5;
	s12 =	sadd.s32 $0xFFFFFF40, s15;
	v33 =	vld [tilespmem:s17+$0xFFFFFFF0];
	[tilespmem:v21+s10+$0x0] =	vst.idx.msk $0xffff, v17;
	v17 =	vor.u32 s13, v0;
	v21 =	vor.u32 s14, v0;
	s14 =	smov.u32 s15  }
0x10a: {  	v14 =	vadd.s32 v1, v14;
	vm0 =	vlt.f32 v8, $9.999999930e-09;
	v7 =	vor.u32 s12, v0;
	s13 =	sadd.s32 $0xFFFFFF20, s15;
	[tilespmem:v23+s10+$0x0] =	vst.idx.msk $0xffff, v16;
	v8 =	vld [tilespmem:s17+$0x0]  }
0x10b: {  	v14 =	vsel vm0, v1, v14;
	v10 =	vor.u32 s13, v0;
	v16 =	vmul.f32 $1.000000000e+01, v6;
	[tilespmem:v26+s10+$0x0] =	vst.idx.msk $0xffff, v12;
	v22 =	vld.idx.msk [tilespmem:v22+s2+$0x0], $0xffff  }
0x10c: {  	v12 =	vmul.f32 $1.000000000e+01, v25;
	v26 =	vadd.s32 $0xC, v14;
	v23 =	vmul.f32 $1.000000000e+01, v13;
	v35 =	vld.idx.msk [tilespmem:v11+s2+$0x0], $0xffff  }
0x10d: {  	vm0 =	vlt.f32 v13, $9.999999930e-09;
	v11 =	vmul.f32 $1.000000000e+01, v30;
	v13 =	vtrunc.f32 v16;
	v16 =	vld.idx.msk [tilespmem:v27+s2+$0x0], $0xffff  }
0x10e: {  	vm3 =	vlt.f32 v24, $9.999999930e-09;
	s18 =	sadd.s32 $0xFFFFFF60, s15;
	v27 =	vtrunc.f32 v12;
	v23 =	vtrunc.f32 v23;
	v18 =	vld.idx.msk [tilespmem:v18+s2+$0x0], $0xffff  }
0x10f: {  	v12 =	vor.u32 s18, v0;
	v37 =	vmul.f32 $1.000000000e+01, v33;
	v36 =	vtrunc.f32 v11;
	v29 =	vld.idx.msk [tilespmem:v29+s2+$0x0], $0xffff  }
0x110: {  	v38 =	vmul.f32 $1.000000000e+01, v9;
	v27 =	vcvt.f32.s32 v27;
	v11 =	vor.u32 s18, v4;
	v14 =	vld.idx.msk [tilespmem:v14+s2+$0x0], $0xffff  }
0x111: {  	v24 =	vmul.f32 $1.000000000e+01, v24;
	vm2 =	vlt.f32 v30, $9.999999930e-09;
	v30 =	vtrunc.f32 v37;
	v26 =	vld.idx.msk [tilespmem:v26+s2+$0x0], $0xffff  }
0x112: {  	vm4 =	vlt.f32 v25, $9.999999930e-09;
	v25 =	vadd.s32 $0x1, v27;
	v27 =	vcvt.f32.s32 v30;
	[tilespmem:v17+s10+$0x0] =	vst.idx.msk $0xffff, v35;
	v17 =	vld.idx.msk [tilespmem:v20+s2+$0x0], $0xffff  }
0x113: {  	vm1 =	vlt.f32 v33, $9.999999930e-09;
	v20 =	vtrunc.f32 v24;
	v24 =	vcvt.f32.s32 v36;
	[tilespmem:v21+s10+$0x0] =	vst.idx.msk $0xffff, v16  }
0x114: {  	vm5 =	vgt.s32 v25, $0x0;
	v16 =	vcvt.f32.s32 v20;
	v20 =	vadd.s32 $0x1, v27;
	[tilespmem:v32+s10+$0x0] =	vst.idx.msk $0xffff, v18  }
0x115: {  	v21 =	vnsel vm5, $0x0, v25;
	v18 =	vadd.s32 $0x1, v24;
	vm5 =	vgt.s32 v20, $0x0;
	[tilespmem:v34+s10+$0x0] =	vst.idx.msk $0xffff, v29  }
0x116: {  	v21 =	vmin.u32 v21, $0xB;
	v16 =	vadd.s32 $0x1, v16;
	v20 =	vnsel vm5, $0x0, v20;
	[tilespmem:v15+s10+$0x0] =	vst.idx.msk $0xffff, v14  }
0x117: {  	vm5 =	vgt.s32 v16, $0x0;
	v14 =	vadd.s32 v1, v21;
	v15 =	vmin.u32 v20, $0xB;
	[tilespmem:v31+s10+$0x0] =	vst.idx.msk $0xffff, v26  }
0x118: {  	v20 =	vnsel vm5, $0x0, v16;
	v14 =	vsel vm4, v1, v14;
	v16 =	vadd.s32 v1, v15;
	[tilespmem:v19+s10+$0x0] =	vst.idx.msk $0xffff, v22  }
0x119: {  	v15 =	vmin.u32 v20, $0xB;
	v20 =	vadd.s32 $0xC, v14;
	v19 =	vmul.f32 $1.000000000e+01, v8;
	[tilespmem:v28+s10+$0x0] =	vst.idx.msk $0xffff, v17  }
0x11a: {  	vm4 =	vgt.s32 v18, $0x0;
	v15 =	vadd.s32 v1, v15;
	v17 =	vcvt.f32.s32 v23  }
0x11b: {  	v18 =	vnsel vm4, $0x0, v18;
	v15 =	vsel vm3, v1, v15;
	v19 =	vtrunc.f32 v19  }
0x11c: {  	v23 =	vtrunc.f32 v38;
	v21 =	vadd.s32 $0xC, v15;
	v22 =	vcvt.f32.s32 v19  }
.Ltmp2:
0x11d: {  	v18 =	vmin.u32 v18, $0xB;
	v19 =	vld.idx.msk [tilespmem:v14+s2+$0x0], $0xffff;
	v14 =	vcvt.f32.s32 v23;
	v23 =	vadd.s32 $0x1, v17;
	(pc) =	sbr.rel @p0 .LBB2_6-.Ltmp2, $4  }
0x11e: {  	v17 =	vadd.s32 v1, v18;
	v22 =	vadd.s32 $0x1, v22;
	v18 =	vld.idx.msk [tilespmem:v20+s2+$0x0], $0xffff;
	vm3 =	vgt.s32 v23, $0x0  }
0x11f: {  	v20 =	vsel vm2, v1, v17;
	vm2 =	vgt.s32 v22, $0x0;
	v24 =	vadd.s32 $0x1, v14  }
0x120: {  	v14 =	vnsel vm2, $0x0, v22;
	v22 =	vnsel vm3, $0x0, v23;
	v17 =	vld.idx.msk [tilespmem:v15+s2+$0x0], $0xffff;
	vm2 =	vgt.s32 v24, $0x0  }
0x121: {  	s17 =	sadd.s32 $0x80, s17;
	v14 =	vmin.u32 v14, $0xB;
	v15 =	vld.idx.msk [tilespmem:v21+s2+$0x0], $0xffff;
	v21 =	vadd.s32 $0xC, v20;
	v23 =	vnsel vm2, $0x0, v24  }
0x122: {  	v13 =	vcvt.f32.s32 v13;
	_ =	sdelay $0x1  }
0x123: {  	v16 =	vsel vm1, v1, v16;
	v23 =	vmin.u32 v23, $0xB;
	v13 =	vadd.s32 $0x1, v13  }
0x124: {  	vm1 =	vlt.f32 v9, $9.999999930e-09;
	v9 =	vadd.s32 v1, v23;
	vm2 =	vgt.s32 v13, $0x0  }
0x125: {  	v20 =	vld.idx.msk [tilespmem:v20+s2+$0x0], $0xffff;
	v9 =	vsel vm1, v1, v9;
	v13 =	vnsel vm2, $0x0, v13  }
0x126: {  	v22 =	vmin.u32 v22, $0xB;
	v13 =	vmin.u32 v13, $0xB  }
0x127: {  	v23 =	vadd.s32 $0xC, v16;
	vm1 =	vlt.f32 v6, $9.999999930e-09;
	v6 =	vadd.s32 v1, v13  }
0x128: {  	v21 =	vld.idx.msk [tilespmem:v21+s2+$0x0], $0xffff;
	s16 =	sadd.s32 $0xFFFFFF80, s14;
	v13 =	vadd.s32 v1, v22;
	v22 =	vor.u32 s13, v2;
	v6 =	vsel vm1, v1, v6  }
0x129: {  	[tilespmem:v12+s10+$0x0] =	vst.idx.msk $0xffff, v19;
	s17 =	sadd.s32 $0xFFFFFFC0, s14;
	v19 =	vor.u32 s16, v0;
	v16 =	vld.idx.msk [tilespmem:v16+s2+$0x0], $0xffff;
	v12 =	vsel vm0, v1, v13  }
0x12a: {  	v24 =	vadd.s32 $0xC, v9;
	[tilespmem:v7+s10+$0x0] =	vst.idx.msk $0xffff, v20;
	v7 =	vor.u32 s17, v0;
	v13 =	vor.u32 s12, v3;
	v9 =	vld.idx.msk [tilespmem:v9+s2+$0x0], $0xffff  }
0x12b: {  	[tilespmem:v11+s10+$0x0] =	vst.idx.msk $0xffff, v18;
	vm0 =	vlt.f32 v8, $9.999999930e-09;
	v8 =	vadd.s32 v1, v14;
	v18 =	vadd.s32 $0xC, v6  }
0x12c: {  	[tilespmem:v10+s10+$0x0] =	vst.idx.msk $0xffff, v17;
	v10 =	vor.u32 s16, v5;
	v11 =	vld.idx.msk [tilespmem:v23+s2+$0x0], $0xffff;
	v8 =	vsel vm0, v1, v8  }
0x12d: {  	s18 =	sadd.s32 $0xFFFFFFE0, s14;
	v17 =	vadd.s32 $0xC, v8;
	[tilespmem:v22+s10+$0x0] =	vst.idx.msk $0xffff, v15;
	v15 =	vor.u32 s14, v0;
	v6 =	vld.idx.msk [tilespmem:v6+s2+$0x0], $0xffff  }
0x12e: {  	v20 =	vadd.s32 $0xC, v12;
	[tilespmem:v19+s10+$0x0] =	vst.idx.msk $0xffff, v16;
	v22 =	vor.u32 s18, v0;
	v12 =	vld.idx.msk [tilespmem:v12+s2+$0x0], $0xffff  }
0x12f: {  	v14 =	vld.idx.msk [tilespmem:v24+s2+$0x0], $0xffff;
	[tilespmem:v7+s10+$0x0] =	vst.idx.msk $0xffff, v9;
	v7 =	vor.u32 s17, v3  }
0x130: {  	s15 =	sadd.s32 $0xFFFFFFA0, s14;
	[tilespmem:v13+s10+$0x0] =	vst.idx.msk $0xffff, v21;
	v13 =	vor.u32 s14, v5;
	v16 =	vld.idx.msk [tilespmem:v18+s2+$0x0], $0xffff  }
0x131: {  	[tilespmem:v10+s10+$0x0] =	vst.idx.msk $0xffff, v11;
	v18 =	vor.u32 s15, v0;
	v8 =	vld.idx.msk [tilespmem:v8+s2+$0x0], $0xffff  }
0x132: {  	v10 =	vor.u32 s15, v2;
	v11 =	vld.idx.msk [tilespmem:v17+s2+$0x0], $0xffff;
	[tilespmem:v15+s10+$0x0] =	vst.idx.msk $0xffff, v6  }
0x133: {  	v9 =	vld.idx.msk [tilespmem:v20+s2+$0x0], $0xffff;
	v6 =	vor.u32 s18, v4;
	[tilespmem:v22+s10+$0x0] =	vst.idx.msk $0xffff, v12  }
0x134: {  	[tilespmem:v7+s10+$0x0] =	vst.idx.msk $0xffff, v14  }
0x135: {  	[tilespmem:v13+s10+$0x0] =	vst.idx.msk $0xffff, v16  }
0x136: {  	[tilespmem:v18+s10+$0x0] =	vst.idx.msk $0xffff, v8  }
0x137: {  	[tilespmem:v10+s10+$0x0] =	vst.idx.msk $0xffff, v11  }
0x138: {  	[tilespmem:v6+s10+$0x0] =	vst.idx.msk $0xffff, v9  }
0x139: {  	s15 =	rddreg [dreg:$0x8]  }
0x13a: {  	[hbm4b:s15+s2] =	stream.linear.scatter [tilespmem:s10], [sflag:$0x1], $0x6400, $0x38;
	[tilespmem:$0x9680] =	vst v63  }
0x13b: {  	_ =	swait.ge [sflag:s8], $0x6400  }
0x13c: {  	[sflag:s8] =	ssyncset.done $0x0  }
0x13d: {  	s16 =	rddreg [dreg:$0x9];
	[sflag:s8] =	ssyncadd.s32 $0xFFFF9C00  }
0x13e: {  	[tilespmem:s9], [sflag:$0x1] =	stream.linear.gather [hbm4b:s16+s2], $0x3200, $0x38;
	[tilespmem:$0x9680] =	vst v63  }
0x13f: {  	_ =	swait.ge [sflag:s8], $0x3200  }
0x140: {  	[sflag:s8] =	ssyncset.done $0x0  }
0x141: {  	s17 =	simm.s32 $0xC0;
	[sflag:s8] =	ssyncadd.s32 $0xFFFFCE00  }
0x142: {  	v8 =	vld [tilespmem:s17+$0xFFFFFFE0]  }
0x143: {  	v6 =	vld [tilespmem:s17+$0x30]  }
0x144: {  	v11 =	vld [tilespmem:s17+$0x20]  }
0x145: {  	v14 =	vld [tilespmem:s17+$0xFFFFFFD0]  }
0x146: {  	v15 =	vld [tilespmem:s17+$0xFFFFFFC0]  }
0x147: {  	v9 =	vld [tilespmem:s17+$0x10];
	_ =	sdelay $0x2  }
0x148: {  	s12 =	simm.s32 $0x20;
	v16 =	vld [tilespmem:s17+$0xFFFFFFF0];
	v12 =	vmul.f32 $1.000000000e+01, v6;
	v17 =	vmul.f32 $1.000000000e+01, v8  }
0x149: {  	v7 =	vor.u32 s12, v0;
	v18 =	vmul.f32 $1.000000000e+01, v11;
	v19 =	vmul.f32 $1.000000000e+01, v14  }
0x14a: {  	vm3 =	vlt.f32 v15, $9.999999930e-09;
	v21 =	vmul.f32 $1.000000000e+01, v9;
	v15 =	vmul.f32 $1.000000000e+01, v15  }
0x14b: {  	s13 =	simm.s32 $0x0;
	vm0 =	vlt.f32 v11, $9.999999930e-09;
	v13 =	vtrunc.f32 v12;
	v11 =	vtrunc.f32 v17  }
0x14c: {  	v10 =	vor.u32 s13, v0;
	v17 =	vtrunc.f32 v18;
	v18 =	vtrunc.f32 v19  }
0x14d: {  	vm2 =	vlt.f32 v14, $9.999999930e-09;
	v19 =	vmul.f32 $1.000000000e+01, v16;
	v15 =	vtrunc.f32 v15  }
0x14e: {  	vm4 =	vlt.f32 v8, $9.999999930e-09;
	v8 =	vld [tilespmem:s17+$0x0];
	v21 =	vtrunc.f32 v21;
	v20 =	vcvt.f32.s32 v11  }
0x14f: {  	s18 =	simm.s32 $0x40;
	vm1 =	vlt.f32 v16, $9.999999930e-09;
	v18 =	vcvt.f32.s32 v18;
	v14 =	vtrunc.f32 v19  }
0x150: {  	v12 =	vor.u32 s18, v0;
	v15 =	vcvt.f32.s32 v15;
	v14 =	vcvt.f32.s32 v14  }
0x151: {  	v17 =	vcvt.f32.s32 v17;
	v19 =	vadd.s32 $0x1, v20;
	v18 =	vadd.s32 $0x1, v18  }
0x152: {  	v15 =	vadd.s32 $0x1, v15;
	vm5 =	vgt.s32 v19, $0x0;
	v14 =	vadd.s32 $0x1, v14  }
0x153: {  	v20 =	vmul.f32 $1.000000000e+01, v8;
	v16 =	vnsel vm5, $0x0, v19;
	vm13 =	vgt.s32 v14, $0x0  }
0x154: {  	vm14 =	vgt.s32 v15, $0x0;
	v16 =	vmin.u32 v16, $0xB;
	v14 =	vnsel vm13, $0x0, v14  }
0x155: {  	v15 =	vnsel vm14, $0x0, v15;
	v16 =	vadd.s32 v1, v16;
	v14 =	vmin.u32 v14, $0xB  }
0x156: {  	v19 =	vsel vm4, v1, v16;
	v16 =	vadd.s32 v1, v14;
	v14 =	vmin.u32 v15, $0xB  }
0x157: {  	vm15 =	vgt.s32 v18, $0x0;
	v15 =	vadd.s32 $0xC, v19;
	v14 =	vadd.s32 v1, v14  }
0x158: {  	v18 =	vnsel vm15, $0x0, v18;
	v20 =	vtrunc.f32 v20;
	v14 =	vsel vm3, v1, v14  }
0x159: {  	v20 =	vcvt.f32.s32 v20;
	v18 =	vmin.u32 v18, $0xB;
	v23 =	vadd.s32 $0xC, v14  }
0x15a: {  	v21 =	vcvt.f32.s32 v21;
	v22 =	vadd.s32 $0x1, v17;
	v17 =	vadd.s32 v1, v18  }
0x15b: {  	v11 =	vor.u32 s18, v4;
	v63 =	vadd.s32 $0x1, v20;
	v20 =	vsel vm2, v1, v17;
	v19 =	vld.idx.msk [tilespmem:v19+s2+$0x0], $0xffff  }
0x15c: {  	v25 =	vadd.s32 $0x1, v21;
	vm2 =	vgt.s32 v63, $0x0;
	v21 =	vadd.s32 $0xC, v20;
	v18 =	vld.idx.msk [tilespmem:v15+s2+$0x0], $0xffff  }
0x15d: {  	s14 =	simm.s32 $0xE0;
	vm3 =	vgt.s32 v22, $0x0;
	v17 =	vld.idx.msk [tilespmem:v14+s2+$0x0], $0xffff;
	v14 =	vnsel vm2, $0x0, v63;
	vm2 =	vgt.s32 v25, $0x0  }
0x15e: {  	s15 =	simm.s32 $0xE0;
	s16 =	simm.s32 $0x0;
	s17 =	simm.s32 $0x140;
	v22 =	vnsel vm3, $0x0, v22;
	v15 =	vld.idx.msk [tilespmem:v23+s2+$0x0], $0xffff;
	v14 =	vmin.u32 v14, $0xB;
	v23 =	vnsel vm2, $0x0, v25  }
.LBB2_8:
0x15f: {  	v24 =	vld [tilespmem:s17+$0xFFFFFFC0];
	s16 =	sadd.s32 $0x8, s16;
	v16 =	vsel vm1, v1, v16;
	v22 =	vmin.u32 v22, $0xB;
	v13 =	vcvt.f32.s32 v13;
	s15 =	sadd.s32 $0x100, s15  }
0x160: {  	vm1 =	vlt.f32 v9, $9.999999930e-09;
	v25 =	vld [tilespmem:s17+$0xFFFFFFE0];
	p0 =	slt.u32 s16, $0x318;
	[tilespmem:v12+s10+$0x0] =	vst.idx.msk $0xffff, v19;
	v12 =	vadd.s32 $0xC, v16;
	v9 =	vadd.s32 v1, v22  }
0x161: {  	v19 =	vld.idx.msk [tilespmem:v20+s2+$0x0], $0xffff;
	[tilespmem:v11+s10+$0x0] =	vst.idx.msk $0xffff, v18;
	v11 =	vmin.u32 v23, $0xB;
	v18 =	vsel vm0, v1, v9;
	v13 =	vadd.s32 $0x1, v13  }
0x162: {  	v9 =	vld [tilespmem:s17+$0x10];
	v11 =	vadd.s32 v1, v11;
	v20 =	vadd.s32 $0xC, v18;
	vm0 =	vgt.s32 v13, $0x0  }
0x163: {  	[tilespmem:v10+s10+$0x0] =	vst.idx.msk $0xffff, v17;
	v10 =	vor.u32 s13, v2;
	v17 =	vld.idx.msk [tilespmem:v21+s2+$0x0], $0xffff;
	v11 =	vsel vm1, v1, v11;
	v13 =	vnsel vm0, $0x0, v13  }
0x164: {  	v21 =	vor.u32 s12, v3;
	s12 =	sadd.s32 $0xFFFFFF80, s14;
	v16 =	vld.idx.msk [tilespmem:v16+s2+$0x0], $0xffff;
	v22 =	vadd.s32 $0xC, v11;
	v13 =	vmin.u32 v13, $0xB  }
0x165: {  	vm0 =	vlt.f32 v6, $9.999999930e-09;
	v23 =	vor.u32 s12, v0;
	v12 =	vld.idx.msk [tilespmem:v12+s2+$0x0], $0xffff;
	v13 =	vadd.s32 v1, v13  }
0x166: {  	s13 =	sadd.s32 $0xFFFFFFC0, s14;
	v26 =	vor.u32 s12, v5;
	s12 =	sadd.s32 $0xFFFFFFE0, s14;
	v6 =	vld [tilespmem:s17+$0x30];
	v27 =	vsel vm0, v1, v13  }
0x167: {  	s18 =	sadd.s32 $0xFFFFFFA0, s14;
	v28 =	vor.u32 s12, v4;
	v13 =	vld [tilespmem:s17+$0x20];
	[tilespmem:v7+s10+$0x0] =	vst.idx.msk $0xffff, v19;
	v19 =	vor.u32 s13, v3;
	v29 =	vadd.s32 $0xC, v27  }
0x168: {  	v31 =	vor.u32 s18, v2;
	v32 =	vor.u32 s12, v0;
	v30 =	vld [tilespmem:s17+$0xFFFFFFD0];
	[tilespmem:v10+s10+$0x0] =	vst.idx.msk $0xffff, v15;
	v15 =	vor.u32 s18, v0  }
0x169: {  	v34 =	vor.u32 s14, v5;
	s12 =	sadd.s32 $0xFFFFFF40, s15;
	v33 =	vld [tilespmem:s17+$0xFFFFFFF0];
	[tilespmem:v21+s10+$0x0] =	vst.idx.msk $0xffff, v17;
	v17 =	vor.u32 s13, v0;
	v21 =	vor.u32 s14, v0;
	s14 =	smov.u32 s15  }
0x16a: {  	v14 =	vadd.s32 v1, v14;
	vm0 =	vlt.f32 v8, $9.999999930e-09;
	v7 =	vor.u32 s12, v0;
	s13 =	sadd.s32 $0xFFFFFF20, s15;
	[tilespmem:v23+s10+$0x0] =	vst.idx.msk $0xffff, v16;
	v8 =	vld [tilespmem:s17+$0x0]  }
0x16b: {  	v14 =	vsel vm0, v1, v14;
	v10 =	vor.u32 s13, v0;
	v16 =	vmul.f32 $1.000000000e+01, v6;
	[tilespmem:v26+s10+$0x0] =	vst.idx.msk $0xffff, v12;
	v22 =	vld.idx.msk [tilespmem:v22+s2+$0x0], $0xffff  }
0x16c: {  	v12 =	vmul.f32 $1.000000000e+01, v25;
	v26 =	vadd.s32 $0xC, v14;
	v23 =	vmul.f32 $1.000000000e+01, v13;
	v35 =	vld.idx.msk [tilespmem:v11+s2+$0x0], $0xffff  }
0x16d: {  	vm0 =	vlt.f32 v13, $9.999999930e-09;
	v11 =	vmul.f32 $1.000000000e+01, v30;
	v13 =	vtrunc.f32 v16;
	v16 =	vld.idx.msk [tilespmem:v27+s2+$0x0], $0xffff  }
0x16e: {  	vm3 =	vlt.f32 v24, $9.999999930e-09;
	s18 =	sadd.s32 $0xFFFFFF60, s15;
	v27 =	vtrunc.f32 v12;
	v23 =	vtrunc.f32 v23;
	v18 =	vld.idx.msk [tilespmem:v18+s2+$0x0], $0xffff  }
0x16f: {  	v12 =	vor.u32 s18, v0;
	v37 =	vmul.f32 $1.000000000e+01, v33;
	v36 =	vtrunc.f32 v11;
	v29 =	vld.idx.msk [tilespmem:v29+s2+$0x0], $0xffff  }
0x170: {  	v38 =	vmul.f32 $1.000000000e+01, v9;
	v27 =	vcvt.f32.s32 v27;
	v11 =	vor.u32 s18, v4;
	v14 =	vld.idx.msk [tilespmem:v14+s2+$0x0], $0xffff  }
0x171: {  	v24 =	vmul.f32 $1.000000000e+01, v24;
	vm2 =	vlt.f32 v30, $9.999999930e-09;
	v30 =	vtrunc.f32 v37;
	v26 =	vld.idx.msk [tilespmem:v26+s2+$0x0], $0xffff  }
0x172: {  	vm4 =	vlt.f32 v25, $9.999999930e-09;
	v25 =	vadd.s32 $0x1, v27;
	v27 =	vcvt.f32.s32 v30;
	[tilespmem:v17+s10+$0x0] =	vst.idx.msk $0xffff, v35;
	v17 =	vld.idx.msk [tilespmem:v20+s2+$0x0], $0xffff  }
0x173: {  	vm1 =	vlt.f32 v33, $9.999999930e-09;
	v20 =	vtrunc.f32 v24;
	v24 =	vcvt.f32.s32 v36;
	[tilespmem:v21+s10+$0x0] =	vst.idx.msk $0xffff, v16  }
0x174: {  	vm5 =	vgt.s32 v25, $0x0;
	v16 =	vcvt.f32.s32 v20;
	v20 =	vadd.s32 $0x1, v27;
	[tilespmem:v32+s10+$0x0] =	vst.idx.msk $0xffff, v18  }
0x175: {  	v21 =	vnsel vm5, $0x0, v25;
	v18 =	vadd.s32 $0x1, v24;
	vm5 =	vgt.s32 v20, $0x0;
	[tilespmem:v34+s10+$0x0] =	vst.idx.msk $0xffff, v29  }
0x176: {  	v21 =	vmin.u32 v21, $0xB;
	v16 =	vadd.s32 $0x1, v16;
	v20 =	vnsel vm5, $0x0, v20;
	[tilespmem:v15+s10+$0x0] =	vst.idx.msk $0xffff, v14  }
0x177: {  	vm5 =	vgt.s32 v16, $0x0;
	v14 =	vadd.s32 v1, v21;
	v15 =	vmin.u32 v20, $0xB;
	[tilespmem:v31+s10+$0x0] =	vst.idx.msk $0xffff, v26  }
0x178: {  	v20 =	vnsel vm5, $0x0, v16;
	v14 =	vsel vm4, v1, v14;
	v16 =	vadd.s32 v1, v15;
	[tilespmem:v19+s10+$0x0] =	vst.idx.msk $0xffff, v22  }
0x179: {  	v15 =	vmin.u32 v20, $0xB;
	v20 =	vadd.s32 $0xC, v14;
	v19 =	vmul.f32 $1.000000000e+01, v8;
	[tilespmem:v28+s10+$0x0] =	vst.idx.msk $0xffff, v17  }
0x17a: {  	vm4 =	vgt.s32 v18, $0x0;
	v15 =	vadd.s32 v1, v15;
	v17 =	vcvt.f32.s32 v23  }
0x17b: {  	v18 =	vnsel vm4, $0x0, v18;
	v15 =	vsel vm3, v1, v15;
	v19 =	vtrunc.f32 v19  }
0x17c: {  	v23 =	vtrunc.f32 v38;
	v21 =	vadd.s32 $0xC, v15;
	v22 =	vcvt.f32.s32 v19  }
.Ltmp3:
0x17d: {  	v18 =	vmin.u32 v18, $0xB;
	v19 =	vld.idx.msk [tilespmem:v14+s2+$0x0], $0xffff;
	v14 =	vcvt.f32.s32 v23;
	v23 =	vadd.s32 $0x1, v17;
	(pc) =	sbr.rel @p0 .LBB2_8-.Ltmp3, $4  }
0x17e: {  	v17 =	vadd.s32 v1, v18;
	v22 =	vadd.s32 $0x1, v22;
	v18 =	vld.idx.msk [tilespmem:v20+s2+$0x0], $0xffff;
	vm3 =	vgt.s32 v23, $0x0  }
0x17f: {  	v20 =	vsel vm2, v1, v17;
	vm2 =	vgt.s32 v22, $0x0;
	v24 =	vadd.s32 $0x1, v14  }
0x180: {  	v14 =	vnsel vm2, $0x0, v22;
	v22 =	vnsel vm3, $0x0, v23;
	v17 =	vld.idx.msk [tilespmem:v15+s2+$0x0], $0xffff;
	vm2 =	vgt.s32 v24, $0x0  }
0x181: {  	s17 =	sadd.s32 $0x80, s17;
	v14 =	vmin.u32 v14, $0xB;
	v15 =	vld.idx.msk [tilespmem:v21+s2+$0x0], $0xffff;
	v21 =	vadd.s32 $0xC, v20;
	v23 =	vnsel vm2, $0x0, v24  }
0x182: {  	v13 =	vcvt.f32.s32 v13;
	_ =	sdelay $0x1  }
0x183: {  	v16 =	vsel vm1, v1, v16;
	v23 =	vmin.u32 v23, $0xB;
	v13 =	vadd.s32 $0x1, v13  }
0x184: {  	vm1 =	vlt.f32 v9, $9.999999930e-09;
	v9 =	vadd.s32 v1, v23;
	vm2 =	vgt.s32 v13, $0x0  }
0x185: {  	v20 =	vld.idx.msk [tilespmem:v20+s2+$0x0], $0xffff;
	v9 =	vsel vm1, v1, v9;
	v13 =	vnsel vm2, $0x0, v13  }
0x186: {  	v22 =	vmin.u32 v22, $0xB;
	v13 =	vmin.u32 v13, $0xB  }
0x187: {  	v23 =	vadd.s32 $0xC, v16;
	vm1 =	vlt.f32 v6, $9.999999930e-09;
	v6 =	vadd.s32 v1, v13  }
0x188: {  	v21 =	vld.idx.msk [tilespmem:v21+s2+$0x0], $0xffff;
	s16 =	sadd.s32 $0xFFFFFF80, s14;
	v13 =	vadd.s32 v1, v22;
	v22 =	vor.u32 s13, v2;
	v6 =	vsel vm1, v1, v6  }
0x189: {  	[tilespmem:v12+s10+$0x0] =	vst.idx.msk $0xffff, v19;
	s17 =	sadd.s32 $0xFFFFFFC0, s14;
	v19 =	vor.u32 s16, v0;
	v16 =	vld.idx.msk [tilespmem:v16+s2+$0x0], $0xffff;
	v12 =	vsel vm0, v1, v13  }
0x18a: {  	v24 =	vadd.s32 $0xC, v9;
	[tilespmem:v7+s10+$0x0] =	vst.idx.msk $0xffff, v20;
	v7 =	vor.u32 s17, v0;
	v13 =	vor.u32 s12, v3;
	v9 =	vld.idx.msk [tilespmem:v9+s2+$0x0], $0xffff  }
0x18b: {  	[tilespmem:v11+s10+$0x0] =	vst.idx.msk $0xffff, v18;
	vm0 =	vlt.f32 v8, $9.999999930e-09;
	v8 =	vadd.s32 v1, v14;
	v18 =	vadd.s32 $0xC, v6  }
0x18c: {  	[tilespmem:v10+s10+$0x0] =	vst.idx.msk $0xffff, v17;
	v10 =	vor.u32 s16, v5;
	v11 =	vld.idx.msk [tilespmem:v23+s2+$0x0], $0xffff;
	v8 =	vsel vm0, v1, v8  }
0x18d: {  	s18 =	sadd.s32 $0xFFFFFFE0, s14;
	v17 =	vadd.s32 $0xC, v8;
	[tilespmem:v22+s10+$0x0] =	vst.idx.msk $0xffff, v15;
	v15 =	vor.u32 s14, v0;
	v6 =	vld.idx.msk [tilespmem:v6+s2+$0x0], $0xffff  }
0x18e: {  	v20 =	vadd.s32 $0xC, v12;
	[tilespmem:v19+s10+$0x0] =	vst.idx.msk $0xffff, v16;
	v22 =	vor.u32 s18, v0;
	v12 =	vld.idx.msk [tilespmem:v12+s2+$0x0], $0xffff  }
0x18f: {  	v14 =	vld.idx.msk [tilespmem:v24+s2+$0x0], $0xffff;
	[tilespmem:v7+s10+$0x0] =	vst.idx.msk $0xffff, v9;
	v7 =	vor.u32 s17, v3  }
0x190: {  	s15 =	sadd.s32 $0xFFFFFFA0, s14;
	[tilespmem:v13+s10+$0x0] =	vst.idx.msk $0xffff, v21;
	v13 =	vor.u32 s14, v5;
	v16 =	vld.idx.msk [tilespmem:v18+s2+$0x0], $0xffff  }
0x191: {  	[tilespmem:v10+s10+$0x0] =	vst.idx.msk $0xffff, v11;
	v18 =	vor.u32 s15, v0;
	v8 =	vld.idx.msk [tilespmem:v8+s2+$0x0], $0xffff  }
0x192: {  	v10 =	vor.u32 s15, v2;
	v11 =	vld.idx.msk [tilespmem:v17+s2+$0x0], $0xffff;
	[tilespmem:v15+s10+$0x0] =	vst.idx.msk $0xffff, v6  }
0x193: {  	v9 =	vld.idx.msk [tilespmem:v20+s2+$0x0], $0xffff;
	v6 =	vor.u32 s18, v4;
	[tilespmem:v22+s10+$0x0] =	vst.idx.msk $0xffff, v12  }
0x194: {  	[tilespmem:v7+s10+$0x0] =	vst.idx.msk $0xffff, v14  }
0x195: {  	[tilespmem:v13+s10+$0x0] =	vst.idx.msk $0xffff, v16  }
0x196: {  	[tilespmem:v18+s10+$0x0] =	vst.idx.msk $0xffff, v8  }
0x197: {  	[tilespmem:v10+s10+$0x0] =	vst.idx.msk $0xffff, v11  }
0x198: {  	[tilespmem:v6+s10+$0x0] =	vst.idx.msk $0xffff, v9  }
0x199: {  	s15 =	rddreg [dreg:$0xa]  }
0x19a: {  	[hbm4b:s15+s2] =	stream.linear.scatter [tilespmem:s10], [sflag:$0x1], $0x6400, $0x38;
	[tilespmem:$0x9680] =	vst v63  }
0x19b: {  	_ =	swait.ge [sflag:s8], $0x6400  }
0x19c: {  	[sflag:s8] =	ssyncset.done $0x0  }
0x19d: {  	s16 =	rddreg [dreg:$0xb];
	[sflag:s8] =	ssyncadd.s32 $0xFFFF9C00  }
0x19e: {  	[tilespmem:s9], [sflag:$0x1] =	stream.linear.gather [hbm4b:s16+s2], $0x3200, $0x38;
	[tilespmem:$0x9680] =	vst v63  }
0x19f: {  	_ =	swait.ge [sflag:s8], $0x3200  }
0x1a0: {  	[sflag:s8] =	ssyncset.done $0x0  }
0x1a1: {  	s17 =	simm.s32 $0xC0;
	[sflag:s8] =	ssyncadd.s32 $0xFFFFCE00  }
0x1a2: {  	v8 =	vld [tilespmem:s17+$0xFFFFFFE0]  }
0x1a3: {  	v6 =	vld [tilespmem:s17+$0x30]  }
0x1a4: {  	v11 =	vld [tilespmem:s17+$0x20]  }
0x1a5: {  	v14 =	vld [tilespmem:s17+$0xFFFFFFD0]  }
0x1a6: {  	v15 =	vld [tilespmem:s17+$0xFFFFFFC0]  }
0x1a7: {  	v9 =	vld [tilespmem:s17+$0x10];
	_ =	sdelay $0x2  }
0x1a8: {  	s12 =	simm.s32 $0x20;
	v16 =	vld [tilespmem:s17+$0xFFFFFFF0];
	v12 =	vmul.f32 $1.000000000e+01, v6;
	v17 =	vmul.f32 $1.000000000e+01, v8  }
0x1a9: {  	v7 =	vor.u32 s12, v0;
	v18 =	vmul.f32 $1.000000000e+01, v11;
	v19 =	vmul.f32 $1.000000000e+01, v14  }
0x1aa: {  	vm3 =	vlt.f32 v15, $9.999999930e-09;
	v21 =	vmul.f32 $1.000000000e+01, v9;
	v15 =	vmul.f32 $1.000000000e+01, v15  }
0x1ab: {  	s13 =	simm.s32 $0x0;
	vm0 =	vlt.f32 v11, $9.999999930e-09;
	v13 =	vtrunc.f32 v12;
	v11 =	vtrunc.f32 v17  }
0x1ac: {  	v10 =	vor.u32 s13, v0;
	v17 =	vtrunc.f32 v18;
	v18 =	vtrunc.f32 v19  }
0x1ad: {  	vm2 =	vlt.f32 v14, $9.999999930e-09;
	v19 =	vmul.f32 $1.000000000e+01, v16;
	v15 =	vtrunc.f32 v15  }
0x1ae: {  	vm4 =	vlt.f32 v8, $9.999999930e-09;
	v8 =	vld [tilespmem:s17+$0x0];
	v21 =	vtrunc.f32 v21;
	v20 =	vcvt.f32.s32 v11  }
0x1af: {  	s18 =	simm.s32 $0x40;
	vm1 =	vlt.f32 v16, $9.999999930e-09;
	v18 =	vcvt.f32.s32 v18;
	v14 =	vtrunc.f32 v19  }
0x1b0: {  	v12 =	vor.u32 s18, v0;
	v15 =	vcvt.f32.s32 v15;
	v14 =	vcvt.f32.s32 v14  }
0x1b1: {  	v17 =	vcvt.f32.s32 v17;
	v19 =	vadd.s32 $0x1, v20;
	v18 =	vadd.s32 $0x1, v18  }
0x1b2: {  	v15 =	vadd.s32 $0x1, v15;
	vm5 =	vgt.s32 v19, $0x0;
	v14 =	vadd.s32 $0x1, v14  }
0x1b3: {  	v20 =	vmul.f32 $1.000000000e+01, v8;
	v16 =	vnsel vm5, $0x0, v19;
	vm13 =	vgt.s32 v14, $0x0  }
0x1b4: {  	vm14 =	vgt.s32 v15, $0x0;
	v16 =	vmin.u32 v16, $0xB;
	v14 =	vnsel vm13, $0x0, v14  }
0x1b5: {  	v15 =	vnsel vm14, $0x0, v15;
	v16 =	vadd.s32 v1, v16;
	v14 =	vmin.u32 v14, $0xB  }
0x1b6: {  	v19 =	vsel vm4, v1, v16;
	v16 =	vadd.s32 v1, v14;
	v14 =	vmin.u32 v15, $0xB  }
0x1b7: {  	vm15 =	vgt.s32 v18, $0x0;
	v15 =	vadd.s32 $0xC, v19;
	v14 =	vadd.s32 v1, v14  }
0x1b8: {  	v18 =	vnsel vm15, $0x0, v18;
	v20 =	vtrunc.f32 v20;
	v14 =	vsel vm3, v1, v14  }
0x1b9: {  	v20 =	vcvt.f32.s32 v20;
	v18 =	vmin.u32 v18, $0xB;
	v23 =	vadd.s32 $0xC, v14  }
0x1ba: {  	v21 =	vcvt.f32.s32 v21;
	v22 =	vadd.s32 $0x1, v17;
	v17 =	vadd.s32 v1, v18  }
0x1bb: {  	v11 =	vor.u32 s18, v4;
	v63 =	vadd.s32 $0x1, v20;
	v20 =	vsel vm2, v1, v17;
	v19 =	vld.idx.msk [tilespmem:v19+s2+$0x0], $0xffff  }
0x1bc: {  	v25 =	vadd.s32 $0x1, v21;
	vm2 =	vgt.s32 v63, $0x0;
	v21 =	vadd.s32 $0xC, v20;
	v18 =	vld.idx.msk [tilespmem:v15+s2+$0x0], $0xffff  }
0x1bd: {  	s14 =	simm.s32 $0xE0;
	vm3 =	vgt.s32 v22, $0x0;
	v17 =	vld.idx.msk [tilespmem:v14+s2+$0x0], $0xffff;
	v14 =	vnsel vm2, $0x0, v63;
	vm2 =	vgt.s32 v25, $0x0  }
0x1be: {  	s15 =	simm.s32 $0xE0;
	s16 =	simm.s32 $0x0;
	s17 =	simm.s32 $0x140;
	v22 =	vnsel vm3, $0x0, v22;
	v15 =	vld.idx.msk [tilespmem:v23+s2+$0x0], $0xffff;
	v14 =	vmin.u32 v14, $0xB;
	v23 =	vnsel vm2, $0x0, v25  }
.LBB2_10:
0x1bf: {  	v24 =	vld [tilespmem:s17+$0xFFFFFFC0];
	s16 =	sadd.s32 $0x8, s16;
	v16 =	vsel vm1, v1, v16;
	v22 =	vmin.u32 v22, $0xB;
	v13 =	vcvt.f32.s32 v13;
	s15 =	sadd.s32 $0x100, s15  }
0x1c0: {  	vm1 =	vlt.f32 v9, $9.999999930e-09;
	v25 =	vld [tilespmem:s17+$0xFFFFFFE0];
	p0 =	slt.u32 s16, $0x318;
	[tilespmem:v12+s10+$0x0] =	vst.idx.msk $0xffff, v19;
	v12 =	vadd.s32 $0xC, v16;
	v9 =	vadd.s32 v1, v22  }
0x1c1: {  	v19 =	vld.idx.msk [tilespmem:v20+s2+$0x0], $0xffff;
	[tilespmem:v11+s10+$0x0] =	vst.idx.msk $0xffff, v18;
	v11 =	vmin.u32 v23, $0xB;
	v18 =	vsel vm0, v1, v9;
	v13 =	vadd.s32 $0x1, v13  }
0x1c2: {  	v9 =	vld [tilespmem:s17+$0x10];
	v11 =	vadd.s32 v1, v11;
	v20 =	vadd.s32 $0xC, v18;
	vm0 =	vgt.s32 v13, $0x0  }
0x1c3: {  	[tilespmem:v10+s10+$0x0] =	vst.idx.msk $0xffff, v17;
	v10 =	vor.u32 s13, v2;
	v17 =	vld.idx.msk [tilespmem:v21+s2+$0x0], $0xffff;
	v11 =	vsel vm1, v1, v11;
	v13 =	vnsel vm0, $0x0, v13  }
0x1c4: {  	v21 =	vor.u32 s12, v3;
	s12 =	sadd.s32 $0xFFFFFF80, s14;
	v16 =	vld.idx.msk [tilespmem:v16+s2+$0x0], $0xffff;
	v22 =	vadd.s32 $0xC, v11;
	v13 =	vmin.u32 v13, $0xB  }
0x1c5: {  	vm0 =	vlt.f32 v6, $9.999999930e-09;
	v23 =	vor.u32 s12, v0;
	v12 =	vld.idx.msk [tilespmem:v12+s2+$0x0], $0xffff;
	v13 =	vadd.s32 v1, v13  }
0x1c6: {  	s13 =	sadd.s32 $0xFFFFFFC0, s14;
	v26 =	vor.u32 s12, v5;
	s12 =	sadd.s32 $0xFFFFFFE0, s14;
	v6 =	vld [tilespmem:s17+$0x30];
	v27 =	vsel vm0, v1, v13  }
0x1c7: {  	s18 =	sadd.s32 $0xFFFFFFA0, s14;
	v28 =	vor.u32 s12, v4;
	v13 =	vld [tilespmem:s17+$0x20];
	[tilespmem:v7+s10+$0x0] =	vst.idx.msk $0xffff, v19;
	v19 =	vor.u32 s13, v3;
	v29 =	vadd.s32 $0xC, v27  }
0x1c8: {  	v31 =	vor.u32 s18, v2;
	v32 =	vor.u32 s12, v0;
	v30 =	vld [tilespmem:s17+$0xFFFFFFD0];
	[tilespmem:v10+s10+$0x0] =	vst.idx.msk $0xffff, v15;
	v15 =	vor.u32 s18, v0  }
0x1c9: {  	v34 =	vor.u32 s14, v5;
	s12 =	sadd.s32 $0xFFFFFF40, s15;
	v33 =	vld [tilespmem:s17+$0xFFFFFFF0];
	[tilespmem:v21+s10+$0x0] =	vst.idx.msk $0xffff, v17;
	v17 =	vor.u32 s13, v0;
	v21 =	vor.u32 s14, v0;
	s14 =	smov.u32 s15  }
0x1ca: {  	v14 =	vadd.s32 v1, v14;
	vm0 =	vlt.f32 v8, $9.999999930e-09;
	v7 =	vor.u32 s12, v0;
	s13 =	sadd.s32 $0xFFFFFF20, s15;
	[tilespmem:v23+s10+$0x0] =	vst.idx.msk $0xffff, v16;
	v8 =	vld [tilespmem:s17+$0x0]  }
0x1cb: {  	v14 =	vsel vm0, v1, v14;
	v10 =	vor.u32 s13, v0;
	v16 =	vmul.f32 $1.000000000e+01, v6;
	[tilespmem:v26+s10+$0x0] =	vst.idx.msk $0xffff, v12;
	v22 =	vld.idx.msk [tilespmem:v22+s2+$0x0], $0xffff  }
0x1cc: {  	v12 =	vmul.f32 $1.000000000e+01, v25;
	v26 =	vadd.s32 $0xC, v14;
	v23 =	vmul.f32 $1.000000000e+01, v13;
	v35 =	vld.idx.msk [tilespmem:v11+s2+$0x0], $0xffff  }
0x1cd: {  	vm0 =	vlt.f32 v13, $9.999999930e-09;
	v11 =	vmul.f32 $1.000000000e+01, v30;
	v13 =	vtrunc.f32 v16;
	v16 =	vld.idx.msk [tilespmem:v27+s2+$0x0], $0xffff  }
0x1ce: {  	vm3 =	vlt.f32 v24, $9.999999930e-09;
	s18 =	sadd.s32 $0xFFFFFF60, s15;
	v27 =	vtrunc.f32 v12;
	v23 =	vtrunc.f32 v23;
	v18 =	vld.idx.msk [tilespmem:v18+s2+$0x0], $0xffff  }
0x1cf: {  	v12 =	vor.u32 s18, v0;
	v37 =	vmul.f32 $1.000000000e+01, v33;
	v36 =	vtrunc.f32 v11;
	v29 =	vld.idx.msk [tilespmem:v29+s2+$0x0], $0xffff  }
0x1d0: {  	v38 =	vmul.f32 $1.000000000e+01, v9;
	v27 =	vcvt.f32.s32 v27;
	v11 =	vor.u32 s18, v4;
	v14 =	vld.idx.msk [tilespmem:v14+s2+$0x0], $0xffff  }
0x1d1: {  	v24 =	vmul.f32 $1.000000000e+01, v24;
	vm2 =	vlt.f32 v30, $9.999999930e-09;
	v30 =	vtrunc.f32 v37;
	v26 =	vld.idx.msk [tilespmem:v26+s2+$0x0], $0xffff  }
0x1d2: {  	vm4 =	vlt.f32 v25, $9.999999930e-09;
	v25 =	vadd.s32 $0x1, v27;
	v27 =	vcvt.f32.s32 v30;
	[tilespmem:v17+s10+$0x0] =	vst.idx.msk $0xffff, v35;
	v17 =	vld.idx.msk [tilespmem:v20+s2+$0x0], $0xffff  }
0x1d3: {  	vm1 =	vlt.f32 v33, $9.999999930e-09;
	v20 =	vtrunc.f32 v24;
	v24 =	vcvt.f32.s32 v36;
	[tilespmem:v21+s10+$0x0] =	vst.idx.msk $0xffff, v16  }
0x1d4: {  	vm5 =	vgt.s32 v25, $0x0;
	v16 =	vcvt.f32.s32 v20;
	v20 =	vadd.s32 $0x1, v27;
	[tilespmem:v32+s10+$0x0] =	vst.idx.msk $0xffff, v18  }
0x1d5: {  	v21 =	vnsel vm5, $0x0, v25;
	v18 =	vadd.s32 $0x1, v24;
	vm5 =	vgt.s32 v20, $0x0;
	[tilespmem:v34+s10+$0x0] =	vst.idx.msk $0xffff, v29  }
0x1d6: {  	v21 =	vmin.u32 v21, $0xB;
	v16 =	vadd.s32 $0x1, v16;
	v20 =	vnsel vm5, $0x0, v20;
	[tilespmem:v15+s10+$0x0] =	vst.idx.msk $0xffff, v14  }
0x1d7: {  	vm5 =	vgt.s32 v16, $0x0;
	v14 =	vadd.s32 v1, v21;
	v15 =	vmin.u32 v20, $0xB;
	[tilespmem:v31+s10+$0x0] =	vst.idx.msk $0xffff, v26  }
0x1d8: {  	v20 =	vnsel vm5, $0x0, v16;
	v14 =	vsel vm4, v1, v14;
	v16 =	vadd.s32 v1, v15;
	[tilespmem:v19+s10+$0x0] =	vst.idx.msk $0xffff, v22  }
0x1d9: {  	v15 =	vmin.u32 v20, $0xB;
	v20 =	vadd.s32 $0xC, v14;
	v19 =	vmul.f32 $1.000000000e+01, v8;
	[tilespmem:v28+s10+$0x0] =	vst.idx.msk $0xffff, v17  }
0x1da: {  	vm4 =	vgt.s32 v18, $0x0;
	v15 =	vadd.s32 v1, v15;
	v17 =	vcvt.f32.s32 v23  }
0x1db: {  	v18 =	vnsel vm4, $0x0, v18;
	v15 =	vsel vm3, v1, v15;
	v19 =	vtrunc.f32 v19  }
0x1dc: {  	v23 =	vtrunc.f32 v38;
	v21 =	vadd.s32 $0xC, v15;
	v22 =	vcvt.f32.s32 v19  }
.Ltmp4:
0x1dd: {  	v18 =	vmin.u32 v18, $0xB;
	v19 =	vld.idx.msk [tilespmem:v14+s2+$0x0], $0xffff;
	v14 =	vcvt.f32.s32 v23;
	v23 =	vadd.s32 $0x1, v17;
	(pc) =	sbr.rel @p0 .LBB2_10-.Ltmp4, $4  }
0x1de: {  	v17 =	vadd.s32 v1, v18;
	v22 =	vadd.s32 $0x1, v22;
	v18 =	vld.idx.msk [tilespmem:v20+s2+$0x0], $0xffff;
	vm3 =	vgt.s32 v23, $0x0  }
0x1df: {  	v20 =	vsel vm2, v1, v17;
	vm2 =	vgt.s32 v22, $0x0;
	v24 =	vadd.s32 $0x1, v14  }
0x1e0: {  	v14 =	vnsel vm2, $0x0, v22;
	v22 =	vnsel vm3, $0x0, v23;
	v17 =	vld.idx.msk [tilespmem:v15+s2+$0x0], $0xffff;
	vm2 =	vgt.s32 v24, $0x0  }
0x1e1: {  	s17 =	sadd.s32 $0x80, s17;
	v14 =	vmin.u32 v14, $0xB;
	v15 =	vld.idx.msk [tilespmem:v21+s2+$0x0], $0xffff;
	v21 =	vadd.s32 $0xC, v20;
	v23 =	vnsel vm2, $0x0, v24  }
0x1e2: {  	v13 =	vcvt.f32.s32 v13;
	_ =	sdelay $0x1  }
0x1e3: {  	v16 =	vsel vm1, v1, v16;
	v23 =	vmin.u32 v23, $0xB;
	v13 =	vadd.s32 $0x1, v13  }
0x1e4: {  	vm1 =	vlt.f32 v9, $9.999999930e-09;
	v9 =	vadd.s32 v1, v23;
	vm2 =	vgt.s32 v13, $0x0  }
0x1e5: {  	v20 =	vld.idx.msk [tilespmem:v20+s2+$0x0], $0xffff;
	v9 =	vsel vm1, v1, v9;
	v13 =	vnsel vm2, $0x0, v13  }
0x1e6: {  	v22 =	vmin.u32 v22, $0xB;
	v13 =	vmin.u32 v13, $0xB  }
0x1e7: {  	v23 =	vadd.s32 $0xC, v16;
	vm1 =	vlt.f32 v6, $9.999999930e-09;
	v6 =	vadd.s32 v1, v13  }
0x1e8: {  	v21 =	vld.idx.msk [tilespmem:v21+s2+$0x0], $0xffff;
	s16 =	sadd.s32 $0xFFFFFF80, s14;
	v13 =	vadd.s32 v1, v22;
	v22 =	vor.u32 s13, v2;
	v6 =	vsel vm1, v1, v6  }
0x1e9: {  	[tilespmem:v12+s10+$0x0] =	vst.idx.msk $0xffff, v19;
	s17 =	sadd.s32 $0xFFFFFFC0, s14;
	v19 =	vor.u32 s16, v0;
	v16 =	vld.idx.msk [tilespmem:v16+s2+$0x0], $0xffff;
	v12 =	vsel vm0, v1, v13  }
0x1ea: {  	v24 =	vadd.s32 $0xC, v9;
	[tilespmem:v7+s10+$0x0] =	vst.idx.msk $0xffff, v20;
	v7 =	vor.u32 s17, v0;
	v13 =	vor.u32 s12, v3;
	v9 =	vld.idx.msk [tilespmem:v9+s2+$0x0], $0xffff  }
0x1eb: {  	[tilespmem:v11+s10+$0x0] =	vst.idx.msk $0xffff, v18;
	vm0 =	vlt.f32 v8, $9.999999930e-09;
	v8 =	vadd.s32 v1, v14;
	v18 =	vadd.s32 $0xC, v6  }
0x1ec: {  	[tilespmem:v10+s10+$0x0] =	vst.idx.msk $0xffff, v17;
	v10 =	vor.u32 s16, v5;
	v11 =	vld.idx.msk [tilespmem:v23+s2+$0x0], $0xffff;
	v8 =	vsel vm0, v1, v8  }
0x1ed: {  	s18 =	sadd.s32 $0xFFFFFFE0, s14;
	v17 =	vadd.s32 $0xC, v8;
	[tilespmem:v22+s10+$0x0] =	vst.idx.msk $0xffff, v15;
	v15 =	vor.u32 s14, v0;
	v6 =	vld.idx.msk [tilespmem:v6+s2+$0x0], $0xffff  }
0x1ee: {  	v20 =	vadd.s32 $0xC, v12;
	[tilespmem:v19+s10+$0x0] =	vst.idx.msk $0xffff, v16;
	v22 =	vor.u32 s18, v0;
	v12 =	vld.idx.msk [tilespmem:v12+s2+$0x0], $0xffff  }
0x1ef: {  	v14 =	vld.idx.msk [tilespmem:v24+s2+$0x0], $0xffff;
	[tilespmem:v7+s10+$0x0] =	vst.idx.msk $0xffff, v9;
	v7 =	vor.u32 s17, v3  }
0x1f0: {  	s15 =	sadd.s32 $0xFFFFFFA0, s14;
	[tilespmem:v13+s10+$0x0] =	vst.idx.msk $0xffff, v21;
	v13 =	vor.u32 s14, v5;
	v16 =	vld.idx.msk [tilespmem:v18+s2+$0x0], $0xffff  }
0x1f1: {  	[tilespmem:v10+s10+$0x0] =	vst.idx.msk $0xffff, v11;
	v18 =	vor.u32 s15, v0;
	v8 =	vld.idx.msk [tilespmem:v8+s2+$0x0], $0xffff  }
0x1f2: {  	v10 =	vor.u32 s15, v2;
	v11 =	vld.idx.msk [tilespmem:v17+s2+$0x0], $0xffff;
	[tilespmem:v15+s10+$0x0] =	vst.idx.msk $0xffff, v6  }
0x1f3: {  	v9 =	vld.idx.msk [tilespmem:v20+s2+$0x0], $0xffff;
	v6 =	vor.u32 s18, v4;
	[tilespmem:v22+s10+$0x0] =	vst.idx.msk $0xffff, v12  }
0x1f4: {  	[tilespmem:v7+s10+$0x0] =	vst.idx.msk $0xffff, v14  }
0x1f5: {  	[tilespmem:v13+s10+$0x0] =	vst.idx.msk $0xffff, v16  }
0x1f6: {  	[tilespmem:v18+s10+$0x0] =	vst.idx.msk $0xffff, v8  }
0x1f7: {  	[tilespmem:v10+s10+$0x0] =	vst.idx.msk $0xffff, v11  }
0x1f8: {  	[tilespmem:v6+s10+$0x0] =	vst.idx.msk $0xffff, v9  }
0x1f9: {  	s15 =	rddreg [dreg:$0xc]  }
0x1fa: {  	[hbm4b:s15+s2] =	stream.linear.scatter [tilespmem:s10], [sflag:$0x1], $0x6400, $0x38;
	[tilespmem:$0x9680] =	vst v63  }
0x1fb: {  	_ =	swait.ge [sflag:s8], $0x6400  }
0x1fc: {  	[sflag:s8] =	ssyncset.done $0x0  }
0x1fd: {  	s16 =	rddreg [dreg:$0xd];
	[sflag:s8] =	ssyncadd.s32 $0xFFFF9C00  }
0x1fe: {  	[tilespmem:s9], [sflag:$0x1] =	stream.linear.gather [hbm4b:s16+s2], $0x3200, $0x38;
	[tilespmem:$0x9680] =	vst v63  }
0x1ff: {  	_ =	swait.ge [sflag:s8], $0x3200  }
0x200: {  	[sflag:s8] =	ssyncset.done $0x0  }
0x201: {  	s17 =	simm.s32 $0xC0;
	[sflag:s8] =	ssyncadd.s32 $0xFFFFCE00  }
0x202: {  	v8 =	vld [tilespmem:s17+$0xFFFFFFE0]  }
0x203: {  	v6 =	vld [tilespmem:s17+$0x30]  }
0x204: {  	v11 =	vld [tilespmem:s17+$0x20]  }
0x205: {  	v14 =	vld [tilespmem:s17+$0xFFFFFFD0]  }
0x206: {  	v15 =	vld [tilespmem:s17+$0xFFFFFFC0]  }
0x207: {  	v9 =	vld [tilespmem:s17+$0x10];
	_ =	sdelay $0x2  }
0x208: {  	s12 =	simm.s32 $0x20;
	v16 =	vld [tilespmem:s17+$0xFFFFFFF0];
	v12 =	vmul.f32 $1.000000000e+01, v6;
	v17 =	vmul.f32 $1.000000000e+01, v8  }
0x209: {  	v7 =	vor.u32 s12, v0;
	v18 =	vmul.f32 $1.000000000e+01, v11;
	v19 =	vmul.f32 $1.000000000e+01, v14  }
0x20a: {  	vm3 =	vlt.f32 v15, $9.999999930e-09;
	v21 =	vmul.f32 $1.000000000e+01, v9;
	v15 =	vmul.f32 $1.000000000e+01, v15  }
0x20b: {  	s13 =	simm.s32 $0x0;
	vm0 =	vlt.f32 v11, $9.999999930e-09;
	v13 =	vtrunc.f32 v12;
	v11 =	vtrunc.f32 v17  }
0x20c: {  	v10 =	vor.u32 s13, v0;
	v17 =	vtrunc.f32 v18;
	v18 =	vtrunc.f32 v19  }
0x20d: {  	vm2 =	vlt.f32 v14, $9.999999930e-09;
	v19 =	vmul.f32 $1.000000000e+01, v16;
	v15 =	vtrunc.f32 v15  }
0x20e: {  	vm4 =	vlt.f32 v8, $9.999999930e-09;
	v8 =	vld [tilespmem:s17+$0x0];
	v21 =	vtrunc.f32 v21;
	v20 =	vcvt.f32.s32 v11  }
0x20f: {  	s18 =	simm.s32 $0x40;
	vm1 =	vlt.f32 v16, $9.999999930e-09;
	v18 =	vcvt.f32.s32 v18;
	v14 =	vtrunc.f32 v19  }
0x210: {  	v12 =	vor.u32 s18, v0;
	v15 =	vcvt.f32.s32 v15;
	v14 =	vcvt.f32.s32 v14  }
0x211: {  	v17 =	vcvt.f32.s32 v17;
	v19 =	vadd.s32 $0x1, v20;
	v18 =	vadd.s32 $0x1, v18  }
0x212: {  	v15 =	vadd.s32 $0x1, v15;
	vm5 =	vgt.s32 v19, $0x0;
	v14 =	vadd.s32 $0x1, v14  }
0x213: {  	v20 =	vmul.f32 $1.000000000e+01, v8;
	v16 =	vnsel vm5, $0x0, v19;
	vm13 =	vgt.s32 v14, $0x0  }
0x214: {  	vm14 =	vgt.s32 v15, $0x0;
	v16 =	vmin.u32 v16, $0xB;
	v14 =	vnsel vm13, $0x0, v14  }
0x215: {  	v15 =	vnsel vm14, $0x0, v15;
	v16 =	vadd.s32 v1, v16;
	v14 =	vmin.u32 v14, $0xB  }
0x216: {  	v19 =	vsel vm4, v1, v16;
	v16 =	vadd.s32 v1, v14;
	v14 =	vmin.u32 v15, $0xB  }
0x217: {  	vm15 =	vgt.s32 v18, $0x0;
	v15 =	vadd.s32 $0xC, v19;
	v14 =	vadd.s32 v1, v14  }
0x218: {  	v18 =	vnsel vm15, $0x0, v18;
	v20 =	vtrunc.f32 v20;
	v14 =	vsel vm3, v1, v14  }
0x219: {  	v20 =	vcvt.f32.s32 v20;
	v18 =	vmin.u32 v18, $0xB;
	v23 =	vadd.s32 $0xC, v14  }
0x21a: {  	v21 =	vcvt.f32.s32 v21;
	v22 =	vadd.s32 $0x1, v17;
	v17 =	vadd.s32 v1, v18  }
0x21b: {  	v11 =	vor.u32 s18, v4;
	v63 =	vadd.s32 $0x1, v20;
	v20 =	vsel vm2, v1, v17;
	v19 =	vld.idx.msk [tilespmem:v19+s2+$0x0], $0xffff  }
0x21c: {  	v25 =	vadd.s32 $0x1, v21;
	vm2 =	vgt.s32 v63, $0x0;
	v21 =	vadd.s32 $0xC, v20;
	v18 =	vld.idx.msk [tilespmem:v15+s2+$0x0], $0xffff  }
0x21d: {  	s14 =	simm.s32 $0xE0;
	vm3 =	vgt.s32 v22, $0x0;
	v17 =	vld.idx.msk [tilespmem:v14+s2+$0x0], $0xffff;
	v14 =	vnsel vm2, $0x0, v63;
	vm2 =	vgt.s32 v25, $0x0  }
0x21e: {  	s15 =	simm.s32 $0xE0;
	s16 =	simm.s32 $0x0;
	s17 =	simm.s32 $0x140;
	v22 =	vnsel vm3, $0x0, v22;
	v15 =	vld.idx.msk [tilespmem:v23+s2+$0x0], $0xffff;
	v14 =	vmin.u32 v14, $0xB;
	v23 =	vnsel vm2, $0x0, v25  }
.LBB2_12:
0x21f: {  	v24 =	vld [tilespmem:s17+$0xFFFFFFC0];
	s16 =	sadd.s32 $0x8, s16;
	v16 =	vsel vm1, v1, v16;
	v22 =	vmin.u32 v22, $0xB;
	v13 =	vcvt.f32.s32 v13;
	s15 =	sadd.s32 $0x100, s15  }
0x220: {  	vm1 =	vlt.f32 v9, $9.999999930e-09;
	v25 =	vld [tilespmem:s17+$0xFFFFFFE0];
	p0 =	slt.u32 s16, $0x318;
	[tilespmem:v12+s10+$0x0] =	vst.idx.msk $0xffff, v19;
	v12 =	vadd.s32 $0xC, v16;
	v9 =	vadd.s32 v1, v22  }
0x221: {  	v19 =	vld.idx.msk [tilespmem:v20+s2+$0x0], $0xffff;
	[tilespmem:v11+s10+$0x0] =	vst.idx.msk $0xffff, v18;
	v11 =	vmin.u32 v23, $0xB;
	v18 =	vsel vm0, v1, v9;
	v13 =	vadd.s32 $0x1, v13  }
0x222: {  	v9 =	vld [tilespmem:s17+$0x10];
	v11 =	vadd.s32 v1, v11;
	v20 =	vadd.s32 $0xC, v18;
	vm0 =	vgt.s32 v13, $0x0  }
0x223: {  	[tilespmem:v10+s10+$0x0] =	vst.idx.msk $0xffff, v17;
	v10 =	vor.u32 s13, v2;
	v17 =	vld.idx.msk [tilespmem:v21+s2+$0x0], $0xffff;
	v11 =	vsel vm1, v1, v11;
	v13 =	vnsel vm0, $0x0, v13  }
0x224: {  	v21 =	vor.u32 s12, v3;
	s12 =	sadd.s32 $0xFFFFFF80, s14;
	v16 =	vld.idx.msk [tilespmem:v16+s2+$0x0], $0xffff;
	v22 =	vadd.s32 $0xC, v11;
	v13 =	vmin.u32 v13, $0xB  }
0x225: {  	vm0 =	vlt.f32 v6, $9.999999930e-09;
	v23 =	vor.u32 s12, v0;
	v12 =	vld.idx.msk [tilespmem:v12+s2+$0x0], $0xffff;
	v13 =	vadd.s32 v1, v13  }
0x226: {  	s13 =	sadd.s32 $0xFFFFFFC0, s14;
	v26 =	vor.u32 s12, v5;
	s12 =	sadd.s32 $0xFFFFFFE0, s14;
	v6 =	vld [tilespmem:s17+$0x30];
	v27 =	vsel vm0, v1, v13  }
0x227: {  	s18 =	sadd.s32 $0xFFFFFFA0, s14;
	v28 =	vor.u32 s12, v4;
	v13 =	vld [tilespmem:s17+$0x20];
	[tilespmem:v7+s10+$0x0] =	vst.idx.msk $0xffff, v19;
	v19 =	vor.u32 s13, v3;
	v29 =	vadd.s32 $0xC, v27  }
0x228: {  	v31 =	vor.u32 s18, v2;
	v32 =	vor.u32 s12, v0;
	v30 =	vld [tilespmem:s17+$0xFFFFFFD0];
	[tilespmem:v10+s10+$0x0] =	vst.idx.msk $0xffff, v15;
	v15 =	vor.u32 s18, v0  }
0x229: {  	v34 =	vor.u32 s14, v5;
	s12 =	sadd.s32 $0xFFFFFF40, s15;
	v33 =	vld [tilespmem:s17+$0xFFFFFFF0];
	[tilespmem:v21+s10+$0x0] =	vst.idx.msk $0xffff, v17;
	v17 =	vor.u32 s13, v0;
	v21 =	vor.u32 s14, v0;
	s14 =	smov.u32 s15  }
0x22a: {  	v14 =	vadd.s32 v1, v14;
	vm0 =	vlt.f32 v8, $9.999999930e-09;
	v7 =	vor.u32 s12, v0;
	s13 =	sadd.s32 $0xFFFFFF20, s15;
	[tilespmem:v23+s10+$0x0] =	vst.idx.msk $0xffff, v16;
	v8 =	vld [tilespmem:s17+$0x0]  }
0x22b: {  	v14 =	vsel vm0, v1, v14;
	v10 =	vor.u32 s13, v0;
	v16 =	vmul.f32 $1.000000000e+01, v6;
	[tilespmem:v26+s10+$0x0] =	vst.idx.msk $0xffff, v12;
	v22 =	vld.idx.msk [tilespmem:v22+s2+$0x0], $0xffff  }
0x22c: {  	v12 =	vmul.f32 $1.000000000e+01, v25;
	v26 =	vadd.s32 $0xC, v14;
	v23 =	vmul.f32 $1.000000000e+01, v13;
	v35 =	vld.idx.msk [tilespmem:v11+s2+$0x0], $0xffff  }
0x22d: {  	vm0 =	vlt.f32 v13, $9.999999930e-09;
	v11 =	vmul.f32 $1.000000000e+01, v30;
	v13 =	vtrunc.f32 v16;
	v16 =	vld.idx.msk [tilespmem:v27+s2+$0x0], $0xffff  }
0x22e: {  	vm3 =	vlt.f32 v24, $9.999999930e-09;
	s18 =	sadd.s32 $0xFFFFFF60, s15;
	v27 =	vtrunc.f32 v12;
	v23 =	vtrunc.f32 v23;
	v18 =	vld.idx.msk [tilespmem:v18+s2+$0x0], $0xffff  }
0x22f: {  	v12 =	vor.u32 s18, v0;
	v37 =	vmul.f32 $1.000000000e+01, v33;
	v36 =	vtrunc.f32 v11;
	v29 =	vld.idx.msk [tilespmem:v29+s2+$0x0], $0xffff  }
0x230: {  	v38 =	vmul.f32 $1.000000000e+01, v9;
	v27 =	vcvt.f32.s32 v27;
	v11 =	vor.u32 s18, v4;
	v14 =	vld.idx.msk [tilespmem:v14+s2+$0x0], $0xffff  }
0x231: {  	v24 =	vmul.f32 $1.000000000e+01, v24;
	vm2 =	vlt.f32 v30, $9.999999930e-09;
	v30 =	vtrunc.f32 v37;
	v26 =	vld.idx.msk [tilespmem:v26+s2+$0x0], $0xffff  }
0x232: {  	vm4 =	vlt.f32 v25, $9.999999930e-09;
	v25 =	vadd.s32 $0x1, v27;
	v27 =	vcvt.f32.s32 v30;
	[tilespmem:v17+s10+$0x0] =	vst.idx.msk $0xffff, v35;
	v17 =	vld.idx.msk [tilespmem:v20+s2+$0x0], $0xffff  }
0x233: {  	vm1 =	vlt.f32 v33, $9.999999930e-09;
	v20 =	vtrunc.f32 v24;
	v24 =	vcvt.f32.s32 v36;
	[tilespmem:v21+s10+$0x0] =	vst.idx.msk $0xffff, v16  }
0x234: {  	vm5 =	vgt.s32 v25, $0x0;
	v16 =	vcvt.f32.s32 v20;
	v20 =	vadd.s32 $0x1, v27;
	[tilespmem:v32+s10+$0x0] =	vst.idx.msk $0xffff, v18  }
0x235: {  	v21 =	vnsel vm5, $0x0, v25;
	v18 =	vadd.s32 $0x1, v24;
	vm5 =	vgt.s32 v20, $0x0;
	[tilespmem:v34+s10+$0x0] =	vst.idx.msk $0xffff, v29  }
0x236: {  	v21 =	vmin.u32 v21, $0xB;
	v16 =	vadd.s32 $0x1, v16;
	v20 =	vnsel vm5, $0x0, v20;
	[tilespmem:v15+s10+$0x0] =	vst.idx.msk $0xffff, v14  }
0x237: {  	vm5 =	vgt.s32 v16, $0x0;
	v14 =	vadd.s32 v1, v21;
	v15 =	vmin.u32 v20, $0xB;
	[tilespmem:v31+s10+$0x0] =	vst.idx.msk $0xffff, v26  }
0x238: {  	v20 =	vnsel vm5, $0x0, v16;
	v14 =	vsel vm4, v1, v14;
	v16 =	vadd.s32 v1, v15;
	[tilespmem:v19+s10+$0x0] =	vst.idx.msk $0xffff, v22  }
0x239: {  	v15 =	vmin.u32 v20, $0xB;
	v20 =	vadd.s32 $0xC, v14;
	v19 =	vmul.f32 $1.000000000e+01, v8;
	[tilespmem:v28+s10+$0x0] =	vst.idx.msk $0xffff, v17  }
0x23a: {  	vm4 =	vgt.s32 v18, $0x0;
	v15 =	vadd.s32 v1, v15;
	v17 =	vcvt.f32.s32 v23  }
0x23b: {  	v18 =	vnsel vm4, $0x0, v18;
	v15 =	vsel vm3, v1, v15;
	v19 =	vtrunc.f32 v19  }
0x23c: {  	v23 =	vtrunc.f32 v38;
	v21 =	vadd.s32 $0xC, v15;
	v22 =	vcvt.f32.s32 v19  }
.Ltmp5:
0x23d: {  	v18 =	vmin.u32 v18, $0xB;
	v19 =	vld.idx.msk [tilespmem:v14+s2+$0x0], $0xffff;
	v14 =	vcvt.f32.s32 v23;
	v23 =	vadd.s32 $0x1, v17;
	(pc) =	sbr.rel @p0 .LBB2_12-.Ltmp5, $4  }
0x23e: {  	v17 =	vadd.s32 v1, v18;
	v22 =	vadd.s32 $0x1, v22;
	v18 =	vld.idx.msk [tilespmem:v20+s2+$0x0], $0xffff;
	vm3 =	vgt.s32 v23, $0x0  }
0x23f: {  	v20 =	vsel vm2, v1, v17;
	vm2 =	vgt.s32 v22, $0x0;
	v24 =	vadd.s32 $0x1, v14  }
0x240: {  	v14 =	vnsel vm2, $0x0, v22;
	v22 =	vnsel vm3, $0x0, v23;
	v17 =	vld.idx.msk [tilespmem:v15+s2+$0x0], $0xffff;
	vm2 =	vgt.s32 v24, $0x0  }
0x241: {  	s17 =	sadd.s32 $0x80, s17;
	v14 =	vmin.u32 v14, $0xB;
	v15 =	vld.idx.msk [tilespmem:v21+s2+$0x0], $0xffff;
	v21 =	vadd.s32 $0xC, v20;
	v23 =	vnsel vm2, $0x0, v24  }
0x242: {  	v13 =	vcvt.f32.s32 v13;
	_ =	sdelay $0x1  }
0x243: {  	v16 =	vsel vm1, v1, v16;
	v23 =	vmin.u32 v23, $0xB;
	v13 =	vadd.s32 $0x1, v13  }
0x244: {  	vm1 =	vlt.f32 v9, $9.999999930e-09;
	v9 =	vadd.s32 v1, v23;
	vm2 =	vgt.s32 v13, $0x0  }
0x245: {  	v20 =	vld.idx.msk [tilespmem:v20+s2+$0x0], $0xffff;
	v9 =	vsel vm1, v1, v9;
	v13 =	vnsel vm2, $0x0, v13  }
0x246: {  	v22 =	vmin.u32 v22, $0xB;
	v13 =	vmin.u32 v13, $0xB  }
0x247: {  	v23 =	vadd.s32 $0xC, v16;
	vm1 =	vlt.f32 v6, $9.999999930e-09;
	v6 =	vadd.s32 v1, v13  }
0x248: {  	v21 =	vld.idx.msk [tilespmem:v21+s2+$0x0], $0xffff;
	s16 =	sadd.s32 $0xFFFFFF80, s14;
	v13 =	vadd.s32 v1, v22;
	v22 =	vor.u32 s13, v2;
	v6 =	vsel vm1, v1, v6  }
0x249: {  	[tilespmem:v12+s10+$0x0] =	vst.idx.msk $0xffff, v19;
	s17 =	sadd.s32 $0xFFFFFFC0, s14;
	v19 =	vor.u32 s16, v0;
	v16 =	vld.idx.msk [tilespmem:v16+s2+$0x0], $0xffff;
	v12 =	vsel vm0, v1, v13  }
0x24a: {  	v24 =	vadd.s32 $0xC, v9;
	[tilespmem:v7+s10+$0x0] =	vst.idx.msk $0xffff, v20;
	v7 =	vor.u32 s17, v0;
	v13 =	vor.u32 s12, v3;
	v9 =	vld.idx.msk [tilespmem:v9+s2+$0x0], $0xffff  }
0x24b: {  	[tilespmem:v11+s10+$0x0] =	vst.idx.msk $0xffff, v18;
	vm0 =	vlt.f32 v8, $9.999999930e-09;
	v8 =	vadd.s32 v1, v14;
	v18 =	vadd.s32 $0xC, v6  }
0x24c: {  	[tilespmem:v10+s10+$0x0] =	vst.idx.msk $0xffff, v17;
	v10 =	vor.u32 s16, v5;
	v11 =	vld.idx.msk [tilespmem:v23+s2+$0x0], $0xffff;
	v8 =	vsel vm0, v1, v8  }
0x24d: {  	s18 =	sadd.s32 $0xFFFFFFE0, s14;
	v17 =	vadd.s32 $0xC, v8;
	[tilespmem:v22+s10+$0x0] =	vst.idx.msk $0xffff, v15;
	v15 =	vor.u32 s14, v0;
	v6 =	vld.idx.msk [tilespmem:v6+s2+$0x0], $0xffff  }
0x24e: {  	v20 =	vadd.s32 $0xC, v12;
	[tilespmem:v19+s10+$0x0] =	vst.idx.msk $0xffff, v16;
	v22 =	vor.u32 s18, v0;
	v12 =	vld.idx.msk [tilespmem:v12+s2+$0x0], $0xffff  }
0x24f: {  	v14 =	vld.idx.msk [tilespmem:v24+s2+$0x0], $0xffff;
	[tilespmem:v7+s10+$0x0] =	vst.idx.msk $0xffff, v9;
	v7 =	vor.u32 s17, v3  }
0x250: {  	s15 =	sadd.s32 $0xFFFFFFA0, s14;
	[tilespmem:v13+s10+$0x0] =	vst.idx.msk $0xffff, v21;
	v13 =	vor.u32 s14, v5;
	v16 =	vld.idx.msk [tilespmem:v18+s2+$0x0], $0xffff  }
0x251: {  	[tilespmem:v10+s10+$0x0] =	vst.idx.msk $0xffff, v11;
	v18 =	vor.u32 s15, v0;
	v8 =	vld.idx.msk [tilespmem:v8+s2+$0x0], $0xffff  }
0x252: {  	v10 =	vor.u32 s15, v2;
	v11 =	vld.idx.msk [tilespmem:v17+s2+$0x0], $0xffff;
	[tilespmem:v15+s10+$0x0] =	vst.idx.msk $0xffff, v6  }
0x253: {  	v9 =	vld.idx.msk [tilespmem:v20+s2+$0x0], $0xffff;
	v6 =	vor.u32 s18, v4;
	[tilespmem:v22+s10+$0x0] =	vst.idx.msk $0xffff, v12  }
0x254: {  	[tilespmem:v7+s10+$0x0] =	vst.idx.msk $0xffff, v14  }
0x255: {  	[tilespmem:v13+s10+$0x0] =	vst.idx.msk $0xffff, v16  }
0x256: {  	[tilespmem:v18+s10+$0x0] =	vst.idx.msk $0xffff, v8  }
0x257: {  	[tilespmem:v10+s10+$0x0] =	vst.idx.msk $0xffff, v11  }
0x258: {  	[tilespmem:v6+s10+$0x0] =	vst.idx.msk $0xffff, v9  }
0x259: {  	[hbm4b:s26+s2] =	stream.linear.scatter [tilespmem:s10], [sflag:$0x1], $0x6400, $0x38;
	[tilespmem:$0x9680] =	vst v63  }
0x25a: {  	_ =	swait.ge [sflag:s8], $0x6400  }
0x25b: {  	[sflag:s8] =	ssyncset.done $0x0  }
0x25c: {  	s16 =	rddreg [dreg:$0xe];
	[sflag:s8] =	ssyncadd.s32 $0xFFFF9C00  }
0x25d: {  	[tilespmem:s9], [sflag:$0x1] =	stream.linear.gather [hbm4b:s16+s2], $0x3200, $0x38;
	[tilespmem:$0x9680] =	vst v63  }
0x25e: {  	_ =	swait.ge [sflag:s8], $0x3200  }
0x25f: {  	[sflag:s8] =	ssyncset.done $0x0  }
0x260: {  	s17 =	simm.s32 $0xC0;
	[sflag:s8] =	ssyncadd.s32 $0xFFFFCE00  }
0x261: {  	v8 =	vld [tilespmem:s17+$0xFFFFFFE0]  }
0x262: {  	v6 =	vld [tilespmem:s17+$0x30]  }
0x263: {  	v11 =	vld [tilespmem:s17+$0x20]  }
0x264: {  	v14 =	vld [tilespmem:s17+$0xFFFFFFD0]  }
0x265: {  	v15 =	vld [tilespmem:s17+$0xFFFFFFC0]  }
0x266: {  	v9 =	vld [tilespmem:s17+$0x10];
	_ =	sdelay $0x2  }
0x267: {  	s12 =	simm.s32 $0x20;
	v16 =	vld [tilespmem:s17+$0xFFFFFFF0];
	v12 =	vmul.f32 $1.000000000e+01, v6;
	v17 =	vmul.f32 $1.000000000e+01, v8  }
0x268: {  	v7 =	vor.u32 s12, v0;
	v18 =	vmul.f32 $1.000000000e+01, v11;
	v19 =	vmul.f32 $1.000000000e+01, v14  }
0x269: {  	vm3 =	vlt.f32 v15, $9.999999930e-09;
	v21 =	vmul.f32 $1.000000000e+01, v9;
	v15 =	vmul.f32 $1.000000000e+01, v15  }
0x26a: {  	s13 =	simm.s32 $0x0;
	vm0 =	vlt.f32 v11, $9.999999930e-09;
	v13 =	vtrunc.f32 v12;
	v11 =	vtrunc.f32 v17  }
0x26b: {  	v10 =	vor.u32 s13, v0;
	v17 =	vtrunc.f32 v18;
	v18 =	vtrunc.f32 v19  }
0x26c: {  	vm2 =	vlt.f32 v14, $9.999999930e-09;
	v19 =	vmul.f32 $1.000000000e+01, v16;
	v15 =	vtrunc.f32 v15  }
0x26d: {  	vm4 =	vlt.f32 v8, $9.999999930e-09;
	v8 =	vld [tilespmem:s17+$0x0];
	v21 =	vtrunc.f32 v21;
	v20 =	vcvt.f32.s32 v11  }
0x26e: {  	s18 =	simm.s32 $0x40;
	vm1 =	vlt.f32 v16, $9.999999930e-09;
	v18 =	vcvt.f32.s32 v18;
	v14 =	vtrunc.f32 v19  }
0x26f: {  	v12 =	vor.u32 s18, v0;
	v15 =	vcvt.f32.s32 v15;
	v14 =	vcvt.f32.s32 v14  }
0x270: {  	v17 =	vcvt.f32.s32 v17;
	v19 =	vadd.s32 $0x1, v20;
	v18 =	vadd.s32 $0x1, v18  }
0x271: {  	v15 =	vadd.s32 $0x1, v15;
	vm5 =	vgt.s32 v19, $0x0;
	v14 =	vadd.s32 $0x1, v14  }
0x272: {  	v20 =	vmul.f32 $1.000000000e+01, v8;
	v16 =	vnsel vm5, $0x0, v19;
	vm13 =	vgt.s32 v14, $0x0  }
0x273: {  	vm14 =	vgt.s32 v15, $0x0;
	v16 =	vmin.u32 v16, $0xB;
	v14 =	vnsel vm13, $0x0, v14  }
0x274: {  	v15 =	vnsel vm14, $0x0, v15;
	v16 =	vadd.s32 v1, v16;
	v14 =	vmin.u32 v14, $0xB  }
0x275: {  	v19 =	vsel vm4, v1, v16;
	v16 =	vadd.s32 v1, v14;
	v14 =	vmin.u32 v15, $0xB  }
0x276: {  	vm15 =	vgt.s32 v18, $0x0;
	v15 =	vadd.s32 $0xC, v19;
	v14 =	vadd.s32 v1, v14  }
0x277: {  	v18 =	vnsel vm15, $0x0, v18;
	v20 =	vtrunc.f32 v20;
	v14 =	vsel vm3, v1, v14  }
0x278: {  	v20 =	vcvt.f32.s32 v20;
	v18 =	vmin.u32 v18, $0xB;
	v23 =	vadd.s32 $0xC, v14  }
0x279: {  	v21 =	vcvt.f32.s32 v21;
	v22 =	vadd.s32 $0x1, v17;
	v17 =	vadd.s32 v1, v18  }
0x27a: {  	v11 =	vor.u32 s18, v4;
	v63 =	vadd.s32 $0x1, v20;
	v20 =	vsel vm2, v1, v17;
	v19 =	vld.idx.msk [tilespmem:v19+s2+$0x0], $0xffff  }
0x27b: {  	v25 =	vadd.s32 $0x1, v21;
	vm2 =	vgt.s32 v63, $0x0;
	v21 =	vadd.s32 $0xC, v20;
	v18 =	vld.idx.msk [tilespmem:v15+s2+$0x0], $0xffff  }
0x27c: {  	s14 =	simm.s32 $0xE0;
	vm3 =	vgt.s32 v22, $0x0;
	v17 =	vld.idx.msk [tilespmem:v14+s2+$0x0], $0xffff;
	v14 =	vnsel vm2, $0x0, v63;
	vm2 =	vgt.s32 v25, $0x0  }
0x27d: {  	s15 =	simm.s32 $0xE0;
	s16 =	simm.s32 $0x0;
	s17 =	simm.s32 $0x140;
	v22 =	vnsel vm3, $0x0, v22;
	v15 =	vld.idx.msk [tilespmem:v23+s2+$0x0], $0xffff;
	v14 =	vmin.u32 v14, $0xB;
	v23 =	vnsel vm2, $0x0, v25  }
.LBB2_14:
0x27e: {  	v24 =	vld [tilespmem:s17+$0xFFFFFFC0];
	s16 =	sadd.s32 $0x8, s16;
	v16 =	vsel vm1, v1, v16;
	v22 =	vmin.u32 v22, $0xB;
	v13 =	vcvt.f32.s32 v13;
	s15 =	sadd.s32 $0x100, s15  }
0x27f: {  	vm1 =	vlt.f32 v9, $9.999999930e-09;
	v25 =	vld [tilespmem:s17+$0xFFFFFFE0];
	p0 =	slt.u32 s16, $0x318;
	[tilespmem:v12+s10+$0x0] =	vst.idx.msk $0xffff, v19;
	v12 =	vadd.s32 $0xC, v16;
	v9 =	vadd.s32 v1, v22  }
0x280: {  	v19 =	vld.idx.msk [tilespmem:v20+s2+$0x0], $0xffff;
	[tilespmem:v11+s10+$0x0] =	vst.idx.msk $0xffff, v18;
	v11 =	vmin.u32 v23, $0xB;
	v18 =	vsel vm0, v1, v9;
	v13 =	vadd.s32 $0x1, v13  }
0x281: {  	v9 =	vld [tilespmem:s17+$0x10];
	v11 =	vadd.s32 v1, v11;
	v20 =	vadd.s32 $0xC, v18;
	vm0 =	vgt.s32 v13, $0x0  }
0x282: {  	[tilespmem:v10+s10+$0x0] =	vst.idx.msk $0xffff, v17;
	v10 =	vor.u32 s13, v2;
	v17 =	vld.idx.msk [tilespmem:v21+s2+$0x0], $0xffff;
	v11 =	vsel vm1, v1, v11;
	v13 =	vnsel vm0, $0x0, v13  }
0x283: {  	v21 =	vor.u32 s12, v3;
	s12 =	sadd.s32 $0xFFFFFF80, s14;
	v16 =	vld.idx.msk [tilespmem:v16+s2+$0x0], $0xffff;
	v22 =	vadd.s32 $0xC, v11;
	v13 =	vmin.u32 v13, $0xB  }
0x284: {  	vm0 =	vlt.f32 v6, $9.999999930e-09;
	v23 =	vor.u32 s12, v0;
	v12 =	vld.idx.msk [tilespmem:v12+s2+$0x0], $0xffff;
	v13 =	vadd.s32 v1, v13  }
0x285: {  	s13 =	sadd.s32 $0xFFFFFFC0, s14;
	v26 =	vor.u32 s12, v5;
	s12 =	sadd.s32 $0xFFFFFFE0, s14;
	v6 =	vld [tilespmem:s17+$0x30];
	v27 =	vsel vm0, v1, v13  }
0x286: {  	s18 =	sadd.s32 $0xFFFFFFA0, s14;
	v28 =	vor.u32 s12, v4;
	v13 =	vld [tilespmem:s17+$0x20];
	[tilespmem:v7+s10+$0x0] =	vst.idx.msk $0xffff, v19;
	v19 =	vor.u32 s13, v3;
	v29 =	vadd.s32 $0xC, v27  }
0x287: {  	v31 =	vor.u32 s18, v2;
	v32 =	vor.u32 s12, v0;
	v30 =	vld [tilespmem:s17+$0xFFFFFFD0];
	[tilespmem:v10+s10+$0x0] =	vst.idx.msk $0xffff, v15;
	v15 =	vor.u32 s18, v0  }
0x288: {  	v34 =	vor.u32 s14, v5;
	s12 =	sadd.s32 $0xFFFFFF40, s15;
	v33 =	vld [tilespmem:s17+$0xFFFFFFF0];
	[tilespmem:v21+s10+$0x0] =	vst.idx.msk $0xffff, v17;
	v17 =	vor.u32 s13, v0;
	v21 =	vor.u32 s14, v0;
	s14 =	smov.u32 s15  }
0x289: {  	v14 =	vadd.s32 v1, v14;
	vm0 =	vlt.f32 v8, $9.999999930e-09;
	v7 =	vor.u32 s12, v0;
	s13 =	sadd.s32 $0xFFFFFF20, s15;
	[tilespmem:v23+s10+$0x0] =	vst.idx.msk $0xffff, v16;
	v8 =	vld [tilespmem:s17+$0x0]  }
0x28a: {  	v14 =	vsel vm0, v1, v14;
	v10 =	vor.u32 s13, v0;
	v16 =	vmul.f32 $1.000000000e+01, v6;
	[tilespmem:v26+s10+$0x0] =	vst.idx.msk $0xffff, v12;
	v22 =	vld.idx.msk [tilespmem:v22+s2+$0x0], $0xffff  }
0x28b: {  	v12 =	vmul.f32 $1.000000000e+01, v25;
	v26 =	vadd.s32 $0xC, v14;
	v23 =	vmul.f32 $1.000000000e+01, v13;
	v35 =	vld.idx.msk [tilespmem:v11+s2+$0x0], $0xffff  }
0x28c: {  	vm0 =	vlt.f32 v13, $9.999999930e-09;
	v11 =	vmul.f32 $1.000000000e+01, v30;
	v13 =	vtrunc.f32 v16;
	v16 =	vld.idx.msk [tilespmem:v27+s2+$0x0], $0xffff  }
0x28d: {  	vm3 =	vlt.f32 v24, $9.999999930e-09;
	s18 =	sadd.s32 $0xFFFFFF60, s15;
	v27 =	vtrunc.f32 v12;
	v23 =	vtrunc.f32 v23;
	v18 =	vld.idx.msk [tilespmem:v18+s2+$0x0], $0xffff  }
0x28e: {  	v12 =	vor.u32 s18, v0;
	v37 =	vmul.f32 $1.000000000e+01, v33;
	v36 =	vtrunc.f32 v11;
	v29 =	vld.idx.msk [tilespmem:v29+s2+$0x0], $0xffff  }
0x28f: {  	v38 =	vmul.f32 $1.000000000e+01, v9;
	v27 =	vcvt.f32.s32 v27;
	v11 =	vor.u32 s18, v4;
	v14 =	vld.idx.msk [tilespmem:v14+s2+$0x0], $0xffff  }
0x290: {  	v24 =	vmul.f32 $1.000000000e+01, v24;
	vm2 =	vlt.f32 v30, $9.999999930e-09;
	v30 =	vtrunc.f32 v37;
	v26 =	vld.idx.msk [tilespmem:v26+s2+$0x0], $0xffff  }
0x291: {  	vm4 =	vlt.f32 v25, $9.999999930e-09;
	v25 =	vadd.s32 $0x1, v27;
	v27 =	vcvt.f32.s32 v30;
	[tilespmem:v17+s10+$0x0] =	vst.idx.msk $0xffff, v35;
	v17 =	vld.idx.msk [tilespmem:v20+s2+$0x0], $0xffff  }
0x292: {  	vm1 =	vlt.f32 v33, $9.999999930e-09;
	v20 =	vtrunc.f32 v24;
	v24 =	vcvt.f32.s32 v36;
	[tilespmem:v21+s10+$0x0] =	vst.idx.msk $0xffff, v16  }
0x293: {  	vm5 =	vgt.s32 v25, $0x0;
	v16 =	vcvt.f32.s32 v20;
	v20 =	vadd.s32 $0x1, v27;
	[tilespmem:v32+s10+$0x0] =	vst.idx.msk $0xffff, v18  }
0x294: {  	v21 =	vnsel vm5, $0x0, v25;
	v18 =	vadd.s32 $0x1, v24;
	vm5 =	vgt.s32 v20, $0x0;
	[tilespmem:v34+s10+$0x0] =	vst.idx.msk $0xffff, v29  }
0x295: {  	v21 =	vmin.u32 v21, $0xB;
	v16 =	vadd.s32 $0x1, v16;
	v20 =	vnsel vm5, $0x0, v20;
	[tilespmem:v15+s10+$0x0] =	vst.idx.msk $0xffff, v14  }
0x296: {  	vm5 =	vgt.s32 v16, $0x0;
	v14 =	vadd.s32 v1, v21;
	v15 =	vmin.u32 v20, $0xB;
	[tilespmem:v31+s10+$0x0] =	vst.idx.msk $0xffff, v26  }
0x297: {  	v20 =	vnsel vm5, $0x0, v16;
	v14 =	vsel vm4, v1, v14;
	v16 =	vadd.s32 v1, v15;
	[tilespmem:v19+s10+$0x0] =	vst.idx.msk $0xffff, v22  }
0x298: {  	v15 =	vmin.u32 v20, $0xB;
	v20 =	vadd.s32 $0xC, v14;
	v19 =	vmul.f32 $1.000000000e+01, v8;
	[tilespmem:v28+s10+$0x0] =	vst.idx.msk $0xffff, v17  }
0x299: {  	vm4 =	vgt.s32 v18, $0x0;
	v15 =	vadd.s32 v1, v15;
	v17 =	vcvt.f32.s32 v23  }
0x29a: {  	v18 =	vnsel vm4, $0x0, v18;
	v15 =	vsel vm3, v1, v15;
	v19 =	vtrunc.f32 v19  }
0x29b: {  	v23 =	vtrunc.f32 v38;
	v21 =	vadd.s32 $0xC, v15;
	v22 =	vcvt.f32.s32 v19  }
.Ltmp6:
0x29c: {  	v18 =	vmin.u32 v18, $0xB;
	v19 =	vld.idx.msk [tilespmem:v14+s2+$0x0], $0xffff;
	v14 =	vcvt.f32.s32 v23;
	v23 =	vadd.s32 $0x1, v17;
	(pc) =	sbr.rel @p0 .LBB2_14-.Ltmp6, $4  }
0x29d: {  	v17 =	vadd.s32 v1, v18;
	v22 =	vadd.s32 $0x1, v22;
	v18 =	vld.idx.msk [tilespmem:v20+s2+$0x0], $0xffff;
	vm3 =	vgt.s32 v23, $0x0  }
0x29e: {  	v20 =	vsel vm2, v1, v17;
	vm2 =	vgt.s32 v22, $0x0;
	v24 =	vadd.s32 $0x1, v14  }
0x29f: {  	v14 =	vnsel vm2, $0x0, v22;
	v22 =	vnsel vm3, $0x0, v23;
	v17 =	vld.idx.msk [tilespmem:v15+s2+$0x0], $0xffff;
	vm2 =	vgt.s32 v24, $0x0  }
0x2a0: {  	s17 =	sadd.s32 $0x80, s17;
	v14 =	vmin.u32 v14, $0xB;
	v15 =	vld.idx.msk [tilespmem:v21+s2+$0x0], $0xffff;
	v21 =	vadd.s32 $0xC, v20;
	v23 =	vnsel vm2, $0x0, v24  }
0x2a1: {  	v13 =	vcvt.f32.s32 v13;
	_ =	sdelay $0x1  }
0x2a2: {  	v16 =	vsel vm1, v1, v16;
	v23 =	vmin.u32 v23, $0xB;
	v13 =	vadd.s32 $0x1, v13  }
0x2a3: {  	vm1 =	vlt.f32 v9, $9.999999930e-09;
	v9 =	vadd.s32 v1, v23;
	vm2 =	vgt.s32 v13, $0x0  }
0x2a4: {  	v20 =	vld.idx.msk [tilespmem:v20+s2+$0x0], $0xffff;
	v9 =	vsel vm1, v1, v9;
	v13 =	vnsel vm2, $0x0, v13  }
0x2a5: {  	v22 =	vmin.u32 v22, $0xB;
	v13 =	vmin.u32 v13, $0xB  }
0x2a6: {  	v23 =	vadd.s32 $0xC, v16;
	vm1 =	vlt.f32 v6, $9.999999930e-09;
	v6 =	vadd.s32 v1, v13  }
0x2a7: {  	v21 =	vld.idx.msk [tilespmem:v21+s2+$0x0], $0xffff;
	s16 =	sadd.s32 $0xFFFFFF80, s14;
	v13 =	vadd.s32 v1, v22;
	v22 =	vor.u32 s13, v2;
	v6 =	vsel vm1, v1, v6  }
0x2a8: {  	[tilespmem:v12+s10+$0x0] =	vst.idx.msk $0xffff, v19;
	s17 =	sadd.s32 $0xFFFFFFC0, s14;
	v19 =	vor.u32 s16, v0;
	v16 =	vld.idx.msk [tilespmem:v16+s2+$0x0], $0xffff;
	v12 =	vsel vm0, v1, v13  }
0x2a9: {  	v24 =	vadd.s32 $0xC, v9;
	[tilespmem:v7+s10+$0x0] =	vst.idx.msk $0xffff, v20;
	v7 =	vor.u32 s17, v0;
	v13 =	vor.u32 s12, v3;
	v9 =	vld.idx.msk [tilespmem:v9+s2+$0x0], $0xffff  }
0x2aa: {  	[tilespmem:v11+s10+$0x0] =	vst.idx.msk $0xffff, v18;
	vm0 =	vlt.f32 v8, $9.999999930e-09;
	v8 =	vadd.s32 v1, v14;
	v18 =	vadd.s32 $0xC, v6  }
0x2ab: {  	[tilespmem:v10+s10+$0x0] =	vst.idx.msk $0xffff, v17;
	v10 =	vor.u32 s16, v5;
	v11 =	vld.idx.msk [tilespmem:v23+s2+$0x0], $0xffff;
	v8 =	vsel vm0, v1, v8  }
0x2ac: {  	s18 =	sadd.s32 $0xFFFFFFE0, s14;
	v17 =	vadd.s32 $0xC, v8;
	[tilespmem:v22+s10+$0x0] =	vst.idx.msk $0xffff, v15;
	v15 =	vor.u32 s14, v0;
	v6 =	vld.idx.msk [tilespmem:v6+s2+$0x0], $0xffff  }
0x2ad: {  	v20 =	vadd.s32 $0xC, v12;
	[tilespmem:v19+s10+$0x0] =	vst.idx.msk $0xffff, v16;
	v22 =	vor.u32 s18, v0;
	v12 =	vld.idx.msk [tilespmem:v12+s2+$0x0], $0xffff  }
0x2ae: {  	v14 =	vld.idx.msk [tilespmem:v24+s2+$0x0], $0xffff;
	[tilespmem:v7+s10+$0x0] =	vst.idx.msk $0xffff, v9;
	v7 =	vor.u32 s17, v3  }
0x2af: {  	s15 =	sadd.s32 $0xFFFFFFA0, s14;
	[tilespmem:v13+s10+$0x0] =	vst.idx.msk $0xffff, v21;
	v13 =	vor.u32 s14, v5;
	v16 =	vld.idx.msk [tilespmem:v18+s2+$0x0], $0xffff  }
0x2b0: {  	[tilespmem:v10+s10+$0x0] =	vst.idx.msk $0xffff, v11;
	v18 =	vor.u32 s15, v0;
	v8 =	vld.idx.msk [tilespmem:v8+s2+$0x0], $0xffff  }
0x2b1: {  	v10 =	vor.u32 s15, v2;
	v11 =	vld.idx.msk [tilespmem:v17+s2+$0x0], $0xffff;
	[tilespmem:v15+s10+$0x0] =	vst.idx.msk $0xffff, v6  }
0x2b2: {  	v9 =	vld.idx.msk [tilespmem:v20+s2+$0x0], $0xffff;
	v6 =	vor.u32 s18, v4;
	[tilespmem:v22+s10+$0x0] =	vst.idx.msk $0xffff, v12  }
0x2b3: {  	[tilespmem:v7+s10+$0x0] =	vst.idx.msk $0xffff, v14  }
0x2b4: {  	[tilespmem:v13+s10+$0x0] =	vst.idx.msk $0xffff, v16  }
0x2b5: {  	[tilespmem:v18+s10+$0x0] =	vst.idx.msk $0xffff, v8  }
0x2b6: {  	[tilespmem:v10+s10+$0x0] =	vst.idx.msk $0xffff, v11  }
0x2b7: {  	[tilespmem:v6+s10+$0x0] =	vst.idx.msk $0xffff, v9  }
0x2b8: {  	[hbm4b:s28+s2] =	stream.linear.scatter [tilespmem:s10], [sflag:$0x1], $0x6400, $0x38;
	[tilespmem:$0x9680] =	vst v63  }
0x2b9: {  	_ =	swait.ge [sflag:s8], $0x6400  }
0x2ba: {  	[sflag:s8] =	ssyncset.done $0x0  }
0x2bb: {  	s16 =	rddreg [dreg:$0xf];
	[sflag:s8] =	ssyncadd.s32 $0xFFFF9C00  }
0x2bc: {  	[tilespmem:s9], [sflag:$0x1] =	stream.linear.gather [hbm4b:s16+s2], $0x3200, $0x38;
	[tilespmem:$0x9680] =	vst v63  }
0x2bd: {  	_ =	swait.ge [sflag:s8], $0x3200  }
0x2be: {  	[sflag:s8] =	ssyncset.done $0x0  }
0x2bf: {  	s17 =	simm.s32 $0xC0;
	[sflag:s8] =	ssyncadd.s32 $0xFFFFCE00  }
0x2c0: {  	v8 =	vld [tilespmem:s17+$0xFFFFFFE0]  }
0x2c1: {  	v6 =	vld [tilespmem:s17+$0x30]  }
0x2c2: {  	v11 =	vld [tilespmem:s17+$0x20]  }
0x2c3: {  	v14 =	vld [tilespmem:s17+$0xFFFFFFD0]  }
0x2c4: {  	v15 =	vld [tilespmem:s17+$0xFFFFFFC0]  }
0x2c5: {  	v9 =	vld [tilespmem:s17+$0x10];
	_ =	sdelay $0x2  }
0x2c6: {  	s12 =	simm.s32 $0x20;
	v16 =	vld [tilespmem:s17+$0xFFFFFFF0];
	v12 =	vmul.f32 $1.000000000e+01, v6;
	v17 =	vmul.f32 $1.000000000e+01, v8  }
0x2c7: {  	v7 =	vor.u32 s12, v0;
	v18 =	vmul.f32 $1.000000000e+01, v11;
	v19 =	vmul.f32 $1.000000000e+01, v14  }
0x2c8: {  	vm3 =	vlt.f32 v15, $9.999999930e-09;
	v21 =	vmul.f32 $1.000000000e+01, v9;
	v15 =	vmul.f32 $1.000000000e+01, v15  }
0x2c9: {  	s13 =	simm.s32 $0x0;
	vm0 =	vlt.f32 v11, $9.999999930e-09;
	v13 =	vtrunc.f32 v12;
	v11 =	vtrunc.f32 v17  }
0x2ca: {  	v10 =	vor.u32 s13, v0;
	v17 =	vtrunc.f32 v18;
	v18 =	vtrunc.f32 v19  }
0x2cb: {  	vm2 =	vlt.f32 v14, $9.999999930e-09;
	v19 =	vmul.f32 $1.000000000e+01, v16;
	v15 =	vtrunc.f32 v15  }
0x2cc: {  	vm4 =	vlt.f32 v8, $9.999999930e-09;
	v8 =	vld [tilespmem:s17+$0x0];
	v21 =	vtrunc.f32 v21;
	v20 =	vcvt.f32.s32 v11  }
0x2cd: {  	s18 =	simm.s32 $0x40;
	vm1 =	vlt.f32 v16, $9.999999930e-09;
	v18 =	vcvt.f32.s32 v18;
	v14 =	vtrunc.f32 v19  }
0x2ce: {  	v12 =	vor.u32 s18, v0;
	v15 =	vcvt.f32.s32 v15;
	v14 =	vcvt.f32.s32 v14  }
0x2cf: {  	v17 =	vcvt.f32.s32 v17;
	v19 =	vadd.s32 $0x1, v20;
	v18 =	vadd.s32 $0x1, v18  }
0x2d0: {  	v15 =	vadd.s32 $0x1, v15;
	vm5 =	vgt.s32 v19, $0x0;
	v14 =	vadd.s32 $0x1, v14  }
0x2d1: {  	v20 =	vmul.f32 $1.000000000e+01, v8;
	v16 =	vnsel vm5, $0x0, v19;
	vm13 =	vgt.s32 v14, $0x0  }
0x2d2: {  	vm14 =	vgt.s32 v15, $0x0;
	v16 =	vmin.u32 v16, $0xB;
	v14 =	vnsel vm13, $0x0, v14  }
0x2d3: {  	v15 =	vnsel vm14, $0x0, v15;
	v16 =	vadd.s32 v1, v16;
	v14 =	vmin.u32 v14, $0xB  }
0x2d4: {  	v19 =	vsel vm4, v1, v16;
	v16 =	vadd.s32 v1, v14;
	v14 =	vmin.u32 v15, $0xB  }
0x2d5: {  	vm15 =	vgt.s32 v18, $0x0;
	v15 =	vadd.s32 $0xC, v19;
	v14 =	vadd.s32 v1, v14  }
0x2d6: {  	v18 =	vnsel vm15, $0x0, v18;
	v20 =	vtrunc.f32 v20;
	v14 =	vsel vm3, v1, v14  }
0x2d7: {  	v20 =	vcvt.f32.s32 v20;
	v18 =	vmin.u32 v18, $0xB;
	v23 =	vadd.s32 $0xC, v14  }
0x2d8: {  	v21 =	vcvt.f32.s32 v21;
	v22 =	vadd.s32 $0x1, v17;
	v17 =	vadd.s32 v1, v18  }
0x2d9: {  	v11 =	vor.u32 s18, v4;
	v63 =	vadd.s32 $0x1, v20;
	v20 =	vsel vm2, v1, v17;
	v19 =	vld.idx.msk [tilespmem:v19+s2+$0x0], $0xffff  }
0x2da: {  	v25 =	vadd.s32 $0x1, v21;
	vm2 =	vgt.s32 v63, $0x0;
	v21 =	vadd.s32 $0xC, v20;
	v18 =	vld.idx.msk [tilespmem:v15+s2+$0x0], $0xffff  }
0x2db: {  	s14 =	simm.s32 $0xE0;
	vm3 =	vgt.s32 v22, $0x0;
	v17 =	vld.idx.msk [tilespmem:v14+s2+$0x0], $0xffff;
	v14 =	vnsel vm2, $0x0, v63;
	vm2 =	vgt.s32 v25, $0x0  }
0x2dc: {  	s15 =	simm.s32 $0xE0;
	s16 =	simm.s32 $0x0;
	s17 =	simm.s32 $0x140;
	v22 =	vnsel vm3, $0x0, v22;
	v15 =	vld.idx.msk [tilespmem:v23+s2+$0x0], $0xffff;
	v14 =	vmin.u32 v14, $0xB;
	v23 =	vnsel vm2, $0x0, v25  }
.LBB2_16:
0x2dd: {  	v24 =	vld [tilespmem:s17+$0xFFFFFFC0];
	s16 =	sadd.s32 $0x8, s16;
	v16 =	vsel vm1, v1, v16;
	v22 =	vmin.u32 v22, $0xB;
	v13 =	vcvt.f32.s32 v13;
	s15 =	sadd.s32 $0x100, s15  }
0x2de: {  	vm1 =	vlt.f32 v9, $9.999999930e-09;
	v25 =	vld [tilespmem:s17+$0xFFFFFFE0];
	p0 =	slt.u32 s16, $0x318;
	[tilespmem:v12+s10+$0x0] =	vst.idx.msk $0xffff, v19;
	v12 =	vadd.s32 $0xC, v16;
	v9 =	vadd.s32 v1, v22  }
0x2df: {  	v19 =	vld.idx.msk [tilespmem:v20+s2+$0x0], $0xffff;
	[tilespmem:v11+s10+$0x0] =	vst.idx.msk $0xffff, v18;
	v11 =	vmin.u32 v23, $0xB;
	v18 =	vsel vm0, v1, v9;
	v13 =	vadd.s32 $0x1, v13  }
0x2e0: {  	v9 =	vld [tilespmem:s17+$0x10];
	v11 =	vadd.s32 v1, v11;
	v20 =	vadd.s32 $0xC, v18;
	vm0 =	vgt.s32 v13, $0x0  }
0x2e1: {  	[tilespmem:v10+s10+$0x0] =	vst.idx.msk $0xffff, v17;
	v10 =	vor.u32 s13, v2;
	v17 =	vld.idx.msk [tilespmem:v21+s2+$0x0], $0xffff;
	v11 =	vsel vm1, v1, v11;
	v13 =	vnsel vm0, $0x0, v13  }
0x2e2: {  	v21 =	vor.u32 s12, v3;
	s12 =	sadd.s32 $0xFFFFFF80, s14;
	v16 =	vld.idx.msk [tilespmem:v16+s2+$0x0], $0xffff;
	v22 =	vadd.s32 $0xC, v11;
	v13 =	vmin.u32 v13, $0xB  }
0x2e3: {  	vm0 =	vlt.f32 v6, $9.999999930e-09;
	v23 =	vor.u32 s12, v0;
	v12 =	vld.idx.msk [tilespmem:v12+s2+$0x0], $0xffff;
	v13 =	vadd.s32 v1, v13  }
0x2e4: {  	s13 =	sadd.s32 $0xFFFFFFC0, s14;
	v26 =	vor.u32 s12, v5;
	s12 =	sadd.s32 $0xFFFFFFE0, s14;
	v6 =	vld [tilespmem:s17+$0x30];
	v27 =	vsel vm0, v1, v13  }
0x2e5: {  	s18 =	sadd.s32 $0xFFFFFFA0, s14;
	v28 =	vor.u32 s12, v4;
	v13 =	vld [tilespmem:s17+$0x20];
	[tilespmem:v7+s10+$0x0] =	vst.idx.msk $0xffff, v19;
	v19 =	vor.u32 s13, v3;
	v29 =	vadd.s32 $0xC, v27  }
0x2e6: {  	v31 =	vor.u32 s18, v2;
	v32 =	vor.u32 s12, v0;
	v30 =	vld [tilespmem:s17+$0xFFFFFFD0];
	[tilespmem:v10+s10+$0x0] =	vst.idx.msk $0xffff, v15;
	v15 =	vor.u32 s18, v0  }
0x2e7: {  	v34 =	vor.u32 s14, v5;
	s12 =	sadd.s32 $0xFFFFFF40, s15;
	v33 =	vld [tilespmem:s17+$0xFFFFFFF0];
	[tilespmem:v21+s10+$0x0] =	vst.idx.msk $0xffff, v17;
	v17 =	vor.u32 s13, v0;
	v21 =	vor.u32 s14, v0;
	s14 =	smov.u32 s15  }
0x2e8: {  	v14 =	vadd.s32 v1, v14;
	vm0 =	vlt.f32 v8, $9.999999930e-09;
	v7 =	vor.u32 s12, v0;
	s13 =	sadd.s32 $0xFFFFFF20, s15;
	[tilespmem:v23+s10+$0x0] =	vst.idx.msk $0xffff, v16;
	v8 =	vld [tilespmem:s17+$0x0]  }
0x2e9: {  	v14 =	vsel vm0, v1, v14;
	v10 =	vor.u32 s13, v0;
	v16 =	vmul.f32 $1.000000000e+01, v6;
	[tilespmem:v26+s10+$0x0] =	vst.idx.msk $0xffff, v12;
	v22 =	vld.idx.msk [tilespmem:v22+s2+$0x0], $0xffff  }
0x2ea: {  	v12 =	vmul.f32 $1.000000000e+01, v25;
	v26 =	vadd.s32 $0xC, v14;
	v23 =	vmul.f32 $1.000000000e+01, v13;
	v35 =	vld.idx.msk [tilespmem:v11+s2+$0x0], $0xffff  }
0x2eb: {  	vm0 =	vlt.f32 v13, $9.999999930e-09;
	v11 =	vmul.f32 $1.000000000e+01, v30;
	v13 =	vtrunc.f32 v16;
	v16 =	vld.idx.msk [tilespmem:v27+s2+$0x0], $0xffff  }
0x2ec: {  	vm3 =	vlt.f32 v24, $9.999999930e-09;
	s18 =	sadd.s32 $0xFFFFFF60, s15;
	v27 =	vtrunc.f32 v12;
	v23 =	vtrunc.f32 v23;
	v18 =	vld.idx.msk [tilespmem:v18+s2+$0x0], $0xffff  }
0x2ed: {  	v12 =	vor.u32 s18, v0;
	v37 =	vmul.f32 $1.000000000e+01, v33;
	v36 =	vtrunc.f32 v11;
	v29 =	vld.idx.msk [tilespmem:v29+s2+$0x0], $0xffff  }
0x2ee: {  	v38 =	vmul.f32 $1.000000000e+01, v9;
	v27 =	vcvt.f32.s32 v27;
	v11 =	vor.u32 s18, v4;
	v14 =	vld.idx.msk [tilespmem:v14+s2+$0x0], $0xffff  }
0x2ef: {  	v24 =	vmul.f32 $1.000000000e+01, v24;
	vm2 =	vlt.f32 v30, $9.999999930e-09;
	v30 =	vtrunc.f32 v37;
	v26 =	vld.idx.msk [tilespmem:v26+s2+$0x0], $0xffff  }
0x2f0: {  	vm4 =	vlt.f32 v25, $9.999999930e-09;
	v25 =	vadd.s32 $0x1, v27;
	v27 =	vcvt.f32.s32 v30;
	[tilespmem:v17+s10+$0x0] =	vst.idx.msk $0xffff, v35;
	v17 =	vld.idx.msk [tilespmem:v20+s2+$0x0], $0xffff  }
0x2f1: {  	vm1 =	vlt.f32 v33, $9.999999930e-09;
	v20 =	vtrunc.f32 v24;
	v24 =	vcvt.f32.s32 v36;
	[tilespmem:v21+s10+$0x0] =	vst.idx.msk $0xffff, v16  }
0x2f2: {  	vm5 =	vgt.s32 v25, $0x0;
	v16 =	vcvt.f32.s32 v20;
	v20 =	vadd.s32 $0x1, v27;
	[tilespmem:v32+s10+$0x0] =	vst.idx.msk $0xffff, v18  }
0x2f3: {  	v21 =	vnsel vm5, $0x0, v25;
	v18 =	vadd.s32 $0x1, v24;
	vm5 =	vgt.s32 v20, $0x0;
	[tilespmem:v34+s10+$0x0] =	vst.idx.msk $0xffff, v29  }
0x2f4: {  	v21 =	vmin.u32 v21, $0xB;
	v16 =	vadd.s32 $0x1, v16;
	v20 =	vnsel vm5, $0x0, v20;
	[tilespmem:v15+s10+$0x0] =	vst.idx.msk $0xffff, v14  }
0x2f5: {  	vm5 =	vgt.s32 v16, $0x0;
	v14 =	vadd.s32 v1, v21;
	v15 =	vmin.u32 v20, $0xB;
	[tilespmem:v31+s10+$0x0] =	vst.idx.msk $0xffff, v26  }
0x2f6: {  	v20 =	vnsel vm5, $0x0, v16;
	v14 =	vsel vm4, v1, v14;
	v16 =	vadd.s32 v1, v15;
	[tilespmem:v19+s10+$0x0] =	vst.idx.msk $0xffff, v22  }
0x2f7: {  	v15 =	vmin.u32 v20, $0xB;
	v20 =	vadd.s32 $0xC, v14;
	v19 =	vmul.f32 $1.000000000e+01, v8;
	[tilespmem:v28+s10+$0x0] =	vst.idx.msk $0xffff, v17  }
0x2f8: {  	vm4 =	vgt.s32 v18, $0x0;
	v15 =	vadd.s32 v1, v15;
	v17 =	vcvt.f32.s32 v23  }
0x2f9: {  	v18 =	vnsel vm4, $0x0, v18;
	v15 =	vsel vm3, v1, v15;
	v19 =	vtrunc.f32 v19  }
0x2fa: {  	v23 =	vtrunc.f32 v38;
	v21 =	vadd.s32 $0xC, v15;
	v22 =	vcvt.f32.s32 v19  }
.Ltmp7:
0x2fb: {  	v18 =	vmin.u32 v18, $0xB;
	v19 =	vld.idx.msk [tilespmem:v14+s2+$0x0], $0xffff;
	v14 =	vcvt.f32.s32 v23;
	v23 =	vadd.s32 $0x1, v17;
	(pc) =	sbr.rel @p0 .LBB2_16-.Ltmp7, $4  }
0x2fc: {  	v17 =	vadd.s32 v1, v18;
	v22 =	vadd.s32 $0x1, v22;
	v18 =	vld.idx.msk [tilespmem:v20+s2+$0x0], $0xffff;
	vm3 =	vgt.s32 v23, $0x0  }
0x2fd: {  	v20 =	vsel vm2, v1, v17;
	vm2 =	vgt.s32 v22, $0x0;
	v24 =	vadd.s32 $0x1, v14  }
0x2fe: {  	v14 =	vnsel vm2, $0x0, v22;
	v22 =	vnsel vm3, $0x0, v23;
	v17 =	vld.idx.msk [tilespmem:v15+s2+$0x0], $0xffff;
	vm2 =	vgt.s32 v24, $0x0  }
0x2ff: {  	s17 =	sadd.s32 $0x80, s17;
	v14 =	vmin.u32 v14, $0xB;
	v15 =	vld.idx.msk [tilespmem:v21+s2+$0x0], $0xffff;
	v21 =	vadd.s32 $0xC, v20;
	v23 =	vnsel vm2, $0x0, v24  }
0x300: {  	v13 =	vcvt.f32.s32 v13;
	_ =	sdelay $0x1  }
0x301: {  	v16 =	vsel vm1, v1, v16;
	v23 =	vmin.u32 v23, $0xB;
	v13 =	vadd.s32 $0x1, v13  }
0x302: {  	vm1 =	vlt.f32 v9, $9.999999930e-09;
	v9 =	vadd.s32 v1, v23;
	vm2 =	vgt.s32 v13, $0x0  }
0x303: {  	v20 =	vld.idx.msk [tilespmem:v20+s2+$0x0], $0xffff;
	v9 =	vsel vm1, v1, v9;
	v13 =	vnsel vm2, $0x0, v13  }
0x304: {  	v22 =	vmin.u32 v22, $0xB;
	v13 =	vmin.u32 v13, $0xB  }
0x305: {  	v23 =	vadd.s32 $0xC, v16;
	vm1 =	vlt.f32 v6, $9.999999930e-09;
	v6 =	vadd.s32 v1, v13  }
0x306: {  	v21 =	vld.idx.msk [tilespmem:v21+s2+$0x0], $0xffff;
	s16 =	sadd.s32 $0xFFFFFF80, s14;
	v13 =	vadd.s32 v1, v22;
	v22 =	vor.u32 s13, v2;
	v6 =	vsel vm1, v1, v6  }
0x307: {  	[tilespmem:v12+s10+$0x0] =	vst.idx.msk $0xffff, v19;
	s17 =	sadd.s32 $0xFFFFFFC0, s14;
	v19 =	vor.u32 s16, v0;
	v16 =	vld.idx.msk [tilespmem:v16+s2+$0x0], $0xffff;
	v12 =	vsel vm0, v1, v13  }
0x308: {  	v24 =	vadd.s32 $0xC, v9;
	[tilespmem:v7+s10+$0x0] =	vst.idx.msk $0xffff, v20;
	v7 =	vor.u32 s17, v0;
	v13 =	vor.u32 s12, v3;
	v9 =	vld.idx.msk [tilespmem:v9+s2+$0x0], $0xffff  }
0x309: {  	[tilespmem:v11+s10+$0x0] =	vst.idx.msk $0xffff, v18;
	vm0 =	vlt.f32 v8, $9.999999930e-09;
	v8 =	vadd.s32 v1, v14;
	v18 =	vadd.s32 $0xC, v6  }
0x30a: {  	[tilespmem:v10+s10+$0x0] =	vst.idx.msk $0xffff, v17;
	v10 =	vor.u32 s16, v5;
	v11 =	vld.idx.msk [tilespmem:v23+s2+$0x0], $0xffff;
	v8 =	vsel vm0, v1, v8  }
0x30b: {  	s18 =	sadd.s32 $0xFFFFFFE0, s14;
	v17 =	vadd.s32 $0xC, v8;
	[tilespmem:v22+s10+$0x0] =	vst.idx.msk $0xffff, v15;
	v15 =	vor.u32 s14, v0;
	v6 =	vld.idx.msk [tilespmem:v6+s2+$0x0], $0xffff  }
0x30c: {  	v20 =	vadd.s32 $0xC, v12;
	[tilespmem:v19+s10+$0x0] =	vst.idx.msk $0xffff, v16;
	v22 =	vor.u32 s18, v0;
	v12 =	vld.idx.msk [tilespmem:v12+s2+$0x0], $0xffff  }
0x30d: {  	v14 =	vld.idx.msk [tilespmem:v24+s2+$0x0], $0xffff;
	[tilespmem:v7+s10+$0x0] =	vst.idx.msk $0xffff, v9;
	v7 =	vor.u32 s17, v3  }
0x30e: {  	s15 =	sadd.s32 $0xFFFFFFA0, s14;
	[tilespmem:v13+s10+$0x0] =	vst.idx.msk $0xffff, v21;
	v13 =	vor.u32 s14, v5;
	v16 =	vld.idx.msk [tilespmem:v18+s2+$0x0], $0xffff  }
0x30f: {  	[tilespmem:v10+s10+$0x0] =	vst.idx.msk $0xffff, v11;
	v18 =	vor.u32 s15, v0;
	v8 =	vld.idx.msk [tilespmem:v8+s2+$0x0], $0xffff  }
0x310: {  	v10 =	vor.u32 s15, v2;
	v11 =	vld.idx.msk [tilespmem:v17+s2+$0x0], $0xffff;
	[tilespmem:v15+s10+$0x0] =	vst.idx.msk $0xffff, v6  }
0x311: {  	v9 =	vld.idx.msk [tilespmem:v20+s2+$0x0], $0xffff;
	v6 =	vor.u32 s18, v4;
	[tilespmem:v22+s10+$0x0] =	vst.idx.msk $0xffff, v12  }
0x312: {  	[tilespmem:v7+s10+$0x0] =	vst.idx.msk $0xffff, v14  }
0x313: {  	[tilespmem:v13+s10+$0x0] =	vst.idx.msk $0xffff, v16  }
0x314: {  	[tilespmem:v18+s10+$0x0] =	vst.idx.msk $0xffff, v8  }
0x315: {  	[tilespmem:v10+s10+$0x0] =	vst.idx.msk $0xffff, v11  }
0x316: {  	[tilespmem:v6+s10+$0x0] =	vst.idx.msk $0xffff, v9  }
0x317: {  	[hbm4b:s29+s2] =	stream.linear.scatter [tilespmem:s10], [sflag:$0x1], $0x6400, $0x38;
	[tilespmem:$0x9680] =	vst v63  }
0x318: {  	_ =	swait.ge [sflag:s8], $0x6400  }
0x319: {  	[sflag:s8] =	ssyncset.done $0x0  }
0x31a: {  	s16 =	rddreg [dreg:$0x10];
	[sflag:s8] =	ssyncadd.s32 $0xFFFF9C00  }
0x31b: {  	[tilespmem:s9], [sflag:$0x1] =	stream.linear.gather [hbm4b:s16+s2], $0x3200, $0x38;
	[tilespmem:$0x9680] =	vst v63  }
0x31c: {  	_ =	swait.ge [sflag:s8], $0x3200  }
0x31d: {  	[sflag:s8] =	ssyncset.done $0x0  }
0x31e: {  	s17 =	simm.s32 $0xC0;
	[sflag:s8] =	ssyncadd.s32 $0xFFFFCE00  }
0x31f: {  	v8 =	vld [tilespmem:s17+$0xFFFFFFE0]  }
0x320: {  	v6 =	vld [tilespmem:s17+$0x30]  }
0x321: {  	v11 =	vld [tilespmem:s17+$0x20]  }
0x322: {  	v14 =	vld [tilespmem:s17+$0xFFFFFFD0]  }
0x323: {  	v15 =	vld [tilespmem:s17+$0xFFFFFFC0]  }
0x324: {  	v9 =	vld [tilespmem:s17+$0x10];
	_ =	sdelay $0x2  }
0x325: {  	s12 =	simm.s32 $0x20;
	v16 =	vld [tilespmem:s17+$0xFFFFFFF0];
	v12 =	vmul.f32 $1.000000000e+01, v6;
	v17 =	vmul.f32 $1.000000000e+01, v8  }
0x326: {  	v7 =	vor.u32 s12, v0;
	v18 =	vmul.f32 $1.000000000e+01, v11;
	v19 =	vmul.f32 $1.000000000e+01, v14  }
0x327: {  	vm3 =	vlt.f32 v15, $9.999999930e-09;
	v21 =	vmul.f32 $1.000000000e+01, v9;
	v15 =	vmul.f32 $1.000000000e+01, v15  }
0x328: {  	s13 =	simm.s32 $0x0;
	vm0 =	vlt.f32 v11, $9.999999930e-09;
	v13 =	vtrunc.f32 v12;
	v11 =	vtrunc.f32 v17  }
0x329: {  	v10 =	vor.u32 s13, v0;
	v17 =	vtrunc.f32 v18;
	v18 =	vtrunc.f32 v19  }
0x32a: {  	vm2 =	vlt.f32 v14, $9.999999930e-09;
	v19 =	vmul.f32 $1.000000000e+01, v16;
	v15 =	vtrunc.f32 v15  }
0x32b: {  	vm4 =	vlt.f32 v8, $9.999999930e-09;
	v8 =	vld [tilespmem:s17+$0x0];
	v21 =	vtrunc.f32 v21;
	v20 =	vcvt.f32.s32 v11  }
0x32c: {  	s18 =	simm.s32 $0x40;
	vm1 =	vlt.f32 v16, $9.999999930e-09;
	v18 =	vcvt.f32.s32 v18;
	v14 =	vtrunc.f32 v19  }
0x32d: {  	v12 =	vor.u32 s18, v0;
	v15 =	vcvt.f32.s32 v15;
	v14 =	vcvt.f32.s32 v14  }
0x32e: {  	v17 =	vcvt.f32.s32 v17;
	v19 =	vadd.s32 $0x1, v20;
	v18 =	vadd.s32 $0x1, v18  }
0x32f: {  	v15 =	vadd.s32 $0x1, v15;
	vm5 =	vgt.s32 v19, $0x0;
	v14 =	vadd.s32 $0x1, v14  }
0x330: {  	v20 =	vmul.f32 $1.000000000e+01, v8;
	v16 =	vnsel vm5, $0x0, v19;
	vm13 =	vgt.s32 v14, $0x0  }
0x331: {  	vm14 =	vgt.s32 v15, $0x0;
	v16 =	vmin.u32 v16, $0xB;
	v14 =	vnsel vm13, $0x0, v14  }
0x332: {  	v15 =	vnsel vm14, $0x0, v15;
	v16 =	vadd.s32 v1, v16;
	v14 =	vmin.u32 v14, $0xB  }
0x333: {  	v19 =	vsel vm4, v1, v16;
	v16 =	vadd.s32 v1, v14;
	v14 =	vmin.u32 v15, $0xB  }
0x334: {  	vm15 =	vgt.s32 v18, $0x0;
	v15 =	vadd.s32 $0xC, v19;
	v14 =	vadd.s32 v1, v14  }
0x335: {  	v18 =	vnsel vm15, $0x0, v18;
	v20 =	vtrunc.f32 v20;
	v14 =	vsel vm3, v1, v14  }
0x336: {  	v20 =	vcvt.f32.s32 v20;
	v18 =	vmin.u32 v18, $0xB;
	v23 =	vadd.s32 $0xC, v14  }
0x337: {  	v21 =	vcvt.f32.s32 v21;
	v22 =	vadd.s32 $0x1, v17;
	v17 =	vadd.s32 v1, v18  }
0x338: {  	v11 =	vor.u32 s18, v4;
	v63 =	vadd.s32 $0x1, v20;
	v20 =	vsel vm2, v1, v17;
	v19 =	vld.idx.msk [tilespmem:v19+s2+$0x0], $0xffff  }
0x339: {  	v25 =	vadd.s32 $0x1, v21;
	vm2 =	vgt.s32 v63, $0x0;
	v21 =	vadd.s32 $0xC, v20;
	v18 =	vld.idx.msk [tilespmem:v15+s2+$0x0], $0xffff  }
0x33a: {  	s14 =	simm.s32 $0xE0;
	vm3 =	vgt.s32 v22, $0x0;
	v17 =	vld.idx.msk [tilespmem:v14+s2+$0x0], $0xffff;
	v14 =	vnsel vm2, $0x0, v63;
	vm2 =	vgt.s32 v25, $0x0  }
0x33b: {  	s15 =	simm.s32 $0xE0;
	s16 =	simm.s32 $0x0;
	s17 =	simm.s32 $0x140;
	v22 =	vnsel vm3, $0x0, v22;
	v15 =	vld.idx.msk [tilespmem:v23+s2+$0x0], $0xffff;
	v14 =	vmin.u32 v14, $0xB;
	v23 =	vnsel vm2, $0x0, v25  }
.LBB2_18:
0x33c: {  	v24 =	vld [tilespmem:s17+$0xFFFFFFC0];
	s16 =	sadd.s32 $0x8, s16;
	v16 =	vsel vm1, v1, v16;
	v22 =	vmin.u32 v22, $0xB;
	v13 =	vcvt.f32.s32 v13;
	s15 =	sadd.s32 $0x100, s15  }
0x33d: {  	vm1 =	vlt.f32 v9, $9.999999930e-09;
	v25 =	vld [tilespmem:s17+$0xFFFFFFE0];
	p0 =	slt.u32 s16, $0x318;
	[tilespmem:v12+s10+$0x0] =	vst.idx.msk $0xffff, v19;
	v12 =	vadd.s32 $0xC, v16;
	v9 =	vadd.s32 v1, v22  }
0x33e: {  	v19 =	vld.idx.msk [tilespmem:v20+s2+$0x0], $0xffff;
	[tilespmem:v11+s10+$0x0] =	vst.idx.msk $0xffff, v18;
	v11 =	vmin.u32 v23, $0xB;
	v18 =	vsel vm0, v1, v9;
	v13 =	vadd.s32 $0x1, v13  }
0x33f: {  	v9 =	vld [tilespmem:s17+$0x10];
	v11 =	vadd.s32 v1, v11;
	v20 =	vadd.s32 $0xC, v18;
	vm0 =	vgt.s32 v13, $0x0  }
0x340: {  	[tilespmem:v10+s10+$0x0] =	vst.idx.msk $0xffff, v17;
	v10 =	vor.u32 s13, v2;
	v17 =	vld.idx.msk [tilespmem:v21+s2+$0x0], $0xffff;
	v11 =	vsel vm1, v1, v11;
	v13 =	vnsel vm0, $0x0, v13  }
0x341: {  	v21 =	vor.u32 s12, v3;
	s12 =	sadd.s32 $0xFFFFFF80, s14;
	v16 =	vld.idx.msk [tilespmem:v16+s2+$0x0], $0xffff;
	v22 =	vadd.s32 $0xC, v11;
	v13 =	vmin.u32 v13, $0xB  }
0x342: {  	vm0 =	vlt.f32 v6, $9.999999930e-09;
	v23 =	vor.u32 s12, v0;
	v12 =	vld.idx.msk [tilespmem:v12+s2+$0x0], $0xffff;
	v13 =	vadd.s32 v1, v13  }
0x343: {  	s13 =	sadd.s32 $0xFFFFFFC0, s14;
	v26 =	vor.u32 s12, v5;
	s12 =	sadd.s32 $0xFFFFFFE0, s14;
	v6 =	vld [tilespmem:s17+$0x30];
	v27 =	vsel vm0, v1, v13  }
0x344: {  	s18 =	sadd.s32 $0xFFFFFFA0, s14;
	v28 =	vor.u32 s12, v4;
	v13 =	vld [tilespmem:s17+$0x20];
	[tilespmem:v7+s10+$0x0] =	vst.idx.msk $0xffff, v19;
	v19 =	vor.u32 s13, v3;
	v29 =	vadd.s32 $0xC, v27  }
0x345: {  	v31 =	vor.u32 s18, v2;
	v32 =	vor.u32 s12, v0;
	v30 =	vld [tilespmem:s17+$0xFFFFFFD0];
	[tilespmem:v10+s10+$0x0] =	vst.idx.msk $0xffff, v15;
	v15 =	vor.u32 s18, v0  }
0x346: {  	v34 =	vor.u32 s14, v5;
	s12 =	sadd.s32 $0xFFFFFF40, s15;
	v33 =	vld [tilespmem:s17+$0xFFFFFFF0];
	[tilespmem:v21+s10+$0x0] =	vst.idx.msk $0xffff, v17;
	v17 =	vor.u32 s13, v0;
	v21 =	vor.u32 s14, v0;
	s14 =	smov.u32 s15  }
0x347: {  	v14 =	vadd.s32 v1, v14;
	vm0 =	vlt.f32 v8, $9.999999930e-09;
	v7 =	vor.u32 s12, v0;
	s13 =	sadd.s32 $0xFFFFFF20, s15;
	[tilespmem:v23+s10+$0x0] =	vst.idx.msk $0xffff, v16;
	v8 =	vld [tilespmem:s17+$0x0]  }
0x348: {  	v14 =	vsel vm0, v1, v14;
	v10 =	vor.u32 s13, v0;
	v16 =	vmul.f32 $1.000000000e+01, v6;
	[tilespmem:v26+s10+$0x0] =	vst.idx.msk $0xffff, v12;
	v22 =	vld.idx.msk [tilespmem:v22+s2+$0x0], $0xffff  }
0x349: {  	v12 =	vmul.f32 $1.000000000e+01, v25;
	v26 =	vadd.s32 $0xC, v14;
	v23 =	vmul.f32 $1.000000000e+01, v13;
	v35 =	vld.idx.msk [tilespmem:v11+s2+$0x0], $0xffff  }
0x34a: {  	vm0 =	vlt.f32 v13, $9.999999930e-09;
	v11 =	vmul.f32 $1.000000000e+01, v30;
	v13 =	vtrunc.f32 v16;
	v16 =	vld.idx.msk [tilespmem:v27+s2+$0x0], $0xffff  }
0x34b: {  	vm3 =	vlt.f32 v24, $9.999999930e-09;
	s18 =	sadd.s32 $0xFFFFFF60, s15;
	v27 =	vtrunc.f32 v12;
	v23 =	vtrunc.f32 v23;
	v18 =	vld.idx.msk [tilespmem:v18+s2+$0x0], $0xffff  }
0x34c: {  	v12 =	vor.u32 s18, v0;
	v37 =	vmul.f32 $1.000000000e+01, v33;
	v36 =	vtrunc.f32 v11;
	v29 =	vld.idx.msk [tilespmem:v29+s2+$0x0], $0xffff  }
0x34d: {  	v38 =	vmul.f32 $1.000000000e+01, v9;
	v27 =	vcvt.f32.s32 v27;
	v11 =	vor.u32 s18, v4;
	v14 =	vld.idx.msk [tilespmem:v14+s2+$0x0], $0xffff  }
0x34e: {  	v24 =	vmul.f32 $1.000000000e+01, v24;
	vm2 =	vlt.f32 v30, $9.999999930e-09;
	v30 =	vtrunc.f32 v37;
	v26 =	vld.idx.msk [tilespmem:v26+s2+$0x0], $0xffff  }
0x34f: {  	vm4 =	vlt.f32 v25, $9.999999930e-09;
	v25 =	vadd.s32 $0x1, v27;
	v27 =	vcvt.f32.s32 v30;
	[tilespmem:v17+s10+$0x0] =	vst.idx.msk $0xffff, v35;
	v17 =	vld.idx.msk [tilespmem:v20+s2+$0x0], $0xffff  }
0x350: {  	vm1 =	vlt.f32 v33, $9.999999930e-09;
	v20 =	vtrunc.f32 v24;
	v24 =	vcvt.f32.s32 v36;
	[tilespmem:v21+s10+$0x0] =	vst.idx.msk $0xffff, v16  }
0x351: {  	vm5 =	vgt.s32 v25, $0x0;
	v16 =	vcvt.f32.s32 v20;
	v20 =	vadd.s32 $0x1, v27;
	[tilespmem:v32+s10+$0x0] =	vst.idx.msk $0xffff, v18  }
0x352: {  	v21 =	vnsel vm5, $0x0, v25;
	v18 =	vadd.s32 $0x1, v24;
	vm5 =	vgt.s32 v20, $0x0;
	[tilespmem:v34+s10+$0x0] =	vst.idx.msk $0xffff, v29  }
0x353: {  	v21 =	vmin.u32 v21, $0xB;
	v16 =	vadd.s32 $0x1, v16;
	v20 =	vnsel vm5, $0x0, v20;
	[tilespmem:v15+s10+$0x0] =	vst.idx.msk $0xffff, v14  }
0x354: {  	vm5 =	vgt.s32 v16, $0x0;
	v14 =	vadd.s32 v1, v21;
	v15 =	vmin.u32 v20, $0xB;
	[tilespmem:v31+s10+$0x0] =	vst.idx.msk $0xffff, v26  }
0x355: {  	v20 =	vnsel vm5, $0x0, v16;
	v14 =	vsel vm4, v1, v14;
	v16 =	vadd.s32 v1, v15;
	[tilespmem:v19+s10+$0x0] =	vst.idx.msk $0xffff, v22  }
0x356: {  	v15 =	vmin.u32 v20, $0xB;
	v20 =	vadd.s32 $0xC, v14;
	v19 =	vmul.f32 $1.000000000e+01, v8;
	[tilespmem:v28+s10+$0x0] =	vst.idx.msk $0xffff, v17  }
0x357: {  	vm4 =	vgt.s32 v18, $0x0;
	v15 =	vadd.s32 v1, v15;
	v17 =	vcvt.f32.s32 v23  }
0x358: {  	v18 =	vnsel vm4, $0x0, v18;
	v15 =	vsel vm3, v1, v15;
	v19 =	vtrunc.f32 v19  }
0x359: {  	v23 =	vtrunc.f32 v38;
	v21 =	vadd.s32 $0xC, v15;
	v22 =	vcvt.f32.s32 v19  }
.Ltmp8:
0x35a: {  	v18 =	vmin.u32 v18, $0xB;
	v19 =	vld.idx.msk [tilespmem:v14+s2+$0x0], $0xffff;
	v14 =	vcvt.f32.s32 v23;
	v23 =	vadd.s32 $0x1, v17;
	(pc) =	sbr.rel @p0 .LBB2_18-.Ltmp8, $4  }
0x35b: {  	v17 =	vadd.s32 v1, v18;
	v22 =	vadd.s32 $0x1, v22;
	v18 =	vld.idx.msk [tilespmem:v20+s2+$0x0], $0xffff;
	vm3 =	vgt.s32 v23, $0x0  }
0x35c: {  	v20 =	vsel vm2, v1, v17;
	vm2 =	vgt.s32 v22, $0x0;
	v24 =	vadd.s32 $0x1, v14  }
0x35d: {  	v14 =	vnsel vm2, $0x0, v22;
	v22 =	vnsel vm3, $0x0, v23;
	v17 =	vld.idx.msk [tilespmem:v15+s2+$0x0], $0xffff;
	vm2 =	vgt.s32 v24, $0x0  }
0x35e: {  	s17 =	sadd.s32 $0x80, s17;
	v14 =	vmin.u32 v14, $0xB;
	v15 =	vld.idx.msk [tilespmem:v21+s2+$0x0], $0xffff;
	v21 =	vadd.s32 $0xC, v20;
	v23 =	vnsel vm2, $0x0, v24  }
0x35f: {  	v13 =	vcvt.f32.s32 v13;
	_ =	sdelay $0x1  }
0x360: {  	v16 =	vsel vm1, v1, v16;
	v23 =	vmin.u32 v23, $0xB;
	v13 =	vadd.s32 $0x1, v13  }
0x361: {  	vm1 =	vlt.f32 v9, $9.999999930e-09;
	v9 =	vadd.s32 v1, v23;
	vm2 =	vgt.s32 v13, $0x0  }
0x362: {  	v20 =	vld.idx.msk [tilespmem:v20+s2+$0x0], $0xffff;
	v9 =	vsel vm1, v1, v9;
	v13 =	vnsel vm2, $0x0, v13  }
0x363: {  	v22 =	vmin.u32 v22, $0xB;
	v13 =	vmin.u32 v13, $0xB  }
0x364: {  	v23 =	vadd.s32 $0xC, v16;
	vm1 =	vlt.f32 v6, $9.999999930e-09;
	v6 =	vadd.s32 v1, v13  }
0x365: {  	v21 =	vld.idx.msk [tilespmem:v21+s2+$0x0], $0xffff;
	s16 =	sadd.s32 $0xFFFFFF80, s14;
	v13 =	vadd.s32 v1, v22;
	v22 =	vor.u32 s13, v2;
	v6 =	vsel vm1, v1, v6  }
0x366: {  	[tilespmem:v12+s10+$0x0] =	vst.idx.msk $0xffff, v19;
	s17 =	sadd.s32 $0xFFFFFFC0, s14;
	v19 =	vor.u32 s16, v0;
	v16 =	vld.idx.msk [tilespmem:v16+s2+$0x0], $0xffff;
	v12 =	vsel vm0, v1, v13  }
0x367: {  	v24 =	vadd.s32 $0xC, v9;
	[tilespmem:v7+s10+$0x0] =	vst.idx.msk $0xffff, v20;
	v7 =	vor.u32 s17, v0;
	v13 =	vor.u32 s12, v3;
	v9 =	vld.idx.msk [tilespmem:v9+s2+$0x0], $0xffff  }
0x368: {  	[tilespmem:v11+s10+$0x0] =	vst.idx.msk $0xffff, v18;
	vm0 =	vlt.f32 v8, $9.999999930e-09;
	v8 =	vadd.s32 v1, v14;
	v18 =	vadd.s32 $0xC, v6  }
0x369: {  	[tilespmem:v10+s10+$0x0] =	vst.idx.msk $0xffff, v17;
	v10 =	vor.u32 s16, v5;
	v11 =	vld.idx.msk [tilespmem:v23+s2+$0x0], $0xffff;
	v8 =	vsel vm0, v1, v8  }
0x36a: {  	s18 =	sadd.s32 $0xFFFFFFE0, s14;
	v17 =	vadd.s32 $0xC, v8;
	[tilespmem:v22+s10+$0x0] =	vst.idx.msk $0xffff, v15;
	v15 =	vor.u32 s14, v0;
	v6 =	vld.idx.msk [tilespmem:v6+s2+$0x0], $0xffff  }
0x36b: {  	v20 =	vadd.s32 $0xC, v12;
	[tilespmem:v19+s10+$0x0] =	vst.idx.msk $0xffff, v16;
	v22 =	vor.u32 s18, v0;
	v12 =	vld.idx.msk [tilespmem:v12+s2+$0x0], $0xffff  }
0x36c: {  	v14 =	vld.idx.msk [tilespmem:v24+s2+$0x0], $0xffff;
	[tilespmem:v7+s10+$0x0] =	vst.idx.msk $0xffff, v9;
	v7 =	vor.u32 s17, v3  }
0x36d: {  	s15 =	sadd.s32 $0xFFFFFFA0, s14;
	[tilespmem:v13+s10+$0x0] =	vst.idx.msk $0xffff, v21;
	v13 =	vor.u32 s14, v5;
	v16 =	vld.idx.msk [tilespmem:v18+s2+$0x0], $0xffff  }
0x36e: {  	[tilespmem:v10+s10+$0x0] =	vst.idx.msk $0xffff, v11;
	v18 =	vor.u32 s15, v0;
	v8 =	vld.idx.msk [tilespmem:v8+s2+$0x0], $0xffff  }
0x36f: {  	v10 =	vor.u32 s15, v2;
	v11 =	vld.idx.msk [tilespmem:v17+s2+$0x0], $0xffff;
	[tilespmem:v15+s10+$0x0] =	vst.idx.msk $0xffff, v6  }
0x370: {  	v9 =	vld.idx.msk [tilespmem:v20+s2+$0x0], $0xffff;
	v6 =	vor.u32 s18, v4;
	[tilespmem:v22+s10+$0x0] =	vst.idx.msk $0xffff, v12  }
0x371: {  	[tilespmem:v7+s10+$0x0] =	vst.idx.msk $0xffff, v14  }
0x372: {  	[tilespmem:v13+s10+$0x0] =	vst.idx.msk $0xffff, v16  }
0x373: {  	[tilespmem:v18+s10+$0x0] =	vst.idx.msk $0xffff, v8  }
0x374: {  	[tilespmem:v10+s10+$0x0] =	vst.idx.msk $0xffff, v11  }
0x375: {  	[tilespmem:v6+s10+$0x0] =	vst.idx.msk $0xffff, v9  }
0x376: {  	[hbm4b:s30+s2] =	stream.linear.scatter [tilespmem:s10], [sflag:$0x1], $0x6400, $0x38;
	[tilespmem:$0x9680] =	vst v63  }
0x377: {  	_ =	swait.ge [sflag:s8], $0x6400  }
0x378: {  	[sflag:s8] =	ssyncset.done $0x0  }
0x379: {  	s16 =	rddreg [dreg:$0x11];
	[sflag:s8] =	ssyncadd.s32 $0xFFFF9C00  }
0x37a: {  	[tilespmem:s9], [sflag:$0x1] =	stream.linear.gather [hbm4b:s16+s2], $0x3200, $0x38;
	[tilespmem:$0x9680] =	vst v63  }
0x37b: {  	_ =	swait.ge [sflag:s8], $0x3200  }
0x37c: {  	[sflag:s8] =	ssyncset.done $0x0  }
0x37d: {  	s17 =	simm.s32 $0xC0;
	[sflag:s8] =	ssyncadd.s32 $0xFFFFCE00  }
0x37e: {  	v8 =	vld [tilespmem:s17+$0xFFFFFFE0]  }
0x37f: {  	v6 =	vld [tilespmem:s17+$0x30]  }
0x380: {  	v11 =	vld [tilespmem:s17+$0x20]  }
0x381: {  	v14 =	vld [tilespmem:s17+$0xFFFFFFD0]  }
0x382: {  	v15 =	vld [tilespmem:s17+$0xFFFFFFC0]  }
0x383: {  	v9 =	vld [tilespmem:s17+$0x10];
	_ =	sdelay $0x2  }
0x384: {  	s12 =	simm.s32 $0x20;
	v16 =	vld [tilespmem:s17+$0xFFFFFFF0];
	v12 =	vmul.f32 $1.000000000e+01, v6;
	v17 =	vmul.f32 $1.000000000e+01, v8  }
0x385: {  	v7 =	vor.u32 s12, v0;
	v18 =	vmul.f32 $1.000000000e+01, v11;
	v19 =	vmul.f32 $1.000000000e+01, v14  }
0x386: {  	vm3 =	vlt.f32 v15, $9.999999930e-09;
	v21 =	vmul.f32 $1.000000000e+01, v9;
	v15 =	vmul.f32 $1.000000000e+01, v15  }
0x387: {  	s13 =	simm.s32 $0x0;
	vm0 =	vlt.f32 v11, $9.999999930e-09;
	v13 =	vtrunc.f32 v12;
	v11 =	vtrunc.f32 v17  }
0x388: {  	v10 =	vor.u32 s13, v0;
	v17 =	vtrunc.f32 v18;
	v18 =	vtrunc.f32 v19  }
0x389: {  	vm2 =	vlt.f32 v14, $9.999999930e-09;
	v19 =	vmul.f32 $1.000000000e+01, v16;
	v15 =	vtrunc.f32 v15  }
0x38a: {  	vm4 =	vlt.f32 v8, $9.999999930e-09;
	v8 =	vld [tilespmem:s17+$0x0];
	v21 =	vtrunc.f32 v21;
	v20 =	vcvt.f32.s32 v11  }
0x38b: {  	s18 =	simm.s32 $0x40;
	vm1 =	vlt.f32 v16, $9.999999930e-09;
	v18 =	vcvt.f32.s32 v18;
	v14 =	vtrunc.f32 v19  }
0x38c: {  	v12 =	vor.u32 s18, v0;
	v15 =	vcvt.f32.s32 v15;
	v14 =	vcvt.f32.s32 v14  }
0x38d: {  	v17 =	vcvt.f32.s32 v17;
	v19 =	vadd.s32 $0x1, v20;
	v18 =	vadd.s32 $0x1, v18  }
0x38e: {  	v15 =	vadd.s32 $0x1, v15;
	vm5 =	vgt.s32 v19, $0x0;
	v14 =	vadd.s32 $0x1, v14  }
0x38f: {  	v20 =	vmul.f32 $1.000000000e+01, v8;
	v16 =	vnsel vm5, $0x0, v19;
	vm13 =	vgt.s32 v14, $0x0  }
0x390: {  	vm14 =	vgt.s32 v15, $0x0;
	v16 =	vmin.u32 v16, $0xB;
	v14 =	vnsel vm13, $0x0, v14  }
0x391: {  	v15 =	vnsel vm14, $0x0, v15;
	v16 =	vadd.s32 v1, v16;
	v14 =	vmin.u32 v14, $0xB  }
0x392: {  	v19 =	vsel vm4, v1, v16;
	v16 =	vadd.s32 v1, v14;
	v14 =	vmin.u32 v15, $0xB  }
0x393: {  	vm15 =	vgt.s32 v18, $0x0;
	v15 =	vadd.s32 $0xC, v19;
	v14 =	vadd.s32 v1, v14  }
0x394: {  	v18 =	vnsel vm15, $0x0, v18;
	v20 =	vtrunc.f32 v20;
	v14 =	vsel vm3, v1, v14  }
0x395: {  	v20 =	vcvt.f32.s32 v20;
	v18 =	vmin.u32 v18, $0xB;
	v23 =	vadd.s32 $0xC, v14  }
0x396: {  	v21 =	vcvt.f32.s32 v21;
	v22 =	vadd.s32 $0x1, v17;
	v17 =	vadd.s32 v1, v18  }
0x397: {  	v11 =	vor.u32 s18, v4;
	v63 =	vadd.s32 $0x1, v20;
	v20 =	vsel vm2, v1, v17;
	v19 =	vld.idx.msk [tilespmem:v19+s2+$0x0], $0xffff  }
0x398: {  	v25 =	vadd.s32 $0x1, v21;
	vm2 =	vgt.s32 v63, $0x0;
	v21 =	vadd.s32 $0xC, v20;
	v18 =	vld.idx.msk [tilespmem:v15+s2+$0x0], $0xffff  }
0x399: {  	s14 =	simm.s32 $0xE0;
	vm3 =	vgt.s32 v22, $0x0;
	v17 =	vld.idx.msk [tilespmem:v14+s2+$0x0], $0xffff;
	v14 =	vnsel vm2, $0x0, v63;
	vm2 =	vgt.s32 v25, $0x0  }
0x39a: {  	s15 =	simm.s32 $0xE0;
	s16 =	simm.s32 $0x0;
	s17 =	simm.s32 $0x140;
	v22 =	vnsel vm3, $0x0, v22;
	v15 =	vld.idx.msk [tilespmem:v23+s2+$0x0], $0xffff;
	v14 =	vmin.u32 v14, $0xB;
	v23 =	vnsel vm2, $0x0, v25  }
.LBB2_20:
0x39b: {  	v24 =	vld [tilespmem:s17+$0xFFFFFFC0];
	s16 =	sadd.s32 $0x8, s16;
	v16 =	vsel vm1, v1, v16;
	v22 =	vmin.u32 v22, $0xB;
	v13 =	vcvt.f32.s32 v13;
	s15 =	sadd.s32 $0x100, s15  }
0x39c: {  	vm1 =	vlt.f32 v9, $9.999999930e-09;
	v25 =	vld [tilespmem:s17+$0xFFFFFFE0];
	p0 =	slt.u32 s16, $0x318;
	[tilespmem:v12+s10+$0x0] =	vst.idx.msk $0xffff, v19;
	v12 =	vadd.s32 $0xC, v16;
	v9 =	vadd.s32 v1, v22  }
0x39d: {  	v19 =	vld.idx.msk [tilespmem:v20+s2+$0x0], $0xffff;
	[tilespmem:v11+s10+$0x0] =	vst.idx.msk $0xffff, v18;
	v11 =	vmin.u32 v23, $0xB;
	v18 =	vsel vm0, v1, v9;
	v13 =	vadd.s32 $0x1, v13  }
0x39e: {  	v9 =	vld [tilespmem:s17+$0x10];
	v11 =	vadd.s32 v1, v11;
	v20 =	vadd.s32 $0xC, v18;
	vm0 =	vgt.s32 v13, $0x0  }
0x39f: {  	[tilespmem:v10+s10+$0x0] =	vst.idx.msk $0xffff, v17;
	v10 =	vor.u32 s13, v2;
	v17 =	vld.idx.msk [tilespmem:v21+s2+$0x0], $0xffff;
	v11 =	vsel vm1, v1, v11;
	v13 =	vnsel vm0, $0x0, v13  }
0x3a0: {  	v21 =	vor.u32 s12, v3;
	s12 =	sadd.s32 $0xFFFFFF80, s14;
	v16 =	vld.idx.msk [tilespmem:v16+s2+$0x0], $0xffff;
	v22 =	vadd.s32 $0xC, v11;
	v13 =	vmin.u32 v13, $0xB  }
0x3a1: {  	vm0 =	vlt.f32 v6, $9.999999930e-09;
	v23 =	vor.u32 s12, v0;
	v12 =	vld.idx.msk [tilespmem:v12+s2+$0x0], $0xffff;
	v13 =	vadd.s32 v1, v13  }
0x3a2: {  	s13 =	sadd.s32 $0xFFFFFFC0, s14;
	v26 =	vor.u32 s12, v5;
	s12 =	sadd.s32 $0xFFFFFFE0, s14;
	v6 =	vld [tilespmem:s17+$0x30];
	v27 =	vsel vm0, v1, v13  }
0x3a3: {  	s18 =	sadd.s32 $0xFFFFFFA0, s14;
	v28 =	vor.u32 s12, v4;
	v13 =	vld [tilespmem:s17+$0x20];
	[tilespmem:v7+s10+$0x0] =	vst.idx.msk $0xffff, v19;
	v19 =	vor.u32 s13, v3;
	v29 =	vadd.s32 $0xC, v27  }
0x3a4: {  	v31 =	vor.u32 s18, v2;
	v32 =	vor.u32 s12, v0;
	v30 =	vld [tilespmem:s17+$0xFFFFFFD0];
	[tilespmem:v10+s10+$0x0] =	vst.idx.msk $0xffff, v15;
	v15 =	vor.u32 s18, v0  }
0x3a5: {  	v34 =	vor.u32 s14, v5;
	s12 =	sadd.s32 $0xFFFFFF40, s15;
	v33 =	vld [tilespmem:s17+$0xFFFFFFF0];
	[tilespmem:v21+s10+$0x0] =	vst.idx.msk $0xffff, v17;
	v17 =	vor.u32 s13, v0;
	v21 =	vor.u32 s14, v0;
	s14 =	smov.u32 s15  }
0x3a6: {  	v14 =	vadd.s32 v1, v14;
	vm0 =	vlt.f32 v8, $9.999999930e-09;
	v7 =	vor.u32 s12, v0;
	s13 =	sadd.s32 $0xFFFFFF20, s15;
	[tilespmem:v23+s10+$0x0] =	vst.idx.msk $0xffff, v16;
	v8 =	vld [tilespmem:s17+$0x0]  }
0x3a7: {  	v14 =	vsel vm0, v1, v14;
	v10 =	vor.u32 s13, v0;
	v16 =	vmul.f32 $1.000000000e+01, v6;
	[tilespmem:v26+s10+$0x0] =	vst.idx.msk $0xffff, v12;
	v22 =	vld.idx.msk [tilespmem:v22+s2+$0x0], $0xffff  }
0x3a8: {  	v12 =	vmul.f32 $1.000000000e+01, v25;
	v26 =	vadd.s32 $0xC, v14;
	v23 =	vmul.f32 $1.000000000e+01, v13;
	v35 =	vld.idx.msk [tilespmem:v11+s2+$0x0], $0xffff  }
0x3a9: {  	vm0 =	vlt.f32 v13, $9.999999930e-09;
	v11 =	vmul.f32 $1.000000000e+01, v30;
	v13 =	vtrunc.f32 v16;
	v16 =	vld.idx.msk [tilespmem:v27+s2+$0x0], $0xffff  }
0x3aa: {  	vm3 =	vlt.f32 v24, $9.999999930e-09;
	s18 =	sadd.s32 $0xFFFFFF60, s15;
	v27 =	vtrunc.f32 v12;
	v23 =	vtrunc.f32 v23;
	v18 =	vld.idx.msk [tilespmem:v18+s2+$0x0], $0xffff  }
0x3ab: {  	v12 =	vor.u32 s18, v0;
	v37 =	vmul.f32 $1.000000000e+01, v33;
	v36 =	vtrunc.f32 v11;
	v29 =	vld.idx.msk [tilespmem:v29+s2+$0x0], $0xffff  }
0x3ac: {  	v38 =	vmul.f32 $1.000000000e+01, v9;
	v27 =	vcvt.f32.s32 v27;
	v11 =	vor.u32 s18, v4;
	v14 =	vld.idx.msk [tilespmem:v14+s2+$0x0], $0xffff  }
0x3ad: {  	v24 =	vmul.f32 $1.000000000e+01, v24;
	vm2 =	vlt.f32 v30, $9.999999930e-09;
	v30 =	vtrunc.f32 v37;
	v26 =	vld.idx.msk [tilespmem:v26+s2+$0x0], $0xffff  }
0x3ae: {  	vm4 =	vlt.f32 v25, $9.999999930e-09;
	v25 =	vadd.s32 $0x1, v27;
	v27 =	vcvt.f32.s32 v30;
	[tilespmem:v17+s10+$0x0] =	vst.idx.msk $0xffff, v35;
	v17 =	vld.idx.msk [tilespmem:v20+s2+$0x0], $0xffff  }
0x3af: {  	vm1 =	vlt.f32 v33, $9.999999930e-09;
	v20 =	vtrunc.f32 v24;
	v24 =	vcvt.f32.s32 v36;
	[tilespmem:v21+s10+$0x0] =	vst.idx.msk $0xffff, v16  }
0x3b0: {  	vm5 =	vgt.s32 v25, $0x0;
	v16 =	vcvt.f32.s32 v20;
	v20 =	vadd.s32 $0x1, v27;
	[tilespmem:v32+s10+$0x0] =	vst.idx.msk $0xffff, v18  }
0x3b1: {  	v21 =	vnsel vm5, $0x0, v25;
	v18 =	vadd.s32 $0x1, v24;
	vm5 =	vgt.s32 v20, $0x0;
	[tilespmem:v34+s10+$0x0] =	vst.idx.msk $0xffff, v29  }
0x3b2: {  	v21 =	vmin.u32 v21, $0xB;
	v16 =	vadd.s32 $0x1, v16;
	v20 =	vnsel vm5, $0x0, v20;
	[tilespmem:v15+s10+$0x0] =	vst.idx.msk $0xffff, v14  }
0x3b3: {  	vm5 =	vgt.s32 v16, $0x0;
	v14 =	vadd.s32 v1, v21;
	v15 =	vmin.u32 v20, $0xB;
	[tilespmem:v31+s10+$0x0] =	vst.idx.msk $0xffff, v26  }
0x3b4: {  	v20 =	vnsel vm5, $0x0, v16;
	v14 =	vsel vm4, v1, v14;
	v16 =	vadd.s32 v1, v15;
	[tilespmem:v19+s10+$0x0] =	vst.idx.msk $0xffff, v22  }
0x3b5: {  	v15 =	vmin.u32 v20, $0xB;
	v20 =	vadd.s32 $0xC, v14;
	v19 =	vmul.f32 $1.000000000e+01, v8;
	[tilespmem:v28+s10+$0x0] =	vst.idx.msk $0xffff, v17  }
0x3b6: {  	vm4 =	vgt.s32 v18, $0x0;
	v15 =	vadd.s32 v1, v15;
	v17 =	vcvt.f32.s32 v23  }
0x3b7: {  	v18 =	vnsel vm4, $0x0, v18;
	v15 =	vsel vm3, v1, v15;
	v19 =	vtrunc.f32 v19  }
0x3b8: {  	v23 =	vtrunc.f32 v38;
	v21 =	vadd.s32 $0xC, v15;
	v22 =	vcvt.f32.s32 v19  }
.Ltmp9:
0x3b9: {  	v18 =	vmin.u32 v18, $0xB;
	v19 =	vld.idx.msk [tilespmem:v14+s2+$0x0], $0xffff;
	v14 =	vcvt.f32.s32 v23;
	v23 =	vadd.s32 $0x1, v17;
	(pc) =	sbr.rel @p0 .LBB2_20-.Ltmp9, $4  }
0x3ba: {  	v17 =	vadd.s32 v1, v18;
	v22 =	vadd.s32 $0x1, v22;
	v18 =	vld.idx.msk [tilespmem:v20+s2+$0x0], $0xffff;
	vm3 =	vgt.s32 v23, $0x0  }
0x3bb: {  	v20 =	vsel vm2, v1, v17;
	vm2 =	vgt.s32 v22, $0x0;
	v24 =	vadd.s32 $0x1, v14  }
0x3bc: {  	v14 =	vnsel vm2, $0x0, v22;
	v22 =	vnsel vm3, $0x0, v23;
	v17 =	vld.idx.msk [tilespmem:v15+s2+$0x0], $0xffff;
	vm2 =	vgt.s32 v24, $0x0  }
0x3bd: {  	s17 =	sadd.s32 $0x80, s17;
	v14 =	vmin.u32 v14, $0xB;
	v15 =	vld.idx.msk [tilespmem:v21+s2+$0x0], $0xffff;
	v21 =	vadd.s32 $0xC, v20;
	v23 =	vnsel vm2, $0x0, v24  }
0x3be: {  	v13 =	vcvt.f32.s32 v13;
	_ =	sdelay $0x1  }
0x3bf: {  	v16 =	vsel vm1, v1, v16;
	v23 =	vmin.u32 v23, $0xB;
	v13 =	vadd.s32 $0x1, v13  }
0x3c0: {  	vm1 =	vlt.f32 v9, $9.999999930e-09;
	v9 =	vadd.s32 v1, v23;
	vm2 =	vgt.s32 v13, $0x0  }
0x3c1: {  	v20 =	vld.idx.msk [tilespmem:v20+s2+$0x0], $0xffff;
	v9 =	vsel vm1, v1, v9;
	v13 =	vnsel vm2, $0x0, v13  }
0x3c2: {  	v22 =	vmin.u32 v22, $0xB;
	v13 =	vmin.u32 v13, $0xB  }
0x3c3: {  	v23 =	vadd.s32 $0xC, v16;
	vm1 =	vlt.f32 v6, $9.999999930e-09;
	v6 =	vadd.s32 v1, v13  }
0x3c4: {  	v21 =	vld.idx.msk [tilespmem:v21+s2+$0x0], $0xffff;
	s18 =	sadd.s32 $0xFFFFFF80, s14;
	v13 =	vadd.s32 v1, v22;
	v22 =	vor.u32 s13, v2;
	v6 =	vsel vm1, v1, v6  }
0x3c5: {  	[tilespmem:v12+s10+$0x0] =	vst.idx.msk $0xffff, v19;
	v19 =	vor.u32 s18, v0;
	v16 =	vld.idx.msk [tilespmem:v16+s2+$0x0], $0xffff;
	s13 =	sadd.s32 $0xFFFFFFC0, s14;
	v12 =	vsel vm0, v1, v13  }
0x3c6: {  	v24 =	vadd.s32 $0xC, v9;
	[tilespmem:v7+s10+$0x0] =	vst.idx.msk $0xffff, v20;
	v13 =	vor.u32 s12, v3;
	v7 =	vor.u32 s13, v0;
	v9 =	vld.idx.msk [tilespmem:v9+s2+$0x0], $0xffff  }
0x3c7: {  	[tilespmem:v11+s10+$0x0] =	vst.idx.msk $0xffff, v18;
	vm0 =	vlt.f32 v8, $9.999999930e-09;
	v8 =	vadd.s32 v1, v14;
	v18 =	vadd.s32 $0xC, v6  }
0x3c8: {  	[tilespmem:v10+s10+$0x0] =	vst.idx.msk $0xffff, v17;
	v10 =	vor.u32 s18, v5;
	v11 =	vld.idx.msk [tilespmem:v23+s2+$0x0], $0xffff;
	v8 =	vsel vm0, v1, v8  }
0x3c9: {  	s16 =	sadd.s32 $0xFFFFFFE0, s14;
	v17 =	vadd.s32 $0xC, v8;
	[tilespmem:v22+s10+$0x0] =	vst.idx.msk $0xffff, v15;
	v15 =	vor.u32 s14, v0;
	v6 =	vld.idx.msk [tilespmem:v6+s2+$0x0], $0xffff  }
0x3ca: {  	v20 =	vadd.s32 $0xC, v12;
	[tilespmem:v19+s10+$0x0] =	vst.idx.msk $0xffff, v16;
	v22 =	vor.u32 s16, v0;
	v12 =	vld.idx.msk [tilespmem:v12+s2+$0x0], $0xffff  }
0x3cb: {  	v14 =	vld.idx.msk [tilespmem:v24+s2+$0x0], $0xffff;
	[tilespmem:v7+s10+$0x0] =	vst.idx.msk $0xffff, v9;
	v7 =	vor.u32 s13, v3  }
0x3cc: {  	s15 =	sadd.s32 $0xFFFFFFA0, s14;
	[tilespmem:v13+s10+$0x0] =	vst.idx.msk $0xffff, v21;
	v13 =	vor.u32 s14, v5;
	v16 =	vld.idx.msk [tilespmem:v18+s2+$0x0], $0xffff  }
0x3cd: {  	[tilespmem:v10+s10+$0x0] =	vst.idx.msk $0xffff, v11;
	v18 =	vor.u32 s15, v0;
	v8 =	vld.idx.msk [tilespmem:v8+s2+$0x0], $0xffff  }
0x3ce: {  	v10 =	vor.u32 s15, v2;
	v11 =	vld.idx.msk [tilespmem:v17+s2+$0x0], $0xffff;
	[tilespmem:v15+s10+$0x0] =	vst.idx.msk $0xffff, v6  }
0x3cf: {  	v9 =	vld.idx.msk [tilespmem:v20+s2+$0x0], $0xffff;
	v6 =	vor.u32 s16, v4;
	[tilespmem:v22+s10+$0x0] =	vst.idx.msk $0xffff, v12  }
0x3d0: {  	[tilespmem:v7+s10+$0x0] =	vst.idx.msk $0xffff, v14  }
0x3d1: {  	[tilespmem:v13+s10+$0x0] =	vst.idx.msk $0xffff, v16  }
0x3d2: {  	[tilespmem:v18+s10+$0x0] =	vst.idx.msk $0xffff, v8  }
0x3d3: {  	[tilespmem:v10+s10+$0x0] =	vst.idx.msk $0xffff, v11  }
0x3d4: {  	[tilespmem:v6+s10+$0x0] =	vst.idx.msk $0xffff, v9  }
0x3d5: {  	[hbm4b:s31+s2] =	stream.linear.scatter [tilespmem:s10], [sflag:$0x1], $0x6400, $0x38;
	[tilespmem:$0x9680] =	vst v63  }
0x3d6: {  	_ =	swait.ge [sflag:s8], $0x6400  }
0x3d7: {  	[sflag:s8] =	ssyncset.done $0x0  }
0x3d8: {  	[sflag:s8] =	ssyncadd.s32 $0xFFFF9C00  }
0x3d9: {  	[tilespmem:s9], [sflag:$0x1] =	stream.linear.gather [hbm4b:s19+s2], $0x3200, $0x38;
	[tilespmem:$0x9680] =	vst v63  }
0x3da: {  	_ =	swait.ge [sflag:s8], $0x3200  }
0x3db: {  	[sflag:s8] =	ssyncset.done $0x0  }
0x3dc: {  	s17 =	simm.s32 $0xC0;
	[sflag:s8] =	ssyncadd.s32 $0xFFFFCE00  }
0x3dd: {  	v8 =	vld [tilespmem:s17+$0xFFFFFFE0]  }
0x3de: {  	v6 =	vld [tilespmem:s17+$0x30]  }
0x3df: {  	v11 =	vld [tilespmem:s17+$0x20]  }
0x3e0: {  	v14 =	vld [tilespmem:s17+$0xFFFFFFD0]  }
0x3e1: {  	v15 =	vld [tilespmem:s17+$0xFFFFFFC0]  }
0x3e2: {  	v9 =	vld [tilespmem:s17+$0x10];
	_ =	sdelay $0x2  }
0x3e3: {  	s12 =	simm.s32 $0x20;
	v16 =	vld [tilespmem:s17+$0xFFFFFFF0];
	v12 =	vmul.f32 $1.000000000e+01, v6;
	v17 =	vmul.f32 $1.000000000e+01, v8  }
0x3e4: {  	v7 =	vor.u32 s12, v0;
	v18 =	vmul.f32 $1.000000000e+01, v11;
	v19 =	vmul.f32 $1.000000000e+01, v14  }
0x3e5: {  	vm3 =	vlt.f32 v15, $9.999999930e-09;
	v21 =	vmul.f32 $1.000000000e+01, v9;
	v15 =	vmul.f32 $1.000000000e+01, v15  }
0x3e6: {  	s13 =	simm.s32 $0x0;
	vm0 =	vlt.f32 v11, $9.999999930e-09;
	v13 =	vtrunc.f32 v12;
	v11 =	vtrunc.f32 v17  }
0x3e7: {  	v10 =	vor.u32 s13, v0;
	v17 =	vtrunc.f32 v18;
	v18 =	vtrunc.f32 v19  }
0x3e8: {  	vm2 =	vlt.f32 v14, $9.999999930e-09;
	v19 =	vmul.f32 $1.000000000e+01, v16;
	v15 =	vtrunc.f32 v15  }
0x3e9: {  	vm4 =	vlt.f32 v8, $9.999999930e-09;
	v8 =	vld [tilespmem:s17+$0x0];
	v21 =	vtrunc.f32 v21;
	v20 =	vcvt.f32.s32 v11  }
0x3ea: {  	s18 =	simm.s32 $0x40;
	vm1 =	vlt.f32 v16, $9.999999930e-09;
	v18 =	vcvt.f32.s32 v18;
	v14 =	vtrunc.f32 v19  }
0x3eb: {  	v12 =	vor.u32 s18, v0;
	v15 =	vcvt.f32.s32 v15;
	v14 =	vcvt.f32.s32 v14  }
0x3ec: {  	v17 =	vcvt.f32.s32 v17;
	v19 =	vadd.s32 $0x1, v20;
	v18 =	vadd.s32 $0x1, v18  }
0x3ed: {  	v15 =	vadd.s32 $0x1, v15;
	vm5 =	vgt.s32 v19, $0x0;
	v14 =	vadd.s32 $0x1, v14  }
0x3ee: {  	v20 =	vmul.f32 $1.000000000e+01, v8;
	v16 =	vnsel vm5, $0x0, v19;
	vm13 =	vgt.s32 v14, $0x0  }
0x3ef: {  	vm14 =	vgt.s32 v15, $0x0;
	v16 =	vmin.u32 v16, $0xB;
	v14 =	vnsel vm13, $0x0, v14  }
0x3f0: {  	v15 =	vnsel vm14, $0x0, v15;
	v16 =	vadd.s32 v1, v16;
	v14 =	vmin.u32 v14, $0xB  }
0x3f1: {  	v19 =	vsel vm4, v1, v16;
	v16 =	vadd.s32 v1, v14;
	v14 =	vmin.u32 v15, $0xB  }
0x3f2: {  	vm15 =	vgt.s32 v18, $0x0;
	v15 =	vadd.s32 $0xC, v19;
	v14 =	vadd.s32 v1, v14  }
0x3f3: {  	v18 =	vnsel vm15, $0x0, v18;
	v20 =	vtrunc.f32 v20;
	v14 =	vsel vm3, v1, v14  }
0x3f4: {  	v20 =	vcvt.f32.s32 v20;
	v18 =	vmin.u32 v18, $0xB;
	v23 =	vadd.s32 $0xC, v14  }
0x3f5: {  	v21 =	vcvt.f32.s32 v21;
	v22 =	vadd.s32 $0x1, v17;
	v17 =	vadd.s32 v1, v18  }
0x3f6: {  	v11 =	vor.u32 s18, v4;
	v63 =	vadd.s32 $0x1, v20;
	v20 =	vsel vm2, v1, v17;
	v19 =	vld.idx.msk [tilespmem:v19+s2+$0x0], $0xffff  }
0x3f7: {  	v25 =	vadd.s32 $0x1, v21;
	vm2 =	vgt.s32 v63, $0x0;
	v21 =	vadd.s32 $0xC, v20;
	v18 =	vld.idx.msk [tilespmem:v15+s2+$0x0], $0xffff  }
0x3f8: {  	s14 =	simm.s32 $0xE0;
	vm3 =	vgt.s32 v22, $0x0;
	v17 =	vld.idx.msk [tilespmem:v14+s2+$0x0], $0xffff;
	v14 =	vnsel vm2, $0x0, v63;
	vm2 =	vgt.s32 v25, $0x0  }
0x3f9: {  	s15 =	simm.s32 $0xE0;
	s16 =	simm.s32 $0x0;
	s17 =	simm.s32 $0x140;
	v22 =	vnsel vm3, $0x0, v22;
	v15 =	vld.idx.msk [tilespmem:v23+s2+$0x0], $0xffff;
	v14 =	vmin.u32 v14, $0xB;
	v23 =	vnsel vm2, $0x0, v25  }
.LBB2_22:
0x3fa: {  	v24 =	vld [tilespmem:s17+$0xFFFFFFC0];
	s16 =	sadd.s32 $0x8, s16;
	v16 =	vsel vm1, v1, v16;
	v22 =	vmin.u32 v22, $0xB;
	v13 =	vcvt.f32.s32 v13;
	s15 =	sadd.s32 $0x100, s15  }
0x3fb: {  	vm1 =	vlt.f32 v9, $9.999999930e-09;
	v25 =	vld [tilespmem:s17+$0xFFFFFFE0];
	p0 =	slt.u32 s16, $0x318;
	[tilespmem:v12+s10+$0x0] =	vst.idx.msk $0xffff, v19;
	v12 =	vadd.s32 $0xC, v16;
	v9 =	vadd.s32 v1, v22  }
0x3fc: {  	v19 =	vld.idx.msk [tilespmem:v20+s2+$0x0], $0xffff;
	[tilespmem:v11+s10+$0x0] =	vst.idx.msk $0xffff, v18;
	v11 =	vmin.u32 v23, $0xB;
	v18 =	vsel vm0, v1, v9;
	v13 =	vadd.s32 $0x1, v13  }
0x3fd: {  	v9 =	vld [tilespmem:s17+$0x10];
	v11 =	vadd.s32 v1, v11;
	v20 =	vadd.s32 $0xC, v18;
	vm0 =	vgt.s32 v13, $0x0  }
0x3fe: {  	[tilespmem:v10+s10+$0x0] =	vst.idx.msk $0xffff, v17;
	v10 =	vor.u32 s13, v2;
	v17 =	vld.idx.msk [tilespmem:v21+s2+$0x0], $0xffff;
	v11 =	vsel vm1, v1, v11;
	v13 =	vnsel vm0, $0x0, v13  }
0x3ff: {  	v21 =	vor.u32 s12, v3;
	s12 =	sadd.s32 $0xFFFFFF80, s14;
	v16 =	vld.idx.msk [tilespmem:v16+s2+$0x0], $0xffff;
	v22 =	vadd.s32 $0xC, v11;
	v13 =	vmin.u32 v13, $0xB  }
0x400: {  	vm0 =	vlt.f32 v6, $9.999999930e-09;
	v23 =	vor.u32 s12, v0;
	v12 =	vld.idx.msk [tilespmem:v12+s2+$0x0], $0xffff;
	v13 =	vadd.s32 v1, v13  }
0x401: {  	s13 =	sadd.s32 $0xFFFFFFC0, s14;
	v26 =	vor.u32 s12, v5;
	s12 =	sadd.s32 $0xFFFFFFE0, s14;
	v6 =	vld [tilespmem:s17+$0x30];
	v27 =	vsel vm0, v1, v13  }
0x402: {  	s18 =	sadd.s32 $0xFFFFFFA0, s14;
	v28 =	vor.u32 s12, v4;
	v13 =	vld [tilespmem:s17+$0x20];
	[tilespmem:v7+s10+$0x0] =	vst.idx.msk $0xffff, v19;
	v19 =	vor.u32 s13, v3;
	v29 =	vadd.s32 $0xC, v27  }
0x403: {  	v31 =	vor.u32 s18, v2;
	v32 =	vor.u32 s12, v0;
	v30 =	vld [tilespmem:s17+$0xFFFFFFD0];
	[tilespmem:v10+s10+$0x0] =	vst.idx.msk $0xffff, v15;
	v15 =	vor.u32 s18, v0  }
0x404: {  	v34 =	vor.u32 s14, v5;
	s12 =	sadd.s32 $0xFFFFFF40, s15;
	v33 =	vld [tilespmem:s17+$0xFFFFFFF0];
	[tilespmem:v21+s10+$0x0] =	vst.idx.msk $0xffff, v17;
	v17 =	vor.u32 s13, v0;
	v21 =	vor.u32 s14, v0;
	s14 =	smov.u32 s15  }
0x405: {  	v14 =	vadd.s32 v1, v14;
	vm0 =	vlt.f32 v8, $9.999999930e-09;
	v7 =	vor.u32 s12, v0;
	s13 =	sadd.s32 $0xFFFFFF20, s15;
	[tilespmem:v23+s10+$0x0] =	vst.idx.msk $0xffff, v16;
	v8 =	vld [tilespmem:s17+$0x0]  }
0x406: {  	v14 =	vsel vm0, v1, v14;
	v10 =	vor.u32 s13, v0;
	v16 =	vmul.f32 $1.000000000e+01, v6;
	[tilespmem:v26+s10+$0x0] =	vst.idx.msk $0xffff, v12;
	v22 =	vld.idx.msk [tilespmem:v22+s2+$0x0], $0xffff  }
0x407: {  	v12 =	vmul.f32 $1.000000000e+01, v25;
	v26 =	vadd.s32 $0xC, v14;
	v23 =	vmul.f32 $1.000000000e+01, v13;
	v35 =	vld.idx.msk [tilespmem:v11+s2+$0x0], $0xffff  }
0x408: {  	vm0 =	vlt.f32 v13, $9.999999930e-09;
	v11 =	vmul.f32 $1.000000000e+01, v30;
	v13 =	vtrunc.f32 v16;
	v16 =	vld.idx.msk [tilespmem:v27+s2+$0x0], $0xffff  }
0x409: {  	vm3 =	vlt.f32 v24, $9.999999930e-09;
	s18 =	sadd.s32 $0xFFFFFF60, s15;
	v27 =	vtrunc.f32 v12;
	v23 =	vtrunc.f32 v23;
	v18 =	vld.idx.msk [tilespmem:v18+s2+$0x0], $0xffff  }
0x40a: {  	v12 =	vor.u32 s18, v0;
	v37 =	vmul.f32 $1.000000000e+01, v33;
	v36 =	vtrunc.f32 v11;
	v29 =	vld.idx.msk [tilespmem:v29+s2+$0x0], $0xffff  }
0x40b: {  	v38 =	vmul.f32 $1.000000000e+01, v9;
	v27 =	vcvt.f32.s32 v27;
	v11 =	vor.u32 s18, v4;
	v14 =	vld.idx.msk [tilespmem:v14+s2+$0x0], $0xffff  }
0x40c: {  	v24 =	vmul.f32 $1.000000000e+01, v24;
	vm2 =	vlt.f32 v30, $9.999999930e-09;
	v30 =	vtrunc.f32 v37;
	v26 =	vld.idx.msk [tilespmem:v26+s2+$0x0], $0xffff  }
0x40d: {  	vm4 =	vlt.f32 v25, $9.999999930e-09;
	v25 =	vadd.s32 $0x1, v27;
	v27 =	vcvt.f32.s32 v30;
	[tilespmem:v17+s10+$0x0] =	vst.idx.msk $0xffff, v35;
	v17 =	vld.idx.msk [tilespmem:v20+s2+$0x0], $0xffff  }
0x40e: {  	vm1 =	vlt.f32 v33, $9.999999930e-09;
	v20 =	vtrunc.f32 v24;
	v24 =	vcvt.f32.s32 v36;
	[tilespmem:v21+s10+$0x0] =	vst.idx.msk $0xffff, v16  }
0x40f: {  	vm5 =	vgt.s32 v25, $0x0;
	v16 =	vcvt.f32.s32 v20;
	v20 =	vadd.s32 $0x1, v27;
	[tilespmem:v32+s10+$0x0] =	vst.idx.msk $0xffff, v18  }
0x410: {  	v21 =	vnsel vm5, $0x0, v25;
	v18 =	vadd.s32 $0x1, v24;
	vm5 =	vgt.s32 v20, $0x0;
	[tilespmem:v34+s10+$0x0] =	vst.idx.msk $0xffff, v29  }
0x411: {  	v21 =	vmin.u32 v21, $0xB;
	v16 =	vadd.s32 $0x1, v16;
	v20 =	vnsel vm5, $0x0, v20;
	[tilespmem:v15+s10+$0x0] =	vst.idx.msk $0xffff, v14  }
0x412: {  	vm5 =	vgt.s32 v16, $0x0;
	v14 =	vadd.s32 v1, v21;
	v15 =	vmin.u32 v20, $0xB;
	[tilespmem:v31+s10+$0x0] =	vst.idx.msk $0xffff, v26  }
0x413: {  	v20 =	vnsel vm5, $0x0, v16;
	v14 =	vsel vm4, v1, v14;
	v16 =	vadd.s32 v1, v15;
	[tilespmem:v19+s10+$0x0] =	vst.idx.msk $0xffff, v22  }
0x414: {  	v15 =	vmin.u32 v20, $0xB;
	v20 =	vadd.s32 $0xC, v14;
	v19 =	vmul.f32 $1.000000000e+01, v8;
	[tilespmem:v28+s10+$0x0] =	vst.idx.msk $0xffff, v17  }
0x415: {  	vm4 =	vgt.s32 v18, $0x0;
	v15 =	vadd.s32 v1, v15;
	v17 =	vcvt.f32.s32 v23  }
0x416: {  	v18 =	vnsel vm4, $0x0, v18;
	v15 =	vsel vm3, v1, v15;
	v19 =	vtrunc.f32 v19  }
0x417: {  	v23 =	vtrunc.f32 v38;
	v21 =	vadd.s32 $0xC, v15;
	v22 =	vcvt.f32.s32 v19  }
.Ltmp10:
0x418: {  	v18 =	vmin.u32 v18, $0xB;
	v19 =	vld.idx.msk [tilespmem:v14+s2+$0x0], $0xffff;
	v14 =	vcvt.f32.s32 v23;
	v23 =	vadd.s32 $0x1, v17;
	(pc) =	sbr.rel @p0 .LBB2_22-.Ltmp10, $4  }
0x419: {  	v17 =	vadd.s32 v1, v18;
	v22 =	vadd.s32 $0x1, v22;
	v18 =	vld.idx.msk [tilespmem:v20+s2+$0x0], $0xffff;
	vm3 =	vgt.s32 v23, $0x0  }
0x41a: {  	v20 =	vsel vm2, v1, v17;
	vm2 =	vgt.s32 v22, $0x0;
	v24 =	vadd.s32 $0x1, v14  }
0x41b: {  	v14 =	vnsel vm2, $0x0, v22;
	v22 =	vnsel vm3, $0x0, v23;
	v17 =	vld.idx.msk [tilespmem:v15+s2+$0x0], $0xffff;
	vm2 =	vgt.s32 v24, $0x0  }
0x41c: {  	s17 =	sadd.s32 $0x80, s17;
	v14 =	vmin.u32 v14, $0xB;
	v15 =	vld.idx.msk [tilespmem:v21+s2+$0x0], $0xffff;
	v21 =	vadd.s32 $0xC, v20;
	v23 =	vnsel vm2, $0x0, v24  }
0x41d: {  	v13 =	vcvt.f32.s32 v13;
	_ =	sdelay $0x1  }
0x41e: {  	v16 =	vsel vm1, v1, v16;
	v23 =	vmin.u32 v23, $0xB;
	v13 =	vadd.s32 $0x1, v13  }
0x41f: {  	vm1 =	vlt.f32 v9, $9.999999930e-09;
	v9 =	vadd.s32 v1, v23;
	vm2 =	vgt.s32 v13, $0x0  }
0x420: {  	v20 =	vld.idx.msk [tilespmem:v20+s2+$0x0], $0xffff;
	v9 =	vsel vm1, v1, v9;
	v13 =	vnsel vm2, $0x0, v13  }
0x421: {  	v22 =	vmin.u32 v22, $0xB;
	v13 =	vmin.u32 v13, $0xB  }
0x422: {  	v23 =	vadd.s32 $0xC, v16;
	vm1 =	vlt.f32 v6, $9.999999930e-09;
	v6 =	vadd.s32 v1, v13  }
0x423: {  	v21 =	vld.idx.msk [tilespmem:v21+s2+$0x0], $0xffff;
	s18 =	sadd.s32 $0xFFFFFF80, s14;
	v13 =	vadd.s32 v1, v22;
	v22 =	vor.u32 s13, v2;
	v6 =	vsel vm1, v1, v6  }
0x424: {  	[tilespmem:v12+s10+$0x0] =	vst.idx.msk $0xffff, v19;
	v19 =	vor.u32 s18, v0;
	v16 =	vld.idx.msk [tilespmem:v16+s2+$0x0], $0xffff;
	s13 =	sadd.s32 $0xFFFFFFC0, s14;
	v12 =	vsel vm0, v1, v13  }
0x425: {  	v24 =	vadd.s32 $0xC, v9;
	[tilespmem:v7+s10+$0x0] =	vst.idx.msk $0xffff, v20;
	v13 =	vor.u32 s12, v3;
	v7 =	vor.u32 s13, v0;
	v9 =	vld.idx.msk [tilespmem:v9+s2+$0x0], $0xffff  }
0x426: {  	[tilespmem:v11+s10+$0x0] =	vst.idx.msk $0xffff, v18;
	vm0 =	vlt.f32 v8, $9.999999930e-09;
	v8 =	vadd.s32 v1, v14;
	v18 =	vadd.s32 $0xC, v6  }
0x427: {  	[tilespmem:v10+s10+$0x0] =	vst.idx.msk $0xffff, v17;
	v10 =	vor.u32 s18, v5;
	v11 =	vld.idx.msk [tilespmem:v23+s2+$0x0], $0xffff;
	v8 =	vsel vm0, v1, v8  }
0x428: {  	s16 =	sadd.s32 $0xFFFFFFE0, s14;
	v17 =	vadd.s32 $0xC, v8;
	[tilespmem:v22+s10+$0x0] =	vst.idx.msk $0xffff, v15;
	v15 =	vor.u32 s14, v0;
	v6 =	vld.idx.msk [tilespmem:v6+s2+$0x0], $0xffff  }
0x429: {  	v20 =	vadd.s32 $0xC, v12;
	[tilespmem:v19+s10+$0x0] =	vst.idx.msk $0xffff, v16;
	v22 =	vor.u32 s16, v0;
	v12 =	vld.idx.msk [tilespmem:v12+s2+$0x0], $0xffff  }
0x42a: {  	v14 =	vld.idx.msk [tilespmem:v24+s2+$0x0], $0xffff;
	[tilespmem:v7+s10+$0x0] =	vst.idx.msk $0xffff, v9;
	v7 =	vor.u32 s13, v3  }
0x42b: {  	s15 =	sadd.s32 $0xFFFFFFA0, s14;
	[tilespmem:v13+s10+$0x0] =	vst.idx.msk $0xffff, v21;
	v13 =	vor.u32 s14, v5;
	v16 =	vld.idx.msk [tilespmem:v18+s2+$0x0], $0xffff  }
0x42c: {  	[tilespmem:v10+s10+$0x0] =	vst.idx.msk $0xffff, v11;
	v18 =	vor.u32 s15, v0;
	v8 =	vld.idx.msk [tilespmem:v8+s2+$0x0], $0xffff  }
0x42d: {  	v10 =	vor.u32 s15, v2;
	v11 =	vld.idx.msk [tilespmem:v17+s2+$0x0], $0xffff;
	[tilespmem:v15+s10+$0x0] =	vst.idx.msk $0xffff, v6  }
0x42e: {  	v9 =	vld.idx.msk [tilespmem:v20+s2+$0x0], $0xffff;
	v6 =	vor.u32 s16, v4;
	[tilespmem:v22+s10+$0x0] =	vst.idx.msk $0xffff, v12  }
0x42f: {  	[tilespmem:v7+s10+$0x0] =	vst.idx.msk $0xffff, v14  }
0x430: {  	[tilespmem:v13+s10+$0x0] =	vst.idx.msk $0xffff, v16  }
0x431: {  	[tilespmem:v18+s10+$0x0] =	vst.idx.msk $0xffff, v8  }
0x432: {  	[tilespmem:v10+s10+$0x0] =	vst.idx.msk $0xffff, v11  }
0x433: {  	[tilespmem:v6+s10+$0x0] =	vst.idx.msk $0xffff, v9  }
0x434: {  	[hbm4b:s1+s2] =	stream.linear.scatter [tilespmem:s10], [sflag:$0x1], $0x6400, $0x38;
	[tilespmem:$0x9680] =	vst v63  }
0x435: {  	_ =	swait.ge [sflag:s8], $0x6400  }
0x436: {  	[sflag:s8] =	ssyncset.done $0x0  }
0x437: {  	[sflag:s8] =	ssyncadd.s32 $0xFFFF9C00  }
0x438: {  	[tilespmem:s9], [sflag:$0x1] =	stream.linear.gather [hbm4b:s20+s2], $0x3200, $0x38;
	[tilespmem:$0x9680] =	vst v63  }
0x439: {  	_ =	swait.ge [sflag:s8], $0x3200  }
0x43a: {  	[sflag:s8] =	ssyncset.done $0x0  }
0x43b: {  	s17 =	simm.s32 $0xC0;
	[sflag:s8] =	ssyncadd.s32 $0xFFFFCE00  }
0x43c: {  	v8 =	vld [tilespmem:s17+$0xFFFFFFE0]  }
0x43d: {  	v6 =	vld [tilespmem:s17+$0x30]  }
0x43e: {  	v11 =	vld [tilespmem:s17+$0x20]  }
0x43f: {  	v14 =	vld [tilespmem:s17+$0xFFFFFFD0]  }
0x440: {  	v15 =	vld [tilespmem:s17+$0xFFFFFFC0]  }
0x441: {  	v9 =	vld [tilespmem:s17+$0x10];
	_ =	sdelay $0x2  }
0x442: {  	s12 =	simm.s32 $0x20;
	v16 =	vld [tilespmem:s17+$0xFFFFFFF0];
	v12 =	vmul.f32 $1.000000000e+01, v6;
	v17 =	vmul.f32 $1.000000000e+01, v8  }
0x443: {  	v7 =	vor.u32 s12, v0;
	v18 =	vmul.f32 $1.000000000e+01, v11;
	v19 =	vmul.f32 $1.000000000e+01, v14  }
0x444: {  	vm3 =	vlt.f32 v15, $9.999999930e-09;
	v21 =	vmul.f32 $1.000000000e+01, v9;
	v15 =	vmul.f32 $1.000000000e+01, v15  }
0x445: {  	s13 =	simm.s32 $0x0;
	vm0 =	vlt.f32 v11, $9.999999930e-09;
	v13 =	vtrunc.f32 v12;
	v11 =	vtrunc.f32 v17  }
0x446: {  	v10 =	vor.u32 s13, v0;
	v17 =	vtrunc.f32 v18;
	v18 =	vtrunc.f32 v19  }
0x447: {  	vm2 =	vlt.f32 v14, $9.999999930e-09;
	v19 =	vmul.f32 $1.000000000e+01, v16;
	v15 =	vtrunc.f32 v15  }
0x448: {  	vm4 =	vlt.f32 v8, $9.999999930e-09;
	v8 =	vld [tilespmem:s17+$0x0];
	v21 =	vtrunc.f32 v21;
	v20 =	vcvt.f32.s32 v11  }
0x449: {  	s18 =	simm.s32 $0x40;
	vm1 =	vlt.f32 v16, $9.999999930e-09;
	v18 =	vcvt.f32.s32 v18;
	v14 =	vtrunc.f32 v19  }
0x44a: {  	v12 =	vor.u32 s18, v0;
	v15 =	vcvt.f32.s32 v15;
	v14 =	vcvt.f32.s32 v14  }
0x44b: {  	v17 =	vcvt.f32.s32 v17;
	v19 =	vadd.s32 $0x1, v20;
	v18 =	vadd.s32 $0x1, v18  }
0x44c: {  	v15 =	vadd.s32 $0x1, v15;
	vm5 =	vgt.s32 v19, $0x0;
	v14 =	vadd.s32 $0x1, v14  }
0x44d: {  	v20 =	vmul.f32 $1.000000000e+01, v8;
	v16 =	vnsel vm5, $0x0, v19;
	vm13 =	vgt.s32 v14, $0x0  }
0x44e: {  	vm14 =	vgt.s32 v15, $0x0;
	v16 =	vmin.u32 v16, $0xB;
	v14 =	vnsel vm13, $0x0, v14  }
0x44f: {  	v15 =	vnsel vm14, $0x0, v15;
	v16 =	vadd.s32 v1, v16;
	v14 =	vmin.u32 v14, $0xB  }
0x450: {  	v19 =	vsel vm4, v1, v16;
	v16 =	vadd.s32 v1, v14;
	v14 =	vmin.u32 v15, $0xB  }
0x451: {  	vm15 =	vgt.s32 v18, $0x0;
	v15 =	vadd.s32 $0xC, v19;
	v14 =	vadd.s32 v1, v14  }
0x452: {  	v18 =	vnsel vm15, $0x0, v18;
	v20 =	vtrunc.f32 v20;
	v14 =	vsel vm3, v1, v14  }
0x453: {  	v20 =	vcvt.f32.s32 v20;
	v18 =	vmin.u32 v18, $0xB;
	v23 =	vadd.s32 $0xC, v14  }
0x454: {  	v21 =	vcvt.f32.s32 v21;
	v22 =	vadd.s32 $0x1, v17;
	v17 =	vadd.s32 v1, v18  }
0x455: {  	v11 =	vor.u32 s18, v4;
	v63 =	vadd.s32 $0x1, v20;
	v20 =	vsel vm2, v1, v17;
	v19 =	vld.idx.msk [tilespmem:v19+s2+$0x0], $0xffff  }
0x456: {  	v25 =	vadd.s32 $0x1, v21;
	vm2 =	vgt.s32 v63, $0x0;
	v21 =	vadd.s32 $0xC, v20;
	v18 =	vld.idx.msk [tilespmem:v15+s2+$0x0], $0xffff  }
0x457: {  	s14 =	simm.s32 $0xE0;
	vm3 =	vgt.s32 v22, $0x0;
	v17 =	vld.idx.msk [tilespmem:v14+s2+$0x0], $0xffff;
	v14 =	vnsel vm2, $0x0, v63;
	vm2 =	vgt.s32 v25, $0x0  }
0x458: {  	s15 =	simm.s32 $0xE0;
	s16 =	simm.s32 $0x0;
	s17 =	simm.s32 $0x140;
	v22 =	vnsel vm3, $0x0, v22;
	v15 =	vld.idx.msk [tilespmem:v23+s2+$0x0], $0xffff;
	v14 =	vmin.u32 v14, $0xB;
	v23 =	vnsel vm2, $0x0, v25  }
.LBB2_24:
0x459: {  	v24 =	vld [tilespmem:s17+$0xFFFFFFC0];
	s16 =	sadd.s32 $0x8, s16;
	v16 =	vsel vm1, v1, v16;
	v22 =	vmin.u32 v22, $0xB;
	v13 =	vcvt.f32.s32 v13;
	s15 =	sadd.s32 $0x100, s15  }
0x45a: {  	vm1 =	vlt.f32 v9, $9.999999930e-09;
	v25 =	vld [tilespmem:s17+$0xFFFFFFE0];
	p0 =	slt.u32 s16, $0x318;
	[tilespmem:v12+s10+$0x0] =	vst.idx.msk $0xffff, v19;
	v12 =	vadd.s32 $0xC, v16;
	v9 =	vadd.s32 v1, v22  }
0x45b: {  	v19 =	vld.idx.msk [tilespmem:v20+s2+$0x0], $0xffff;
	[tilespmem:v11+s10+$0x0] =	vst.idx.msk $0xffff, v18;
	v11 =	vmin.u32 v23, $0xB;
	v18 =	vsel vm0, v1, v9;
	v13 =	vadd.s32 $0x1, v13  }
0x45c: {  	v9 =	vld [tilespmem:s17+$0x10];
	v11 =	vadd.s32 v1, v11;
	v20 =	vadd.s32 $0xC, v18;
	vm0 =	vgt.s32 v13, $0x0  }
0x45d: {  	[tilespmem:v10+s10+$0x0] =	vst.idx.msk $0xffff, v17;
	v10 =	vor.u32 s13, v2;
	v17 =	vld.idx.msk [tilespmem:v21+s2+$0x0], $0xffff;
	v11 =	vsel vm1, v1, v11;
	v13 =	vnsel vm0, $0x0, v13  }
0x45e: {  	v21 =	vor.u32 s12, v3;
	s12 =	sadd.s32 $0xFFFFFF80, s14;
	v16 =	vld.idx.msk [tilespmem:v16+s2+$0x0], $0xffff;
	v22 =	vadd.s32 $0xC, v11;
	v13 =	vmin.u32 v13, $0xB  }
0x45f: {  	vm0 =	vlt.f32 v6, $9.999999930e-09;
	v23 =	vor.u32 s12, v0;
	v12 =	vld.idx.msk [tilespmem:v12+s2+$0x0], $0xffff;
	v13 =	vadd.s32 v1, v13  }
0x460: {  	s13 =	sadd.s32 $0xFFFFFFC0, s14;
	v26 =	vor.u32 s12, v5;
	s12 =	sadd.s32 $0xFFFFFFE0, s14;
	v6 =	vld [tilespmem:s17+$0x30];
	v27 =	vsel vm0, v1, v13  }
0x461: {  	s18 =	sadd.s32 $0xFFFFFFA0, s14;
	v28 =	vor.u32 s12, v4;
	v13 =	vld [tilespmem:s17+$0x20];
	[tilespmem:v7+s10+$0x0] =	vst.idx.msk $0xffff, v19;
	v19 =	vor.u32 s13, v3;
	v29 =	vadd.s32 $0xC, v27  }
0x462: {  	v31 =	vor.u32 s18, v2;
	v32 =	vor.u32 s12, v0;
	v30 =	vld [tilespmem:s17+$0xFFFFFFD0];
	[tilespmem:v10+s10+$0x0] =	vst.idx.msk $0xffff, v15;
	v15 =	vor.u32 s18, v0  }
0x463: {  	v34 =	vor.u32 s14, v5;
	s12 =	sadd.s32 $0xFFFFFF40, s15;
	v33 =	vld [tilespmem:s17+$0xFFFFFFF0];
	[tilespmem:v21+s10+$0x0] =	vst.idx.msk $0xffff, v17;
	v17 =	vor.u32 s13, v0;
	v21 =	vor.u32 s14, v0;
	s14 =	smov.u32 s15  }
0x464: {  	v14 =	vadd.s32 v1, v14;
	vm0 =	vlt.f32 v8, $9.999999930e-09;
	v7 =	vor.u32 s12, v0;
	s13 =	sadd.s32 $0xFFFFFF20, s15;
	[tilespmem:v23+s10+$0x0] =	vst.idx.msk $0xffff, v16;
	v8 =	vld [tilespmem:s17+$0x0]  }
0x465: {  	v14 =	vsel vm0, v1, v14;
	v10 =	vor.u32 s13, v0;
	v16 =	vmul.f32 $1.000000000e+01, v6;
	[tilespmem:v26+s10+$0x0] =	vst.idx.msk $0xffff, v12;
	v22 =	vld.idx.msk [tilespmem:v22+s2+$0x0], $0xffff  }
0x466: {  	v12 =	vmul.f32 $1.000000000e+01, v25;
	v26 =	vadd.s32 $0xC, v14;
	v23 =	vmul.f32 $1.000000000e+01, v13;
	v35 =	vld.idx.msk [tilespmem:v11+s2+$0x0], $0xffff  }
0x467: {  	vm0 =	vlt.f32 v13, $9.999999930e-09;
	v11 =	vmul.f32 $1.000000000e+01, v30;
	v13 =	vtrunc.f32 v16;
	v16 =	vld.idx.msk [tilespmem:v27+s2+$0x0], $0xffff  }
0x468: {  	vm3 =	vlt.f32 v24, $9.999999930e-09;
	s18 =	sadd.s32 $0xFFFFFF60, s15;
	v27 =	vtrunc.f32 v12;
	v23 =	vtrunc.f32 v23;
	v18 =	vld.idx.msk [tilespmem:v18+s2+$0x0], $0xffff  }
0x469: {  	v12 =	vor.u32 s18, v0;
	v37 =	vmul.f32 $1.000000000e+01, v33;
	v36 =	vtrunc.f32 v11;
	v29 =	vld.idx.msk [tilespmem:v29+s2+$0x0], $0xffff  }
0x46a: {  	v38 =	vmul.f32 $1.000000000e+01, v9;
	v27 =	vcvt.f32.s32 v27;
	v11 =	vor.u32 s18, v4;
	v14 =	vld.idx.msk [tilespmem:v14+s2+$0x0], $0xffff  }
0x46b: {  	v24 =	vmul.f32 $1.000000000e+01, v24;
	vm2 =	vlt.f32 v30, $9.999999930e-09;
	v30 =	vtrunc.f32 v37;
	v26 =	vld.idx.msk [tilespmem:v26+s2+$0x0], $0xffff  }
0x46c: {  	vm4 =	vlt.f32 v25, $9.999999930e-09;
	v25 =	vadd.s32 $0x1, v27;
	v27 =	vcvt.f32.s32 v30;
	[tilespmem:v17+s10+$0x0] =	vst.idx.msk $0xffff, v35;
	v17 =	vld.idx.msk [tilespmem:v20+s2+$0x0], $0xffff  }
0x46d: {  	vm1 =	vlt.f32 v33, $9.999999930e-09;
	v20 =	vtrunc.f32 v24;
	v24 =	vcvt.f32.s32 v36;
	[tilespmem:v21+s10+$0x0] =	vst.idx.msk $0xffff, v16  }
0x46e: {  	vm5 =	vgt.s32 v25, $0x0;
	v16 =	vcvt.f32.s32 v20;
	v20 =	vadd.s32 $0x1, v27;
	[tilespmem:v32+s10+$0x0] =	vst.idx.msk $0xffff, v18  }
0x46f: {  	v21 =	vnsel vm5, $0x0, v25;
	v18 =	vadd.s32 $0x1, v24;
	vm5 =	vgt.s32 v20, $0x0;
	[tilespmem:v34+s10+$0x0] =	vst.idx.msk $0xffff, v29  }
0x470: {  	v21 =	vmin.u32 v21, $0xB;
	v16 =	vadd.s32 $0x1, v16;
	v20 =	vnsel vm5, $0x0, v20;
	[tilespmem:v15+s10+$0x0] =	vst.idx.msk $0xffff, v14  }
0x471: {  	vm5 =	vgt.s32 v16, $0x0;
	v14 =	vadd.s32 v1, v21;
	v15 =	vmin.u32 v20, $0xB;
	[tilespmem:v31+s10+$0x0] =	vst.idx.msk $0xffff, v26  }
0x472: {  	v20 =	vnsel vm5, $0x0, v16;
	v14 =	vsel vm4, v1, v14;
	v16 =	vadd.s32 v1, v15;
	[tilespmem:v19+s10+$0x0] =	vst.idx.msk $0xffff, v22  }
0x473: {  	v15 =	vmin.u32 v20, $0xB;
	v20 =	vadd.s32 $0xC, v14;
	v19 =	vmul.f32 $1.000000000e+01, v8;
	[tilespmem:v28+s10+$0x0] =	vst.idx.msk $0xffff, v17  }
0x474: {  	vm4 =	vgt.s32 v18, $0x0;
	v15 =	vadd.s32 v1, v15;
	v17 =	vcvt.f32.s32 v23  }
0x475: {  	v18 =	vnsel vm4, $0x0, v18;
	v15 =	vsel vm3, v1, v15;
	v19 =	vtrunc.f32 v19  }
0x476: {  	v23 =	vtrunc.f32 v38;
	v21 =	vadd.s32 $0xC, v15;
	v22 =	vcvt.f32.s32 v19  }
.Ltmp11:
0x477: {  	v18 =	vmin.u32 v18, $0xB;
	v19 =	vld.idx.msk [tilespmem:v14+s2+$0x0], $0xffff;
	v14 =	vcvt.f32.s32 v23;
	v23 =	vadd.s32 $0x1, v17;
	(pc) =	sbr.rel @p0 .LBB2_24-.Ltmp11, $4  }
0x478: {  	v17 =	vadd.s32 v1, v18;
	v22 =	vadd.s32 $0x1, v22;
	v18 =	vld.idx.msk [tilespmem:v20+s2+$0x0], $0xffff;
	vm3 =	vgt.s32 v23, $0x0  }
0x479: {  	v20 =	vsel vm2, v1, v17;
	vm2 =	vgt.s32 v22, $0x0;
	v24 =	vadd.s32 $0x1, v14  }
0x47a: {  	v14 =	vnsel vm2, $0x0, v22;
	v22 =	vnsel vm3, $0x0, v23;
	v17 =	vld.idx.msk [tilespmem:v15+s2+$0x0], $0xffff;
	vm2 =	vgt.s32 v24, $0x0  }
0x47b: {  	s17 =	sadd.s32 $0x80, s17;
	v14 =	vmin.u32 v14, $0xB;
	v15 =	vld.idx.msk [tilespmem:v21+s2+$0x0], $0xffff;
	v21 =	vadd.s32 $0xC, v20;
	v23 =	vnsel vm2, $0x0, v24  }
0x47c: {  	v13 =	vcvt.f32.s32 v13;
	_ =	sdelay $0x1  }
0x47d: {  	v16 =	vsel vm1, v1, v16;
	v23 =	vmin.u32 v23, $0xB;
	v13 =	vadd.s32 $0x1, v13  }
0x47e: {  	vm1 =	vlt.f32 v9, $9.999999930e-09;
	v9 =	vadd.s32 v1, v23;
	vm2 =	vgt.s32 v13, $0x0  }
0x47f: {  	v20 =	vld.idx.msk [tilespmem:v20+s2+$0x0], $0xffff;
	v9 =	vsel vm1, v1, v9;
	v13 =	vnsel vm2, $0x0, v13  }
0x480: {  	v22 =	vmin.u32 v22, $0xB;
	v13 =	vmin.u32 v13, $0xB  }
0x481: {  	v23 =	vadd.s32 $0xC, v16;
	vm1 =	vlt.f32 v6, $9.999999930e-09;
	v6 =	vadd.s32 v1, v13  }
0x482: {  	v21 =	vld.idx.msk [tilespmem:v21+s2+$0x0], $0xffff;
	s18 =	sadd.s32 $0xFFFFFF80, s14;
	v13 =	vadd.s32 v1, v22;
	v22 =	vor.u32 s13, v2;
	v6 =	vsel vm1, v1, v6  }
0x483: {  	[tilespmem:v12+s10+$0x0] =	vst.idx.msk $0xffff, v19;
	v19 =	vor.u32 s18, v0;
	v16 =	vld.idx.msk [tilespmem:v16+s2+$0x0], $0xffff;
	s13 =	sadd.s32 $0xFFFFFFC0, s14;
	v12 =	vsel vm0, v1, v13  }
0x484: {  	v24 =	vadd.s32 $0xC, v9;
	[tilespmem:v7+s10+$0x0] =	vst.idx.msk $0xffff, v20;
	v13 =	vor.u32 s12, v3;
	v7 =	vor.u32 s13, v0;
	v9 =	vld.idx.msk [tilespmem:v9+s2+$0x0], $0xffff  }
0x485: {  	[tilespmem:v11+s10+$0x0] =	vst.idx.msk $0xffff, v18;
	vm0 =	vlt.f32 v8, $9.999999930e-09;
	v8 =	vadd.s32 v1, v14;
	v18 =	vadd.s32 $0xC, v6  }
0x486: {  	[tilespmem:v10+s10+$0x0] =	vst.idx.msk $0xffff, v17;
	v10 =	vor.u32 s18, v5;
	v11 =	vld.idx.msk [tilespmem:v23+s2+$0x0], $0xffff;
	v8 =	vsel vm0, v1, v8  }
0x487: {  	s16 =	sadd.s32 $0xFFFFFFE0, s14;
	v17 =	vadd.s32 $0xC, v8;
	[tilespmem:v22+s10+$0x0] =	vst.idx.msk $0xffff, v15;
	v15 =	vor.u32 s14, v0;
	v6 =	vld.idx.msk [tilespmem:v6+s2+$0x0], $0xffff  }
0x488: {  	v20 =	vadd.s32 $0xC, v12;
	[tilespmem:v19+s10+$0x0] =	vst.idx.msk $0xffff, v16;
	v22 =	vor.u32 s16, v0;
	v12 =	vld.idx.msk [tilespmem:v12+s2+$0x0], $0xffff  }
0x489: {  	v14 =	vld.idx.msk [tilespmem:v24+s2+$0x0], $0xffff;
	[tilespmem:v7+s10+$0x0] =	vst.idx.msk $0xffff, v9;
	v7 =	vor.u32 s13, v3  }
0x48a: {  	s15 =	sadd.s32 $0xFFFFFFA0, s14;
	[tilespmem:v13+s10+$0x0] =	vst.idx.msk $0xffff, v21;
	v13 =	vor.u32 s14, v5;
	v16 =	vld.idx.msk [tilespmem:v18+s2+$0x0], $0xffff  }
0x48b: {  	[tilespmem:v10+s10+$0x0] =	vst.idx.msk $0xffff, v11;
	v18 =	vor.u32 s15, v0;
	v8 =	vld.idx.msk [tilespmem:v8+s2+$0x0], $0xffff  }
0x48c: {  	v10 =	vor.u32 s15, v2;
	v11 =	vld.idx.msk [tilespmem:v17+s2+$0x0], $0xffff;
	[tilespmem:v15+s10+$0x0] =	vst.idx.msk $0xffff, v6  }
0x48d: {  	v9 =	vld.idx.msk [tilespmem:v20+s2+$0x0], $0xffff;
	v6 =	vor.u32 s16, v4;
	[tilespmem:v22+s10+$0x0] =	vst.idx.msk $0xffff, v12  }
0x48e: {  	[tilespmem:v7+s10+$0x0] =	vst.idx.msk $0xffff, v14  }
0x48f: {  	[tilespmem:v13+s10+$0x0] =	vst.idx.msk $0xffff, v16  }
0x490: {  	[tilespmem:v18+s10+$0x0] =	vst.idx.msk $0xffff, v8  }
0x491: {  	[tilespmem:v10+s10+$0x0] =	vst.idx.msk $0xffff, v11  }
0x492: {  	[tilespmem:v6+s10+$0x0] =	vst.idx.msk $0xffff, v9  }
0x493: {  	[hbm4b:s0+s2] =	stream.linear.scatter [tilespmem:s10], [sflag:$0x1], $0x6400, $0x38;
	[tilespmem:$0x9680] =	vst v63  }
0x494: {  	_ =	swait.ge [sflag:s8], $0x6400  }
0x495: {  	[sflag:s8] =	ssyncset.done $0x0  }
0x496: {  	[sflag:s8] =	ssyncadd.s32 $0xFFFF9C00  }
0x497: {  	[tilespmem:s9], [sflag:$0x1] =	stream.linear.gather [hbm4b:s21+s2], $0x3200, $0x38;
	[tilespmem:$0x9680] =	vst v63  }
0x498: {  	_ =	swait.ge [sflag:s8], $0x3200  }
0x499: {  	[sflag:s8] =	ssyncset.done $0x0  }
0x49a: {  	s17 =	simm.s32 $0xC0;
	[sflag:s8] =	ssyncadd.s32 $0xFFFFCE00  }
0x49b: {  	v8 =	vld [tilespmem:s17+$0xFFFFFFE0]  }
0x49c: {  	v6 =	vld [tilespmem:s17+$0x30]  }
0x49d: {  	v11 =	vld [tilespmem:s17+$0x20]  }
0x49e: {  	v14 =	vld [tilespmem:s17+$0xFFFFFFD0]  }
0x49f: {  	v15 =	vld [tilespmem:s17+$0xFFFFFFC0]  }
0x4a0: {  	v9 =	vld [tilespmem:s17+$0x10];
	_ =	sdelay $0x2  }
0x4a1: {  	s12 =	simm.s32 $0x20;
	v16 =	vld [tilespmem:s17+$0xFFFFFFF0];
	v12 =	vmul.f32 $1.000000000e+01, v6;
	v17 =	vmul.f32 $1.000000000e+01, v8  }
0x4a2: {  	v7 =	vor.u32 s12, v0;
	v18 =	vmul.f32 $1.000000000e+01, v11;
	v19 =	vmul.f32 $1.000000000e+01, v14  }
0x4a3: {  	vm3 =	vlt.f32 v15, $9.999999930e-09;
	v21 =	vmul.f32 $1.000000000e+01, v9;
	v15 =	vmul.f32 $1.000000000e+01, v15  }
0x4a4: {  	s13 =	simm.s32 $0x0;
	vm0 =	vlt.f32 v11, $9.999999930e-09;
	v13 =	vtrunc.f32 v12;
	v11 =	vtrunc.f32 v17  }
0x4a5: {  	v10 =	vor.u32 s13, v0;
	v17 =	vtrunc.f32 v18;
	v18 =	vtrunc.f32 v19  }
0x4a6: {  	vm2 =	vlt.f32 v14, $9.999999930e-09;
	v19 =	vmul.f32 $1.000000000e+01, v16;
	v15 =	vtrunc.f32 v15  }
0x4a7: {  	vm4 =	vlt.f32 v8, $9.999999930e-09;
	v8 =	vld [tilespmem:s17+$0x0];
	v21 =	vtrunc.f32 v21;
	v20 =	vcvt.f32.s32 v11  }
0x4a8: {  	s18 =	simm.s32 $0x40;
	vm1 =	vlt.f32 v16, $9.999999930e-09;
	v18 =	vcvt.f32.s32 v18;
	v14 =	vtrunc.f32 v19  }
0x4a9: {  	v12 =	vor.u32 s18, v0;
	v15 =	vcvt.f32.s32 v15;
	v14 =	vcvt.f32.s32 v14  }
0x4aa: {  	v17 =	vcvt.f32.s32 v17;
	v19 =	vadd.s32 $0x1, v20;
	v18 =	vadd.s32 $0x1, v18  }
0x4ab: {  	v15 =	vadd.s32 $0x1, v15;
	vm5 =	vgt.s32 v19, $0x0;
	v14 =	vadd.s32 $0x1, v14  }
0x4ac: {  	v20 =	vmul.f32 $1.000000000e+01, v8;
	v16 =	vnsel vm5, $0x0, v19;
	vm13 =	vgt.s32 v14, $0x0  }
0x4ad: {  	vm14 =	vgt.s32 v15, $0x0;
	v16 =	vmin.u32 v16, $0xB;
	v14 =	vnsel vm13, $0x0, v14  }
0x4ae: {  	v15 =	vnsel vm14, $0x0, v15;
	v16 =	vadd.s32 v1, v16;
	v14 =	vmin.u32 v14, $0xB  }
0x4af: {  	v19 =	vsel vm4, v1, v16;
	v16 =	vadd.s32 v1, v14;
	v14 =	vmin.u32 v15, $0xB  }
0x4b0: {  	vm15 =	vgt.s32 v18, $0x0;
	v15 =	vadd.s32 $0xC, v19;
	v14 =	vadd.s32 v1, v14  }
0x4b1: {  	v18 =	vnsel vm15, $0x0, v18;
	v20 =	vtrunc.f32 v20;
	v14 =	vsel vm3, v1, v14  }
0x4b2: {  	v20 =	vcvt.f32.s32 v20;
	v18 =	vmin.u32 v18, $0xB;
	v23 =	vadd.s32 $0xC, v14  }
0x4b3: {  	v21 =	vcvt.f32.s32 v21;
	v22 =	vadd.s32 $0x1, v17;
	v17 =	vadd.s32 v1, v18  }
0x4b4: {  	v11 =	vor.u32 s18, v4;
	v63 =	vadd.s32 $0x1, v20;
	v20 =	vsel vm2, v1, v17;
	v19 =	vld.idx.msk [tilespmem:v19+s2+$0x0], $0xffff  }
0x4b5: {  	v25 =	vadd.s32 $0x1, v21;
	vm2 =	vgt.s32 v63, $0x0;
	v21 =	vadd.s32 $0xC, v20;
	v18 =	vld.idx.msk [tilespmem:v15+s2+$0x0], $0xffff  }
0x4b6: {  	s14 =	simm.s32 $0xE0;
	vm3 =	vgt.s32 v22, $0x0;
	v17 =	vld.idx.msk [tilespmem:v14+s2+$0x0], $0xffff;
	v14 =	vnsel vm2, $0x0, v63;
	vm2 =	vgt.s32 v25, $0x0  }
0x4b7: {  	s15 =	simm.s32 $0xE0;
	s16 =	simm.s32 $0x0;
	s17 =	simm.s32 $0x140;
	v22 =	vnsel vm3, $0x0, v22;
	v15 =	vld.idx.msk [tilespmem:v23+s2+$0x0], $0xffff;
	v14 =	vmin.u32 v14, $0xB;
	v23 =	vnsel vm2, $0x0, v25  }
.LBB2_26:
0x4b8: {  	v24 =	vld [tilespmem:s17+$0xFFFFFFC0];
	s16 =	sadd.s32 $0x8, s16;
	v16 =	vsel vm1, v1, v16;
	v22 =	vmin.u32 v22, $0xB;
	v13 =	vcvt.f32.s32 v13;
	s15 =	sadd.s32 $0x100, s15  }
0x4b9: {  	vm1 =	vlt.f32 v9, $9.999999930e-09;
	v25 =	vld [tilespmem:s17+$0xFFFFFFE0];
	p0 =	slt.u32 s16, $0x318;
	[tilespmem:v12+s10+$0x0] =	vst.idx.msk $0xffff, v19;
	v12 =	vadd.s32 $0xC, v16;
	v9 =	vadd.s32 v1, v22  }
0x4ba: {  	v19 =	vld.idx.msk [tilespmem:v20+s2+$0x0], $0xffff;
	[tilespmem:v11+s10+$0x0] =	vst.idx.msk $0xffff, v18;
	v11 =	vmin.u32 v23, $0xB;
	v18 =	vsel vm0, v1, v9;
	v13 =	vadd.s32 $0x1, v13  }
0x4bb: {  	v9 =	vld [tilespmem:s17+$0x10];
	v11 =	vadd.s32 v1, v11;
	v20 =	vadd.s32 $0xC, v18;
	vm0 =	vgt.s32 v13, $0x0  }
0x4bc: {  	[tilespmem:v10+s10+$0x0] =	vst.idx.msk $0xffff, v17;
	v10 =	vor.u32 s13, v2;
	v17 =	vld.idx.msk [tilespmem:v21+s2+$0x0], $0xffff;
	v11 =	vsel vm1, v1, v11;
	v13 =	vnsel vm0, $0x0, v13  }
0x4bd: {  	v21 =	vor.u32 s12, v3;
	s12 =	sadd.s32 $0xFFFFFF80, s14;
	v16 =	vld.idx.msk [tilespmem:v16+s2+$0x0], $0xffff;
	v22 =	vadd.s32 $0xC, v11;
	v13 =	vmin.u32 v13, $0xB  }
0x4be: {  	vm0 =	vlt.f32 v6, $9.999999930e-09;
	v23 =	vor.u32 s12, v0;
	v12 =	vld.idx.msk [tilespmem:v12+s2+$0x0], $0xffff;
	v13 =	vadd.s32 v1, v13  }
0x4bf: {  	s13 =	sadd.s32 $0xFFFFFFC0, s14;
	v26 =	vor.u32 s12, v5;
	s12 =	sadd.s32 $0xFFFFFFE0, s14;
	v6 =	vld [tilespmem:s17+$0x30];
	v27 =	vsel vm0, v1, v13  }
0x4c0: {  	s18 =	sadd.s32 $0xFFFFFFA0, s14;
	v28 =	vor.u32 s12, v4;
	v13 =	vld [tilespmem:s17+$0x20];
	[tilespmem:v7+s10+$0x0] =	vst.idx.msk $0xffff, v19;
	v19 =	vor.u32 s13, v3;
	v29 =	vadd.s32 $0xC, v27  }
0x4c1: {  	v31 =	vor.u32 s18, v2;
	v32 =	vor.u32 s12, v0;
	v30 =	vld [tilespmem:s17+$0xFFFFFFD0];
	[tilespmem:v10+s10+$0x0] =	vst.idx.msk $0xffff, v15;
	v15 =	vor.u32 s18, v0  }
0x4c2: {  	v34 =	vor.u32 s14, v5;
	s12 =	sadd.s32 $0xFFFFFF40, s15;
	v33 =	vld [tilespmem:s17+$0xFFFFFFF0];
	[tilespmem:v21+s10+$0x0] =	vst.idx.msk $0xffff, v17;
	v17 =	vor.u32 s13, v0;
	v21 =	vor.u32 s14, v0;
	s14 =	smov.u32 s15  }
0x4c3: {  	v14 =	vadd.s32 v1, v14;
	vm0 =	vlt.f32 v8, $9.999999930e-09;
	v7 =	vor.u32 s12, v0;
	s13 =	sadd.s32 $0xFFFFFF20, s15;
	[tilespmem:v23+s10+$0x0] =	vst.idx.msk $0xffff, v16;
	v8 =	vld [tilespmem:s17+$0x0]  }
0x4c4: {  	v14 =	vsel vm0, v1, v14;
	v10 =	vor.u32 s13, v0;
	v16 =	vmul.f32 $1.000000000e+01, v6;
	[tilespmem:v26+s10+$0x0] =	vst.idx.msk $0xffff, v12;
	v22 =	vld.idx.msk [tilespmem:v22+s2+$0x0], $0xffff  }
0x4c5: {  	v12 =	vmul.f32 $1.000000000e+01, v25;
	v26 =	vadd.s32 $0xC, v14;
	v23 =	vmul.f32 $1.000000000e+01, v13;
	v35 =	vld.idx.msk [tilespmem:v11+s2+$0x0], $0xffff  }
0x4c6: {  	vm0 =	vlt.f32 v13, $9.999999930e-09;
	v11 =	vmul.f32 $1.000000000e+01, v30;
	v13 =	vtrunc.f32 v16;
	v16 =	vld.idx.msk [tilespmem:v27+s2+$0x0], $0xffff  }
0x4c7: {  	vm3 =	vlt.f32 v24, $9.999999930e-09;
	s18 =	sadd.s32 $0xFFFFFF60, s15;
	v27 =	vtrunc.f32 v12;
	v23 =	vtrunc.f32 v23;
	v18 =	vld.idx.msk [tilespmem:v18+s2+$0x0], $0xffff  }
0x4c8: {  	v12 =	vor.u32 s18, v0;
	v37 =	vmul.f32 $1.000000000e+01, v33;
	v36 =	vtrunc.f32 v11;
	v29 =	vld.idx.msk [tilespmem:v29+s2+$0x0], $0xffff  }
0x4c9: {  	v38 =	vmul.f32 $1.000000000e+01, v9;
	v27 =	vcvt.f32.s32 v27;
	v11 =	vor.u32 s18, v4;
	v14 =	vld.idx.msk [tilespmem:v14+s2+$0x0], $0xffff  }
0x4ca: {  	v24 =	vmul.f32 $1.000000000e+01, v24;
	vm2 =	vlt.f32 v30, $9.999999930e-09;
	v30 =	vtrunc.f32 v37;
	v26 =	vld.idx.msk [tilespmem:v26+s2+$0x0], $0xffff  }
0x4cb: {  	vm4 =	vlt.f32 v25, $9.999999930e-09;
	v25 =	vadd.s32 $0x1, v27;
	v27 =	vcvt.f32.s32 v30;
	[tilespmem:v17+s10+$0x0] =	vst.idx.msk $0xffff, v35;
	v17 =	vld.idx.msk [tilespmem:v20+s2+$0x0], $0xffff  }
0x4cc: {  	vm1 =	vlt.f32 v33, $9.999999930e-09;
	v20 =	vtrunc.f32 v24;
	v24 =	vcvt.f32.s32 v36;
	[tilespmem:v21+s10+$0x0] =	vst.idx.msk $0xffff, v16  }
0x4cd: {  	vm5 =	vgt.s32 v25, $0x0;
	v16 =	vcvt.f32.s32 v20;
	v20 =	vadd.s32 $0x1, v27;
	[tilespmem:v32+s10+$0x0] =	vst.idx.msk $0xffff, v18  }
0x4ce: {  	v21 =	vnsel vm5, $0x0, v25;
	v18 =	vadd.s32 $0x1, v24;
	vm5 =	vgt.s32 v20, $0x0;
	[tilespmem:v34+s10+$0x0] =	vst.idx.msk $0xffff, v29  }
0x4cf: {  	v21 =	vmin.u32 v21, $0xB;
	v16 =	vadd.s32 $0x1, v16;
	v20 =	vnsel vm5, $0x0, v20;
	[tilespmem:v15+s10+$0x0] =	vst.idx.msk $0xffff, v14  }
0x4d0: {  	vm5 =	vgt.s32 v16, $0x0;
	v14 =	vadd.s32 v1, v21;
	v15 =	vmin.u32 v20, $0xB;
	[tilespmem:v31+s10+$0x0] =	vst.idx.msk $0xffff, v26  }
0x4d1: {  	v20 =	vnsel vm5, $0x0, v16;
	v14 =	vsel vm4, v1, v14;
	v16 =	vadd.s32 v1, v15;
	[tilespmem:v19+s10+$0x0] =	vst.idx.msk $0xffff, v22  }
0x4d2: {  	v15 =	vmin.u32 v20, $0xB;
	v20 =	vadd.s32 $0xC, v14;
	v19 =	vmul.f32 $1.000000000e+01, v8;
	[tilespmem:v28+s10+$0x0] =	vst.idx.msk $0xffff, v17  }
0x4d3: {  	vm4 =	vgt.s32 v18, $0x0;
	v15 =	vadd.s32 v1, v15;
	v17 =	vcvt.f32.s32 v23  }
0x4d4: {  	v18 =	vnsel vm4, $0x0, v18;
	v15 =	vsel vm3, v1, v15;
	v19 =	vtrunc.f32 v19  }
0x4d5: {  	v23 =	vtrunc.f32 v38;
	v21 =	vadd.s32 $0xC, v15;
	v22 =	vcvt.f32.s32 v19  }
.Ltmp12:
0x4d6: {  	v18 =	vmin.u32 v18, $0xB;
	v19 =	vld.idx.msk [tilespmem:v14+s2+$0x0], $0xffff;
	v14 =	vcvt.f32.s32 v23;
	v23 =	vadd.s32 $0x1, v17;
	(pc) =	sbr.rel @p0 .LBB2_26-.Ltmp12, $4  }
0x4d7: {  	v17 =	vadd.s32 v1, v18;
	v22 =	vadd.s32 $0x1, v22;
	v18 =	vld.idx.msk [tilespmem:v20+s2+$0x0], $0xffff;
	vm3 =	vgt.s32 v23, $0x0  }
0x4d8: {  	v20 =	vsel vm2, v1, v17;
	vm2 =	vgt.s32 v22, $0x0;
	v24 =	vadd.s32 $0x1, v14  }
0x4d9: {  	v14 =	vnsel vm2, $0x0, v22;
	v22 =	vnsel vm3, $0x0, v23;
	v17 =	vld.idx.msk [tilespmem:v15+s2+$0x0], $0xffff;
	vm2 =	vgt.s32 v24, $0x0  }
0x4da: {  	s17 =	sadd.s32 $0x80, s17;
	v14 =	vmin.u32 v14, $0xB;
	v15 =	vld.idx.msk [tilespmem:v21+s2+$0x0], $0xffff;
	v21 =	vadd.s32 $0xC, v20;
	v23 =	vnsel vm2, $0x0, v24  }
0x4db: {  	v13 =	vcvt.f32.s32 v13;
	_ =	sdelay $0x1  }
0x4dc: {  	v16 =	vsel vm1, v1, v16;
	v23 =	vmin.u32 v23, $0xB;
	v13 =	vadd.s32 $0x1, v13  }
0x4dd: {  	vm1 =	vlt.f32 v9, $9.999999930e-09;
	v9 =	vadd.s32 v1, v23;
	vm2 =	vgt.s32 v13, $0x0  }
0x4de: {  	v20 =	vld.idx.msk [tilespmem:v20+s2+$0x0], $0xffff;
	v9 =	vsel vm1, v1, v9;
	v13 =	vnsel vm2, $0x0, v13  }
0x4df: {  	v22 =	vmin.u32 v22, $0xB;
	v13 =	vmin.u32 v13, $0xB  }
0x4e0: {  	v23 =	vadd.s32 $0xC, v16;
	vm1 =	vlt.f32 v6, $9.999999930e-09;
	v6 =	vadd.s32 v1, v13  }
0x4e1: {  	v21 =	vld.idx.msk [tilespmem:v21+s2+$0x0], $0xffff;
	s18 =	sadd.s32 $0xFFFFFF80, s14;
	v13 =	vadd.s32 v1, v22;
	v22 =	vor.u32 s13, v2;
	v6 =	vsel vm1, v1, v6  }
0x4e2: {  	[tilespmem:v12+s10+$0x0] =	vst.idx.msk $0xffff, v19;
	v19 =	vor.u32 s18, v0;
	v16 =	vld.idx.msk [tilespmem:v16+s2+$0x0], $0xffff;
	s13 =	sadd.s32 $0xFFFFFFC0, s14;
	v12 =	vsel vm0, v1, v13  }
0x4e3: {  	v24 =	vadd.s32 $0xC, v9;
	[tilespmem:v7+s10+$0x0] =	vst.idx.msk $0xffff, v20;
	v13 =	vor.u32 s12, v3;
	v7 =	vor.u32 s13, v0;
	v9 =	vld.idx.msk [tilespmem:v9+s2+$0x0], $0xffff  }
0x4e4: {  	[tilespmem:v11+s10+$0x0] =	vst.idx.msk $0xffff, v18;
	vm0 =	vlt.f32 v8, $9.999999930e-09;
	v8 =	vadd.s32 v1, v14;
	v18 =	vadd.s32 $0xC, v6  }
0x4e5: {  	[tilespmem:v10+s10+$0x0] =	vst.idx.msk $0xffff, v17;
	v10 =	vor.u32 s18, v5;
	v11 =	vld.idx.msk [tilespmem:v23+s2+$0x0], $0xffff;
	v8 =	vsel vm0, v1, v8  }
0x4e6: {  	s16 =	sadd.s32 $0xFFFFFFE0, s14;
	v17 =	vadd.s32 $0xC, v8;
	[tilespmem:v22+s10+$0x0] =	vst.idx.msk $0xffff, v15;
	v15 =	vor.u32 s14, v0;
	v6 =	vld.idx.msk [tilespmem:v6+s2+$0x0], $0xffff  }
0x4e7: {  	v20 =	vadd.s32 $0xC, v12;
	[tilespmem:v19+s10+$0x0] =	vst.idx.msk $0xffff, v16;
	v22 =	vor.u32 s16, v0;
	v12 =	vld.idx.msk [tilespmem:v12+s2+$0x0], $0xffff  }
0x4e8: {  	v14 =	vld.idx.msk [tilespmem:v24+s2+$0x0], $0xffff;
	[tilespmem:v7+s10+$0x0] =	vst.idx.msk $0xffff, v9;
	v7 =	vor.u32 s13, v3  }
0x4e9: {  	s15 =	sadd.s32 $0xFFFFFFA0, s14;
	[tilespmem:v13+s10+$0x0] =	vst.idx.msk $0xffff, v21;
	v13 =	vor.u32 s14, v5;
	v16 =	vld.idx.msk [tilespmem:v18+s2+$0x0], $0xffff  }
0x4ea: {  	[tilespmem:v10+s10+$0x0] =	vst.idx.msk $0xffff, v11;
	v18 =	vor.u32 s15, v0;
	v8 =	vld.idx.msk [tilespmem:v8+s2+$0x0], $0xffff  }
0x4eb: {  	v10 =	vor.u32 s15, v2;
	v11 =	vld.idx.msk [tilespmem:v17+s2+$0x0], $0xffff;
	[tilespmem:v15+s10+$0x0] =	vst.idx.msk $0xffff, v6  }
0x4ec: {  	v9 =	vld.idx.msk [tilespmem:v20+s2+$0x0], $0xffff;
	v6 =	vor.u32 s16, v4;
	[tilespmem:v22+s10+$0x0] =	vst.idx.msk $0xffff, v12  }
0x4ed: {  	[tilespmem:v7+s10+$0x0] =	vst.idx.msk $0xffff, v14  }
0x4ee: {  	[tilespmem:v13+s10+$0x0] =	vst.idx.msk $0xffff, v16  }
0x4ef: {  	[tilespmem:v18+s10+$0x0] =	vst.idx.msk $0xffff, v8  }
0x4f0: {  	[tilespmem:v10+s10+$0x0] =	vst.idx.msk $0xffff, v11  }
0x4f1: {  	[tilespmem:v6+s10+$0x0] =	vst.idx.msk $0xffff, v9  }
0x4f2: {  	[hbm4b:s3+s2] =	stream.linear.scatter [tilespmem:s10], [sflag:$0x1], $0x6400, $0x38;
	[tilespmem:$0x9680] =	vst v63  }
0x4f3: {  	_ =	swait.ge [sflag:s8], $0x6400  }
0x4f4: {  	[sflag:s8] =	ssyncset.done $0x0  }
0x4f5: {  	[sflag:s8] =	ssyncadd.s32 $0xFFFF9C00  }
0x4f6: {  	[tilespmem:s9], [sflag:$0x1] =	stream.linear.gather [hbm4b:s22+s2], $0x3200, $0x38;
	[tilespmem:$0x9680] =	vst v63  }
0x4f7: {  	_ =	swait.ge [sflag:s8], $0x3200  }
0x4f8: {  	[sflag:s8] =	ssyncset.done $0x0  }
0x4f9: {  	s17 =	simm.s32 $0xC0;
	[sflag:s8] =	ssyncadd.s32 $0xFFFFCE00  }
0x4fa: {  	v8 =	vld [tilespmem:s17+$0xFFFFFFE0]  }
0x4fb: {  	v6 =	vld [tilespmem:s17+$0x30]  }
0x4fc: {  	v11 =	vld [tilespmem:s17+$0x20]  }
0x4fd: {  	v14 =	vld [tilespmem:s17+$0xFFFFFFD0]  }
0x4fe: {  	v15 =	vld [tilespmem:s17+$0xFFFFFFC0]  }
0x4ff: {  	v9 =	vld [tilespmem:s17+$0x10];
	_ =	sdelay $0x2  }
0x500: {  	s12 =	simm.s32 $0x20;
	v16 =	vld [tilespmem:s17+$0xFFFFFFF0];
	v12 =	vmul.f32 $1.000000000e+01, v6;
	v17 =	vmul.f32 $1.000000000e+01, v8  }
0x501: {  	v7 =	vor.u32 s12, v0;
	v18 =	vmul.f32 $1.000000000e+01, v11;
	v19 =	vmul.f32 $1.000000000e+01, v14  }
0x502: {  	vm3 =	vlt.f32 v15, $9.999999930e-09;
	v21 =	vmul.f32 $1.000000000e+01, v9;
	v15 =	vmul.f32 $1.000000000e+01, v15  }
0x503: {  	s13 =	simm.s32 $0x0;
	vm0 =	vlt.f32 v11, $9.999999930e-09;
	v13 =	vtrunc.f32 v12;
	v11 =	vtrunc.f32 v17  }
0x504: {  	v10 =	vor.u32 s13, v0;
	v17 =	vtrunc.f32 v18;
	v18 =	vtrunc.f32 v19  }
0x505: {  	vm2 =	vlt.f32 v14, $9.999999930e-09;
	v19 =	vmul.f32 $1.000000000e+01, v16;
	v15 =	vtrunc.f32 v15  }
0x506: {  	vm4 =	vlt.f32 v8, $9.999999930e-09;
	v8 =	vld [tilespmem:s17+$0x0];
	v21 =	vtrunc.f32 v21;
	v20 =	vcvt.f32.s32 v11  }
0x507: {  	s18 =	simm.s32 $0x40;
	vm1 =	vlt.f32 v16, $9.999999930e-09;
	v18 =	vcvt.f32.s32 v18;
	v14 =	vtrunc.f32 v19  }
0x508: {  	v12 =	vor.u32 s18, v0;
	v15 =	vcvt.f32.s32 v15;
	v14 =	vcvt.f32.s32 v14  }
0x509: {  	v17 =	vcvt.f32.s32 v17;
	v19 =	vadd.s32 $0x1, v20;
	v18 =	vadd.s32 $0x1, v18  }
0x50a: {  	v15 =	vadd.s32 $0x1, v15;
	vm5 =	vgt.s32 v19, $0x0;
	v14 =	vadd.s32 $0x1, v14  }
0x50b: {  	v20 =	vmul.f32 $1.000000000e+01, v8;
	v16 =	vnsel vm5, $0x0, v19;
	vm13 =	vgt.s32 v14, $0x0  }
0x50c: {  	vm14 =	vgt.s32 v15, $0x0;
	v16 =	vmin.u32 v16, $0xB;
	v14 =	vnsel vm13, $0x0, v14  }
0x50d: {  	v15 =	vnsel vm14, $0x0, v15;
	v16 =	vadd.s32 v1, v16;
	v14 =	vmin.u32 v14, $0xB  }
0x50e: {  	v19 =	vsel vm4, v1, v16;
	v16 =	vadd.s32 v1, v14;
	v14 =	vmin.u32 v15, $0xB  }
0x50f: {  	vm15 =	vgt.s32 v18, $0x0;
	v15 =	vadd.s32 $0xC, v19;
	v14 =	vadd.s32 v1, v14  }
0x510: {  	v18 =	vnsel vm15, $0x0, v18;
	v20 =	vtrunc.f32 v20;
	v14 =	vsel vm3, v1, v14  }
0x511: {  	v20 =	vcvt.f32.s32 v20;
	v18 =	vmin.u32 v18, $0xB;
	v23 =	vadd.s32 $0xC, v14  }
0x512: {  	v21 =	vcvt.f32.s32 v21;
	v22 =	vadd.s32 $0x1, v17;
	v17 =	vadd.s32 v1, v18  }
0x513: {  	v11 =	vor.u32 s18, v4;
	v63 =	vadd.s32 $0x1, v20;
	v20 =	vsel vm2, v1, v17;
	v19 =	vld.idx.msk [tilespmem:v19+s2+$0x0], $0xffff  }
0x514: {  	v25 =	vadd.s32 $0x1, v21;
	vm2 =	vgt.s32 v63, $0x0;
	v21 =	vadd.s32 $0xC, v20;
	v18 =	vld.idx.msk [tilespmem:v15+s2+$0x0], $0xffff  }
0x515: {  	s14 =	simm.s32 $0xE0;
	vm3 =	vgt.s32 v22, $0x0;
	v17 =	vld.idx.msk [tilespmem:v14+s2+$0x0], $0xffff;
	v14 =	vnsel vm2, $0x0, v63;
	vm2 =	vgt.s32 v25, $0x0  }
0x516: {  	s15 =	simm.s32 $0xE0;
	s16 =	simm.s32 $0x0;
	s17 =	simm.s32 $0x140;
	v22 =	vnsel vm3, $0x0, v22;
	v15 =	vld.idx.msk [tilespmem:v23+s2+$0x0], $0xffff;
	v14 =	vmin.u32 v14, $0xB;
	v23 =	vnsel vm2, $0x0, v25  }
.LBB2_28:
0x517: {  	v24 =	vld [tilespmem:s17+$0xFFFFFFC0];
	s16 =	sadd.s32 $0x8, s16;
	v16 =	vsel vm1, v1, v16;
	v22 =	vmin.u32 v22, $0xB;
	v13 =	vcvt.f32.s32 v13;
	s15 =	sadd.s32 $0x100, s15  }
0x518: {  	vm1 =	vlt.f32 v9, $9.999999930e-09;
	v25 =	vld [tilespmem:s17+$0xFFFFFFE0];
	p0 =	slt.u32 s16, $0x318;
	[tilespmem:v12+s10+$0x0] =	vst.idx.msk $0xffff, v19;
	v12 =	vadd.s32 $0xC, v16;
	v9 =	vadd.s32 v1, v22  }
0x519: {  	v19 =	vld.idx.msk [tilespmem:v20+s2+$0x0], $0xffff;
	[tilespmem:v11+s10+$0x0] =	vst.idx.msk $0xffff, v18;
	v11 =	vmin.u32 v23, $0xB;
	v18 =	vsel vm0, v1, v9;
	v13 =	vadd.s32 $0x1, v13  }
0x51a: {  	v9 =	vld [tilespmem:s17+$0x10];
	v11 =	vadd.s32 v1, v11;
	v20 =	vadd.s32 $0xC, v18;
	vm0 =	vgt.s32 v13, $0x0  }
0x51b: {  	[tilespmem:v10+s10+$0x0] =	vst.idx.msk $0xffff, v17;
	v10 =	vor.u32 s13, v2;
	v17 =	vld.idx.msk [tilespmem:v21+s2+$0x0], $0xffff;
	v11 =	vsel vm1, v1, v11;
	v13 =	vnsel vm0, $0x0, v13  }
0x51c: {  	v21 =	vor.u32 s12, v3;
	s12 =	sadd.s32 $0xFFFFFF80, s14;
	v16 =	vld.idx.msk [tilespmem:v16+s2+$0x0], $0xffff;
	v22 =	vadd.s32 $0xC, v11;
	v13 =	vmin.u32 v13, $0xB  }
0x51d: {  	vm0 =	vlt.f32 v6, $9.999999930e-09;
	v23 =	vor.u32 s12, v0;
	v12 =	vld.idx.msk [tilespmem:v12+s2+$0x0], $0xffff;
	v13 =	vadd.s32 v1, v13  }
0x51e: {  	s13 =	sadd.s32 $0xFFFFFFC0, s14;
	v26 =	vor.u32 s12, v5;
	s12 =	sadd.s32 $0xFFFFFFE0, s14;
	v6 =	vld [tilespmem:s17+$0x30];
	v27 =	vsel vm0, v1, v13  }
0x51f: {  	s18 =	sadd.s32 $0xFFFFFFA0, s14;
	v28 =	vor.u32 s12, v4;
	v13 =	vld [tilespmem:s17+$0x20];
	[tilespmem:v7+s10+$0x0] =	vst.idx.msk $0xffff, v19;
	v19 =	vor.u32 s13, v3;
	v29 =	vadd.s32 $0xC, v27  }
0x520: {  	v31 =	vor.u32 s18, v2;
	v32 =	vor.u32 s12, v0;
	v30 =	vld [tilespmem:s17+$0xFFFFFFD0];
	[tilespmem:v10+s10+$0x0] =	vst.idx.msk $0xffff, v15;
	v15 =	vor.u32 s18, v0  }
0x521: {  	v34 =	vor.u32 s14, v5;
	s12 =	sadd.s32 $0xFFFFFF40, s15;
	v33 =	vld [tilespmem:s17+$0xFFFFFFF0];
	[tilespmem:v21+s10+$0x0] =	vst.idx.msk $0xffff, v17;
	v17 =	vor.u32 s13, v0;
	v21 =	vor.u32 s14, v0;
	s14 =	smov.u32 s15  }
0x522: {  	v14 =	vadd.s32 v1, v14;
	vm0 =	vlt.f32 v8, $9.999999930e-09;
	v7 =	vor.u32 s12, v0;
	s13 =	sadd.s32 $0xFFFFFF20, s15;
	[tilespmem:v23+s10+$0x0] =	vst.idx.msk $0xffff, v16;
	v8 =	vld [tilespmem:s17+$0x0]  }
0x523: {  	v14 =	vsel vm0, v1, v14;
	v10 =	vor.u32 s13, v0;
	v16 =	vmul.f32 $1.000000000e+01, v6;
	[tilespmem:v26+s10+$0x0] =	vst.idx.msk $0xffff, v12;
	v22 =	vld.idx.msk [tilespmem:v22+s2+$0x0], $0xffff  }
0x524: {  	v12 =	vmul.f32 $1.000000000e+01, v25;
	v26 =	vadd.s32 $0xC, v14;
	v23 =	vmul.f32 $1.000000000e+01, v13;
	v35 =	vld.idx.msk [tilespmem:v11+s2+$0x0], $0xffff  }
0x525: {  	vm0 =	vlt.f32 v13, $9.999999930e-09;
	v11 =	vmul.f32 $1.000000000e+01, v30;
	v13 =	vtrunc.f32 v16;
	v16 =	vld.idx.msk [tilespmem:v27+s2+$0x0], $0xffff  }
0x526: {  	vm3 =	vlt.f32 v24, $9.999999930e-09;
	s18 =	sadd.s32 $0xFFFFFF60, s15;
	v27 =	vtrunc.f32 v12;
	v23 =	vtrunc.f32 v23;
	v18 =	vld.idx.msk [tilespmem:v18+s2+$0x0], $0xffff  }
0x527: {  	v12 =	vor.u32 s18, v0;
	v37 =	vmul.f32 $1.000000000e+01, v33;
	v36 =	vtrunc.f32 v11;
	v29 =	vld.idx.msk [tilespmem:v29+s2+$0x0], $0xffff  }
0x528: {  	v38 =	vmul.f32 $1.000000000e+01, v9;
	v27 =	vcvt.f32.s32 v27;
	v11 =	vor.u32 s18, v4;
	v14 =	vld.idx.msk [tilespmem:v14+s2+$0x0], $0xffff  }
0x529: {  	v24 =	vmul.f32 $1.000000000e+01, v24;
	vm2 =	vlt.f32 v30, $9.999999930e-09;
	v30 =	vtrunc.f32 v37;
	v26 =	vld.idx.msk [tilespmem:v26+s2+$0x0], $0xffff  }
0x52a: {  	vm4 =	vlt.f32 v25, $9.999999930e-09;
	v25 =	vadd.s32 $0x1, v27;
	v27 =	vcvt.f32.s32 v30;
	[tilespmem:v17+s10+$0x0] =	vst.idx.msk $0xffff, v35;
	v17 =	vld.idx.msk [tilespmem:v20+s2+$0x0], $0xffff  }
0x52b: {  	vm1 =	vlt.f32 v33, $9.999999930e-09;
	v20 =	vtrunc.f32 v24;
	v24 =	vcvt.f32.s32 v36;
	[tilespmem:v21+s10+$0x0] =	vst.idx.msk $0xffff, v16  }
0x52c: {  	vm5 =	vgt.s32 v25, $0x0;
	v16 =	vcvt.f32.s32 v20;
	v20 =	vadd.s32 $0x1, v27;
	[tilespmem:v32+s10+$0x0] =	vst.idx.msk $0xffff, v18  }
0x52d: {  	v21 =	vnsel vm5, $0x0, v25;
	v18 =	vadd.s32 $0x1, v24;
	vm5 =	vgt.s32 v20, $0x0;
	[tilespmem:v34+s10+$0x0] =	vst.idx.msk $0xffff, v29  }
0x52e: {  	v21 =	vmin.u32 v21, $0xB;
	v16 =	vadd.s32 $0x1, v16;
	v20 =	vnsel vm5, $0x0, v20;
	[tilespmem:v15+s10+$0x0] =	vst.idx.msk $0xffff, v14  }
0x52f: {  	vm5 =	vgt.s32 v16, $0x0;
	v14 =	vadd.s32 v1, v21;
	v15 =	vmin.u32 v20, $0xB;
	[tilespmem:v31+s10+$0x0] =	vst.idx.msk $0xffff, v26  }
0x530: {  	v20 =	vnsel vm5, $0x0, v16;
	v14 =	vsel vm4, v1, v14;
	v16 =	vadd.s32 v1, v15;
	[tilespmem:v19+s10+$0x0] =	vst.idx.msk $0xffff, v22  }
0x531: {  	v15 =	vmin.u32 v20, $0xB;
	v20 =	vadd.s32 $0xC, v14;
	v19 =	vmul.f32 $1.000000000e+01, v8;
	[tilespmem:v28+s10+$0x0] =	vst.idx.msk $0xffff, v17  }
0x532: {  	vm4 =	vgt.s32 v18, $0x0;
	v15 =	vadd.s32 v1, v15;
	v17 =	vcvt.f32.s32 v23  }
0x533: {  	v18 =	vnsel vm4, $0x0, v18;
	v15 =	vsel vm3, v1, v15;
	v19 =	vtrunc.f32 v19  }
0x534: {  	v23 =	vtrunc.f32 v38;
	v21 =	vadd.s32 $0xC, v15;
	v22 =	vcvt.f32.s32 v19  }
.Ltmp13:
0x535: {  	v18 =	vmin.u32 v18, $0xB;
	v19 =	vld.idx.msk [tilespmem:v14+s2+$0x0], $0xffff;
	v14 =	vcvt.f32.s32 v23;
	v23 =	vadd.s32 $0x1, v17;
	(pc) =	sbr.rel @p0 .LBB2_28-.Ltmp13, $4  }
0x536: {  	v17 =	vadd.s32 v1, v18;
	v22 =	vadd.s32 $0x1, v22;
	v18 =	vld.idx.msk [tilespmem:v20+s2+$0x0], $0xffff;
	vm3 =	vgt.s32 v23, $0x0  }
0x537: {  	v20 =	vsel vm2, v1, v17;
	vm2 =	vgt.s32 v22, $0x0;
	v24 =	vadd.s32 $0x1, v14  }
0x538: {  	v14 =	vnsel vm2, $0x0, v22;
	v22 =	vnsel vm3, $0x0, v23;
	v17 =	vld.idx.msk [tilespmem:v15+s2+$0x0], $0xffff;
	vm2 =	vgt.s32 v24, $0x0  }
0x539: {  	s17 =	sadd.s32 $0x80, s17;
	v14 =	vmin.u32 v14, $0xB;
	v15 =	vld.idx.msk [tilespmem:v21+s2+$0x0], $0xffff;
	v21 =	vadd.s32 $0xC, v20;
	v23 =	vnsel vm2, $0x0, v24  }
0x53a: {  	v13 =	vcvt.f32.s32 v13;
	_ =	sdelay $0x1  }
0x53b: {  	v16 =	vsel vm1, v1, v16;
	v23 =	vmin.u32 v23, $0xB;
	v13 =	vadd.s32 $0x1, v13  }
0x53c: {  	vm1 =	vlt.f32 v9, $9.999999930e-09;
	v9 =	vadd.s32 v1, v23;
	vm2 =	vgt.s32 v13, $0x0  }
0x53d: {  	v20 =	vld.idx.msk [tilespmem:v20+s2+$0x0], $0xffff;
	v9 =	vsel vm1, v1, v9;
	v13 =	vnsel vm2, $0x0, v13  }
0x53e: {  	v22 =	vmin.u32 v22, $0xB;
	v13 =	vmin.u32 v13, $0xB  }
0x53f: {  	v23 =	vadd.s32 $0xC, v16;
	vm1 =	vlt.f32 v6, $9.999999930e-09;
	v6 =	vadd.s32 v1, v13  }
0x540: {  	v21 =	vld.idx.msk [tilespmem:v21+s2+$0x0], $0xffff;
	s18 =	sadd.s32 $0xFFFFFF80, s14;
	v13 =	vadd.s32 v1, v22;
	v22 =	vor.u32 s13, v2;
	v6 =	vsel vm1, v1, v6  }
0x541: {  	[tilespmem:v12+s10+$0x0] =	vst.idx.msk $0xffff, v19;
	v19 =	vor.u32 s18, v0;
	v16 =	vld.idx.msk [tilespmem:v16+s2+$0x0], $0xffff;
	s13 =	sadd.s32 $0xFFFFFFC0, s14;
	v12 =	vsel vm0, v1, v13  }
0x542: {  	v24 =	vadd.s32 $0xC, v9;
	[tilespmem:v7+s10+$0x0] =	vst.idx.msk $0xffff, v20;
	v13 =	vor.u32 s12, v3;
	v7 =	vor.u32 s13, v0;
	v9 =	vld.idx.msk [tilespmem:v9+s2+$0x0], $0xffff  }
0x543: {  	[tilespmem:v11+s10+$0x0] =	vst.idx.msk $0xffff, v18;
	vm0 =	vlt.f32 v8, $9.999999930e-09;
	v8 =	vadd.s32 v1, v14;
	v18 =	vadd.s32 $0xC, v6  }
0x544: {  	[tilespmem:v10+s10+$0x0] =	vst.idx.msk $0xffff, v17;
	v10 =	vor.u32 s18, v5;
	v11 =	vld.idx.msk [tilespmem:v23+s2+$0x0], $0xffff;
	v8 =	vsel vm0, v1, v8  }
0x545: {  	s16 =	sadd.s32 $0xFFFFFFE0, s14;
	v17 =	vadd.s32 $0xC, v8;
	[tilespmem:v22+s10+$0x0] =	vst.idx.msk $0xffff, v15;
	v15 =	vor.u32 s14, v0;
	v6 =	vld.idx.msk [tilespmem:v6+s2+$0x0], $0xffff  }
0x546: {  	v20 =	vadd.s32 $0xC, v12;
	[tilespmem:v19+s10+$0x0] =	vst.idx.msk $0xffff, v16;
	v22 =	vor.u32 s16, v0;
	v12 =	vld.idx.msk [tilespmem:v12+s2+$0x0], $0xffff  }
0x547: {  	v14 =	vld.idx.msk [tilespmem:v24+s2+$0x0], $0xffff;
	[tilespmem:v7+s10+$0x0] =	vst.idx.msk $0xffff, v9;
	v7 =	vor.u32 s13, v3  }
0x548: {  	s15 =	sadd.s32 $0xFFFFFFA0, s14;
	[tilespmem:v13+s10+$0x0] =	vst.idx.msk $0xffff, v21;
	v13 =	vor.u32 s14, v5;
	v16 =	vld.idx.msk [tilespmem:v18+s2+$0x0], $0xffff  }
0x549: {  	[tilespmem:v10+s10+$0x0] =	vst.idx.msk $0xffff, v11;
	v18 =	vor.u32 s15, v0;
	v8 =	vld.idx.msk [tilespmem:v8+s2+$0x0], $0xffff  }
0x54a: {  	v10 =	vor.u32 s15, v2;
	v11 =	vld.idx.msk [tilespmem:v17+s2+$0x0], $0xffff;
	[tilespmem:v15+s10+$0x0] =	vst.idx.msk $0xffff, v6  }
0x54b: {  	v9 =	vld.idx.msk [tilespmem:v20+s2+$0x0], $0xffff;
	v6 =	vor.u32 s16, v4;
	[tilespmem:v22+s10+$0x0] =	vst.idx.msk $0xffff, v12  }
0x54c: {  	[tilespmem:v7+s10+$0x0] =	vst.idx.msk $0xffff, v14  }
0x54d: {  	[tilespmem:v13+s10+$0x0] =	vst.idx.msk $0xffff, v16  }
0x54e: {  	[tilespmem:v18+s10+$0x0] =	vst.idx.msk $0xffff, v8  }
0x54f: {  	[tilespmem:v10+s10+$0x0] =	vst.idx.msk $0xffff, v11  }
0x550: {  	[tilespmem:v6+s10+$0x0] =	vst.idx.msk $0xffff, v9  }
0x551: {  	[hbm4b:s5+s2] =	stream.linear.scatter [tilespmem:s10], [sflag:$0x1], $0x6400, $0x38;
	[tilespmem:$0x9680] =	vst v63  }
0x552: {  	_ =	swait.ge [sflag:s8], $0x6400  }
0x553: {  	[sflag:s8] =	ssyncset.done $0x0  }
0x554: {  	[sflag:s8] =	ssyncadd.s32 $0xFFFF9C00  }
0x555: {  	[tilespmem:s9], [sflag:$0x1] =	stream.linear.gather [hbm4b:s23+s2], $0x3200, $0x38;
	[tilespmem:$0x9680] =	vst v63  }
0x556: {  	_ =	swait.ge [sflag:s8], $0x3200  }
0x557: {  	[sflag:s8] =	ssyncset.done $0x0  }
0x558: {  	s17 =	simm.s32 $0xC0;
	[sflag:s8] =	ssyncadd.s32 $0xFFFFCE00  }
0x559: {  	v8 =	vld [tilespmem:s17+$0xFFFFFFE0]  }
0x55a: {  	v6 =	vld [tilespmem:s17+$0x30]  }
0x55b: {  	v11 =	vld [tilespmem:s17+$0x20]  }
0x55c: {  	v14 =	vld [tilespmem:s17+$0xFFFFFFD0]  }
0x55d: {  	v15 =	vld [tilespmem:s17+$0xFFFFFFC0]  }
0x55e: {  	v9 =	vld [tilespmem:s17+$0x10];
	_ =	sdelay $0x2  }
0x55f: {  	s12 =	simm.s32 $0x20;
	v16 =	vld [tilespmem:s17+$0xFFFFFFF0];
	v12 =	vmul.f32 $1.000000000e+01, v6;
	v17 =	vmul.f32 $1.000000000e+01, v8  }
0x560: {  	v7 =	vor.u32 s12, v0;
	v18 =	vmul.f32 $1.000000000e+01, v11;
	v19 =	vmul.f32 $1.000000000e+01, v14  }
0x561: {  	vm3 =	vlt.f32 v15, $9.999999930e-09;
	v21 =	vmul.f32 $1.000000000e+01, v9;
	v15 =	vmul.f32 $1.000000000e+01, v15  }
0x562: {  	s13 =	simm.s32 $0x0;
	vm0 =	vlt.f32 v11, $9.999999930e-09;
	v13 =	vtrunc.f32 v12;
	v11 =	vtrunc.f32 v17  }
0x563: {  	v10 =	vor.u32 s13, v0;
	v17 =	vtrunc.f32 v18;
	v18 =	vtrunc.f32 v19  }
0x564: {  	vm2 =	vlt.f32 v14, $9.999999930e-09;
	v19 =	vmul.f32 $1.000000000e+01, v16;
	v15 =	vtrunc.f32 v15  }
0x565: {  	vm4 =	vlt.f32 v8, $9.999999930e-09;
	v8 =	vld [tilespmem:s17+$0x0];
	v21 =	vtrunc.f32 v21;
	v20 =	vcvt.f32.s32 v11  }
0x566: {  	s18 =	simm.s32 $0x40;
	vm1 =	vlt.f32 v16, $9.999999930e-09;
	v18 =	vcvt.f32.s32 v18;
	v14 =	vtrunc.f32 v19  }
0x567: {  	v12 =	vor.u32 s18, v0;
	v15 =	vcvt.f32.s32 v15;
	v14 =	vcvt.f32.s32 v14  }
0x568: {  	v17 =	vcvt.f32.s32 v17;
	v19 =	vadd.s32 $0x1, v20;
	v18 =	vadd.s32 $0x1, v18  }
0x569: {  	v15 =	vadd.s32 $0x1, v15;
	vm5 =	vgt.s32 v19, $0x0;
	v14 =	vadd.s32 $0x1, v14  }
0x56a: {  	v20 =	vmul.f32 $1.000000000e+01, v8;
	v16 =	vnsel vm5, $0x0, v19;
	vm13 =	vgt.s32 v14, $0x0  }
0x56b: {  	vm14 =	vgt.s32 v15, $0x0;
	v16 =	vmin.u32 v16, $0xB;
	v14 =	vnsel vm13, $0x0, v14  }
0x56c: {  	v15 =	vnsel vm14, $0x0, v15;
	v16 =	vadd.s32 v1, v16;
	v14 =	vmin.u32 v14, $0xB  }
0x56d: {  	v19 =	vsel vm4, v1, v16;
	v16 =	vadd.s32 v1, v14;
	v14 =	vmin.u32 v15, $0xB  }
0x56e: {  	vm15 =	vgt.s32 v18, $0x0;
	v15 =	vadd.s32 $0xC, v19;
	v14 =	vadd.s32 v1, v14  }
0x56f: {  	v18 =	vnsel vm15, $0x0, v18;
	v20 =	vtrunc.f32 v20;
	v14 =	vsel vm3, v1, v14  }
0x570: {  	v20 =	vcvt.f32.s32 v20;
	v18 =	vmin.u32 v18, $0xB;
	v23 =	vadd.s32 $0xC, v14  }
0x571: {  	v21 =	vcvt.f32.s32 v21;
	v22 =	vadd.s32 $0x1, v17;
	v17 =	vadd.s32 v1, v18  }
0x572: {  	v11 =	vor.u32 s18, v4;
	v63 =	vadd.s32 $0x1, v20;
	v20 =	vsel vm2, v1, v17;
	v19 =	vld.idx.msk [tilespmem:v19+s2+$0x0], $0xffff  }
0x573: {  	v25 =	vadd.s32 $0x1, v21;
	vm2 =	vgt.s32 v63, $0x0;
	v21 =	vadd.s32 $0xC, v20;
	v18 =	vld.idx.msk [tilespmem:v15+s2+$0x0], $0xffff  }
0x574: {  	s14 =	simm.s32 $0xE0;
	vm3 =	vgt.s32 v22, $0x0;
	v17 =	vld.idx.msk [tilespmem:v14+s2+$0x0], $0xffff;
	v14 =	vnsel vm2, $0x0, v63;
	vm2 =	vgt.s32 v25, $0x0  }
0x575: {  	s15 =	simm.s32 $0xE0;
	s16 =	simm.s32 $0x0;
	s17 =	simm.s32 $0x140;
	v22 =	vnsel vm3, $0x0, v22;
	v15 =	vld.idx.msk [tilespmem:v23+s2+$0x0], $0xffff;
	v14 =	vmin.u32 v14, $0xB;
	v23 =	vnsel vm2, $0x0, v25  }
.LBB2_30:
0x576: {  	v24 =	vld [tilespmem:s17+$0xFFFFFFC0];
	s16 =	sadd.s32 $0x8, s16;
	v16 =	vsel vm1, v1, v16;
	v22 =	vmin.u32 v22, $0xB;
	v13 =	vcvt.f32.s32 v13;
	s15 =	sadd.s32 $0x100, s15  }
0x577: {  	vm1 =	vlt.f32 v9, $9.999999930e-09;
	v25 =	vld [tilespmem:s17+$0xFFFFFFE0];
	p0 =	slt.u32 s16, $0x318;
	[tilespmem:v12+s10+$0x0] =	vst.idx.msk $0xffff, v19;
	v12 =	vadd.s32 $0xC, v16;
	v9 =	vadd.s32 v1, v22  }
0x578: {  	v19 =	vld.idx.msk [tilespmem:v20+s2+$0x0], $0xffff;
	[tilespmem:v11+s10+$0x0] =	vst.idx.msk $0xffff, v18;
	v11 =	vmin.u32 v23, $0xB;
	v18 =	vsel vm0, v1, v9;
	v13 =	vadd.s32 $0x1, v13  }
0x579: {  	v9 =	vld [tilespmem:s17+$0x10];
	v11 =	vadd.s32 v1, v11;
	v20 =	vadd.s32 $0xC, v18;
	vm0 =	vgt.s32 v13, $0x0  }
0x57a: {  	[tilespmem:v10+s10+$0x0] =	vst.idx.msk $0xffff, v17;
	v10 =	vor.u32 s13, v2;
	v17 =	vld.idx.msk [tilespmem:v21+s2+$0x0], $0xffff;
	v11 =	vsel vm1, v1, v11;
	v13 =	vnsel vm0, $0x0, v13  }
0x57b: {  	v21 =	vor.u32 s12, v3;
	s12 =	sadd.s32 $0xFFFFFF80, s14;
	v16 =	vld.idx.msk [tilespmem:v16+s2+$0x0], $0xffff;
	v22 =	vadd.s32 $0xC, v11;
	v13 =	vmin.u32 v13, $0xB  }
0x57c: {  	vm0 =	vlt.f32 v6, $9.999999930e-09;
	v23 =	vor.u32 s12, v0;
	v12 =	vld.idx.msk [tilespmem:v12+s2+$0x0], $0xffff;
	v13 =	vadd.s32 v1, v13  }
0x57d: {  	s13 =	sadd.s32 $0xFFFFFFC0, s14;
	v26 =	vor.u32 s12, v5;
	s12 =	sadd.s32 $0xFFFFFFE0, s14;
	v6 =	vld [tilespmem:s17+$0x30];
	v27 =	vsel vm0, v1, v13  }
0x57e: {  	s18 =	sadd.s32 $0xFFFFFFA0, s14;
	v28 =	vor.u32 s12, v4;
	v13 =	vld [tilespmem:s17+$0x20];
	[tilespmem:v7+s10+$0x0] =	vst.idx.msk $0xffff, v19;
	v19 =	vor.u32 s13, v3;
	v29 =	vadd.s32 $0xC, v27  }
0x57f: {  	v31 =	vor.u32 s18, v2;
	v32 =	vor.u32 s12, v0;
	v30 =	vld [tilespmem:s17+$0xFFFFFFD0];
	[tilespmem:v10+s10+$0x0] =	vst.idx.msk $0xffff, v15;
	v15 =	vor.u32 s18, v0  }
0x580: {  	v34 =	vor.u32 s14, v5;
	s12 =	sadd.s32 $0xFFFFFF40, s15;
	v33 =	vld [tilespmem:s17+$0xFFFFFFF0];
	[tilespmem:v21+s10+$0x0] =	vst.idx.msk $0xffff, v17;
	v17 =	vor.u32 s13, v0;
	v21 =	vor.u32 s14, v0;
	s14 =	smov.u32 s15  }
0x581: {  	v14 =	vadd.s32 v1, v14;
	vm0 =	vlt.f32 v8, $9.999999930e-09;
	v7 =	vor.u32 s12, v0;
	s13 =	sadd.s32 $0xFFFFFF20, s15;
	[tilespmem:v23+s10+$0x0] =	vst.idx.msk $0xffff, v16;
	v8 =	vld [tilespmem:s17+$0x0]  }
0x582: {  	v14 =	vsel vm0, v1, v14;
	v10 =	vor.u32 s13, v0;
	v16 =	vmul.f32 $1.000000000e+01, v6;
	[tilespmem:v26+s10+$0x0] =	vst.idx.msk $0xffff, v12;
	v22 =	vld.idx.msk [tilespmem:v22+s2+$0x0], $0xffff  }
0x583: {  	v12 =	vmul.f32 $1.000000000e+01, v25;
	v26 =	vadd.s32 $0xC, v14;
	v23 =	vmul.f32 $1.000000000e+01, v13;
	v35 =	vld.idx.msk [tilespmem:v11+s2+$0x0], $0xffff  }
0x584: {  	vm0 =	vlt.f32 v13, $9.999999930e-09;
	v11 =	vmul.f32 $1.000000000e+01, v30;
	v13 =	vtrunc.f32 v16;
	v16 =	vld.idx.msk [tilespmem:v27+s2+$0x0], $0xffff  }
0x585: {  	vm3 =	vlt.f32 v24, $9.999999930e-09;
	s18 =	sadd.s32 $0xFFFFFF60, s15;
	v27 =	vtrunc.f32 v12;
	v23 =	vtrunc.f32 v23;
	v18 =	vld.idx.msk [tilespmem:v18+s2+$0x0], $0xffff  }
0x586: {  	v12 =	vor.u32 s18, v0;
	v37 =	vmul.f32 $1.000000000e+01, v33;
	v36 =	vtrunc.f32 v11;
	v29 =	vld.idx.msk [tilespmem:v29+s2+$0x0], $0xffff  }
0x587: {  	v38 =	vmul.f32 $1.000000000e+01, v9;
	v27 =	vcvt.f32.s32 v27;
	v11 =	vor.u32 s18, v4;
	v14 =	vld.idx.msk [tilespmem:v14+s2+$0x0], $0xffff  }
0x588: {  	v24 =	vmul.f32 $1.000000000e+01, v24;
	vm2 =	vlt.f32 v30, $9.999999930e-09;
	v30 =	vtrunc.f32 v37;
	v26 =	vld.idx.msk [tilespmem:v26+s2+$0x0], $0xffff  }
0x589: {  	vm4 =	vlt.f32 v25, $9.999999930e-09;
	v25 =	vadd.s32 $0x1, v27;
	v27 =	vcvt.f32.s32 v30;
	[tilespmem:v17+s10+$0x0] =	vst.idx.msk $0xffff, v35;
	v17 =	vld.idx.msk [tilespmem:v20+s2+$0x0], $0xffff  }
0x58a: {  	vm1 =	vlt.f32 v33, $9.999999930e-09;
	v20 =	vtrunc.f32 v24;
	v24 =	vcvt.f32.s32 v36;
	[tilespmem:v21+s10+$0x0] =	vst.idx.msk $0xffff, v16  }
0x58b: {  	vm5 =	vgt.s32 v25, $0x0;
	v16 =	vcvt.f32.s32 v20;
	v20 =	vadd.s32 $0x1, v27;
	[tilespmem:v32+s10+$0x0] =	vst.idx.msk $0xffff, v18  }
0x58c: {  	v21 =	vnsel vm5, $0x0, v25;
	v18 =	vadd.s32 $0x1, v24;
	vm5 =	vgt.s32 v20, $0x0;
	[tilespmem:v34+s10+$0x0] =	vst.idx.msk $0xffff, v29  }
0x58d: {  	v21 =	vmin.u32 v21, $0xB;
	v16 =	vadd.s32 $0x1, v16;
	v20 =	vnsel vm5, $0x0, v20;
	[tilespmem:v15+s10+$0x0] =	vst.idx.msk $0xffff, v14  }
0x58e: {  	vm5 =	vgt.s32 v16, $0x0;
	v14 =	vadd.s32 v1, v21;
	v15 =	vmin.u32 v20, $0xB;
	[tilespmem:v31+s10+$0x0] =	vst.idx.msk $0xffff, v26  }
0x58f: {  	v20 =	vnsel vm5, $0x0, v16;
	v14 =	vsel vm4, v1, v14;
	v16 =	vadd.s32 v1, v15;
	[tilespmem:v19+s10+$0x0] =	vst.idx.msk $0xffff, v22  }
0x590: {  	v15 =	vmin.u32 v20, $0xB;
	v20 =	vadd.s32 $0xC, v14;
	v19 =	vmul.f32 $1.000000000e+01, v8;
	[tilespmem:v28+s10+$0x0] =	vst.idx.msk $0xffff, v17  }
0x591: {  	vm4 =	vgt.s32 v18, $0x0;
	v15 =	vadd.s32 v1, v15;
	v17 =	vcvt.f32.s32 v23  }
0x592: {  	v18 =	vnsel vm4, $0x0, v18;
	v15 =	vsel vm3, v1, v15;
	v19 =	vtrunc.f32 v19  }
0x593: {  	v23 =	vtrunc.f32 v38;
	v21 =	vadd.s32 $0xC, v15;
	v22 =	vcvt.f32.s32 v19  }
.Ltmp14:
0x594: {  	v18 =	vmin.u32 v18, $0xB;
	v19 =	vld.idx.msk [tilespmem:v14+s2+$0x0], $0xffff;
	v14 =	vcvt.f32.s32 v23;
	v23 =	vadd.s32 $0x1, v17;
	(pc) =	sbr.rel @p0 .LBB2_30-.Ltmp14, $4  }
0x595: {  	v17 =	vadd.s32 v1, v18;
	v22 =	vadd.s32 $0x1, v22;
	v18 =	vld.idx.msk [tilespmem:v20+s2+$0x0], $0xffff;
	vm3 =	vgt.s32 v23, $0x0  }
0x596: {  	v20 =	vsel vm2, v1, v17;
	vm2 =	vgt.s32 v22, $0x0;
	v24 =	vadd.s32 $0x1, v14  }
0x597: {  	v14 =	vnsel vm2, $0x0, v22;
	v22 =	vnsel vm3, $0x0, v23;
	v17 =	vld.idx.msk [tilespmem:v15+s2+$0x0], $0xffff;
	vm2 =	vgt.s32 v24, $0x0  }
0x598: {  	s17 =	sadd.s32 $0x80, s17;
	v14 =	vmin.u32 v14, $0xB;
	v15 =	vld.idx.msk [tilespmem:v21+s2+$0x0], $0xffff;
	v21 =	vadd.s32 $0xC, v20;
	v23 =	vnsel vm2, $0x0, v24  }
0x599: {  	v13 =	vcvt.f32.s32 v13;
	_ =	sdelay $0x1  }
0x59a: {  	v16 =	vsel vm1, v1, v16;
	v23 =	vmin.u32 v23, $0xB;
	v13 =	vadd.s32 $0x1, v13  }
0x59b: {  	vm1 =	vlt.f32 v9, $9.999999930e-09;
	v9 =	vadd.s32 v1, v23;
	vm2 =	vgt.s32 v13, $0x0  }
0x59c: {  	v20 =	vld.idx.msk [tilespmem:v20+s2+$0x0], $0xffff;
	v9 =	vsel vm1, v1, v9;
	v13 =	vnsel vm2, $0x0, v13  }
0x59d: {  	v22 =	vmin.u32 v22, $0xB;
	v13 =	vmin.u32 v13, $0xB  }
0x59e: {  	v23 =	vadd.s32 $0xC, v16;
	vm1 =	vlt.f32 v6, $9.999999930e-09;
	v6 =	vadd.s32 v1, v13  }
0x59f: {  	v21 =	vld.idx.msk [tilespmem:v21+s2+$0x0], $0xffff;
	s18 =	sadd.s32 $0xFFFFFF80, s14;
	v13 =	vadd.s32 v1, v22;
	v22 =	vor.u32 s13, v2;
	v6 =	vsel vm1, v1, v6  }
0x5a0: {  	[tilespmem:v12+s10+$0x0] =	vst.idx.msk $0xffff, v19;
	v19 =	vor.u32 s18, v0;
	v16 =	vld.idx.msk [tilespmem:v16+s2+$0x0], $0xffff;
	s13 =	sadd.s32 $0xFFFFFFC0, s14;
	v12 =	vsel vm0, v1, v13  }
0x5a1: {  	v24 =	vadd.s32 $0xC, v9;
	[tilespmem:v7+s10+$0x0] =	vst.idx.msk $0xffff, v20;
	v13 =	vor.u32 s12, v3;
	v7 =	vor.u32 s13, v0;
	v9 =	vld.idx.msk [tilespmem:v9+s2+$0x0], $0xffff  }
0x5a2: {  	[tilespmem:v11+s10+$0x0] =	vst.idx.msk $0xffff, v18;
	vm0 =	vlt.f32 v8, $9.999999930e-09;
	v8 =	vadd.s32 v1, v14;
	v18 =	vadd.s32 $0xC, v6  }
0x5a3: {  	[tilespmem:v10+s10+$0x0] =	vst.idx.msk $0xffff, v17;
	v10 =	vor.u32 s18, v5;
	v11 =	vld.idx.msk [tilespmem:v23+s2+$0x0], $0xffff;
	v8 =	vsel vm0, v1, v8  }
0x5a4: {  	s16 =	sadd.s32 $0xFFFFFFE0, s14;
	v17 =	vadd.s32 $0xC, v8;
	[tilespmem:v22+s10+$0x0] =	vst.idx.msk $0xffff, v15;
	v15 =	vor.u32 s14, v0;
	v6 =	vld.idx.msk [tilespmem:v6+s2+$0x0], $0xffff  }
0x5a5: {  	v20 =	vadd.s32 $0xC, v12;
	[tilespmem:v19+s10+$0x0] =	vst.idx.msk $0xffff, v16;
	v22 =	vor.u32 s16, v0;
	v12 =	vld.idx.msk [tilespmem:v12+s2+$0x0], $0xffff  }
0x5a6: {  	v14 =	vld.idx.msk [tilespmem:v24+s2+$0x0], $0xffff;
	[tilespmem:v7+s10+$0x0] =	vst.idx.msk $0xffff, v9;
	v7 =	vor.u32 s13, v3  }
0x5a7: {  	s15 =	sadd.s32 $0xFFFFFFA0, s14;
	[tilespmem:v13+s10+$0x0] =	vst.idx.msk $0xffff, v21;
	v13 =	vor.u32 s14, v5;
	v16 =	vld.idx.msk [tilespmem:v18+s2+$0x0], $0xffff  }
0x5a8: {  	[tilespmem:v10+s10+$0x0] =	vst.idx.msk $0xffff, v11;
	v18 =	vor.u32 s15, v0;
	v8 =	vld.idx.msk [tilespmem:v8+s2+$0x0], $0xffff  }
0x5a9: {  	v10 =	vor.u32 s15, v2;
	v11 =	vld.idx.msk [tilespmem:v17+s2+$0x0], $0xffff;
	[tilespmem:v15+s10+$0x0] =	vst.idx.msk $0xffff, v6  }
0x5aa: {  	v9 =	vld.idx.msk [tilespmem:v20+s2+$0x0], $0xffff;
	v6 =	vor.u32 s16, v4;
	[tilespmem:v22+s10+$0x0] =	vst.idx.msk $0xffff, v12  }
0x5ab: {  	[tilespmem:v7+s10+$0x0] =	vst.idx.msk $0xffff, v14  }
0x5ac: {  	[tilespmem:v13+s10+$0x0] =	vst.idx.msk $0xffff, v16  }
0x5ad: {  	[tilespmem:v18+s10+$0x0] =	vst.idx.msk $0xffff, v8  }
0x5ae: {  	[tilespmem:v10+s10+$0x0] =	vst.idx.msk $0xffff, v11  }
0x5af: {  	[tilespmem:v6+s10+$0x0] =	vst.idx.msk $0xffff, v9  }
0x5b0: {  	[hbm4b:s6+s2] =	stream.linear.scatter [tilespmem:s10], [sflag:$0x1], $0x6400, $0x38;
	[tilespmem:$0x9680] =	vst v63  }
0x5b1: {  	_ =	swait.ge [sflag:s8], $0x6400  }
0x5b2: {  	[sflag:s8] =	ssyncset.done $0x0  }
0x5b3: {  	[sflag:s8] =	ssyncadd.s32 $0xFFFF9C00  }
0x5b4: {  	[tilespmem:s9], [sflag:$0x1] =	stream.linear.gather [hbm4b:s24+s2], $0x3200, $0x38;
	[tilespmem:$0x9680] =	vst v63  }
0x5b5: {  	_ =	swait.ge [sflag:s8], $0x3200  }
0x5b6: {  	[sflag:s8] =	ssyncset.done $0x0  }
0x5b7: {  	s17 =	simm.s32 $0xC0;
	[sflag:s8] =	ssyncadd.s32 $0xFFFFCE00  }
0x5b8: {  	v8 =	vld [tilespmem:s17+$0xFFFFFFE0]  }
0x5b9: {  	v6 =	vld [tilespmem:s17+$0x30]  }
0x5ba: {  	v11 =	vld [tilespmem:s17+$0x20]  }
0x5bb: {  	v14 =	vld [tilespmem:s17+$0xFFFFFFD0]  }
0x5bc: {  	v15 =	vld [tilespmem:s17+$0xFFFFFFC0]  }
0x5bd: {  	v9 =	vld [tilespmem:s17+$0x10];
	_ =	sdelay $0x2  }
0x5be: {  	s12 =	simm.s32 $0x20;
	v16 =	vld [tilespmem:s17+$0xFFFFFFF0];
	v12 =	vmul.f32 $1.000000000e+01, v6;
	v17 =	vmul.f32 $1.000000000e+01, v8  }
0x5bf: {  	v7 =	vor.u32 s12, v0;
	v18 =	vmul.f32 $1.000000000e+01, v11;
	v19 =	vmul.f32 $1.000000000e+01, v14  }
0x5c0: {  	vm3 =	vlt.f32 v15, $9.999999930e-09;
	v21 =	vmul.f32 $1.000000000e+01, v9;
	v15 =	vmul.f32 $1.000000000e+01, v15  }
0x5c1: {  	s13 =	simm.s32 $0x0;
	vm0 =	vlt.f32 v11, $9.999999930e-09;
	v13 =	vtrunc.f32 v12;
	v11 =	vtrunc.f32 v17  }
0x5c2: {  	v10 =	vor.u32 s13, v0;
	v17 =	vtrunc.f32 v18;
	v18 =	vtrunc.f32 v19  }
0x5c3: {  	vm2 =	vlt.f32 v14, $9.999999930e-09;
	v19 =	vmul.f32 $1.000000000e+01, v16;
	v15 =	vtrunc.f32 v15  }
0x5c4: {  	vm4 =	vlt.f32 v8, $9.999999930e-09;
	v8 =	vld [tilespmem:s17+$0x0];
	v21 =	vtrunc.f32 v21;
	v20 =	vcvt.f32.s32 v11  }
0x5c5: {  	s18 =	simm.s32 $0x40;
	vm1 =	vlt.f32 v16, $9.999999930e-09;
	v18 =	vcvt.f32.s32 v18;
	v14 =	vtrunc.f32 v19  }
0x5c6: {  	v12 =	vor.u32 s18, v0;
	v15 =	vcvt.f32.s32 v15;
	v14 =	vcvt.f32.s32 v14  }
0x5c7: {  	v17 =	vcvt.f32.s32 v17;
	v19 =	vadd.s32 $0x1, v20;
	v18 =	vadd.s32 $0x1, v18  }
0x5c8: {  	v15 =	vadd.s32 $0x1, v15;
	vm5 =	vgt.s32 v19, $0x0;
	v14 =	vadd.s32 $0x1, v14  }
0x5c9: {  	v20 =	vmul.f32 $1.000000000e+01, v8;
	v16 =	vnsel vm5, $0x0, v19;
	vm13 =	vgt.s32 v14, $0x0  }
0x5ca: {  	vm14 =	vgt.s32 v15, $0x0;
	v16 =	vmin.u32 v16, $0xB;
	v14 =	vnsel vm13, $0x0, v14  }
0x5cb: {  	v15 =	vnsel vm14, $0x0, v15;
	v16 =	vadd.s32 v1, v16;
	v14 =	vmin.u32 v14, $0xB  }
0x5cc: {  	v19 =	vsel vm4, v1, v16;
	v16 =	vadd.s32 v1, v14;
	v14 =	vmin.u32 v15, $0xB  }
0x5cd: {  	vm15 =	vgt.s32 v18, $0x0;
	v15 =	vadd.s32 $0xC, v19;
	v14 =	vadd.s32 v1, v14  }
0x5ce: {  	v18 =	vnsel vm15, $0x0, v18;
	v20 =	vtrunc.f32 v20;
	v14 =	vsel vm3, v1, v14  }
0x5cf: {  	v20 =	vcvt.f32.s32 v20;
	v18 =	vmin.u32 v18, $0xB;
	v23 =	vadd.s32 $0xC, v14  }
0x5d0: {  	v21 =	vcvt.f32.s32 v21;
	v22 =	vadd.s32 $0x1, v17;
	v17 =	vadd.s32 v1, v18  }
0x5d1: {  	v11 =	vor.u32 s18, v4;
	v63 =	vadd.s32 $0x1, v20;
	v20 =	vsel vm2, v1, v17;
	v19 =	vld.idx.msk [tilespmem:v19+s2+$0x0], $0xffff  }
0x5d2: {  	v25 =	vadd.s32 $0x1, v21;
	vm2 =	vgt.s32 v63, $0x0;
	v21 =	vadd.s32 $0xC, v20;
	v18 =	vld.idx.msk [tilespmem:v15+s2+$0x0], $0xffff  }
0x5d3: {  	s14 =	simm.s32 $0xE0;
	vm3 =	vgt.s32 v22, $0x0;
	v17 =	vld.idx.msk [tilespmem:v14+s2+$0x0], $0xffff;
	v14 =	vnsel vm2, $0x0, v63;
	vm2 =	vgt.s32 v25, $0x0  }
0x5d4: {  	s15 =	simm.s32 $0xE0;
	s16 =	simm.s32 $0x0;
	s17 =	simm.s32 $0x140;
	v22 =	vnsel vm3, $0x0, v22;
	v15 =	vld.idx.msk [tilespmem:v23+s2+$0x0], $0xffff;
	v14 =	vmin.u32 v14, $0xB;
	v23 =	vnsel vm2, $0x0, v25  }
.LBB2_32:
0x5d5: {  	v24 =	vld [tilespmem:s17+$0xFFFFFFC0];
	s16 =	sadd.s32 $0x8, s16;
	v16 =	vsel vm1, v1, v16;
	v22 =	vmin.u32 v22, $0xB;
	v13 =	vcvt.f32.s32 v13;
	s15 =	sadd.s32 $0x100, s15  }
0x5d6: {  	vm1 =	vlt.f32 v9, $9.999999930e-09;
	v25 =	vld [tilespmem:s17+$0xFFFFFFE0];
	p0 =	slt.u32 s16, $0x318;
	[tilespmem:v12+s10+$0x0] =	vst.idx.msk $0xffff, v19;
	v12 =	vadd.s32 $0xC, v16;
	v9 =	vadd.s32 v1, v22  }
0x5d7: {  	v19 =	vld.idx.msk [tilespmem:v20+s2+$0x0], $0xffff;
	[tilespmem:v11+s10+$0x0] =	vst.idx.msk $0xffff, v18;
	v11 =	vmin.u32 v23, $0xB;
	v18 =	vsel vm0, v1, v9;
	v13 =	vadd.s32 $0x1, v13  }
0x5d8: {  	v9 =	vld [tilespmem:s17+$0x10];
	v11 =	vadd.s32 v1, v11;
	v20 =	vadd.s32 $0xC, v18;
	vm0 =	vgt.s32 v13, $0x0  }
0x5d9: {  	[tilespmem:v10+s10+$0x0] =	vst.idx.msk $0xffff, v17;
	v10 =	vor.u32 s13, v2;
	v17 =	vld.idx.msk [tilespmem:v21+s2+$0x0], $0xffff;
	v11 =	vsel vm1, v1, v11;
	v13 =	vnsel vm0, $0x0, v13  }
0x5da: {  	v21 =	vor.u32 s12, v3;
	s12 =	sadd.s32 $0xFFFFFF80, s14;
	v16 =	vld.idx.msk [tilespmem:v16+s2+$0x0], $0xffff;
	v22 =	vadd.s32 $0xC, v11;
	v13 =	vmin.u32 v13, $0xB  }
0x5db: {  	vm0 =	vlt.f32 v6, $9.999999930e-09;
	v23 =	vor.u32 s12, v0;
	v12 =	vld.idx.msk [tilespmem:v12+s2+$0x0], $0xffff;
	v13 =	vadd.s32 v1, v13  }
0x5dc: {  	s13 =	sadd.s32 $0xFFFFFFC0, s14;
	v26 =	vor.u32 s12, v5;
	s12 =	sadd.s32 $0xFFFFFFE0, s14;
	v6 =	vld [tilespmem:s17+$0x30];
	v27 =	vsel vm0, v1, v13  }
0x5dd: {  	s18 =	sadd.s32 $0xFFFFFFA0, s14;
	v28 =	vor.u32 s12, v4;
	v13 =	vld [tilespmem:s17+$0x20];
	[tilespmem:v7+s10+$0x0] =	vst.idx.msk $0xffff, v19;
	v19 =	vor.u32 s13, v3;
	v29 =	vadd.s32 $0xC, v27  }
0x5de: {  	v31 =	vor.u32 s18, v2;
	v32 =	vor.u32 s12, v0;
	v30 =	vld [tilespmem:s17+$0xFFFFFFD0];
	[tilespmem:v10+s10+$0x0] =	vst.idx.msk $0xffff, v15;
	v15 =	vor.u32 s18, v0  }
0x5df: {  	v34 =	vor.u32 s14, v5;
	s12 =	sadd.s32 $0xFFFFFF40, s15;
	v33 =	vld [tilespmem:s17+$0xFFFFFFF0];
	[tilespmem:v21+s10+$0x0] =	vst.idx.msk $0xffff, v17;
	v17 =	vor.u32 s13, v0;
	v21 =	vor.u32 s14, v0;
	s14 =	smov.u32 s15  }
0x5e0: {  	v14 =	vadd.s32 v1, v14;
	vm0 =	vlt.f32 v8, $9.999999930e-09;
	v7 =	vor.u32 s12, v0;
	s13 =	sadd.s32 $0xFFFFFF20, s15;
	[tilespmem:v23+s10+$0x0] =	vst.idx.msk $0xffff, v16;
	v8 =	vld [tilespmem:s17+$0x0]  }
0x5e1: {  	v14 =	vsel vm0, v1, v14;
	v10 =	vor.u32 s13, v0;
	v16 =	vmul.f32 $1.000000000e+01, v6;
	[tilespmem:v26+s10+$0x0] =	vst.idx.msk $0xffff, v12;
	v22 =	vld.idx.msk [tilespmem:v22+s2+$0x0], $0xffff  }
0x5e2: {  	v12 =	vmul.f32 $1.000000000e+01, v25;
	v26 =	vadd.s32 $0xC, v14;
	v23 =	vmul.f32 $1.000000000e+01, v13;
	v35 =	vld.idx.msk [tilespmem:v11+s2+$0x0], $0xffff  }
0x5e3: {  	vm0 =	vlt.f32 v13, $9.999999930e-09;
	v11 =	vmul.f32 $1.000000000e+01, v30;
	v13 =	vtrunc.f32 v16;
	v16 =	vld.idx.msk [tilespmem:v27+s2+$0x0], $0xffff  }
0x5e4: {  	vm3 =	vlt.f32 v24, $9.999999930e-09;
	s18 =	sadd.s32 $0xFFFFFF60, s15;
	v27 =	vtrunc.f32 v12;
	v23 =	vtrunc.f32 v23;
	v18 =	vld.idx.msk [tilespmem:v18+s2+$0x0], $0xffff  }
0x5e5: {  	v12 =	vor.u32 s18, v0;
	v37 =	vmul.f32 $1.000000000e+01, v33;
	v36 =	vtrunc.f32 v11;
	v29 =	vld.idx.msk [tilespmem:v29+s2+$0x0], $0xffff  }
0x5e6: {  	v38 =	vmul.f32 $1.000000000e+01, v9;
	v27 =	vcvt.f32.s32 v27;
	v11 =	vor.u32 s18, v4;
	v14 =	vld.idx.msk [tilespmem:v14+s2+$0x0], $0xffff  }
0x5e7: {  	v24 =	vmul.f32 $1.000000000e+01, v24;
	vm2 =	vlt.f32 v30, $9.999999930e-09;
	v30 =	vtrunc.f32 v37;
	v26 =	vld.idx.msk [tilespmem:v26+s2+$0x0], $0xffff  }
0x5e8: {  	vm4 =	vlt.f32 v25, $9.999999930e-09;
	v25 =	vadd.s32 $0x1, v27;
	v27 =	vcvt.f32.s32 v30;
	[tilespmem:v17+s10+$0x0] =	vst.idx.msk $0xffff, v35;
	v17 =	vld.idx.msk [tilespmem:v20+s2+$0x0], $0xffff  }
0x5e9: {  	vm1 =	vlt.f32 v33, $9.999999930e-09;
	v20 =	vtrunc.f32 v24;
	v24 =	vcvt.f32.s32 v36;
	[tilespmem:v21+s10+$0x0] =	vst.idx.msk $0xffff, v16  }
0x5ea: {  	vm5 =	vgt.s32 v25, $0x0;
	v16 =	vcvt.f32.s32 v20;
	v20 =	vadd.s32 $0x1, v27;
	[tilespmem:v32+s10+$0x0] =	vst.idx.msk $0xffff, v18  }
0x5eb: {  	v21 =	vnsel vm5, $0x0, v25;
	v18 =	vadd.s32 $0x1, v24;
	vm5 =	vgt.s32 v20, $0x0;
	[tilespmem:v34+s10+$0x0] =	vst.idx.msk $0xffff, v29  }
0x5ec: {  	v21 =	vmin.u32 v21, $0xB;
	v16 =	vadd.s32 $0x1, v16;
	v20 =	vnsel vm5, $0x0, v20;
	[tilespmem:v15+s10+$0x0] =	vst.idx.msk $0xffff, v14  }
0x5ed: {  	vm5 =	vgt.s32 v16, $0x0;
	v14 =	vadd.s32 v1, v21;
	v15 =	vmin.u32 v20, $0xB;
	[tilespmem:v31+s10+$0x0] =	vst.idx.msk $0xffff, v26  }
0x5ee: {  	v20 =	vnsel vm5, $0x0, v16;
	v14 =	vsel vm4, v1, v14;
	v16 =	vadd.s32 v1, v15;
	[tilespmem:v19+s10+$0x0] =	vst.idx.msk $0xffff, v22  }
0x5ef: {  	v15 =	vmin.u32 v20, $0xB;
	v20 =	vadd.s32 $0xC, v14;
	v19 =	vmul.f32 $1.000000000e+01, v8;
	[tilespmem:v28+s10+$0x0] =	vst.idx.msk $0xffff, v17  }
0x5f0: {  	vm4 =	vgt.s32 v18, $0x0;
	v15 =	vadd.s32 v1, v15;
	v17 =	vcvt.f32.s32 v23  }
0x5f1: {  	v18 =	vnsel vm4, $0x0, v18;
	v15 =	vsel vm3, v1, v15;
	v19 =	vtrunc.f32 v19  }
0x5f2: {  	v23 =	vtrunc.f32 v38;
	v21 =	vadd.s32 $0xC, v15;
	v22 =	vcvt.f32.s32 v19  }
.Ltmp15:
0x5f3: {  	v18 =	vmin.u32 v18, $0xB;
	v19 =	vld.idx.msk [tilespmem:v14+s2+$0x0], $0xffff;
	v14 =	vcvt.f32.s32 v23;
	v23 =	vadd.s32 $0x1, v17;
	(pc) =	sbr.rel @p0 .LBB2_32-.Ltmp15, $4  }
0x5f4: {  	v17 =	vadd.s32 v1, v18;
	v22 =	vadd.s32 $0x1, v22;
	v18 =	vld.idx.msk [tilespmem:v20+s2+$0x0], $0xffff;
	vm3 =	vgt.s32 v23, $0x0  }
0x5f5: {  	v20 =	vsel vm2, v1, v17;
	vm2 =	vgt.s32 v22, $0x0;
	v24 =	vadd.s32 $0x1, v14  }
0x5f6: {  	v14 =	vnsel vm2, $0x0, v22;
	v22 =	vnsel vm3, $0x0, v23;
	v17 =	vld.idx.msk [tilespmem:v15+s2+$0x0], $0xffff;
	vm2 =	vgt.s32 v24, $0x0  }
0x5f7: {  	s17 =	sadd.s32 $0x80, s17;
	v14 =	vmin.u32 v14, $0xB;
	v15 =	vld.idx.msk [tilespmem:v21+s2+$0x0], $0xffff;
	v21 =	vadd.s32 $0xC, v20;
	v23 =	vnsel vm2, $0x0, v24  }
0x5f8: {  	v13 =	vcvt.f32.s32 v13  }
0x5f9: {  	v16 =	vsel vm1, v1, v16;
	v23 =	vmin.u32 v23, $0xB  }
0x5fa: {  	vm13 =	vlt.f32 v9, $9.999999930e-09;
	v22 =	vmin.u32 v22, $0xB;
	v13 =	vadd.s32 $0x1, v13  }
0x5fb: {  	vm14 =	vlt.f32 v6, $9.999999930e-09;
	vm15 =	vlt.f32 v8, $9.999999930e-09;
	vm2 =	vgt.s32 v13, $0x0  }
0x5fc: {  	v42 =	vadd.s32 v1, v23;
	v43 =	vadd.s32 $0xC, v16;
	v13 =	vnsel vm2, $0x0, v13  }
0x5fd: {  	v20 =	vld.idx.msk [tilespmem:v20+s2+$0x0], $0xffff;
	v51 =	vadd.s32 v1, v14;
	v9 =	vsel vm13, v1, v42;
	v13 =	vmin.u32 v13, $0xB  }
0x5fe: {  	v45 =	vor.u32 s13, v2;
	v21 =	vld.idx.msk [tilespmem:v21+s2+$0x0], $0xffff;
	v8 =	vsel vm15, v1, v51;
	v6 =	vadd.s32 v1, v13  }
0x5ff: {  	s16 =	sadd.s32 $0xFFFFFF80, s14;
	[tilespmem:v12+s10+$0x0] =	vst.idx.msk $0xffff, v19;
	v47 =	vor.u32 s12, v3;
	v44 =	vadd.s32 v1, v22;
	v6 =	vsel vm14, v1, v6  }
0x600: {  	v48 =	vor.u32 s16, v0;
	[tilespmem:v11+s10+$0x0] =	vst.idx.msk $0xffff, v18;
	v46 =	vsel vm0, v1, v44;
	v16 =	vld.idx.msk [tilespmem:v16+s2+$0x0], $0xffff  }
0x601: {  	s17 =	sadd.s32 $0xFFFFFFC0, s14;
	v52 =	vor.u32 s16, v5;
	v54 =	vadd.s32 $0xC, v8;
	[tilespmem:v10+s10+$0x0] =	vst.idx.msk $0xffff, v17;
	v49 =	vld.idx.msk [tilespmem:v43+s2+$0x0], $0xffff  }
0x602: {  	s15 =	sadd.s32 $0xFFFFFFA0, s14;
	v24 =	vadd.s32 $0xC, v9;
	[tilespmem:v7+s10+$0x0] =	vst.idx.msk $0xffff, v20;
	v7 =	vor.u32 s17, v0;
	v9 =	vld.idx.msk [tilespmem:v9+s2+$0x0], $0xffff  }
0x603: {  	v60 =	vor.u32 s15, v0;
	[tilespmem:v45+s10+$0x0] =	vst.idx.msk $0xffff, v15;
	v8 =	vld.idx.msk [tilespmem:v8+s2+$0x0], $0xffff;
	v50 =	vadd.s32 $0xC, v6  }
0x604: {  	s18 =	sadd.s32 $0xFFFFFFE0, s14;
	v56 =	vor.u32 s14, v0;
	v55 =	vadd.s32 $0xC, v46;
	[tilespmem:v47+s10+$0x0] =	vst.idx.msk $0xffff, v21;
	v6 =	vld.idx.msk [tilespmem:v6+s2+$0x0], $0xffff  }
0x605: {  	v57 =	vor.u32 s18, v0;
	v12 =	vld.idx.msk [tilespmem:v46+s2+$0x0], $0xffff;
	[tilespmem:v48+s10+$0x0] =	vst.idx.msk $0xffff, v16  }
0x606: {  	v61 =	vor.u32 s15, v2;
	v62 =	vld.idx.msk [tilespmem:v54+s2+$0x0], $0xffff;
	[tilespmem:v52+s10+$0x0] =	vst.idx.msk $0xffff, v49  }
0x607: {  	v53 =	vld.idx.msk [tilespmem:v24+s2+$0x0], $0xffff;
	[tilespmem:v7+s10+$0x0] =	vst.idx.msk $0xffff, v9;
	v7 =	vor.u32 s17, v3  }
0x608: {  	v58 =	vor.u32 s14, v5;
	[tilespmem:v60+s10+$0x0] =	vst.idx.msk $0xffff, v8;
	v59 =	vld.idx.msk [tilespmem:v50+s2+$0x0], $0xffff  }
0x609: {  	v63 =	vld.idx.msk [tilespmem:v55+s2+$0x0], $0xffff;
	[tilespmem:v56+s10+$0x0] =	vst.idx.msk $0xffff, v6;
	v6 =	vor.u32 s18, v4  }
0x60a: {  	[tilespmem:v57+s10+$0x0] =	vst.idx.msk $0xffff, v12  }
0x60b: {  	[tilespmem:v61+s10+$0x0] =	vst.idx.msk $0xffff, v62  }
0x60c: {  	s11 =	sadd.s32 $0x1, s11;
	[tilespmem:v7+s10+$0x0] =	vst.idx.msk $0xffff, v53  }
0x60d: {  	p0 =	sne.s32 s11, s25;
	[tilespmem:v58+s10+$0x0] =	vst.idx.msk $0xffff, v59  }
.Ltmp16:
0x60e: {  	[tilespmem:v6+s10+$0x0] =	vst.idx.msk $0xffff, v63;
	(pc) =	sbr.rel @p0 .LBB2_1-.Ltmp16, $4  }
0x60f: {  	[hbm4b:s7+s2] =	stream.linear.scatter [tilespmem:s10], [sflag:$0x1], $0x6400, $0x38;
	[tilespmem:$0x9680] =	vst v63  }
0x610: {  	_ =	swait.ge [sflag:s8], $0x6400  }
0x611: {  	[sflag:s8] =	ssyncset.done $0x0  }
0x612: {  	[sflag:s8] =	ssyncadd.s32 $0xFFFF9C00  }
0x613: {  	_ =	sfence.sel $0x180000  }
0x614: {  	[bflag:$0x0] =	sbarrier.arrive $0xFFFF  }
0x615: {  	_ =	strace $0x90000047  }
0x616: {  	s0 =	stileid.u32;
	[bflag:$0x2] =	sbarrier.arrive $0xFFFF  }
0x617: {  	p0 =	sne.s32 s0, $0x0;
	s0 =	rddreg [dreg:$0x2]  }
0x618: {  	s0 =	sadd.s32 @!p0 $0x100000, s0  }
0x619: {  	[sflag:s0] =	ssyncadd.tile.s32 @!p0 $0x1;
	_ =	shalt  }
.Lfunc_end2:
_tile_overlayer_lowered:
.L_overlay_start_2:
0x61a: {  	(tag) =	ssettag $0x2  }
0x61b: {  	s0 =	rddreg [dreg:$0x0];
	s2 =	stileid.u32  }
0x61c: {  	s1 =	rddreg [dreg:$0x1];
	p0 =	sne.s32 s2, $0x0  }
0x61d: {  	s3 =	rddreg [dreg:$0x2];
	[bflag:$0x3] =	sbarrier.arrive $0xFFFF;
	s2 =	simm.s32 @!p0 $0x1C01  }
0x61e: {  	[timem:s3], [sflag:s2] =	dma.local @!p0 [hbm:s0], s1  }
0x61f: {  	s0 =	simm.s32 @!p0 $0x1  }
0x620: {  	_ =	swait.ge @!p0 [sflag:s0], s1  }
0x621: {  	s1 =	ssub.s32 @!p0 $0x0, s1;
	[sflag:s0] =	ssyncset.done @!p0 $0x0  }
0x622: {  	[sflag:s0] =	ssyncadd.s32 @!p0 s1  }
0x623: {  	[bflag:$0x3] =	sbarrier.arrive $0xFFFF  }
0x624: {  	_ =	shalt  }

// kernel: sparse-core-data-format-call.cloned.1.call-start
scs
called_computation_lowered:
.L_overlay_start_0:
0x0: {  	s2 =	sld [smem:$0x3FD9]  }
0x1: {  	s3 =	sld [smem:$0x3FFE];
	_ =	sdelay $0x1  }
0x2: {  	s1 =	srdreg.scid  }
0x3: {  	s0 =	sand.u32 $0x1, s1  }
0x4: {  	s18 =	sshll.u32 s0, $0xA;
	s2 =	sadd.s32 s3, s2  }
0x5: {  	s2 =	sadd.s32 s2, s18  }
0x6: {  	[smem:$0x3FC5] =	sst s2  }
0x7: {  	_ = 	snop  }
0x8: {  	s2 =	sld [smem:$0x3FD0];
	(tm) =	ssettm $0x1  }
0x9: {  	s19 =	sld [smem:$0x3FFB];
	_ =	sdelay $0x3  }
0xa: {  	_ =	strace s19  }
0xb: {  	s3 =	sld [smem:$0x3FFC];
	_ =	sdelay $0x3  }
0xc: {  	_ =	strace s3  }
0xd: {  	s3 =	sld [smem:$0x3FFD];
	_ =	sdelay $0x3  }
0xe: {  	_ =	strace s3  }
0xf: {  	_ =	strace $0x8FFFFFFF  }
0x10: {  	s20 =	sld [smem:$0x3FDB];
	_ =	sdelay $0x1  }
0x11: {  	s4 =	simm.s32 $_scs_section_size  }
0x12: {  	s5 =	simm.s32 $_size__tile_overlayer_lowered;
	s6 =	simm.s32 $_tile_overlayer_lowered  }
0x13: {  	s23 =	simm.s32 $0x1BFF;
	s22 =	sshll.u32 s6, $0x1;
	s3 =	sadd.s32 s4, s20  }
0x14: {  	s7 =	simm.s32 $0x0;
	s21 =	sshll.u32 s5, $0x1;
	s5 =	sadd.s32 s22, s3  }
0x15: {  	[timem:s7], [sflag:s23] =	dma.local [hbm:s5], s21  }
0x16: {  	_ =	swait.ge [sflag:s23], s21  }
0x17: {  	s4 =	ssub.s32 $0x0, s21;
	[sflag:s23] =	ssyncset.done $0x0  }
0x18: {  	[sflag:s23] =	ssyncadd.s32 s4;
	_ =	sdelay $0x1  }
0x19: {  	s24 =	simm.s32 $0x1B8B  }
0x1a: {  	_ =	swait.ge [sflag:s24], $0x1  }
0x1b: {  	[sflag:s24] =	ssyncset.done $0x0  }
0x1c: {  	s26 =	simm.s32 $0x1B8E;
	s25 =	sld [smem:$0x3FFE];
	[sflag:s24] =	ssyncadd.s32 $0xFFFFFFFF  }
0x1d: {  	s27 =	simm.s32 $execute0_lowered;
	[smem:$0x3FD2] =	sst s26  }
0x1e: {  	s5 =	sshll.u32 s27, $0x1;
	_ =	strace $0x80000049;
	[dreg:$0x1] =	wrdreg $0xFFFFFFFF  }
0x1f: {  	s28 =	simm.s32 $_size_execute0_lowered;
	s3 =	sadd.s32 s3, s5;
	[dreg:$0x0] =	wrdreg $0x0  }
0x20: {  	s5 =	sshll.u32 s28, $0x1;
	[dreg:$0x2] =	wrdreg s3  }
0x21: {  	[dreg:$0x3] =	wrdreg s5  }
0x22: {  	[dreg:$0x4] =	wrdreg $0xC0  }
0x23: {  	_ =	task [dreg:s7], $0x5FFFF  }
0x24: {  	[dreg:$0x1] =	wrdreg $0xFFFFFFFF  }
0x25: {  	[dreg:$0x0] =	wrdreg $0x60  }
0x26: {  	[dreg:$0x2] =	wrdreg s25  }
0x27: {  	[dreg:$0x3] =	wrdreg s2  }
0x28: {  	[dreg:$0x4] =	wrdreg $0x9  }
0x29: {  	_ =	task.clear_ibuf [dreg:s7], $0x5FFFF;
	_ =	strace $0x90000049  }
0x2a: {  	s29 =	simm.s32 $0x9;
	_ =	strace $0x8000004B  }
0x2b: {  	_ =	swait.ge [sflag:s29], $0x1  }
0x2c: {  	[sflag:s29] =	ssyncadd.s32 $0xFFFFFFFF  }
0x2d: {  	_ =	strace $0x9000004B  }
0x2e: {  	_ =	sfence  }
0x2f: {  	s30 =	sld [smem:$0x0];
	_ =	sdelay $0x2  }
0x30: {  	s31 =	sshll.u32 s1, $0xD;
	s1 =	sshrl.u32 s1, $0x2  }
0x31: {  	s3 =	sand.u32 $0x4000, s31;
	s1 =	sadd.s32 s1, s30  }
0x32: {  	s0 =	sor.u32 s3, s0;
	s1 =	sshll.u32 s1, $0x11  }
0x33: {  	s0 =	sor.u32 s1, s0  }
0x34: {  	s0 =	sadd.s32 $0x8F2B, s0  }
0x35: {  	[sflag:s0] =	ssyncadd.remote.s32 $0x1  }
0x36: {  	_ =	sfence.sel $0xFFFF  }
0x37: {  	[dreg:$0x0] =	wrdreg $0xFFFFFFFF;
	(pc) =	sbr.abs _section_cstart, $3  }
0x38: {  	[dreg:$0x1] =	wrdreg $0xFFFFFFFF  }
0x39: {  	_ =	task.clear_ibuf [dreg:s7], $0x2FFFF;
	_ =	strace $0x9FFFFFFF  }
0x3a: {  	(tm) =	ssettm $0x7FFFFFFF  }
0x3b: {  	_ =	shalt  }
tec
execute0_lowered:
.L_overlay_start_1:
0x0: {  	(tag) =	ssettag $0x1  }
0x1: {  	s0 =	srdreg.scid  }
0x2: {  	s1 =	sshll.u32 s0, $0x4  }
0x3: {  	s6 =	rddreg [dreg:$0x0];
	s0 =	stileid.u32;
	s1 =	sand.u32 $0x10, s1  }
0x4: {  	s3 =	rddreg [dreg:$0x1];
	s1 =	sor.u32 s0, s1  }
0x5: {  	s5 =	simm.s32 $0x1;
	s31 =	simm.s32 $0x2;
	s2 =	sshll.u32 s1, $0x7  }
0x6: {  	s15 =	simm.s32 $0x0;
	s8 =	simm.s32 $0x20000;
	s4 =	ssub.s32 $0x4000, s2  }
0x7: {  	s14 =	simm.s32 $0x0;
	s9 =	simm.s32 $0x0;
	s30 =	sand.u32 $0xF80, s4  }
0x8: {  	s10 =	simm.s32 $0x0;
	s11 =	simm.s32 $0x0;
	p0 =	sne.s32 s30, $0x0  }
.Ltmp0:
0x9: {  	s7 =	sshrl.u32 s4, $0xC;
	s5 =	simm.s32 @!p0 $0x0;
	(pc) =	sbr.rel .LBB1_1-.Ltmp0, $4  }
0xa: {  	s13 =	simm.s32 $0x0;
	s1 =	rddreg [dreg:$0x2];
	s5 =	sadd.s32 s5, s7  }
0xb: {  	_ =	strace $0x8000004A;
	s4 =	simm.s32 $0x1;
	s5 =	smul.u32 $0x7, s5  }
0xc: {  	s6 =	sadd.s32 $0xE00, s6;
	s12 =	smov.u32 s2;
	[sflag:s4] =	ssyncpa.u1 $0x0  }
0xd: {  	[sflag:s31] =	ssyncpa.u1 $0x0;
	p0 =	por $0x0, $0x0;
	s7 =	sadd.s32 $0x1, s5  }
.LBB1_4:
0xe: {  	s20 =	sshra.s32 s20, $0x2  }
0xf: {  	s28 =	sand.u32 $0x78, s10;
	s21 =	sshll.u32 s9, $0xE;
	s22 =	sshll.u32 s10, $0x3  }
0x10: {  	s24 =	sshll.u32 s9, $0x7;
	p1 =	sgt.s32 s9, $0x2A0;
	s30 =	sshra.s32 s9, $0x1F  }
0x11: {  	s26 =	sshra.s32 s10, $0x1F;
	s19 =	sadd.s32 s20, s19;
	s21 =	sand.u32 $0xFFFE0000, s21  }
0x12: {  	v5 =	vld [tilespmem:s17+$0xFFFFFFD0];
	[tilespmem:s18+$0x2040 ss:$0x81] =	vst.msk $0xffff, v4;
	s23 =	sand.u32 $0xFFFFFC00, s22;
	s29 =	sand.u32 $0x380, s24;
	s22 =	sand.u32 $0x3C00, s22  }
0x13: {  	v58 =	vld [tilespmem:s17+$0xFFFFFFE0];
	[tilespmem:s18+$0x2850 ss:$0x81] =	vst.msk $0xffff, v3;
	s21 =	sadd.s32 s23, s21;
	s20 =	sor.u32 s28, s22;
	s22 =	smov.u32 s9  }
0x14: {  	v59 =	vld [tilespmem:s17+$0xFFFFFFF0];
	[tilespmem:s18+$0x3060 ss:$0x81] =	vst.msk $0xffff, v2;
	s24 =	sand.u32 s30, s9;
	s21 =	sshrl.u32 s21, $0xE;
	s22 =	simm.s32 @!p1 $0x2A0  }
0x15: {  	v60 =	vld [tilespmem:s17+$0x0];
	[tilespmem:s18+$0x0 ss:$0x81] =	vst.msk $0xffff, v1;
	p1 =	sgt.s32 s10, $0x3F80;
	s31 =	ssub.s32 s22, s24;
	s22 =	smov.u32 s10  }
0x16: {  	v61 =	vld [tilespmem:s17+$0x10];
	[tilespmem:s19+$0x3870 ss:$0x81] =	vst.msk $0xffff, v0;
	s25 =	smulhi.u32 $0x51EB86, s21;
	s24 =	sand.u32 s26, s10;
	s22 =	simm.s32 @!p1 $0x3F80  }
0x17: {  	v62 =	vld [tilespmem:s17+$0x20];
	s20 =	sor.u32 s29, s20;
	[tilespmem:s19+$0x810 ss:$0x81] =	vst.msk $0xffff, v5;
	s27 =	sadd.s32 $0xFFFFFD60, s31;
	s22 =	ssub.s32 s22, s24  }
0x18: {  	v63 =	vld [tilespmem:s17+$0xFFFFFFC0];
	[tilespmem:s19+$0x1020 ss:$0x81] =	vst.msk $0xffff, v58;
	s18 =	ssub.s32 $0x320, s31;
	s28 =	smul.u32 $0x320, s25;
	s29 =	sadd.s32 $0xFFFFC080, s22  }
0x19: {  	[tilespmem:s19+$0x1830 ss:$0x81] =	vst.msk $0xffff, v59;
	p1 =	sgt.s32 s27, $0x7F;
	s22 =	ssub.s32 $0x4000, s22;
	p2 =	sgt.s32 s29, $0x7F  }
0x1a: {  	s30 =	sand.u32 $0x7, s10;
	[tilespmem:s19+$0x2040 ss:$0x81] =	vst.msk $0xffff, v60;
	s18 =	simm.s32 @p1 $0x0;
	s22 =	simm.s32 @p2 $0x0  }
0x1b: {  	s20 =	sshrl.u32 s20, $0x3;
	[tilespmem:s19+$0x2850 ss:$0x81] =	vst.msk $0xffff, v61;
	s17 =	ssub.s32 s21, s28;
	s18 =	smul.u32 s22, s18  }
0x1c: {  	[tilespmem:s19+$0x3060 ss:$0x81] =	vst.msk $0xffff, v62;
	s20 =	sadd.s32 s3, s20;
	s21 =	sshll.u32 s30, $0x12;
	s17 =	sshll.u32 s17, $0xB  }
0x1d: {  	[tilespmem:s19+$0x0 ss:$0x81] =	vst.msk $0xffff, v63;
	s31 =	sor.u32 $0x400, s21;
	s17 =	sadd.s32 s17, s20;
	s18 =	sand.u32 $0x3FFFFFFF, s18  }
0x1e: {  	[hbm4b:s17+s31] =	stream.strided.scatter [tilespmem:s16], [sflag:$0x2], s18, s8, s31, $0x20;
	[tilespmem:$0x10100] =	vst v63  }
.LBB1_5:
0x1f: {  	p1 =	slt.u32 s13, $0x2  }
0x20: {  	s17 =	smov.u32 s15;
	p2 =	sgt.s32 @!p1 s15, $0x2A0;
	s16 =	sshra.s32 @!p1 s15, $0x1F  }
0x21: {  	p3 =	sgt.s32 @!p1 s14, $0x3F80;
	s18 =	sshra.s32 @!p1 s14, $0x1F;
	p2 =	por !p2, p1  }
0x22: {  	s15 =	sand.u32 @!p1 s16, s15;
	p3 =	por !p3, p1;
	s16 =	smov.u32 s14  }
0x23: {  	s14 =	sand.u32 @!p1 s18, s14;
	s17 =	simm.s32 @p2 $0x2A0;
	s16 =	simm.s32 @p3 $0x3F80  }
0x24: {  	s15 =	ssub.s32 @!p1 s17, s15;
	s14 =	ssub.s32 @!p1 s16, s14  }
0x25: {  	s18 =	smov.u32 s12;
	s16 =	sadd.s32 @!p1 $0xFFFFFD60, s15;
	s17 =	sadd.s32 @!p1 $0xFFFFC080, s14  }
0x26: {  	s15 =	ssub.s32 @!p1 $0x320, s15;
	p2 =	sgt.s32 @!p1 s16, $0x7F;
	p3 =	sgt.s32 @!p1 s17, $0x7F  }
0x27: {  	s14 =	ssub.s32 @!p1 $0x4000, s14;
	p2 =	por !p2, p1;
	p3 =	por !p3, p1  }
0x28: {  	s16 =	sadd.s32 $0x80, s11;
	s15 =	simm.s32 @!p2 $0x0;
	s14 =	simm.s32 @!p3 $0x0  }
0x29: {  	p2 =	sgt.s32 s16, $0x31F;
	s14 =	smul.u32 @!p1 s14, s15;
	s15 =	sadd.s32 $0x1000, s12  }
0x2a: {  	s18 =	smov.u32 @p2 s15  }
0x2b: {  	s16 =	simm.s32 @p2 $0x0;
	p2 =	sgt.s32 s18, $0x3FFF  }
0x2c: {  	s18 =	smov.u32 @p2 s2;
	p2 =	sne.s32 s13, s7  }
.Ltmp1:
0x2d: {  	p0 =	por !p0, !p0;
	s17 =	simm.s32 @!p1 $0x2;
	(pc) =	sbr.rel @!p2 .LBB1_6-.Ltmp1, $4  }
0x2e: {  	s15 =	smov.u32 s9;
	s9 =	smov.u32 s11;
	s14 =	sand.u32 @!p1 $0x3FFFFFFF, s14  }
0x2f: {  	s11 =	smov.u32 s16;
	_ =	swait.ge @!p1 [sflag:s17], s14;
	s19 =	ssub.s32 @!p1 $0x0, s14  }
0x30: {  	s14 =	smov.u32 s10;
	s13 =	sadd.s32 $0x1, s13;
	[sflag:s17] =	ssyncset.done @!p1 $0x0  }
0x31: {  	s10 =	smov.u32 s12;
	s12 =	smov.u32 s18;
	[sflag:s17] =	ssyncadd.s32 @!p1 s19  }
.LBB1_1:
0x32: {  	p1 =	sge.u32 s13, s5  }
0x33: {  	s16 =	sshrl.u32 @!p1 s12, $0x3  }
0x34: {  	s17 =	sshll.u32 @!p1 s11, $0x3;
	s16 =	smul.u32 @!p1 $0x1C00, s16  }
0x35: {  	s18 =	sshll.u32 @!p1 s12, $0x7;
	s17 =	sand.u32 @!p1 $0xFFFFFC00, s17  }
0x36: {  	s16 =	sadd.s32 @!p1 s16, s17;
	s17 =	sand.u32 @!p1 $0x380, s18  }
0x37: {  	s16 =	sor.u32 @!p1 s17, s16  }
0x38: {  	s17 =	sshrl.u32 @!p1 s16, $0x7  }
0x39: {  	s17 =	smulhi.u32 @!p1 $0x24924925, s17;
	_ =	sdelay $0x1  }
0x3a: {  	s18 =	sand.u32 @!p1 $0x7F, s11;
	s19 =	smul.u32 @!p1 $0x380, s17  }
0x3b: {  	s31 =	sadd.s32 $0xFFFFFFFF, s13;
	s16 =	sor.u32 @!p1 s18, s16;
	s18 =	sxor.u32 @!p1 $0xFFFFFFFF, s13  }
0x3c: {  	s18 =	sshll.u32 @!p1 s18, $0xE;
	s17 =	sand.u32 @!p1 $0x3FFF, s17;
	s16 =	ssub.s32 @!p1 s16, s19  }
0x3d: {  	s17 =	smul.u32 @!p1 $0x70, s17;
	s19 =	sshrl.u32 @!p1 s16, $0x3;
	s16 =	sand.u32 @!p1 $0x7, s16  }
0x3e: {  	s18 =	sand.u32 @!p1 $0x4000, s18;
	s19 =	sadd.s32 @!p1 s6, s19;
	s16 =	sshll.u32 @!p1 s16, $0x12  }
0x3f: {  	s17 =	sadd.s32 @!p1 s17, s19;
	s16 =	sor.u32 @!p1 $0x400, s16;
	s19 =	simm.s32 @!p1 $0x1C00  }
0x40: {  	[tilespmem:s18], [sflag:$0x1] =	stream.strided.gather @!p1 [hbm4b:s17+s16], $0x4000, s19, s16, $0x38;
	[tilespmem:$0x10100] =	vst v63  }
0x41: {  	p1 =	sge.u32 s31, s5  }
.Ltmp2:
0x42: {  	_ = 	snop;
	(pc) =	sbr.rel @p1 .LBB1_5-.Ltmp2, $1  }
0x43: {  	_ =	sdelay $0x3  }
0x44: {  	s16 =	simm.s32 $0x1  }
0x45: {  	_ =	swait.ge [sflag:s4], $0x4000;
	s16 =	simm.s32 @!p0 $0x0  }
0x46: {  	[sflag:s4] =	ssyncset.done $0x0;
	s17 =	sshll.u32 s16, $0xE  }
0x47: {  	[sflag:s4] =	ssyncadd.s32 $0xFFFFC000;
	s17 =	sor.u32 $0x40, s17  }
0x48: {  	s16 =	smul.u32 $0x10200, s16;
	v0 =	vld [tilespmem:s17+$0x30]  }
0x49: {  	v1 =	vld [tilespmem:s17+$0xFFFFFFD0]  }
0x4a: {  	s16 =	sshrl.u32 s16, $0x2;
	v5 =	vld [tilespmem:s17+$0xFFFFFFE0]  }
0x4b: {  	v6 =	vld [tilespmem:s17+$0xFFFFFFF0];
	s19 =	sor.u32 $0x8000, s16  }
0x4c: {  	s31 =	sand.u32 $0x1, s13;
	v4 =	vld [tilespmem:s17+$0x0];
	s18 =	sadd.s32 $0x0, s19  }
0x4d: {  	v3 =	vld [tilespmem:s17+$0x10];
	s16 =	smul.u32 $0x10200, s31;
	[tilespmem:s18+$0x3870 ss:$0x81] =	vst.msk $0xffff, v0  }
0x4e: {  	v2 =	vld [tilespmem:s17+$0x20];
	[tilespmem:s18+$0x810 ss:$0x81] =	vst.msk $0xffff, v1  }
0x4f: {  	s16 =	sshrl.u32 s16, $0x2;
	v1 =	vld [tilespmem:s17+$0xFFFFFFC0];
	[tilespmem:s18+$0x1020 ss:$0x81] =	vst.msk $0xffff, v5;
	s17 =	sadd.s32 $0x80, s17  }
0x50: {  	s20 =	simm.s32 $0x4;
	s21 =	simm.s32 $0x8;
	s16 =	sor.u32 $0x8000, s16;
	[tilespmem:s18+$0x1830 ss:$0x81] =	vst.msk $0xffff, v6;
	v0 =	vld [tilespmem:s17+$0x30]  }
.LBB1_3:
0x51: {  	p1 =	sne.s32 s21, $0x1FC;
	v5 =	vld [tilespmem:s17+$0xFFFFFFD0];
	[tilespmem:s18+$0x2040 ss:$0x81] =	vst.msk $0xffff, v4  }
0x52: {  	v6 =	vld [tilespmem:s17+$0xFFFFFFE0];
	[tilespmem:s18+$0x2850 ss:$0x81] =	vst.msk $0xffff, v3  }
0x53: {  	s22 =	sshra.s32 s20, $0x2;
	s20 =	smov.u32 s21;
	v7 =	vld [tilespmem:s17+$0xFFFFFFF0];
	[tilespmem:s18+$0x3060 ss:$0x81] =	vst.msk $0xffff, v2  }
.Ltmp3:
0x54: {  	v4 =	vld [tilespmem:s17+$0x0];
	[tilespmem:s18+$0x0 ss:$0x81] =	vst.msk $0xffff, v1;
	s18 =	sadd.s32 s22, s19;
	(pc) =	sbr.rel @p1 .LBB1_3-.Ltmp3, $4  }
0x55: {  	v3 =	vld [tilespmem:s17+$0x10];
	[tilespmem:s18+$0x3870 ss:$0x81] =	vst.msk $0xffff, v0  }
0x56: {  	[tilespmem:s18+$0x810 ss:$0x81] =	vst.msk $0xffff, v5;
	v2 =	vld [tilespmem:s17+$0x20]  }
0x57: {  	v1 =	vld [tilespmem:s17+$0xFFFFFFC0];
	[tilespmem:s18+$0x1020 ss:$0x81] =	vst.msk $0xffff, v6;
	s17 =	sadd.s32 $0x80, s17  }
0x58: {  	s21 =	sadd.s32 $0x4, s21;
	v0 =	vld [tilespmem:s17+$0x30];
	[tilespmem:s18+$0x1830 ss:$0x81] =	vst.msk $0xffff, v7  }
.Ltmp4:
0x59: {  	_ = 	snop;
	(pc) =	sbr.rel .LBB1_4-.Ltmp4, $1  }
0x5a: {  	_ =	sdelay $0x3  }
.LBB1_6:
0x5b: {  	_ =	sfence.sel $0x180000  }
0x5c: {  	s2 =	simm.s32 $0x1;
	[bflag:$0x0] =	sbarrier.arrive $0xFFFF  }
0x5d: {  	s31 =	simm.s32 $0x2;
	[sflag:s2] =	ssyncpa.u1 $0x1  }
0x5e: {  	[sflag:s31] =	ssyncpa.u1 $0x1  }
0x5f: {  	p0 =	sne.s32 s0, $0x0;
	_ =	strace $0x9000004A  }
0x60: {  	s0 =	sadd.s32 @!p0 $0x100000, s1;
	[bflag:$0x2] =	sbarrier.arrive $0xFFFF  }
0x61: {  	[sflag:s0] =	ssyncadd.tile.s32 @!p0 $0x1;
	_ =	shalt  }
.Lfunc_end1:
_tile_overlayer_lowered:
.L_overlay_start_2:
0x62: {  	(tag) =	ssettag $0x2  }
0x63: {  	s0 =	rddreg [dreg:$0x0];
	s2 =	stileid.u32  }
0x64: {  	s1 =	rddreg [dreg:$0x1];
	p0 =	sne.s32 s2, $0x0  }
0x65: {  	s3 =	rddreg [dreg:$0x2];
	[bflag:$0x3] =	sbarrier.arrive $0xFFFF;
	s2 =	simm.s32 @!p0 $0x1C01  }
0x66: {  	[timem:s3], [sflag:s2] =	dma.local @!p0 [hbm:s0], s1  }
0x67: {  	s0 =	simm.s32 @!p0 $0x1  }
0x68: {  	_ =	swait.ge @!p0 [sflag:s0], s1  }
0x69: {  	s1 =	ssub.s32 @!p0 $0x0, s1;
	[sflag:s0] =	ssyncset.done @!p0 $0x0  }
0x6a: {  	[sflag:s0] =	ssyncadd.s32 @!p0 s1  }
0x6b: {  	[bflag:$0x3] =	sbarrier.arrive $0xFFFF  }
0x6c: {  	_ =	shalt  }

</sc_bundles>
